<compile_context>
chip_gen: v7x
topology: tpu7x:2x2x1
jax: 0.10.2.dev20260603
libtpu: 0.0.44.dev20260713+nightly
codegen_flags: <defaults>
</compile_context>

<pallas_src>
import functools

import jax
import jax.numpy as jnp
from jax import lax
from jax.experimental import pallas as pl
from jax.experimental.pallas import tpu as pltpu
from jax.experimental.pallas import tpu_sc as plsc

_DN = (((1,), (1,)), ((), ()))


def _mm(a, b):
    return lax.dot_general(a, b, _DN, preferred_element_type=jnp.float32)


def _swish(v):
    return v * jax.nn.sigmoid(v)


def _pre_body(x_ref, rbf_ref, Wji, bji, Wkj, bkj, Wr1, Wr2, Wd,
              xji_ref, xkjd_ref):
    x = x_ref[...]
    xji_ref[...] = _swish(_mm(x, Wji[...]) + bji[...])
    rbf_e = _mm(_mm(rbf_ref[...], Wr1[...]), Wr2[...])
    xkj = _swish(_mm(x, Wkj[...]) + bkj[...]) * rbf_e
    d = _swish(_mm(xkj, Wd[...]))
    xkjd_ref[...] = jnp.concatenate([d, jnp.zeros_like(d)], axis=1)


def _sbf_body(sbf_ref, Ws1, Ws2, out_ref):
    e = _mm(_mm(sbf_ref[...], Ws1[...]), Ws2[...])
    out_ref[...] = jnp.concatenate([e, jnp.zeros_like(e)], axis=1)


def _post_body(x_ref, xji_ref, seg_ref, Wup,
               Wb11, bb11, Wb12, bb12, Wl, bl,
               Wa11, ba11, Wa12, ba12, Wa21, ba21, Wa22, ba22,
               out_ref):
    seg = seg_ref[...][:, : Wup.shape[1]]
    h = xji_ref[...] + _swish(_mm(seg, Wup[...]))
    h = h + _swish(_mm(_swish(_mm(h, Wb11[...]) + bb11[...]), Wb12[...]) + bb12[...])
    h = _swish(_mm(h, Wl[...]) + bl[...]) + x_ref[...]
    h = h + _swish(_mm(_swish(_mm(h, Wa11[...]) + ba11[...]), Wa12[...]) + ba12[...])
    h = h + _swish(_mm(_swish(_mm(h, Wa21[...]) + ba21[...]), Wa22[...]) + ba22[...])
    out_ref[...] = h


_NC = 2
_NS = 16
_CRMAX = 6400
_WIN = 1024
_SW = 8
_LL = _SW * _WIN + 160


def _sc_body(T, E, CR, xkjd, sbfe, ikj, iji, out,
             iji_sw, t_l, kj_vals, ji_vals, dst_g2, g_v, s_v, z_v, acc,
             gsem, wsem):
    c = lax.axis_index("c")
    s = lax.axis_index("s")
    nw = T // _WIN
    wpp = nw // _NS
    rem = nw % _NS
    my_w = wpp + jnp.where(s < rem, 1, 0)
    sws = (my_w + _SW - 1) // _SW
    half = E // _NC
    nch = half // CR
    stripe = CR // _NS
    zr = z_v.shape[0]
    lanes = lax.broadcasted_iota(jnp.int32, (16,), 0)

    zv = jnp.zeros((16,), jnp.float32)

    def _zb(i, carry):
        z_v[i // 8, pl.ds((i % 8) * 16, 16)] = zv
        return carry

    lax.fori_loop(0, zr * 8, _zb, 0)

    def _chunk(ch, carry_top):
        lo = c * half + ch * CR
        dummy = CR + s
        for i in range(stripe // zr):
            pltpu.sync_copy(z_v, acc.at[pl.ds(s * stripe + i * zr, zr), :])
        plsc.subcore_barrier()

        def _sw(sw, carry0):
            nwi = jnp.minimum(_SW, my_w - sw * _SW)

            def _fire_w(wi, carry):
                widx = (sw * _SW + wi) * _NS + s
                pltpu.async_copy(iji.at[pl.ds(widx * _WIN, _WIN)],
                                 iji_sw.at[pl.ds(wi * _WIN, _WIN)], wsem)
                return carry
            lax.fori_loop(0, nwi, _fire_w, 0)

            def _drain_w(wi, carry):
                pltpu.make_async_copy(iji.at[pl.ds(0, _WIN)],
                                      iji_sw.at[pl.ds(0, _WIN)], wsem).wait()
                return carry
            lax.fori_loop(0, nwi, _drain_w, 0)

            def _scan_grp(g, cnt2):
                sl = pl.ds(g * 16, 16)
                d = iji_sw[sl] - lo
                ok = (d >= 0) & (d < CR)
                wi = g // 64
                widx = (sw * _SW + wi) * _NS + s
                t0 = widx * _WIN + (g - wi * 64) * 16
                plsc.store_compressed(t_l.at[pl.ds(cnt2, 16)],
                                      t0 + lanes, mask=ok)
                return cnt2 + plsc.all_reduce_population_count(ok)[0]

            cnt = lax.fori_loop(0, nwi * (_WIN // 16), _scan_grp, 0)
            spread = (c * _NS + s) * 128 + lanes
            for i in range(8):
                t_l[pl.ds(cnt + i * 16, 16)] = spread + i * 16
            ncp = ((cnt + 127) // 128) * 128

            def _burst(b, carry1):
                kb = b * 128
                trow = t_l.at[pl.ds(kb, 128)]
                ck = pltpu.async_copy(ikj.at[trow], kj_vals, gsem)
                cj = pltpu.async_copy(iji.at[trow], ji_vals, gsem)
                cs = pltpu.async_copy(sbfe.at[trow], s_v, gsem)
                ck.wait()
                cg = pltpu.async_copy(xkjd.at[kj_vals], g_v, gsem)
                cj.wait()
                npad = cnt - kb
                for j in range(8):
                    sl = pl.ds(j * 16, 16)
                    d = ji_vals[sl] - lo
                    ok = (d >= 0) & (d < CR) & (j * 16 + lanes < npad)
                    dst_g2[0, sl] = jnp.where(ok, d, dummy)
                cs.wait()
                cg.wait()

                def _mul(r, carry2):
                    for u in range(4):
                        for j in range(4):
                            sl = pl.ds(j * 16, 16)
                            s_v[r * 4 + u, sl] = g_v[r * 4 + u, sl] * s_v[r * 4 + u, sl]
                    return carry2
                lax.fori_loop(0, 32, _mul, 0)

                pltpu.sync_copy(s_v, acc.at[dst_g2.at[0]], add=True)
                return carry1

            lax.fori_loop(0, ncp // 128, _burst, 0)
            return carry0

        lax.fori_loop(0, sws, _sw, 0)
        plsc.subcore_barrier()
        pltpu.sync_copy(acc.at[pl.ds(s * stripe, stripe), :],
                        out.at[pl.ds(lo + s * stripe, stripe), :])
        plsc.subcore_barrier()
        return carry_top

    lax.fori_loop(0, nch, _chunk, 0)


def _segment_gather_scatter(xkjd, sbfe, idx_kj, idx_ji, E, T, HID):
    half = E // _NC
    CR = min(_CRMAX, half)
    assert half % CR == 0 and (CR // _NS) % 8 == 0
    zr = max(d for d in range(8, 129, 8) if (CR // _NS) % d == 0)
    mesh = plsc.VectorSubcoreMesh(core_axis_name="c", subcore_axis_name="s",
                                  num_cores=_NC, num_subcores=_NS)
    fn = pl.kernel(
        functools.partial(_sc_body, T, E, CR),
        out_type=jax.ShapeDtypeStruct((E, HID), jnp.float32),
        mesh=mesh,
        compiler_params=pltpu.CompilerParams(needs_layout_passes=False),
        scratch_types=[
            pltpu.VMEM((_SW * _WIN,), jnp.int32),
            pltpu.VMEM((_LL,), jnp.int32),
            pltpu.VMEM((128,), jnp.int32),
            pltpu.VMEM((128,), jnp.int32),
            pltpu.VMEM((1, 128), jnp.int32),
            pltpu.VMEM((128, HID), jnp.float32),
            pltpu.VMEM((128, HID), jnp.float32),
            pltpu.VMEM((zr, HID), jnp.float32),
            pltpu.VMEM_SHARED((CR + _NS, HID), jnp.float32),
            pltpu.SemaphoreType.DMA,
            pltpu.SemaphoreType.DMA,
        ],
    )
    return fn(xkjd, sbfe, idx_kj, idx_ji)


def kernel(x, rbf, sbf, idx_kj, idx_ji,
           W_rbf1, W_rbf2, W_sbf1, W_sbf2,
           W_kj, b_kj, W_ji, b_ji, W_down, W_up,
           Wb1_1, bb1_1, Wb1_2, bb1_2,
           W_lin, b_lin,
           Wa1_1, ba1_1, Wa1_2, ba1_2,
           Wa2_1, ba2_1, Wa2_2, ba2_2):
    E, HID = x.shape
    T = idx_kj.shape[0]
    INTD = W_down.shape[0]
    NR = rbf.shape[1]
    NSR = sbf.shape[1]
    BE = 2000
    BT = 2048

    b_kj2 = b_kj.reshape(1, HID)
    b_ji2 = b_ji.reshape(1, HID)

    full = lambda shape: pl.BlockSpec(shape, lambda i: (0, 0))

    xji, xkjd = pl.pallas_call(
        _pre_body,
        grid=(E // BE,),
        in_specs=[
            pl.BlockSpec((BE, HID), lambda i: (i, 0)),
            pl.BlockSpec((BE, NR), lambda i: (i, 0)),
            full((HID, HID)), full((1, HID)),
            full((HID, HID)), full((1, HID)),
            full(W_rbf1.shape), full(W_rbf2.shape), full(W_down.shape),
        ],
        out_specs=[
            pl.BlockSpec((BE, HID), lambda i: (i, 0)),
            pl.BlockSpec((BE, HID), lambda i: (i, 0)),
        ],
        out_shape=[
            jax.ShapeDtypeStruct((E, HID), jnp.float32),
            jax.ShapeDtypeStruct((E, HID), jnp.float32),
        ],
    )(x, rbf, W_ji, b_ji2, W_kj, b_kj2, W_rbf1, W_rbf2, W_down)

    sbfe = pl.pallas_call(
        _sbf_body,
        grid=(T // BT,),
        in_specs=[
            pl.BlockSpec((BT, NSR), lambda i: (i, 0)),
            full(W_sbf1.shape), full(W_sbf2.shape),
        ],
        out_specs=pl.BlockSpec((BT, HID), lambda i: (i, 0)),
        out_shape=jax.ShapeDtypeStruct((T, HID), jnp.float32),
    )(sbf, W_sbf1, W_sbf2)

    seg = _segment_gather_scatter(xkjd, sbfe, idx_kj, idx_ji, E, T, HID)

    biases = dict(
        bb11=bb1_1.reshape(1, HID), bb12=bb1_2.reshape(1, HID),
        bl=b_lin.reshape(1, HID),
        ba11=ba1_1.reshape(1, HID), ba12=ba1_2.reshape(1, HID),
        ba21=ba2_1.reshape(1, HID), ba22=ba2_2.reshape(1, HID),
    )

    out = pl.pallas_call(
        _post_body,
        grid=(E // BE,),
        in_specs=[
            pl.BlockSpec((BE, HID), lambda i: (i, 0)),
            pl.BlockSpec((BE, HID), lambda i: (i, 0)),
            pl.BlockSpec((BE, HID), lambda i: (i, 0)),
            full(W_up.shape),
            full((HID, HID)), full((1, HID)),
            full((HID, HID)), full((1, HID)),
            full((HID, HID)), full((1, HID)),
            full((HID, HID)), full((1, HID)),
            full((HID, HID)), full((1, HID)),
            full((HID, HID)), full((1, HID)),
            full((HID, HID)), full((1, HID)),
        ],
        out_specs=pl.BlockSpec((BE, HID), lambda i: (i, 0)),
        out_shape=jax.ShapeDtypeStruct((E, HID), jnp.float32),
    )(x, xji, seg, W_up,
      Wb1_1, biases["bb11"], Wb1_2, biases["bb12"], W_lin, biases["bl"],
      Wa1_1, biases["ba11"], Wa1_2, biases["ba12"],
      Wa2_1, biases["ba21"], Wa2_2, biases["ba22"])

    return out

# --- scband reference (transcript-rebuilt; emitter-appended) ---
"""Pipeline reference for scband-interaction-ppblock-85779086836105 (READ-ONLY COPY).

The authoritative reference and input builder live on the scoring server;
editing this copy changes nothing except your own understanding.
"""

import jax, jax.numpy as jnp
import numpy as np

HID = 128; INT = 64; BAS = 8; NS = 7; NR = 6
E = 320000; T = 1280000


def swish(x):
    return x * jax.nn.sigmoid(x)


def _lin(x, W, b=None):
    y = x @ W.T
    if b is not None:
        y = y + b
    return y


def setup_inputs(seed: int = 0) -> dict:
    key = jax.random.key(seed)
    ks = jax.random.split(key, 40)
    inp = {}
    inp["x"] = jax.random.normal(ks[0], (E, HID), dtype=jnp.float32)
    inp["rbf"] = jax.random.normal(ks[1], (E, NR), dtype=jnp.float32)
    inp["sbf"] = jax.random.normal(ks[2], (T, NS * NR), dtype=jnp.float32)
    inp["idx_kj"] = jax.random.randint(ks[3], (T,), 0, E, dtype=jnp.int32)
    inp["idx_ji"] = jax.random.randint(ks[4], (T,), 0, E, dtype=jnp.int32)
    i = [5]
    def W(shape):
        w = jax.random.normal(ks[i[0]], shape, dtype=jnp.float32) * 0.05
        i[0] += 1
        return w
    inp["W_rbf1"] = W((BAS, NR))
    inp["W_rbf2"] = W((HID, BAS))
    inp["W_sbf1"] = W((BAS, NS * NR))
    inp["W_sbf2"] = W((INT, BAS))
    inp["W_kj"] = W((HID, HID)); inp["b_kj"] = W((HID,))
    inp["W_ji"] = W((HID, HID)); inp["b_ji"] = W((HID,))
    inp["W_down"] = W((INT, HID))
    inp["W_up"] = W((HID, INT))
    inp["Wb1_1"] = W((HID, HID)); inp["bb1_1"] = W((HID,))
    inp["Wb1_2"] = W((HID, HID)); inp["bb1_2"] = W((HID,))
    inp["W_lin"] = W((HID, HID)); inp["b_lin"] = W((HID,))
    inp["Wa1_1"] = W((HID, HID)); inp["ba1_1"] = W((HID,))
    inp["Wa1_2"] = W((HID, HID)); inp["ba1_2"] = W((HID,))
    inp["Wa2_1"] = W((HID, HID)); inp["ba2_1"] = W((HID,))
    inp["Wa2_2"] = W((HID, HID)); inp["ba2_2"] = W((HID,))
    return inp


def reference(x, rbf, sbf, idx_kj, idx_ji,
              W_rbf1, W_rbf2, W_sbf1, W_sbf2,
              W_kj, b_kj, W_ji, b_ji, W_down, W_up,
              Wb1_1, bb1_1, Wb1_2, bb1_2,
              W_lin, b_lin,
              Wa1_1, ba1_1, Wa1_2, ba1_2,
              Wa2_1, ba2_1, Wa2_2, ba2_2):
    x_ji = swish(_lin(x, W_ji, b_ji))
    x_kj = swish(_lin(x, W_kj, b_kj))
    rbf_e = _lin(rbf, W_rbf1)
    rbf_e = _lin(rbf_e, W_rbf2)
    x_kj = x_kj * rbf_e
    x_kj = swish(_lin(x_kj, W_down))
    sbf_e = _lin(sbf, W_sbf1)
    sbf_e = _lin(sbf_e, W_sbf2)
    x_kj = jnp.take(x_kj, idx_kj, axis=0) * sbf_e
    x_kj = jax.ops.segment_sum(x_kj, idx_ji, num_segments=x.shape[0])
    x_kj = swish(_lin(x_kj, W_up))
    h = x_ji + x_kj
    # residual layers before skip (1)
    h = h + swish(_lin(swish(_lin(h, Wb1_1, bb1_1)), Wb1_2, bb1_2))
    h = swish(_lin(h, W_lin, b_lin)) + x
    # residual layers after skip (2)
    h = h + swish(_lin(swish(_lin(h, Wa1_1, ba1_1)), Wa1_2, ba1_2))
    h = h + swish(_lin(swish(_lin(h, Wa2_1, ba2_1)), Wa2_2, ba2_2))
    return h

if __name__ == "__main__":
    import jax
    _d = setup_inputs()
    print(jax.jit(kernel)(*tuple(_d.values())))

</pallas_src>

<mosaic_0001>
#map = affine_map<(d0, d1) -> (0, 0)>
#map1 = affine_map<(d0, d1) -> (0)>
module attributes {stable_mosaic.version = 14 : i64} {
  func.func @_sc_body(%arg0: i32, %arg1: i32, %arg2: memref<320000x128xf32, #tpu.memory_space<hbm>>, %arg3: memref<1280000x128xf32, #tpu.memory_space<hbm>>, %arg4: memref<1280000xi32, #tpu.memory_space<hbm>>, %arg5: memref<1280000xi32, #tpu.memory_space<hbm>>, %arg6: memref<320000x128xf32, #tpu.memory_space<hbm>>, %arg7: memref<8192xi32, #tpu.memory_space<vmem>>, %arg8: memref<8352xi32, #tpu.memory_space<vmem>>, %arg9: memref<128xi32, #tpu.memory_space<vmem>>, %arg10: memref<128xi32, #tpu.memory_space<vmem>>, %arg11: memref<1x128xi32, #tpu.memory_space<vmem>>, %arg12: memref<128x128xf32, #tpu.memory_space<vmem>>, %arg13: memref<128x128xf32, #tpu.memory_space<vmem>>, %arg14: memref<80x128xf32, #tpu.memory_space<vmem>>, %arg15: memref<6416x128xf32, #tpu.memory_space<vmem_shared>>, %arg16: memref<!tpu.dma_semaphore, #tpu.memory_space<semaphore_mem>>, %arg17: memref<!tpu.dma_semaphore, #tpu.memory_space<semaphore_mem>>) attributes {dimension_semantics = [#tpu.dimension_semantics<core_parallel>, #tpu.dimension_semantics<subcore_parallel>], iteration_bounds = array<i64: 2, 16>, scalar_prefetch = 0 : i64, scratch_operands = 11 : i64, tpu.core_type = #tpu.core_type<sc_vector_subcore>, window_params = [{transform_indices = #map}, {transform_indices = #map}, {transform_indices = #map1}, {transform_indices = #map1}, {transform_indices = #map}]} {
    %lt3A = arith.constant 2 : i32
    %lt3A_0 = arith.cmpi slt, %arg1, %lt3A : i32
    %jit3A = arith.constant 1 : i32
    %jit3A_1 = arith.constant 0 : i32
    %select_n3A = arith.select %lt3A_0, %jit3A, %jit3A_1 : i32
    %add3A = arith.constant 78 : i32
    %add3A_2 = arith.addi %add3A, %select_n3A : i32
    %add3A_3 = arith.constant 8 : i32
    %add3A_4 = arith.addi %add3A_2, %add3A_3 : i32
    %sub3A = arith.constant 1 : i32
    %sub3A_5 = arith.subi %add3A_4, %sub3A : i32
    %jit3A_6 = arith.constant 8 : i32
    %div3A = arith.divsi %sub3A_5, %jit3A_6 : i32
    %sign3A = arith.constant 0 : i32
    %sign3A_7 = arith.cmpi sgt, %sub3A_5, %sign3A : i32
    %sign3A_8 = arith.extui %sign3A_7 : i1 to i32
    %sign3A_9 = arith.constant 0 : i32
    %sign3A_10 = arith.cmpi slt, %sub3A_5, %sign3A_9 : i32
    %sign3A_11 = arith.extui %sign3A_10 : i1 to i32
    %sign3A_12 = arith.subi %sign3A_8, %sign3A_11 : i32
    %sign3A_13 = arith.constant 0 : i32
    %sign3A_14 = arith.cmpi sgt, %jit3A_6, %sign3A_13 : i32
    %sign3A_15 = arith.extui %sign3A_14 : i1 to i32
    %sign3A_16 = arith.constant 0 : i32
    %sign3A_17 = arith.cmpi slt, %jit3A_6, %sign3A_16 : i32
    %sign3A_18 = arith.extui %sign3A_17 : i1 to i32
    %sign3A_19 = arith.subi %sign3A_15, %sign3A_18 : i32
    %ne3A = arith.cmpi ne, %sign3A_12, %sign3A_19 : i32
    %rem3A = arith.remsi %sub3A_5, %jit3A_6 : i32
    %ne3A_20 = arith.constant 0 : i32
    %ne3A_21 = arith.cmpi ne, %rem3A, %ne3A_20 : i32
    %and3A = arith.andi %ne3A, %ne3A_21 : i1
    %sub3A_22 = arith.constant 1 : i32
    %sub3A_23 = arith.subi %div3A, %sub3A_22 : i32
    %select_n3A_24 = arith.select %and3A, %sub3A_23, %div3A : i32
    %iota3A = tpu.iota {dimensions = array<i32: 0>} : vector<16xi32>
    %broadcast_in_dim3A = arith.constant 0.000000e+00 : f32
    %broadcast_in_dim3A_25 = vector.broadcast %broadcast_in_dim3A : f32 to vector<16xf32>
    %scan3A = arith.constant 0 : i32
    %scan3A_26 = arith.constant 0 : i32
    %scan3A_27 = arith.constant 640 : i32
    %scan3A_28 = arith.addi %scan3A_26, %scan3A_27 : i32
    %scan3A_29 = arith.constant 1 : i32
    scf.for %scan3A_37 = %scan3A_26 to %scan3A_28 step %scan3A_29  : i32 {
      %jit3A_38 = arith.constant 8 : i32
      %div3A_39 = arith.divsi %scan3A_37, %jit3A_38 : i32
      %sign3A_40 = arith.constant 0 : i32
      %sign3A_41 = arith.cmpi sgt, %scan3A_37, %sign3A_40 : i32
      %sign3A_42 = arith.extui %sign3A_41 : i1 to i32
      %sign3A_43 = arith.constant 0 : i32
      %sign3A_44 = arith.cmpi slt, %scan3A_37, %sign3A_43 : i32
      %sign3A_45 = arith.extui %sign3A_44 : i1 to i32
      %sign3A_46 = arith.subi %sign3A_42, %sign3A_45 : i32
      %sign3A_47 = arith.constant 0 : i32
      %sign3A_48 = arith.cmpi sgt, %jit3A_38, %sign3A_47 : i32
      %sign3A_49 = arith.extui %sign3A_48 : i1 to i32
      %sign3A_50 = arith.constant 0 : i32
      %sign3A_51 = arith.cmpi slt, %jit3A_38, %sign3A_50 : i32
      %sign3A_52 = arith.extui %sign3A_51 : i1 to i32
      %sign3A_53 = arith.subi %sign3A_49, %sign3A_52 : i32
      %ne3A_54 = arith.cmpi ne, %sign3A_46, %sign3A_53 : i32
      %rem3A_55 = arith.remsi %scan3A_37, %jit3A_38 : i32
      %ne3A_56 = arith.constant 0 : i32
      %ne3A_57 = arith.cmpi ne, %rem3A_55, %ne3A_56 : i32
      %and3A_58 = arith.andi %ne3A_54, %ne3A_57 : i1
      %sub3A_59 = arith.constant 1 : i32
      %sub3A_60 = arith.subi %div3A_39, %sub3A_59 : i32
      %select_n3A_61 = arith.select %and3A_58, %sub3A_60, %div3A_39 : i32
      %jit3A_62 = arith.constant 8 : i32
      %eq3A = arith.constant 0 : i32
      %eq3A_63 = arith.cmpi eq, %jit3A_62, %eq3A : i32
      %jit3A_64 = arith.constant 1 : i32
      %select_n3A_65 = arith.select %eq3A_63, %jit3A_64, %jit3A_62 : i32
      %rem3A_66 = arith.remsi %scan3A_37, %select_n3A_65 : i32
      %ne3A_67 = arith.constant 0 : i32
      %ne3A_68 = arith.cmpi ne, %rem3A_66, %ne3A_67 : i32
      %lt3A_69 = arith.constant 0 : i32
      %lt3A_70 = arith.cmpi slt, %rem3A_66, %lt3A_69 : i32
      %lt3A_71 = arith.constant 0 : i32
      %lt3A_72 = arith.cmpi slt, %select_n3A_65, %lt3A_71 : i32
      %ne3A_73 = arith.xori %lt3A_70, %lt3A_72 : i1
      %and3A_74 = arith.andi %ne3A_73, %ne3A_68 : i1
      %add3A_75 = arith.addi %rem3A_66, %select_n3A_65 : i32
      %select_n3A_76 = arith.select %and3A_74, %add3A_75, %rem3A_66 : i32
      %mul3A = arith.constant 16 : i32
      %mul3A_77 = arith.muli %select_n3A_76, %mul3A : i32
      %swap3A = arith.index_cast %select_n3A_61 : i32 to index
      %swap3A_78 = arith.index_cast %mul3A_77 : i32 to index
      %swap3A_79 = tpu.vector_load %arg14[%swap3A, %swap3A_78] {strides = array<i32>} : memref<80x128xf32, #tpu.memory_space<vmem>>, vector<16xf32>,
      tpu.vector_store %arg14[%swap3A, %swap3A_78], %broadcast_in_dim3A_25 {strides = array<i32>} : memref<80x128xf32, #tpu.memory_space<vmem>>, vector<16xf32>,
    }
    %scan3A_30 = arith.constant 640 : i32
    %scan3A_31 = arith.constant 0 : i32
    %scan3A_32 = arith.constant 0 : i32
    %scan3A_33 = arith.constant 25 : i32
    %scan3A_34 = arith.addi %scan3A_32, %scan3A_33 : i32
    %scan3A_35 = arith.constant 1 : i32
    scf.for %scan3A_37 = %scan3A_32 to %scan3A_34 step %scan3A_35  : i32 {
      %mul3A = arith.constant 160000 : i32
      %mul3A_38 = arith.muli %arg0, %mul3A : i32
      %mul3A_39 = arith.constant 6400 : i32
      %mul3A_40 = arith.muli %scan3A_37, %mul3A_39 : i32
      %add3A_41 = arith.addi %mul3A_38, %mul3A_40 : i32
      %add3A_42 = arith.constant 6400 : i32
      %add3A_43 = arith.addi %add3A_42, %arg1 : i32
      %mul3A_44 = arith.constant 400 : i32
      %mul3A_45 = arith.muli %arg1, %mul3A_44 : i32
      %add3A_46 = arith.constant 0 : i32
      %add3A_47 = arith.addi %mul3A_45, %add3A_46 : i32
      "tpu.region"() ({
        %run_scoped3A = tpu.sem_alloc : memref<!tpu.dma_semaphore, #tpu.memory_space<semaphore_mem>>
        %dma_start3A = arith.constant 0 : i32
        %dma_start3A_80 = tpu.memref_slice %arg15[%add3A_47, %dma_start3A] : memref<6416x128xf32, #tpu.memory_space<vmem_shared>> -> memref<80x128xf32, #tpu.memory_space<vmem_shared>>
        %dma_start3A_81 = arith.constant 0 : i32
        %dma_start3A_82 = tpu.memref_slice %arg15[%add3A_47, %dma_start3A_81] : memref<6416x128xf32, #tpu.memory_space<vmem_shared>> -> memref<80x128xf32, #tpu.memory_space<vmem_shared>>
        tpu.enqueue_dma source(%arg14 : memref<80x128xf32, #tpu.memory_space<vmem>>) target(%dma_start3A_82 : memref<80x128xf32, #tpu.memory_space<vmem_shared>>) target_semaphore(%run_scoped3A : memref<!tpu.dma_semaphore, #tpu.memory_space<semaphore_mem>>)
        %dma_wait3A = arith.constant 0 : i32
        %dma_wait3A_83 = tpu.memref_slice %arg15[%add3A_47, %dma_wait3A] : memref<6416x128xf32, #tpu.memory_space<vmem_shared>> -> memref<80x128xf32, #tpu.memory_space<vmem_shared>>
        %dma_wait3A_84 = arith.constant 0 : i32
        %dma_wait3A_85 = tpu.memref_slice %arg15[%add3A_47, %dma_wait3A_84] : memref<6416x128xf32, #tpu.memory_space<vmem_shared>> -> memref<80x128xf32, #tpu.memory_space<vmem_shared>>
        tpu.wait_dma2 semaphore(%run_scoped3A : memref<!tpu.dma_semaphore, #tpu.memory_space<semaphore_mem>>) src(%arg14 : memref<80x128xf32, #tpu.memory_space<vmem>>) dst(%dma_wait3A_85 : memref<80x128xf32, #tpu.memory_space<vmem_shared>>)
        tpu.yield
      }) : () -> ()
      %mul3A_48 = arith.constant 400 : i32
      %mul3A_49 = arith.muli %arg1, %mul3A_48 : i32
      %add3A_50 = arith.constant 80 : i32
      %add3A_51 = arith.addi %mul3A_49, %add3A_50 : i32
      "tpu.region"() ({
        %run_scoped3A = tpu.sem_alloc : memref<!tpu.dma_semaphore, #tpu.memory_space<semaphore_mem>>
        %dma_start3A = arith.constant 0 : i32
        %dma_start3A_80 = tpu.memref_slice %arg15[%add3A_51, %dma_start3A] : memref<6416x128xf32, #tpu.memory_space<vmem_shared>> -> memref<80x128xf32, #tpu.memory_space<vmem_shared>>
        %dma_start3A_81 = arith.constant 0 : i32
        %dma_start3A_82 = tpu.memref_slice %arg15[%add3A_51, %dma_start3A_81] : memref<6416x128xf32, #tpu.memory_space<vmem_shared>> -> memref<80x128xf32, #tpu.memory_space<vmem_shared>>
        tpu.enqueue_dma source(%arg14 : memref<80x128xf32, #tpu.memory_space<vmem>>) target(%dma_start3A_82 : memref<80x128xf32, #tpu.memory_space<vmem_shared>>) target_semaphore(%run_scoped3A : memref<!tpu.dma_semaphore, #tpu.memory_space<semaphore_mem>>)
        %dma_wait3A = arith.constant 0 : i32
        %dma_wait3A_83 = tpu.memref_slice %arg15[%add3A_51, %dma_wait3A] : memref<6416x128xf32, #tpu.memory_space<vmem_shared>> -> memref<80x128xf32, #tpu.memory_space<vmem_shared>>
        %dma_wait3A_84 = arith.constant 0 : i32
        %dma_wait3A_85 = tpu.memref_slice %arg15[%add3A_51, %dma_wait3A_84] : memref<6416x128xf32, #tpu.memory_space<vmem_shared>> -> memref<80x128xf32, #tpu.memory_space<vmem_shared>>
        tpu.wait_dma2 semaphore(%run_scoped3A : memref<!tpu.dma_semaphore, #tpu.memory_space<semaphore_mem>>) src(%arg14 : memref<80x128xf32, #tpu.memory_space<vmem>>) dst(%dma_wait3A_85 : memref<80x128xf32, #tpu.memory_space<vmem_shared>>)
        tpu.yield
      }) : () -> ()
      %mul3A_52 = arith.constant 400 : i32
      %mul3A_53 = arith.muli %arg1, %mul3A_52 : i32
      %add3A_54 = arith.constant 160 : i32
      %add3A_55 = arith.addi %mul3A_53, %add3A_54 : i32
      "tpu.region"() ({
        %run_scoped3A = tpu.sem_alloc : memref<!tpu.dma_semaphore, #tpu.memory_space<semaphore_mem>>
        %dma_start3A = arith.constant 0 : i32
        %dma_start3A_80 = tpu.memref_slice %arg15[%add3A_55, %dma_start3A] : memref<6416x128xf32, #tpu.memory_space<vmem_shared>> -> memref<80x128xf32, #tpu.memory_space<vmem_shared>>
        %dma_start3A_81 = arith.constant 0 : i32
        %dma_start3A_82 = tpu.memref_slice %arg15[%add3A_55, %dma_start3A_81] : memref<6416x128xf32, #tpu.memory_space<vmem_shared>> -> memref<80x128xf32, #tpu.memory_space<vmem_shared>>
        tpu.enqueue_dma source(%arg14 : memref<80x128xf32, #tpu.memory_space<vmem>>) target(%dma_start3A_82 : memref<80x128xf32, #tpu.memory_space<vmem_shared>>) target_semaphore(%run_scoped3A : memref<!tpu.dma_semaphore, #tpu.memory_space<semaphore_mem>>)
        %dma_wait3A = arith.constant 0 : i32
        %dma_wait3A_83 = tpu.memref_slice %arg15[%add3A_55, %dma_wait3A] : memref<6416x128xf32, #tpu.memory_space<vmem_shared>> -> memref<80x128xf32, #tpu.memory_space<vmem_shared>>
        %dma_wait3A_84 = arith.constant 0 : i32
        %dma_wait3A_85 = tpu.memref_slice %arg15[%add3A_55, %dma_wait3A_84] : memref<6416x128xf32, #tpu.memory_space<vmem_shared>> -> memref<80x128xf32, #tpu.memory_space<vmem_shared>>
        tpu.wait_dma2 semaphore(%run_scoped3A : memref<!tpu.dma_semaphore, #tpu.memory_space<semaphore_mem>>) src(%arg14 : memref<80x128xf32, #tpu.memory_space<vmem>>) dst(%dma_wait3A_85 : memref<80x128xf32, #tpu.memory_space<vmem_shared>>)
        tpu.yield
      }) : () -> ()
      %mul3A_56 = arith.constant 400 : i32
      %mul3A_57 = arith.muli %arg1, %mul3A_56 : i32
      %add3A_58 = arith.constant 240 : i32
      %add3A_59 = arith.addi %mul3A_57, %add3A_58 : i32
      "tpu.region"() ({
        %run_scoped3A = tpu.sem_alloc : memref<!tpu.dma_semaphore, #tpu.memory_space<semaphore_mem>>
        %dma_start3A = arith.constant 0 : i32
        %dma_start3A_80 = tpu.memref_slice %arg15[%add3A_59, %dma_start3A] : memref<6416x128xf32, #tpu.memory_space<vmem_shared>> -> memref<80x128xf32, #tpu.memory_space<vmem_shared>>
        %dma_start3A_81 = arith.constant 0 : i32
        %dma_start3A_82 = tpu.memref_slice %arg15[%add3A_59, %dma_start3A_81] : memref<6416x128xf32, #tpu.memory_space<vmem_shared>> -> memref<80x128xf32, #tpu.memory_space<vmem_shared>>
        tpu.enqueue_dma source(%arg14 : memref<80x128xf32, #tpu.memory_space<vmem>>) target(%dma_start3A_82 : memref<80x128xf32, #tpu.memory_space<vmem_shared>>) target_semaphore(%run_scoped3A : memref<!tpu.dma_semaphore, #tpu.memory_space<semaphore_mem>>)
        %dma_wait3A = arith.constant 0 : i32
        %dma_wait3A_83 = tpu.memref_slice %arg15[%add3A_59, %dma_wait3A] : memref<6416x128xf32, #tpu.memory_space<vmem_shared>> -> memref<80x128xf32, #tpu.memory_space<vmem_shared>>
        %dma_wait3A_84 = arith.constant 0 : i32
        %dma_wait3A_85 = tpu.memref_slice %arg15[%add3A_59, %dma_wait3A_84] : memref<6416x128xf32, #tpu.memory_space<vmem_shared>> -> memref<80x128xf32, #tpu.memory_space<vmem_shared>>
        tpu.wait_dma2 semaphore(%run_scoped3A : memref<!tpu.dma_semaphore, #tpu.memory_space<semaphore_mem>>) src(%arg14 : memref<80x128xf32, #tpu.memory_space<vmem>>) dst(%dma_wait3A_85 : memref<80x128xf32, #tpu.memory_space<vmem_shared>>)
        tpu.yield
      }) : () -> ()
      %mul3A_60 = arith.constant 400 : i32
      %mul3A_61 = arith.muli %arg1, %mul3A_60 : i32
      %add3A_62 = arith.constant 320 : i32
      %add3A_63 = arith.addi %mul3A_61, %add3A_62 : i32
      "tpu.region"() ({
        %run_scoped3A = tpu.sem_alloc : memref<!tpu.dma_semaphore, #tpu.memory_space<semaphore_mem>>
        %dma_start3A = arith.constant 0 : i32
        %dma_start3A_80 = tpu.memref_slice %arg15[%add3A_63, %dma_start3A] : memref<6416x128xf32, #tpu.memory_space<vmem_shared>> -> memref<80x128xf32, #tpu.memory_space<vmem_shared>>
        %dma_start3A_81 = arith.constant 0 : i32
        %dma_start3A_82 = tpu.memref_slice %arg15[%add3A_63, %dma_start3A_81] : memref<6416x128xf32, #tpu.memory_space<vmem_shared>> -> memref<80x128xf32, #tpu.memory_space<vmem_shared>>
        tpu.enqueue_dma source(%arg14 : memref<80x128xf32, #tpu.memory_space<vmem>>) target(%dma_start3A_82 : memref<80x128xf32, #tpu.memory_space<vmem_shared>>) target_semaphore(%run_scoped3A : memref<!tpu.dma_semaphore, #tpu.memory_space<semaphore_mem>>)
        %dma_wait3A = arith.constant 0 : i32
        %dma_wait3A_83 = tpu.memref_slice %arg15[%add3A_63, %dma_wait3A] : memref<6416x128xf32, #tpu.memory_space<vmem_shared>> -> memref<80x128xf32, #tpu.memory_space<vmem_shared>>
        %dma_wait3A_84 = arith.constant 0 : i32
        %dma_wait3A_85 = tpu.memref_slice %arg15[%add3A_63, %dma_wait3A_84] : memref<6416x128xf32, #tpu.memory_space<vmem_shared>> -> memref<80x128xf32, #tpu.memory_space<vmem_shared>>
        tpu.wait_dma2 semaphore(%run_scoped3A : memref<!tpu.dma_semaphore, #tpu.memory_space<semaphore_mem>>) src(%arg14 : memref<80x128xf32, #tpu.memory_space<vmem>>) dst(%dma_wait3A_85 : memref<80x128xf32, #tpu.memory_space<vmem_shared>>)
        tpu.yield
      }) : () -> ()
      %barrier3A = arith.constant 0 : index
      tpu.barrier barrier_id(%barrier3A)
      %while3A = arith.constant 0 : i32
      %while3A_64 = arith.constant 0 : i32
      %while3A_65 = arith.subi %select_n3A_24, %while3A_64 : i32
      %while3A_66 = arith.addi %while3A_64, %while3A_65 : i32
      %while3A_67 = arith.constant 1 : i32
      %while3A_68 = arith.divsi %while3A_65, %while3A_67 : i32
      %while3A_69 = arith.muli %while3A_68, %while3A_67 : i32
      %while3A_70 = arith.addi %while3A_64, %while3A_69 : i32
      %while3A_71 = arith.constant 1 : i32
      scf.for %while3A_80 = %while3A_64 to %while3A_70 step %while3A_71  : i32 {
        %mul3A_81 = arith.constant 8 : i32
        %mul3A_82 = arith.muli %while3A_80, %mul3A_81 : i32
        %sub3A_83 = arith.subi %add3A_2, %mul3A_82 : i32
        %min3A = arith.constant 8 : i32
        %min3A_84 = arith.minsi %min3A, %sub3A_83 : i32
        %while3A_85 = arith.constant 0 : i32
        %while3A_86 = arith.constant 0 : i32
        %while3A_87 = arith.subi %min3A_84, %while3A_86 : i32
        %while3A_88 = arith.addi %while3A_86, %while3A_87 : i32
        %while3A_89 = arith.constant 1 : i32
        %while3A_90 = arith.divsi %while3A_87, %while3A_89 : i32
        %while3A_91 = arith.muli %while3A_90, %while3A_89 : i32
        %while3A_92 = arith.addi %while3A_86, %while3A_91 : i32
        %while3A_93 = arith.constant 1 : i32
        scf.for %while3A_243 = %while3A_86 to %while3A_92 step %while3A_93  : i32 {
          %mul3A_244 = arith.constant 8 : i32
          %mul3A_245 = arith.muli %while3A_80, %mul3A_244 : i32
          %add3A_246 = arith.addi %mul3A_245, %while3A_243 : i32
          %mul3A_247 = arith.constant 16 : i32
          %mul3A_248 = arith.muli %add3A_246, %mul3A_247 : i32
          %add3A_249 = arith.addi %mul3A_248, %arg1 : i32
          %mul3A_250 = arith.constant 1024 : i32
          %mul3A_251 = arith.muli %add3A_249, %mul3A_250 : i32
          %mul3A_252 = arith.constant 1024 : i32
          %mul3A_253 = arith.muli %while3A_243, %mul3A_252 : i32
          %dma_start3A = tpu.memref_slice %arg7[%mul3A_253] : memref<8192xi32, #tpu.memory_space<vmem>> -> memref<1024xi32, #tpu.memory_space<vmem>>
          %dma_start3A_254 = tpu.memref_slice %arg5[%mul3A_251] : memref<1280000xi32, #tpu.memory_space<hbm>> -> memref<1024xi32, #tpu.memory_space<hbm>>
          %dma_start3A_255 = tpu.memref_slice %arg7[%mul3A_253] : memref<8192xi32, #tpu.memory_space<vmem>> -> memref<1024xi32, #tpu.memory_space<vmem>>
          %dma_start3A_256 = tpu.memref_slice %arg5[%mul3A_251] : memref<1280000xi32, #tpu.memory_space<hbm>> -> memref<1024xi32, #tpu.memory_space<hbm>>
          tpu.enqueue_dma source(%dma_start3A_256 : memref<1024xi32, #tpu.memory_space<hbm>>) target(%dma_start3A_255 : memref<1024xi32, #tpu.memory_space<vmem>>) target_semaphore(%arg17 : memref<!tpu.dma_semaphore, #tpu.memory_space<semaphore_mem>>)
        }
        %while3A_94 = arith.constant 1 : i32
        scf.for %while3A_243 = %while3A_92 to %while3A_88 step %while3A_94  : i32 {
          %mul3A_244 = arith.constant 8 : i32
          %mul3A_245 = arith.muli %while3A_80, %mul3A_244 : i32
          %add3A_246 = arith.addi %mul3A_245, %while3A_243 : i32
          %mul3A_247 = arith.constant 16 : i32
          %mul3A_248 = arith.muli %add3A_246, %mul3A_247 : i32
          %add3A_249 = arith.addi %mul3A_248, %arg1 : i32
          %mul3A_250 = arith.constant 1024 : i32
          %mul3A_251 = arith.muli %add3A_249, %mul3A_250 : i32
          %mul3A_252 = arith.constant 1024 : i32
          %mul3A_253 = arith.muli %while3A_243, %mul3A_252 : i32
          %dma_start3A = tpu.memref_slice %arg7[%mul3A_253] : memref<8192xi32, #tpu.memory_space<vmem>> -> memref<1024xi32, #tpu.memory_space<vmem>>
          %dma_start3A_254 = tpu.memref_slice %arg5[%mul3A_251] : memref<1280000xi32, #tpu.memory_space<hbm>> -> memref<1024xi32, #tpu.memory_space<hbm>>
          %dma_start3A_255 = tpu.memref_slice %arg7[%mul3A_253] : memref<8192xi32, #tpu.memory_space<vmem>> -> memref<1024xi32, #tpu.memory_space<vmem>>
          %dma_start3A_256 = tpu.memref_slice %arg5[%mul3A_251] : memref<1280000xi32, #tpu.memory_space<hbm>> -> memref<1024xi32, #tpu.memory_space<hbm>>
          tpu.enqueue_dma source(%dma_start3A_256 : memref<1024xi32, #tpu.memory_space<hbm>>) target(%dma_start3A_255 : memref<1024xi32, #tpu.memory_space<vmem>>) target_semaphore(%arg17 : memref<!tpu.dma_semaphore, #tpu.memory_space<semaphore_mem>>)
        }
        %while3A_95 = arith.constant 0 : i32
        %while3A_96 = arith.constant 0 : i32
        %while3A_97 = arith.subi %min3A_84, %while3A_96 : i32
        %while3A_98 = arith.addi %while3A_96, %while3A_97 : i32
        %while3A_99 = arith.constant 1 : i32
        %while3A_100 = arith.divsi %while3A_97, %while3A_99 : i32
        %while3A_101 = arith.muli %while3A_100, %while3A_99 : i32
        %while3A_102 = arith.addi %while3A_96, %while3A_101 : i32
        %while3A_103 = arith.constant 1 : i32
        scf.for %while3A_243 = %while3A_96 to %while3A_102 step %while3A_103  : i32 {
          %dma_wait3A = arith.constant 0 : i32
          %dma_wait3A_244 = tpu.memref_slice %arg7[%dma_wait3A] : memref<8192xi32, #tpu.memory_space<vmem>> -> memref<1024xi32, #tpu.memory_space<vmem>>
          %dma_wait3A_245 = arith.constant 0 : i32
          %dma_wait3A_246 = tpu.memref_slice %arg5[%dma_wait3A_245] : memref<1280000xi32, #tpu.memory_space<hbm>> -> memref<1024xi32, #tpu.memory_space<hbm>>
          %dma_wait3A_247 = arith.constant 0 : i32
          %dma_wait3A_248 = tpu.memref_slice %arg7[%dma_wait3A_247] : memref<8192xi32, #tpu.memory_space<vmem>> -> memref<1024xi32, #tpu.memory_space<vmem>>
          %dma_wait3A_249 = arith.constant 0 : i32
          %dma_wait3A_250 = tpu.memref_slice %arg5[%dma_wait3A_249] : memref<1280000xi32, #tpu.memory_space<hbm>> -> memref<1024xi32, #tpu.memory_space<hbm>>
          tpu.wait_dma2 semaphore(%arg17 : memref<!tpu.dma_semaphore, #tpu.memory_space<semaphore_mem>>) src(%dma_wait3A_250 : memref<1024xi32, #tpu.memory_space<hbm>>) dst(%dma_wait3A_248 : memref<1024xi32, #tpu.memory_space<vmem>>)
        }
        %while3A_104 = arith.constant 1 : i32
        scf.for %while3A_243 = %while3A_102 to %while3A_98 step %while3A_104  : i32 {
          %dma_wait3A = arith.constant 0 : i32
          %dma_wait3A_244 = tpu.memref_slice %arg7[%dma_wait3A] : memref<8192xi32, #tpu.memory_space<vmem>> -> memref<1024xi32, #tpu.memory_space<vmem>>
          %dma_wait3A_245 = arith.constant 0 : i32
          %dma_wait3A_246 = tpu.memref_slice %arg5[%dma_wait3A_245] : memref<1280000xi32, #tpu.memory_space<hbm>> -> memref<1024xi32, #tpu.memory_space<hbm>>
          %dma_wait3A_247 = arith.constant 0 : i32
          %dma_wait3A_248 = tpu.memref_slice %arg7[%dma_wait3A_247] : memref<8192xi32, #tpu.memory_space<vmem>> -> memref<1024xi32, #tpu.memory_space<vmem>>
          %dma_wait3A_249 = arith.constant 0 : i32
          %dma_wait3A_250 = tpu.memref_slice %arg5[%dma_wait3A_249] : memref<1280000xi32, #tpu.memory_space<hbm>> -> memref<1024xi32, #tpu.memory_space<hbm>>
          tpu.wait_dma2 semaphore(%arg17 : memref<!tpu.dma_semaphore, #tpu.memory_space<semaphore_mem>>) src(%dma_wait3A_250 : memref<1024xi32, #tpu.memory_space<hbm>>) dst(%dma_wait3A_248 : memref<1024xi32, #tpu.memory_space<vmem>>)
        }
        %mul3A_105 = arith.constant 64 : i32
        %mul3A_106 = arith.muli %min3A_84, %mul3A_105 : i32
        %while3A_107 = arith.constant 0 : i32
        %while3A_108 = arith.constant 0 : i32
        %while3A_109 = arith.subi %mul3A_106, %while3A_107 : i32
        %while3A_110 = arith.addi %while3A_107, %while3A_109 : i32
        %while3A_111 = arith.constant 1 : i32
        %while3A_112 = arith.divsi %while3A_109, %while3A_111 : i32
        %while3A_113 = arith.muli %while3A_112, %while3A_111 : i32
        %while3A_114 = arith.addi %while3A_107, %while3A_113 : i32
        %while3A_115 = arith.constant 1 : i32
        %while3A_116 = scf.for %while3A_243 = %while3A_107 to %while3A_114 step %while3A_115 iter_args(%while3A_244 = %while3A_108) -> (i32)  : i32 {
          %mul3A_245 = arith.constant 16 : i32
          %mul3A_246 = arith.muli %while3A_243, %mul3A_245 : i32
          %get3A = arith.index_cast %mul3A_246 : i32 to index
          %get3A_247 = tpu.vector_load %arg7[%get3A] {strides = array<i32>} : memref<8192xi32, #tpu.memory_space<vmem>>, vector<16xi32>,
          %sub3A_248 = vector.broadcast %add3A_41 : i32 to vector<16xi32>
          %sub3A_249 = arith.subi %get3A_247, %sub3A_248 : vector<16xi32>
          %ge3A = arith.constant 0 : i32
          %ge3A_250 = vector.broadcast %ge3A : i32 to vector<16xi32>
          %ge3A_251 = arith.cmpi sge, %sub3A_249, %ge3A_250 : vector<16xi32>
          %lt3A_252 = arith.constant 6400 : i32
          %lt3A_253 = vector.broadcast %lt3A_252 : i32 to vector<16xi32>
          %lt3A_254 = arith.cmpi slt, %sub3A_249, %lt3A_253 : vector<16xi32>
          %and3A_255 = arith.andi %ge3A_251, %lt3A_254 : vector<16xi1>
          %jit3A_256 = arith.constant 64 : i32
          %div3A_257 = arith.divsi %while3A_243, %jit3A_256 : i32
          %sign3A_258 = arith.constant 0 : i32
          %sign3A_259 = arith.cmpi sgt, %while3A_243, %sign3A_258 : i32
          %sign3A_260 = arith.extui %sign3A_259 : i1 to i32
          %sign3A_261 = arith.constant 0 : i32
          %sign3A_262 = arith.cmpi slt, %while3A_243, %sign3A_261 : i32
          %sign3A_263 = arith.extui %sign3A_262 : i1 to i32
          %sign3A_264 = arith.subi %sign3A_260, %sign3A_263 : i32
          %sign3A_265 = arith.constant 0 : i32
          %sign3A_266 = arith.cmpi sgt, %jit3A_256, %sign3A_265 : i32
          %sign3A_267 = arith.extui %sign3A_266 : i1 to i32
          %sign3A_268 = arith.constant 0 : i32
          %sign3A_269 = arith.cmpi slt, %jit3A_256, %sign3A_268 : i32
          %sign3A_270 = arith.extui %sign3A_269 : i1 to i32
          %sign3A_271 = arith.subi %sign3A_267, %sign3A_270 : i32
          %ne3A_272 = arith.cmpi ne, %sign3A_264, %sign3A_271 : i32
          %rem3A_273 = arith.remsi %while3A_243, %jit3A_256 : i32
          %ne3A_274 = arith.constant 0 : i32
          %ne3A_275 = arith.cmpi ne, %rem3A_273, %ne3A_274 : i32
          %and3A_276 = arith.andi %ne3A_272, %ne3A_275 : i1
          %sub3A_277 = arith.constant 1 : i32
          %sub3A_278 = arith.subi %div3A_257, %sub3A_277 : i32
          %select_n3A_279 = arith.select %and3A_276, %sub3A_278, %div3A_257 : i32
          %mul3A_280 = arith.constant 8 : i32
          %mul3A_281 = arith.muli %while3A_80, %mul3A_280 : i32
          %add3A_282 = arith.addi %mul3A_281, %select_n3A_279 : i32
          %mul3A_283 = arith.constant 16 : i32
          %mul3A_284 = arith.muli %add3A_282, %mul3A_283 : i32
          %add3A_285 = arith.addi %mul3A_284, %arg1 : i32
          %mul3A_286 = arith.constant 1024 : i32
          %mul3A_287 = arith.muli %add3A_285, %mul3A_286 : i32
          %mul3A_288 = arith.constant 64 : i32
          %mul3A_289 = arith.muli %select_n3A_279, %mul3A_288 : i32
          %sub3A_290 = arith.subi %while3A_243, %mul3A_289 : i32
          %mul3A_291 = arith.constant 16 : i32
          %mul3A_292 = arith.muli %sub3A_290, %mul3A_291 : i32
          %add3A_293 = arith.addi %mul3A_287, %mul3A_292 : i32
          %add3A_294 = vector.broadcast %add3A_293 : i32 to vector<16xi32>
          %add3A_295 = arith.addi %add3A_294, %iota3A : vector<16xi32>
          %swap3A_296 = arith.index_cast %while3A_244 : i32 to index
          %swap3A_297 = tpu.vector_load %arg8[%swap3A_296] masked %and3A_255 {strides = array<i32>} : memref<8352xi32, #tpu.memory_space<vmem>>, vector<16xi32>, vector<16xi1>
          tpu.vector_store %arg8[%swap3A_296], %add3A_295 masked %and3A_255 {strides = array<i32>} : memref<8352xi32, #tpu.memory_space<vmem>>, vector<16xi32>, vector<16xi1>
          %all_reduce_population_count3A = tpu.all_reduce %and3A_255 {dim = 0 : i64, kind = #tpu.reduction_kind<sum>} : vector<16xi1> -> vector<16xi32>
          %slice3A = vector.extract_strided_slice %all_reduce_population_count3A {offsets = [0], sizes = [1], strides = [1]} : vector<16xi32> to vector<1xi32>
          %squeeze3A = vector.extract %slice3A[0] : i32 from vector<1xi32>
          %add3A_298 = arith.addi %while3A_244, %squeeze3A : i32
          scf.yield %add3A_298 : i32
        }
        %while3A_117 = arith.constant 1 : i32
        %while3A_118 = scf.for %while3A_243 = %while3A_114 to %while3A_110 step %while3A_117 iter_args(%while3A_244 = %while3A_116) -> (i32)  : i32 {
          %mul3A_245 = arith.constant 16 : i32
          %mul3A_246 = arith.muli %while3A_243, %mul3A_245 : i32
          %get3A = arith.index_cast %mul3A_246 : i32 to index
          %get3A_247 = tpu.vector_load %arg7[%get3A] {strides = array<i32>} : memref<8192xi32, #tpu.memory_space<vmem>>, vector<16xi32>,
          %sub3A_248 = vector.broadcast %add3A_41 : i32 to vector<16xi32>
          %sub3A_249 = arith.subi %get3A_247, %sub3A_248 : vector<16xi32>
          %ge3A = arith.constant 0 : i32
          %ge3A_250 = vector.broadcast %ge3A : i32 to vector<16xi32>
          %ge3A_251 = arith.cmpi sge, %sub3A_249, %ge3A_250 : vector<16xi32>
          %lt3A_252 = arith.constant 6400 : i32
          %lt3A_253 = vector.broadcast %lt3A_252 : i32 to vector<16xi32>
          %lt3A_254 = arith.cmpi slt, %sub3A_249, %lt3A_253 : vector<16xi32>
          %and3A_255 = arith.andi %ge3A_251, %lt3A_254 : vector<16xi1>
          %jit3A_256 = arith.constant 64 : i32
          %div3A_257 = arith.divsi %while3A_243, %jit3A_256 : i32
          %sign3A_258 = arith.constant 0 : i32
          %sign3A_259 = arith.cmpi sgt, %while3A_243, %sign3A_258 : i32
          %sign3A_260 = arith.extui %sign3A_259 : i1 to i32
          %sign3A_261 = arith.constant 0 : i32
          %sign3A_262 = arith.cmpi slt, %while3A_243, %sign3A_261 : i32
          %sign3A_263 = arith.extui %sign3A_262 : i1 to i32
          %sign3A_264 = arith.subi %sign3A_260, %sign3A_263 : i32
          %sign3A_265 = arith.constant 0 : i32
          %sign3A_266 = arith.cmpi sgt, %jit3A_256, %sign3A_265 : i32
          %sign3A_267 = arith.extui %sign3A_266 : i1 to i32
          %sign3A_268 = arith.constant 0 : i32
          %sign3A_269 = arith.cmpi slt, %jit3A_256, %sign3A_268 : i32
          %sign3A_270 = arith.extui %sign3A_269 : i1 to i32
          %sign3A_271 = arith.subi %sign3A_267, %sign3A_270 : i32
          %ne3A_272 = arith.cmpi ne, %sign3A_264, %sign3A_271 : i32
          %rem3A_273 = arith.remsi %while3A_243, %jit3A_256 : i32
          %ne3A_274 = arith.constant 0 : i32
          %ne3A_275 = arith.cmpi ne, %rem3A_273, %ne3A_274 : i32
          %and3A_276 = arith.andi %ne3A_272, %ne3A_275 : i1
          %sub3A_277 = arith.constant 1 : i32
          %sub3A_278 = arith.subi %div3A_257, %sub3A_277 : i32
          %select_n3A_279 = arith.select %and3A_276, %sub3A_278, %div3A_257 : i32
          %mul3A_280 = arith.constant 8 : i32
          %mul3A_281 = arith.muli %while3A_80, %mul3A_280 : i32
          %add3A_282 = arith.addi %mul3A_281, %select_n3A_279 : i32
          %mul3A_283 = arith.constant 16 : i32
          %mul3A_284 = arith.muli %add3A_282, %mul3A_283 : i32
          %add3A_285 = arith.addi %mul3A_284, %arg1 : i32
          %mul3A_286 = arith.constant 1024 : i32
          %mul3A_287 = arith.muli %add3A_285, %mul3A_286 : i32
          %mul3A_288 = arith.constant 64 : i32
          %mul3A_289 = arith.muli %select_n3A_279, %mul3A_288 : i32
          %sub3A_290 = arith.subi %while3A_243, %mul3A_289 : i32
          %mul3A_291 = arith.constant 16 : i32
          %mul3A_292 = arith.muli %sub3A_290, %mul3A_291 : i32
          %add3A_293 = arith.addi %mul3A_287, %mul3A_292 : i32
          %add3A_294 = vector.broadcast %add3A_293 : i32 to vector<16xi32>
          %add3A_295 = arith.addi %add3A_294, %iota3A : vector<16xi32>
          %swap3A_296 = arith.index_cast %while3A_244 : i32 to index
          %swap3A_297 = tpu.vector_load %arg8[%swap3A_296] masked %and3A_255 {strides = array<i32>} : memref<8352xi32, #tpu.memory_space<vmem>>, vector<16xi32>, vector<16xi1>
          tpu.vector_store %arg8[%swap3A_296], %add3A_295 masked %and3A_255 {strides = array<i32>} : memref<8352xi32, #tpu.memory_space<vmem>>, vector<16xi32>, vector<16xi1>
          %all_reduce_population_count3A = tpu.all_reduce %and3A_255 {dim = 0 : i64, kind = #tpu.reduction_kind<sum>} : vector<16xi1> -> vector<16xi32>
          %slice3A = vector.extract_strided_slice %all_reduce_population_count3A {offsets = [0], sizes = [1], strides = [1]} : vector<16xi32> to vector<1xi32>
          %squeeze3A = vector.extract %slice3A[0] : i32 from vector<1xi32>
          %add3A_298 = arith.addi %while3A_244, %squeeze3A : i32
          scf.yield %add3A_298 : i32
        }
        %mul3A_119 = arith.constant 16 : i32
        %mul3A_120 = arith.muli %arg0, %mul3A_119 : i32
        %add3A_121 = arith.addi %mul3A_120, %arg1 : i32
        %mul3A_122 = arith.constant 128 : i32
        %mul3A_123 = arith.muli %add3A_121, %mul3A_122 : i32
        %add3A_124 = vector.broadcast %mul3A_123 : i32 to vector<16xi32>
        %add3A_125 = arith.addi %add3A_124, %iota3A : vector<16xi32>
        %add3A_126 = arith.constant 0 : i32
        %add3A_127 = vector.broadcast %add3A_126 : i32 to vector<16xi32>
        %add3A_128 = arith.addi %add3A_125, %add3A_127 : vector<16xi32>
        %add3A_129 = arith.constant 0 : i32
        %add3A_130 = arith.addi %while3A_118, %add3A_129 : i32
        %swap3A = arith.index_cast %add3A_130 : i32 to index
        %swap3A_131 = tpu.vector_load %arg8[%swap3A] {strides = array<i32>} : memref<8352xi32, #tpu.memory_space<vmem>>, vector<16xi32>,
        tpu.vector_store %arg8[%swap3A], %add3A_128 {strides = array<i32>} : memref<8352xi32, #tpu.memory_space<vmem>>, vector<16xi32>,
        %add3A_132 = arith.constant 16 : i32
        %add3A_133 = vector.broadcast %add3A_132 : i32 to vector<16xi32>
        %add3A_134 = arith.addi %add3A_125, %add3A_133 : vector<16xi32>
        %add3A_135 = arith.constant 16 : i32
        %add3A_136 = arith.addi %while3A_118, %add3A_135 : i32
        %swap3A_137 = arith.index_cast %add3A_136 : i32 to index
        %swap3A_138 = tpu.vector_load %arg8[%swap3A_137] {strides = array<i32>} : memref<8352xi32, #tpu.memory_space<vmem>>, vector<16xi32>,
        tpu.vector_store %arg8[%swap3A_137], %add3A_134 {strides = array<i32>} : memref<8352xi32, #tpu.memory_space<vmem>>, vector<16xi32>,
        %add3A_139 = arith.constant 32 : i32
        %add3A_140 = vector.broadcast %add3A_139 : i32 to vector<16xi32>
        %add3A_141 = arith.addi %add3A_125, %add3A_140 : vector<16xi32>
        %add3A_142 = arith.constant 32 : i32
        %add3A_143 = arith.addi %while3A_118, %add3A_142 : i32
        %swap3A_144 = arith.index_cast %add3A_143 : i32 to index
        %swap3A_145 = tpu.vector_load %arg8[%swap3A_144] {strides = array<i32>} : memref<8352xi32, #tpu.memory_space<vmem>>, vector<16xi32>,
        tpu.vector_store %arg8[%swap3A_144], %add3A_141 {strides = array<i32>} : memref<8352xi32, #tpu.memory_space<vmem>>, vector<16xi32>,
        %add3A_146 = arith.constant 48 : i32
        %add3A_147 = vector.broadcast %add3A_146 : i32 to vector<16xi32>
        %add3A_148 = arith.addi %add3A_125, %add3A_147 : vector<16xi32>
        %add3A_149 = arith.constant 48 : i32
        %add3A_150 = arith.addi %while3A_118, %add3A_149 : i32
        %swap3A_151 = arith.index_cast %add3A_150 : i32 to index
        %swap3A_152 = tpu.vector_load %arg8[%swap3A_151] {strides = array<i32>} : memref<8352xi32, #tpu.memory_space<vmem>>, vector<16xi32>,
        tpu.vector_store %arg8[%swap3A_151], %add3A_148 {strides = array<i32>} : memref<8352xi32, #tpu.memory_space<vmem>>, vector<16xi32>,
        %add3A_153 = arith.constant 64 : i32
        %add3A_154 = vector.broadcast %add3A_153 : i32 to vector<16xi32>
        %add3A_155 = arith.addi %add3A_125, %add3A_154 : vector<16xi32>
        %add3A_156 = arith.constant 64 : i32
        %add3A_157 = arith.addi %while3A_118, %add3A_156 : i32
        %swap3A_158 = arith.index_cast %add3A_157 : i32 to index
        %swap3A_159 = tpu.vector_load %arg8[%swap3A_158] {strides = array<i32>} : memref<8352xi32, #tpu.memory_space<vmem>>, vector<16xi32>,
        tpu.vector_store %arg8[%swap3A_158], %add3A_155 {strides = array<i32>} : memref<8352xi32, #tpu.memory_space<vmem>>, vector<16xi32>,
        %add3A_160 = arith.constant 80 : i32
        %add3A_161 = vector.broadcast %add3A_160 : i32 to vector<16xi32>
        %add3A_162 = arith.addi %add3A_125, %add3A_161 : vector<16xi32>
        %add3A_163 = arith.constant 80 : i32
        %add3A_164 = arith.addi %while3A_118, %add3A_163 : i32
        %swap3A_165 = arith.index_cast %add3A_164 : i32 to index
        %swap3A_166 = tpu.vector_load %arg8[%swap3A_165] {strides = array<i32>} : memref<8352xi32, #tpu.memory_space<vmem>>, vector<16xi32>,
        tpu.vector_store %arg8[%swap3A_165], %add3A_162 {strides = array<i32>} : memref<8352xi32, #tpu.memory_space<vmem>>, vector<16xi32>,
        %add3A_167 = arith.constant 96 : i32
        %add3A_168 = vector.broadcast %add3A_167 : i32 to vector<16xi32>
        %add3A_169 = arith.addi %add3A_125, %add3A_168 : vector<16xi32>
        %add3A_170 = arith.constant 96 : i32
        %add3A_171 = arith.addi %while3A_118, %add3A_170 : i32
        %swap3A_172 = arith.index_cast %add3A_171 : i32 to index
        %swap3A_173 = tpu.vector_load %arg8[%swap3A_172] {strides = array<i32>} : memref<8352xi32, #tpu.memory_space<vmem>>, vector<16xi32>,
        tpu.vector_store %arg8[%swap3A_172], %add3A_169 {strides = array<i32>} : memref<8352xi32, #tpu.memory_space<vmem>>, vector<16xi32>,
        %add3A_174 = arith.constant 112 : i32
        %add3A_175 = vector.broadcast %add3A_174 : i32 to vector<16xi32>
        %add3A_176 = arith.addi %add3A_125, %add3A_175 : vector<16xi32>
        %add3A_177 = arith.constant 112 : i32
        %add3A_178 = arith.addi %while3A_118, %add3A_177 : i32
        %swap3A_179 = arith.index_cast %add3A_178 : i32 to index
        %swap3A_180 = tpu.vector_load %arg8[%swap3A_179] {strides = array<i32>} : memref<8352xi32, #tpu.memory_space<vmem>>, vector<16xi32>,
        tpu.vector_store %arg8[%swap3A_179], %add3A_176 {strides = array<i32>} : memref<8352xi32, #tpu.memory_space<vmem>>, vector<16xi32>,
        %add3A_181 = arith.constant 127 : i32
        %add3A_182 = arith.addi %while3A_118, %add3A_181 : i32
        %jit3A_183 = arith.constant 128 : i32
        %div3A_184 = arith.divsi %add3A_182, %jit3A_183 : i32
        %sign3A_185 = arith.constant 0 : i32
        %sign3A_186 = arith.cmpi sgt, %add3A_182, %sign3A_185 : i32
        %sign3A_187 = arith.extui %sign3A_186 : i1 to i32
        %sign3A_188 = arith.constant 0 : i32
        %sign3A_189 = arith.cmpi slt, %add3A_182, %sign3A_188 : i32
        %sign3A_190 = arith.extui %sign3A_189 : i1 to i32
        %sign3A_191 = arith.subi %sign3A_187, %sign3A_190 : i32
        %sign3A_192 = arith.constant 0 : i32
        %sign3A_193 = arith.cmpi sgt, %jit3A_183, %sign3A_192 : i32
        %sign3A_194 = arith.extui %sign3A_193 : i1 to i32
        %sign3A_195 = arith.constant 0 : i32
        %sign3A_196 = arith.cmpi slt, %jit3A_183, %sign3A_195 : i32
        %sign3A_197 = arith.extui %sign3A_196 : i1 to i32
        %sign3A_198 = arith.subi %sign3A_194, %sign3A_197 : i32
        %ne3A_199 = arith.cmpi ne, %sign3A_191, %sign3A_198 : i32
        %rem3A_200 = arith.remsi %add3A_182, %jit3A_183 : i32
        %ne3A_201 = arith.constant 0 : i32
        %ne3A_202 = arith.cmpi ne, %rem3A_200, %ne3A_201 : i32
        %and3A_203 = arith.andi %ne3A_199, %ne3A_202 : i1
        %sub3A_204 = arith.constant 1 : i32
        %sub3A_205 = arith.subi %div3A_184, %sub3A_204 : i32
        %select_n3A_206 = arith.select %and3A_203, %sub3A_205, %div3A_184 : i32
        %mul3A_207 = arith.constant 128 : i32
        %mul3A_208 = arith.muli %select_n3A_206, %mul3A_207 : i32
        %jit3A_209 = arith.constant 128 : i32
        %div3A_210 = arith.divsi %mul3A_208, %jit3A_209 : i32
        %sign3A_211 = arith.constant 0 : i32
        %sign3A_212 = arith.cmpi sgt, %mul3A_208, %sign3A_211 : i32
        %sign3A_213 = arith.extui %sign3A_212 : i1 to i32
        %sign3A_214 = arith.constant 0 : i32
        %sign3A_215 = arith.cmpi slt, %mul3A_208, %sign3A_214 : i32
        %sign3A_216 = arith.extui %sign3A_215 : i1 to i32
        %sign3A_217 = arith.subi %sign3A_213, %sign3A_216 : i32
        %sign3A_218 = arith.constant 0 : i32
        %sign3A_219 = arith.cmpi sgt, %jit3A_209, %sign3A_218 : i32
        %sign3A_220 = arith.extui %sign3A_219 : i1 to i32
        %sign3A_221 = arith.constant 0 : i32
        %sign3A_222 = arith.cmpi slt, %jit3A_209, %sign3A_221 : i32
        %sign3A_223 = arith.extui %sign3A_222 : i1 to i32
        %sign3A_224 = arith.subi %sign3A_220, %sign3A_223 : i32
        %ne3A_225 = arith.cmpi ne, %sign3A_217, %sign3A_224 : i32
        %rem3A_226 = arith.remsi %mul3A_208, %jit3A_209 : i32
        %ne3A_227 = arith.constant 0 : i32
        %ne3A_228 = arith.cmpi ne, %rem3A_226, %ne3A_227 : i32
        %and3A_229 = arith.andi %ne3A_225, %ne3A_228 : i1
        %sub3A_230 = arith.constant 1 : i32
        %sub3A_231 = arith.subi %div3A_210, %sub3A_230 : i32
        %select_n3A_232 = arith.select %and3A_229, %sub3A_231, %div3A_210 : i32
        %while3A_233 = arith.constant 0 : i32
        %while3A_234 = arith.constant 0 : i32
        %while3A_235 = arith.subi %select_n3A_232, %while3A_234 : i32
        %while3A_236 = arith.addi %while3A_234, %while3A_235 : i32
        %while3A_237 = arith.constant 1 : i32
        %while3A_238 = arith.divsi %while3A_235, %while3A_237 : i32
        %while3A_239 = arith.muli %while3A_238, %while3A_237 : i32
        %while3A_240 = arith.addi %while3A_234, %while3A_239 : i32
        %while3A_241 = arith.constant 1 : i32
        scf.for %while3A_243 = %while3A_234 to %while3A_240 step %while3A_241  : i32 {
          %mul3A_244 = arith.constant 128 : i32
          %mul3A_245 = arith.muli %while3A_243, %mul3A_244 : i32
          %dma_start3A = tpu.memref_slice %arg8[%mul3A_245] : memref<8352xi32, #tpu.memory_space<vmem>> -> memref<128xi32, #tpu.memory_space<vmem>>
          %dma_start3A_246 = arith.constant 0 : i32
          %dma_start3A_247 = tpu.memref_slice %arg4[%dma_start3A_246] : memref<1280000xi32, #tpu.memory_space<hbm>> -> memref<1280000xi32, #tpu.memory_space<hbm>>
          tpu.enqueue_indirect_dma source(%dma_start3A_247 : memref<1280000xi32, #tpu.memory_space<hbm>>) target(%arg9 : memref<128xi32, #tpu.memory_space<vmem>>) offsets(%dma_start3A : memref<128xi32, #tpu.memory_space<vmem>>) semaphore(%arg16 : memref<!tpu.dma_semaphore, #tpu.memory_space<semaphore_mem>>)
          %dma_start3A_248 = tpu.memref_slice %arg8[%mul3A_245] : memref<8352xi32, #tpu.memory_space<vmem>> -> memref<128xi32, #tpu.memory_space<vmem>>
          %dma_start3A_249 = arith.constant 0 : i32
          %dma_start3A_250 = tpu.memref_slice %arg5[%dma_start3A_249] : memref<1280000xi32, #tpu.memory_space<hbm>> -> memref<1280000xi32, #tpu.memory_space<hbm>>
          tpu.enqueue_indirect_dma source(%dma_start3A_250 : memref<1280000xi32, #tpu.memory_space<hbm>>) target(%arg10 : memref<128xi32, #tpu.memory_space<vmem>>) offsets(%dma_start3A_248 : memref<128xi32, #tpu.memory_space<vmem>>) semaphore(%arg16 : memref<!tpu.dma_semaphore, #tpu.memory_space<semaphore_mem>>)
          %dma_start3A_251 = tpu.memref_slice %arg8[%mul3A_245] : memref<8352xi32, #tpu.memory_space<vmem>> -> memref<128xi32, #tpu.memory_space<vmem>>
          %dma_start3A_252 = arith.constant 0 : i32
          %dma_start3A_253 = arith.constant 0 : i32
          %dma_start3A_254 = tpu.memref_slice %arg3[%dma_start3A_252, %dma_start3A_253] : memref<1280000x128xf32, #tpu.memory_space<hbm>> -> memref<1280000x128xf32, #tpu.memory_space<hbm>>
          tpu.enqueue_indirect_dma source(%dma_start3A_254 : memref<1280000x128xf32, #tpu.memory_space<hbm>>) target(%arg13 : memref<128x128xf32, #tpu.memory_space<vmem>>) offsets(%dma_start3A_251 : memref<128xi32, #tpu.memory_space<vmem>>) semaphore(%arg16 : memref<!tpu.dma_semaphore, #tpu.memory_space<semaphore_mem>>)
          %dma_wait3A = tpu.memref_slice %arg8[%mul3A_245] : memref<8352xi32, #tpu.memory_space<vmem>> -> memref<128xi32, #tpu.memory_space<vmem>>
          %dma_wait3A_255 = arith.constant 0 : i32
          %dma_wait3A_256 = tpu.memref_slice %arg4[%dma_wait3A_255] : memref<1280000xi32, #tpu.memory_space<hbm>> -> memref<1280000xi32, #tpu.memory_space<hbm>>
          tpu.wait_indirect_dma semaphore(%arg16 : memref<!tpu.dma_semaphore, #tpu.memory_space<semaphore_mem>>) src(%dma_wait3A_256 : memref<1280000xi32, #tpu.memory_space<hbm>>) dst(%arg9 : memref<128xi32, #tpu.memory_space<vmem>>)
          %dma_start3A_257 = arith.constant 0 : i32
          %dma_start3A_258 = arith.constant 0 : i32
          %dma_start3A_259 = tpu.memref_slice %arg2[%dma_start3A_257, %dma_start3A_258] : memref<320000x128xf32, #tpu.memory_space<hbm>> -> memref<320000x128xf32, #tpu.memory_space<hbm>>
          tpu.enqueue_indirect_dma source(%dma_start3A_259 : memref<320000x128xf32, #tpu.memory_space<hbm>>) target(%arg12 : memref<128x128xf32, #tpu.memory_space<vmem>>) offsets(%arg9 : memref<128xi32, #tpu.memory_space<vmem>>) semaphore(%arg16 : memref<!tpu.dma_semaphore, #tpu.memory_space<semaphore_mem>>)
          %dma_wait3A_260 = tpu.memref_slice %arg8[%mul3A_245] : memref<8352xi32, #tpu.memory_space<vmem>> -> memref<128xi32, #tpu.memory_space<vmem>>
          %dma_wait3A_261 = arith.constant 0 : i32
          %dma_wait3A_262 = tpu.memref_slice %arg5[%dma_wait3A_261] : memref<1280000xi32, #tpu.memory_space<hbm>> -> memref<1280000xi32, #tpu.memory_space<hbm>>
          tpu.wait_indirect_dma semaphore(%arg16 : memref<!tpu.dma_semaphore, #tpu.memory_space<semaphore_mem>>) src(%dma_wait3A_262 : memref<1280000xi32, #tpu.memory_space<hbm>>) dst(%arg10 : memref<128xi32, #tpu.memory_space<vmem>>)
          %sub3A_263 = arith.subi %while3A_118, %mul3A_245 : i32
          %get3A = arith.constant 0 : index
          %get3A_264 = tpu.vector_load %arg10[%get3A] {strides = array<i32>} : memref<128xi32, #tpu.memory_space<vmem>>, vector<16xi32>,
          %sub3A_265 = vector.broadcast %add3A_41 : i32 to vector<16xi32>
          %sub3A_266 = arith.subi %get3A_264, %sub3A_265 : vector<16xi32>
          %ge3A = arith.constant 0 : i32
          %ge3A_267 = vector.broadcast %ge3A : i32 to vector<16xi32>
          %ge3A_268 = arith.cmpi sge, %sub3A_266, %ge3A_267 : vector<16xi32>
          %lt3A_269 = arith.constant 6400 : i32
          %lt3A_270 = vector.broadcast %lt3A_269 : i32 to vector<16xi32>
          %lt3A_271 = arith.cmpi slt, %sub3A_266, %lt3A_270 : vector<16xi32>
          %and3A_272 = arith.andi %ge3A_268, %lt3A_271 : vector<16xi1>
          %add3A_273 = arith.constant 0 : i32
          %add3A_274 = vector.broadcast %add3A_273 : i32 to vector<16xi32>
          %add3A_275 = arith.addi %add3A_274, %iota3A : vector<16xi32>
          %lt3A_276 = vector.broadcast %sub3A_263 : i32 to vector<16xi32>
          %lt3A_277 = arith.cmpi slt, %add3A_275, %lt3A_276 : vector<16xi32>
          %and3A_278 = arith.andi %and3A_272, %lt3A_277 : vector<16xi1>
          %broadcast_in_dim3A_279 = vector.broadcast %add3A_43 : i32 to vector<16xi32>
          %select_n3A_280 = arith.select %and3A_278, %sub3A_266, %broadcast_in_dim3A_279 : vector<16xi1>, vector<16xi32>
          %swap3A_281 = arith.constant 0 : i32
          %swap3A_282 = arith.index_cast %swap3A_281 : i32 to index
          %swap3A_283 = arith.constant 0 : index
          %swap3A_284 = tpu.vector_load %arg11[%swap3A_282, %swap3A_283] {strides = array<i32>} : memref<1x128xi32, #tpu.memory_space<vmem>>, vector<16xi32>,
          tpu.vector_store %arg11[%swap3A_282, %swap3A_283], %select_n3A_280 {strides = array<i32>} : memref<1x128xi32, #tpu.memory_space<vmem>>, vector<16xi32>,
          %get3A_285 = arith.constant 16 : index
          %get3A_286 = tpu.vector_load %arg10[%get3A_285] {strides = array<i32>} : memref<128xi32, #tpu.memory_space<vmem>>, vector<16xi32>,
          %sub3A_287 = vector.broadcast %add3A_41 : i32 to vector<16xi32>
          %sub3A_288 = arith.subi %get3A_286, %sub3A_287 : vector<16xi32>
          %ge3A_289 = arith.constant 0 : i32
          %ge3A_290 = vector.broadcast %ge3A_289 : i32 to vector<16xi32>
          %ge3A_291 = arith.cmpi sge, %sub3A_288, %ge3A_290 : vector<16xi32>
          %lt3A_292 = arith.constant 6400 : i32
          %lt3A_293 = vector.broadcast %lt3A_292 : i32 to vector<16xi32>
          %lt3A_294 = arith.cmpi slt, %sub3A_288, %lt3A_293 : vector<16xi32>
          %and3A_295 = arith.andi %ge3A_291, %lt3A_294 : vector<16xi1>
          %add3A_296 = arith.constant 16 : i32
          %add3A_297 = vector.broadcast %add3A_296 : i32 to vector<16xi32>
          %add3A_298 = arith.addi %add3A_297, %iota3A : vector<16xi32>
          %lt3A_299 = vector.broadcast %sub3A_263 : i32 to vector<16xi32>
          %lt3A_300 = arith.cmpi slt, %add3A_298, %lt3A_299 : vector<16xi32>
          %and3A_301 = arith.andi %and3A_295, %lt3A_300 : vector<16xi1>
          %broadcast_in_dim3A_302 = vector.broadcast %add3A_43 : i32 to vector<16xi32>
          %select_n3A_303 = arith.select %and3A_301, %sub3A_288, %broadcast_in_dim3A_302 : vector<16xi1>, vector<16xi32>
          %swap3A_304 = arith.constant 0 : i32
          %swap3A_305 = arith.index_cast %swap3A_304 : i32 to index
          %swap3A_306 = arith.constant 16 : index
          %swap3A_307 = tpu.vector_load %arg11[%swap3A_305, %swap3A_306] {strides = array<i32>} : memref<1x128xi32, #tpu.memory_space<vmem>>, vector<16xi32>,
          tpu.vector_store %arg11[%swap3A_305, %swap3A_306], %select_n3A_303 {strides = array<i32>} : memref<1x128xi32, #tpu.memory_space<vmem>>, vector<16xi32>,
          %get3A_308 = arith.constant 32 : index
          %get3A_309 = tpu.vector_load %arg10[%get3A_308] {strides = array<i32>} : memref<128xi32, #tpu.memory_space<vmem>>, vector<16xi32>,
          %sub3A_310 = vector.broadcast %add3A_41 : i32 to vector<16xi32>
          %sub3A_311 = arith.subi %get3A_309, %sub3A_310 : vector<16xi32>
          %ge3A_312 = arith.constant 0 : i32
          %ge3A_313 = vector.broadcast %ge3A_312 : i32 to vector<16xi32>
          %ge3A_314 = arith.cmpi sge, %sub3A_311, %ge3A_313 : vector<16xi32>
          %lt3A_315 = arith.constant 6400 : i32
          %lt3A_316 = vector.broadcast %lt3A_315 : i32 to vector<16xi32>
          %lt3A_317 = arith.cmpi slt, %sub3A_311, %lt3A_316 : vector<16xi32>
          %and3A_318 = arith.andi %ge3A_314, %lt3A_317 : vector<16xi1>
          %add3A_319 = arith.constant 32 : i32
          %add3A_320 = vector.broadcast %add3A_319 : i32 to vector<16xi32>
          %add3A_321 = arith.addi %add3A_320, %iota3A : vector<16xi32>
          %lt3A_322 = vector.broadcast %sub3A_263 : i32 to vector<16xi32>
          %lt3A_323 = arith.cmpi slt, %add3A_321, %lt3A_322 : vector<16xi32>
          %and3A_324 = arith.andi %and3A_318, %lt3A_323 : vector<16xi1>
          %broadcast_in_dim3A_325 = vector.broadcast %add3A_43 : i32 to vector<16xi32>
          %select_n3A_326 = arith.select %and3A_324, %sub3A_311, %broadcast_in_dim3A_325 : vector<16xi1>, vector<16xi32>
          %swap3A_327 = arith.constant 0 : i32
          %swap3A_328 = arith.index_cast %swap3A_327 : i32 to index
          %swap3A_329 = arith.constant 32 : index
          %swap3A_330 = tpu.vector_load %arg11[%swap3A_328, %swap3A_329] {strides = array<i32>} : memref<1x128xi32, #tpu.memory_space<vmem>>, vector<16xi32>,
          tpu.vector_store %arg11[%swap3A_328, %swap3A_329], %select_n3A_326 {strides = array<i32>} : memref<1x128xi32, #tpu.memory_space<vmem>>, vector<16xi32>,
          %get3A_331 = arith.constant 48 : index
          %get3A_332 = tpu.vector_load %arg10[%get3A_331] {strides = array<i32>} : memref<128xi32, #tpu.memory_space<vmem>>, vector<16xi32>,
          %sub3A_333 = vector.broadcast %add3A_41 : i32 to vector<16xi32>
          %sub3A_334 = arith.subi %get3A_332, %sub3A_333 : vector<16xi32>
          %ge3A_335 = arith.constant 0 : i32
          %ge3A_336 = vector.broadcast %ge3A_335 : i32 to vector<16xi32>
          %ge3A_337 = arith.cmpi sge, %sub3A_334, %ge3A_336 : vector<16xi32>
          %lt3A_338 = arith.constant 6400 : i32
          %lt3A_339 = vector.broadcast %lt3A_338 : i32 to vector<16xi32>
          %lt3A_340 = arith.cmpi slt, %sub3A_334, %lt3A_339 : vector<16xi32>
          %and3A_341 = arith.andi %ge3A_337, %lt3A_340 : vector<16xi1>
          %add3A_342 = arith.constant 48 : i32
          %add3A_343 = vector.broadcast %add3A_342 : i32 to vector<16xi32>
          %add3A_344 = arith.addi %add3A_343, %iota3A : vector<16xi32>
          %lt3A_345 = vector.broadcast %sub3A_263 : i32 to vector<16xi32>
          %lt3A_346 = arith.cmpi slt, %add3A_344, %lt3A_345 : vector<16xi32>
          %and3A_347 = arith.andi %and3A_341, %lt3A_346 : vector<16xi1>
          %broadcast_in_dim3A_348 = vector.broadcast %add3A_43 : i32 to vector<16xi32>
          %select_n3A_349 = arith.select %and3A_347, %sub3A_334, %broadcast_in_dim3A_348 : vector<16xi1>, vector<16xi32>
          %swap3A_350 = arith.constant 0 : i32
          %swap3A_351 = arith.index_cast %swap3A_350 : i32 to index
          %swap3A_352 = arith.constant 48 : index
          %swap3A_353 = tpu.vector_load %arg11[%swap3A_351, %swap3A_352] {strides = array<i32>} : memref<1x128xi32, #tpu.memory_space<vmem>>, vector<16xi32>,
          tpu.vector_store %arg11[%swap3A_351, %swap3A_352], %select_n3A_349 {strides = array<i32>} : memref<1x128xi32, #tpu.memory_space<vmem>>, vector<16xi32>,
          %get3A_354 = arith.constant 64 : index
          %get3A_355 = tpu.vector_load %arg10[%get3A_354] {strides = array<i32>} : memref<128xi32, #tpu.memory_space<vmem>>, vector<16xi32>,
          %sub3A_356 = vector.broadcast %add3A_41 : i32 to vector<16xi32>
          %sub3A_357 = arith.subi %get3A_355, %sub3A_356 : vector<16xi32>
          %ge3A_358 = arith.constant 0 : i32
          %ge3A_359 = vector.broadcast %ge3A_358 : i32 to vector<16xi32>
          %ge3A_360 = arith.cmpi sge, %sub3A_357, %ge3A_359 : vector<16xi32>
          %lt3A_361 = arith.constant 6400 : i32
          %lt3A_362 = vector.broadcast %lt3A_361 : i32 to vector<16xi32>
          %lt3A_363 = arith.cmpi slt, %sub3A_357, %lt3A_362 : vector<16xi32>
          %and3A_364 = arith.andi %ge3A_360, %lt3A_363 : vector<16xi1>
          %add3A_365 = arith.constant 64 : i32
          %add3A_366 = vector.broadcast %add3A_365 : i32 to vector<16xi32>
          %add3A_367 = arith.addi %add3A_366, %iota3A : vector<16xi32>
          %lt3A_368 = vector.broadcast %sub3A_263 : i32 to vector<16xi32>
          %lt3A_369 = arith.cmpi slt, %add3A_367, %lt3A_368 : vector<16xi32>
          %and3A_370 = arith.andi %and3A_364, %lt3A_369 : vector<16xi1>
          %broadcast_in_dim3A_371 = vector.broadcast %add3A_43 : i32 to vector<16xi32>
          %select_n3A_372 = arith.select %and3A_370, %sub3A_357, %broadcast_in_dim3A_371 : vector<16xi1>, vector<16xi32>
          %swap3A_373 = arith.constant 0 : i32
          %swap3A_374 = arith.index_cast %swap3A_373 : i32 to index
          %swap3A_375 = arith.constant 64 : index
          %swap3A_376 = tpu.vector_load %arg11[%swap3A_374, %swap3A_375] {strides = array<i32>} : memref<1x128xi32, #tpu.memory_space<vmem>>, vector<16xi32>,
          tpu.vector_store %arg11[%swap3A_374, %swap3A_375], %select_n3A_372 {strides = array<i32>} : memref<1x128xi32, #tpu.memory_space<vmem>>, vector<16xi32>,
          %get3A_377 = arith.constant 80 : index
          %get3A_378 = tpu.vector_load %arg10[%get3A_377] {strides = array<i32>} : memref<128xi32, #tpu.memory_space<vmem>>, vector<16xi32>,
          %sub3A_379 = vector.broadcast %add3A_41 : i32 to vector<16xi32>
          %sub3A_380 = arith.subi %get3A_378, %sub3A_379 : vector<16xi32>
          %ge3A_381 = arith.constant 0 : i32
          %ge3A_382 = vector.broadcast %ge3A_381 : i32 to vector<16xi32>
          %ge3A_383 = arith.cmpi sge, %sub3A_380, %ge3A_382 : vector<16xi32>
          %lt3A_384 = arith.constant 6400 : i32
          %lt3A_385 = vector.broadcast %lt3A_384 : i32 to vector<16xi32>
          %lt3A_386 = arith.cmpi slt, %sub3A_380, %lt3A_385 : vector<16xi32>
          %and3A_387 = arith.andi %ge3A_383, %lt3A_386 : vector<16xi1>
          %add3A_388 = arith.constant 80 : i32
          %add3A_389 = vector.broadcast %add3A_388 : i32 to vector<16xi32>
          %add3A_390 = arith.addi %add3A_389, %iota3A : vector<16xi32>
          %lt3A_391 = vector.broadcast %sub3A_263 : i32 to vector<16xi32>
          %lt3A_392 = arith.cmpi slt, %add3A_390, %lt3A_391 : vector<16xi32>
          %and3A_393 = arith.andi %and3A_387, %lt3A_392 : vector<16xi1>
          %broadcast_in_dim3A_394 = vector.broadcast %add3A_43 : i32 to vector<16xi32>
          %select_n3A_395 = arith.select %and3A_393, %sub3A_380, %broadcast_in_dim3A_394 : vector<16xi1>, vector<16xi32>
          %swap3A_396 = arith.constant 0 : i32
          %swap3A_397 = arith.index_cast %swap3A_396 : i32 to index
          %swap3A_398 = arith.constant 80 : index
          %swap3A_399 = tpu.vector_load %arg11[%swap3A_397, %swap3A_398] {strides = array<i32>} : memref<1x128xi32, #tpu.memory_space<vmem>>, vector<16xi32>,
          tpu.vector_store %arg11[%swap3A_397, %swap3A_398], %select_n3A_395 {strides = array<i32>} : memref<1x128xi32, #tpu.memory_space<vmem>>, vector<16xi32>,
          %get3A_400 = arith.constant 96 : index
          %get3A_401 = tpu.vector_load %arg10[%get3A_400] {strides = array<i32>} : memref<128xi32, #tpu.memory_space<vmem>>, vector<16xi32>,
          %sub3A_402 = vector.broadcast %add3A_41 : i32 to vector<16xi32>
          %sub3A_403 = arith.subi %get3A_401, %sub3A_402 : vector<16xi32>
          %ge3A_404 = arith.constant 0 : i32
          %ge3A_405 = vector.broadcast %ge3A_404 : i32 to vector<16xi32>
          %ge3A_406 = arith.cmpi sge, %sub3A_403, %ge3A_405 : vector<16xi32>
          %lt3A_407 = arith.constant 6400 : i32
          %lt3A_408 = vector.broadcast %lt3A_407 : i32 to vector<16xi32>
          %lt3A_409 = arith.cmpi slt, %sub3A_403, %lt3A_408 : vector<16xi32>
          %and3A_410 = arith.andi %ge3A_406, %lt3A_409 : vector<16xi1>
          %add3A_411 = arith.constant 96 : i32
          %add3A_412 = vector.broadcast %add3A_411 : i32 to vector<16xi32>
          %add3A_413 = arith.addi %add3A_412, %iota3A : vector<16xi32>
          %lt3A_414 = vector.broadcast %sub3A_263 : i32 to vector<16xi32>
          %lt3A_415 = arith.cmpi slt, %add3A_413, %lt3A_414 : vector<16xi32>
          %and3A_416 = arith.andi %and3A_410, %lt3A_415 : vector<16xi1>
          %broadcast_in_dim3A_417 = vector.broadcast %add3A_43 : i32 to vector<16xi32>
          %select_n3A_418 = arith.select %and3A_416, %sub3A_403, %broadcast_in_dim3A_417 : vector<16xi1>, vector<16xi32>
          %swap3A_419 = arith.constant 0 : i32
          %swap3A_420 = arith.index_cast %swap3A_419 : i32 to index
          %swap3A_421 = arith.constant 96 : index
          %swap3A_422 = tpu.vector_load %arg11[%swap3A_420, %swap3A_421] {strides = array<i32>} : memref<1x128xi32, #tpu.memory_space<vmem>>, vector<16xi32>,
          tpu.vector_store %arg11[%swap3A_420, %swap3A_421], %select_n3A_418 {strides = array<i32>} : memref<1x128xi32, #tpu.memory_space<vmem>>, vector<16xi32>,
          %get3A_423 = arith.constant 112 : index
          %get3A_424 = tpu.vector_load %arg10[%get3A_423] {strides = array<i32>} : memref<128xi32, #tpu.memory_space<vmem>>, vector<16xi32>,
          %sub3A_425 = vector.broadcast %add3A_41 : i32 to vector<16xi32>
          %sub3A_426 = arith.subi %get3A_424, %sub3A_425 : vector<16xi32>
          %ge3A_427 = arith.constant 0 : i32
          %ge3A_428 = vector.broadcast %ge3A_427 : i32 to vector<16xi32>
          %ge3A_429 = arith.cmpi sge, %sub3A_426, %ge3A_428 : vector<16xi32>
          %lt3A_430 = arith.constant 6400 : i32
          %lt3A_431 = vector.broadcast %lt3A_430 : i32 to vector<16xi32>
          %lt3A_432 = arith.cmpi slt, %sub3A_426, %lt3A_431 : vector<16xi32>
          %and3A_433 = arith.andi %ge3A_429, %lt3A_432 : vector<16xi1>
          %add3A_434 = arith.constant 112 : i32
          %add3A_435 = vector.broadcast %add3A_434 : i32 to vector<16xi32>
          %add3A_436 = arith.addi %add3A_435, %iota3A : vector<16xi32>
          %lt3A_437 = vector.broadcast %sub3A_263 : i32 to vector<16xi32>
          %lt3A_438 = arith.cmpi slt, %add3A_436, %lt3A_437 : vector<16xi32>
          %and3A_439 = arith.andi %and3A_433, %lt3A_438 : vector<16xi1>
          %broadcast_in_dim3A_440 = vector.broadcast %add3A_43 : i32 to vector<16xi32>
          %select_n3A_441 = arith.select %and3A_439, %sub3A_426, %broadcast_in_dim3A_440 : vector<16xi1>, vector<16xi32>
          %swap3A_442 = arith.constant 0 : i32
          %swap3A_443 = arith.index_cast %swap3A_442 : i32 to index
          %swap3A_444 = arith.constant 112 : index
          %swap3A_445 = tpu.vector_load %arg11[%swap3A_443, %swap3A_444] {strides = array<i32>} : memref<1x128xi32, #tpu.memory_space<vmem>>, vector<16xi32>,
          tpu.vector_store %arg11[%swap3A_443, %swap3A_444], %select_n3A_441 {strides = array<i32>} : memref<1x128xi32, #tpu.memory_space<vmem>>, vector<16xi32>,
          %dma_wait3A_446 = tpu.memref_slice %arg8[%mul3A_245] : memref<8352xi32, #tpu.memory_space<vmem>> -> memref<128xi32, #tpu.memory_space<vmem>>
          %dma_wait3A_447 = arith.constant 0 : i32
          %dma_wait3A_448 = arith.constant 0 : i32
          %dma_wait3A_449 = tpu.memref_slice %arg3[%dma_wait3A_447, %dma_wait3A_448] : memref<1280000x128xf32, #tpu.memory_space<hbm>> -> memref<1280000x128xf32, #tpu.memory_space<hbm>>
          tpu.wait_indirect_dma semaphore(%arg16 : memref<!tpu.dma_semaphore, #tpu.memory_space<semaphore_mem>>) src(%dma_wait3A_449 : memref<1280000x128xf32, #tpu.memory_space<hbm>>) dst(%arg13 : memref<128x128xf32, #tpu.memory_space<vmem>>)
          %dma_wait3A_450 = arith.constant 0 : i32
          %dma_wait3A_451 = arith.constant 0 : i32
          %dma_wait3A_452 = tpu.memref_slice %arg2[%dma_wait3A_450, %dma_wait3A_451] : memref<320000x128xf32, #tpu.memory_space<hbm>> -> memref<320000x128xf32, #tpu.memory_space<hbm>>
          tpu.wait_indirect_dma semaphore(%arg16 : memref<!tpu.dma_semaphore, #tpu.memory_space<semaphore_mem>>) src(%dma_wait3A_452 : memref<320000x128xf32, #tpu.memory_space<hbm>>) dst(%arg12 : memref<128x128xf32, #tpu.memory_space<vmem>>)
          %scan3A_453 = arith.constant 0 : i32
          %scan3A_454 = arith.constant 0 : i32
          %scan3A_455 = arith.constant 32 : i32
          %scan3A_456 = arith.addi %scan3A_454, %scan3A_455 : i32
          %scan3A_457 = arith.constant 1 : i32
          scf.for %scan3A_459 = %scan3A_454 to %scan3A_456 step %scan3A_457  : i32 {
            %mul3A_460 = arith.constant 4 : i32
            %mul3A_461 = arith.muli %scan3A_459, %mul3A_460 : i32
            %add3A_462 = arith.constant 0 : i32
            %add3A_463 = arith.addi %mul3A_461, %add3A_462 : i32
            %get3A_464 = arith.index_cast %add3A_463 : i32 to index
            %get3A_465 = arith.constant 0 : index
            %get3A_466 = tpu.vector_load %arg12[%get3A_464, %get3A_465] {strides = array<i32>} : memref<128x128xf32, #tpu.memory_space<vmem>>, vector<16xf32>,
            %mul3A_467 = arith.constant 4 : i32
            %mul3A_468 = arith.muli %scan3A_459, %mul3A_467 : i32
            %add3A_469 = arith.constant 0 : i32
            %add3A_470 = arith.addi %mul3A_468, %add3A_469 : i32
            %get3A_471 = arith.index_cast %add3A_470 : i32 to index
            %get3A_472 = arith.constant 0 : index
            %get3A_473 = tpu.vector_load %arg13[%get3A_471, %get3A_472] {strides = array<i32>} : memref<128x128xf32, #tpu.memory_space<vmem>>, vector<16xf32>,
            %mul3A_474 = arith.mulf %get3A_466, %get3A_473 : vector<16xf32>
            %mul3A_475 = arith.constant 4 : i32
            %mul3A_476 = arith.muli %scan3A_459, %mul3A_475 : i32
            %add3A_477 = arith.constant 0 : i32
            %add3A_478 = arith.addi %mul3A_476, %add3A_477 : i32
            %swap3A_479 = arith.index_cast %add3A_478 : i32 to index
            %swap3A_480 = arith.constant 0 : index
            %swap3A_481 = tpu.vector_load %arg13[%swap3A_479, %swap3A_480] {strides = array<i32>} : memref<128x128xf32, #tpu.memory_space<vmem>>, vector<16xf32>,
            tpu.vector_store %arg13[%swap3A_479, %swap3A_480], %mul3A_474 {strides = array<i32>} : memref<128x128xf32, #tpu.memory_space<vmem>>, vector<16xf32>,
            %mul3A_482 = arith.constant 4 : i32
            %mul3A_483 = arith.muli %scan3A_459, %mul3A_482 : i32
            %add3A_484 = arith.constant 0 : i32
            %add3A_485 = arith.addi %mul3A_483, %add3A_484 : i32
            %get3A_486 = arith.index_cast %add3A_485 : i32 to index
            %get3A_487 = arith.constant 16 : index
            %get3A_488 = tpu.vector_load %arg12[%get3A_486, %get3A_487] {strides = array<i32>} : memref<128x128xf32, #tpu.memory_space<vmem>>, vector<16xf32>,
            %mul3A_489 = arith.constant 4 : i32
            %mul3A_490 = arith.muli %scan3A_459, %mul3A_489 : i32
            %add3A_491 = arith.constant 0 : i32
            %add3A_492 = arith.addi %mul3A_490, %add3A_491 : i32
            %get3A_493 = arith.index_cast %add3A_492 : i32 to index
            %get3A_494 = arith.constant 16 : index
            %get3A_495 = tpu.vector_load %arg13[%get3A_493, %get3A_494] {strides = array<i32>} : memref<128x128xf32, #tpu.memory_space<vmem>>, vector<16xf32>,
            %mul3A_496 = arith.mulf %get3A_488, %get3A_495 : vector<16xf32>
            %mul3A_497 = arith.constant 4 : i32
            %mul3A_498 = arith.muli %scan3A_459, %mul3A_497 : i32
            %add3A_499 = arith.constant 0 : i32
            %add3A_500 = arith.addi %mul3A_498, %add3A_499 : i32
            %swap3A_501 = arith.index_cast %add3A_500 : i32 to index
            %swap3A_502 = arith.constant 16 : index
            %swap3A_503 = tpu.vector_load %arg13[%swap3A_501, %swap3A_502] {strides = array<i32>} : memref<128x128xf32, #tpu.memory_space<vmem>>, vector<16xf32>,
            tpu.vector_store %arg13[%swap3A_501, %swap3A_502], %mul3A_496 {strides = array<i32>} : memref<128x128xf32, #tpu.memory_space<vmem>>, vector<16xf32>,
            %mul3A_504 = arith.constant 4 : i32
            %mul3A_505 = arith.muli %scan3A_459, %mul3A_504 : i32
            %add3A_506 = arith.constant 0 : i32
            %add3A_507 = arith.addi %mul3A_505, %add3A_506 : i32
            %get3A_508 = arith.index_cast %add3A_507 : i32 to index
            %get3A_509 = arith.constant 32 : index
            %get3A_510 = tpu.vector_load %arg12[%get3A_508, %get3A_509] {strides = array<i32>} : memref<128x128xf32, #tpu.memory_space<vmem>>, vector<16xf32>,
            %mul3A_511 = arith.constant 4 : i32
            %mul3A_512 = arith.muli %scan3A_459, %mul3A_511 : i32
            %add3A_513 = arith.constant 0 : i32
            %add3A_514 = arith.addi %mul3A_512, %add3A_513 : i32
            %get3A_515 = arith.index_cast %add3A_514 : i32 to index
            %get3A_516 = arith.constant 32 : index
            %get3A_517 = tpu.vector_load %arg13[%get3A_515, %get3A_516] {strides = array<i32>} : memref<128x128xf32, #tpu.memory_space<vmem>>, vector<16xf32>,
            %mul3A_518 = arith.mulf %get3A_510, %get3A_517 : vector<16xf32>
            %mul3A_519 = arith.constant 4 : i32
            %mul3A_520 = arith.muli %scan3A_459, %mul3A_519 : i32
            %add3A_521 = arith.constant 0 : i32
            %add3A_522 = arith.addi %mul3A_520, %add3A_521 : i32
            %swap3A_523 = arith.index_cast %add3A_522 : i32 to index
            %swap3A_524 = arith.constant 32 : index
            %swap3A_525 = tpu.vector_load %arg13[%swap3A_523, %swap3A_524] {strides = array<i32>} : memref<128x128xf32, #tpu.memory_space<vmem>>, vector<16xf32>,
            tpu.vector_store %arg13[%swap3A_523, %swap3A_524], %mul3A_518 {strides = array<i32>} : memref<128x128xf32, #tpu.memory_space<vmem>>, vector<16xf32>,
            %mul3A_526 = arith.constant 4 : i32
            %mul3A_527 = arith.muli %scan3A_459, %mul3A_526 : i32
            %add3A_528 = arith.constant 0 : i32
            %add3A_529 = arith.addi %mul3A_527, %add3A_528 : i32
            %get3A_530 = arith.index_cast %add3A_529 : i32 to index
            %get3A_531 = arith.constant 48 : index
            %get3A_532 = tpu.vector_load %arg12[%get3A_530, %get3A_531] {strides = array<i32>} : memref<128x128xf32, #tpu.memory_space<vmem>>, vector<16xf32>,
            %mul3A_533 = arith.constant 4 : i32
            %mul3A_534 = arith.muli %scan3A_459, %mul3A_533 : i32
            %add3A_535 = arith.constant 0 : i32
            %add3A_536 = arith.addi %mul3A_534, %add3A_535 : i32
            %get3A_537 = arith.index_cast %add3A_536 : i32 to index
            %get3A_538 = arith.constant 48 : index
            %get3A_539 = tpu.vector_load %arg13[%get3A_537, %get3A_538] {strides = array<i32>} : memref<128x128xf32, #tpu.memory_space<vmem>>, vector<16xf32>,
            %mul3A_540 = arith.mulf %get3A_532, %get3A_539 : vector<16xf32>
            %mul3A_541 = arith.constant 4 : i32
            %mul3A_542 = arith.muli %scan3A_459, %mul3A_541 : i32
            %add3A_543 = arith.constant 0 : i32
            %add3A_544 = arith.addi %mul3A_542, %add3A_543 : i32
            %swap3A_545 = arith.index_cast %add3A_544 : i32 to index
            %swap3A_546 = arith.constant 48 : index
            %swap3A_547 = tpu.vector_load %arg13[%swap3A_545, %swap3A_546] {strides = array<i32>} : memref<128x128xf32, #tpu.memory_space<vmem>>, vector<16xf32>,
            tpu.vector_store %arg13[%swap3A_545, %swap3A_546], %mul3A_540 {strides = array<i32>} : memref<128x128xf32, #tpu.memory_space<vmem>>, vector<16xf32>,
            %mul3A_548 = arith.constant 4 : i32
            %mul3A_549 = arith.muli %scan3A_459, %mul3A_548 : i32
            %add3A_550 = arith.constant 1 : i32
            %add3A_551 = arith.addi %mul3A_549, %add3A_550 : i32
            %get3A_552 = arith.index_cast %add3A_551 : i32 to index
            %get3A_553 = arith.constant 0 : index
            %get3A_554 = tpu.vector_load %arg12[%get3A_552, %get3A_553] {strides = array<i32>} : memref<128x128xf32, #tpu.memory_space<vmem>>, vector<16xf32>,
            %mul3A_555 = arith.constant 4 : i32
            %mul3A_556 = arith.muli %scan3A_459, %mul3A_555 : i32
            %add3A_557 = arith.constant 1 : i32
            %add3A_558 = arith.addi %mul3A_556, %add3A_557 : i32
            %get3A_559 = arith.index_cast %add3A_558 : i32 to index
            %get3A_560 = arith.constant 0 : index
            %get3A_561 = tpu.vector_load %arg13[%get3A_559, %get3A_560] {strides = array<i32>} : memref<128x128xf32, #tpu.memory_space<vmem>>, vector<16xf32>,
            %mul3A_562 = arith.mulf %get3A_554, %get3A_561 : vector<16xf32>
            %mul3A_563 = arith.constant 4 : i32
            %mul3A_564 = arith.muli %scan3A_459, %mul3A_563 : i32
            %add3A_565 = arith.constant 1 : i32
            %add3A_566 = arith.addi %mul3A_564, %add3A_565 : i32
            %swap3A_567 = arith.index_cast %add3A_566 : i32 to index
            %swap3A_568 = arith.constant 0 : index
            %swap3A_569 = tpu.vector_load %arg13[%swap3A_567, %swap3A_568] {strides = array<i32>} : memref<128x128xf32, #tpu.memory_space<vmem>>, vector<16xf32>,
            tpu.vector_store %arg13[%swap3A_567, %swap3A_568], %mul3A_562 {strides = array<i32>} : memref<128x128xf32, #tpu.memory_space<vmem>>, vector<16xf32>,
            %mul3A_570 = arith.constant 4 : i32
            %mul3A_571 = arith.muli %scan3A_459, %mul3A_570 : i32
            %add3A_572 = arith.constant 1 : i32
            %add3A_573 = arith.addi %mul3A_571, %add3A_572 : i32
            %get3A_574 = arith.index_cast %add3A_573 : i32 to index
            %get3A_575 = arith.constant 16 : index
            %get3A_576 = tpu.vector_load %arg12[%get3A_574, %get3A_575] {strides = array<i32>} : memref<128x128xf32, #tpu.memory_space<vmem>>, vector<16xf32>,
            %mul3A_577 = arith.constant 4 : i32
            %mul3A_578 = arith.muli %scan3A_459, %mul3A_577 : i32
            %add3A_579 = arith.constant 1 : i32
            %add3A_580 = arith.addi %mul3A_578, %add3A_579 : i32
            %get3A_581 = arith.index_cast %add3A_580 : i32 to index
            %get3A_582 = arith.constant 16 : index
            %get3A_583 = tpu.vector_load %arg13[%get3A_581, %get3A_582] {strides = array<i32>} : memref<128x128xf32, #tpu.memory_space<vmem>>, vector<16xf32>,
            %mul3A_584 = arith.mulf %get3A_576, %get3A_583 : vector<16xf32>
            %mul3A_585 = arith.constant 4 : i32
            %mul3A_586 = arith.muli %scan3A_459, %mul3A_585 : i32
            %add3A_587 = arith.constant 1 : i32
            %add3A_588 = arith.addi %mul3A_586, %add3A_587 : i32
            %swap3A_589 = arith.index_cast %add3A_588 : i32 to index
            %swap3A_590 = arith.constant 16 : index
            %swap3A_591 = tpu.vector_load %arg13[%swap3A_589, %swap3A_590] {strides = array<i32>} : memref<128x128xf32, #tpu.memory_space<vmem>>, vector<16xf32>,
            tpu.vector_store %arg13[%swap3A_589, %swap3A_590], %mul3A_584 {strides = array<i32>} : memref<128x128xf32, #tpu.memory_space<vmem>>, vector<16xf32>,
            %mul3A_592 = arith.constant 4 : i32
            %mul3A_593 = arith.muli %scan3A_459, %mul3A_592 : i32
            %add3A_594 = arith.constant 1 : i32
            %add3A_595 = arith.addi %mul3A_593, %add3A_594 : i32
            %get3A_596 = arith.index_cast %add3A_595 : i32 to index
            %get3A_597 = arith.constant 32 : index
            %get3A_598 = tpu.vector_load %arg12[%get3A_596, %get3A_597] {strides = array<i32>} : memref<128x128xf32, #tpu.memory_space<vmem>>, vector<16xf32>,
            %mul3A_599 = arith.constant 4 : i32
            %mul3A_600 = arith.muli %scan3A_459, %mul3A_599 : i32
            %add3A_601 = arith.constant 1 : i32
            %add3A_602 = arith.addi %mul3A_600, %add3A_601 : i32
            %get3A_603 = arith.index_cast %add3A_602 : i32 to index
            %get3A_604 = arith.constant 32 : index
            %get3A_605 = tpu.vector_load %arg13[%get3A_603, %get3A_604] {strides = array<i32>} : memref<128x128xf32, #tpu.memory_space<vmem>>, vector<16xf32>,
            %mul3A_606 = arith.mulf %get3A_598, %get3A_605 : vector<16xf32>
            %mul3A_607 = arith.constant 4 : i32
            %mul3A_608 = arith.muli %scan3A_459, %mul3A_607 : i32
            %add3A_609 = arith.constant 1 : i32
            %add3A_610 = arith.addi %mul3A_608, %add3A_609 : i32
            %swap3A_611 = arith.index_cast %add3A_610 : i32 to index
            %swap3A_612 = arith.constant 32 : index
            %swap3A_613 = tpu.vector_load %arg13[%swap3A_611, %swap3A_612] {strides = array<i32>} : memref<128x128xf32, #tpu.memory_space<vmem>>, vector<16xf32>,
            tpu.vector_store %arg13[%swap3A_611, %swap3A_612], %mul3A_606 {strides = array<i32>} : memref<128x128xf32, #tpu.memory_space<vmem>>, vector<16xf32>,
            %mul3A_614 = arith.constant 4 : i32
            %mul3A_615 = arith.muli %scan3A_459, %mul3A_614 : i32
            %add3A_616 = arith.constant 1 : i32
            %add3A_617 = arith.addi %mul3A_615, %add3A_616 : i32
            %get3A_618 = arith.index_cast %add3A_617 : i32 to index
            %get3A_619 = arith.constant 48 : index
            %get3A_620 = tpu.vector_load %arg12[%get3A_618, %get3A_619] {strides = array<i32>} : memref<128x128xf32, #tpu.memory_space<vmem>>, vector<16xf32>,
            %mul3A_621 = arith.constant 4 : i32
            %mul3A_622 = arith.muli %scan3A_459, %mul3A_621 : i32
            %add3A_623 = arith.constant 1 : i32
            %add3A_624 = arith.addi %mul3A_622, %add3A_623 : i32
            %get3A_625 = arith.index_cast %add3A_624 : i32 to index
            %get3A_626 = arith.constant 48 : index
            %get3A_627 = tpu.vector_load %arg13[%get3A_625, %get3A_626] {strides = array<i32>} : memref<128x128xf32, #tpu.memory_space<vmem>>, vector<16xf32>,
            %mul3A_628 = arith.mulf %get3A_620, %get3A_627 : vector<16xf32>
            %mul3A_629 = arith.constant 4 : i32
            %mul3A_630 = arith.muli %scan3A_459, %mul3A_629 : i32
            %add3A_631 = arith.constant 1 : i32
            %add3A_632 = arith.addi %mul3A_630, %add3A_631 : i32
            %swap3A_633 = arith.index_cast %add3A_632 : i32 to index
            %swap3A_634 = arith.constant 48 : index
            %swap3A_635 = tpu.vector_load %arg13[%swap3A_633, %swap3A_634] {strides = array<i32>} : memref<128x128xf32, #tpu.memory_space<vmem>>, vector<16xf32>,
            tpu.vector_store %arg13[%swap3A_633, %swap3A_634], %mul3A_628 {strides = array<i32>} : memref<128x128xf32, #tpu.memory_space<vmem>>, vector<16xf32>,
            %mul3A_636 = arith.constant 4 : i32
            %mul3A_637 = arith.muli %scan3A_459, %mul3A_636 : i32
            %add3A_638 = arith.constant 2 : i32
            %add3A_639 = arith.addi %mul3A_637, %add3A_638 : i32
            %get3A_640 = arith.index_cast %add3A_639 : i32 to index
            %get3A_641 = arith.constant 0 : index
            %get3A_642 = tpu.vector_load %arg12[%get3A_640, %get3A_641] {strides = array<i32>} : memref<128x128xf32, #tpu.memory_space<vmem>>, vector<16xf32>,
            %mul3A_643 = arith.constant 4 : i32
            %mul3A_644 = arith.muli %scan3A_459, %mul3A_643 : i32
            %add3A_645 = arith.constant 2 : i32
            %add3A_646 = arith.addi %mul3A_644, %add3A_645 : i32
            %get3A_647 = arith.index_cast %add3A_646 : i32 to index
            %get3A_648 = arith.constant 0 : index
            %get3A_649 = tpu.vector_load %arg13[%get3A_647, %get3A_648] {strides = array<i32>} : memref<128x128xf32, #tpu.memory_space<vmem>>, vector<16xf32>,
            %mul3A_650 = arith.mulf %get3A_642, %get3A_649 : vector<16xf32>
            %mul3A_651 = arith.constant 4 : i32
            %mul3A_652 = arith.muli %scan3A_459, %mul3A_651 : i32
            %add3A_653 = arith.constant 2 : i32
            %add3A_654 = arith.addi %mul3A_652, %add3A_653 : i32
            %swap3A_655 = arith.index_cast %add3A_654 : i32 to index
            %swap3A_656 = arith.constant 0 : index
            %swap3A_657 = tpu.vector_load %arg13[%swap3A_655, %swap3A_656] {strides = array<i32>} : memref<128x128xf32, #tpu.memory_space<vmem>>, vector<16xf32>,
            tpu.vector_store %arg13[%swap3A_655, %swap3A_656], %mul3A_650 {strides = array<i32>} : memref<128x128xf32, #tpu.memory_space<vmem>>, vector<16xf32>,
            %mul3A_658 = arith.constant 4 : i32
            %mul3A_659 = arith.muli %scan3A_459, %mul3A_658 : i32
            %add3A_660 = arith.constant 2 : i32
            %add3A_661 = arith.addi %mul3A_659, %add3A_660 : i32
            %get3A_662 = arith.index_cast %add3A_661 : i32 to index
            %get3A_663 = arith.constant 16 : index
            %get3A_664 = tpu.vector_load %arg12[%get3A_662, %get3A_663] {strides = array<i32>} : memref<128x128xf32, #tpu.memory_space<vmem>>, vector<16xf32>,
            %mul3A_665 = arith.constant 4 : i32
            %mul3A_666 = arith.muli %scan3A_459, %mul3A_665 : i32
            %add3A_667 = arith.constant 2 : i32
            %add3A_668 = arith.addi %mul3A_666, %add3A_667 : i32
            %get3A_669 = arith.index_cast %add3A_668 : i32 to index
            %get3A_670 = arith.constant 16 : index
            %get3A_671 = tpu.vector_load %arg13[%get3A_669, %get3A_670] {strides = array<i32>} : memref<128x128xf32, #tpu.memory_space<vmem>>, vector<16xf32>,
            %mul3A_672 = arith.mulf %get3A_664, %get3A_671 : vector<16xf32>
            %mul3A_673 = arith.constant 4 : i32
            %mul3A_674 = arith.muli %scan3A_459, %mul3A_673 : i32
            %add3A_675 = arith.constant 2 : i32
            %add3A_676 = arith.addi %mul3A_674, %add3A_675 : i32
            %swap3A_677 = arith.index_cast %add3A_676 : i32 to index
            %swap3A_678 = arith.constant 16 : index
            %swap3A_679 = tpu.vector_load %arg13[%swap3A_677, %swap3A_678] {strides = array<i32>} : memref<128x128xf32, #tpu.memory_space<vmem>>, vector<16xf32>,
            tpu.vector_store %arg13[%swap3A_677, %swap3A_678], %mul3A_672 {strides = array<i32>} : memref<128x128xf32, #tpu.memory_space<vmem>>, vector<16xf32>,
            %mul3A_680 = arith.constant 4 : i32
            %mul3A_681 = arith.muli %scan3A_459, %mul3A_680 : i32
            %add3A_682 = arith.constant 2 : i32
            %add3A_683 = arith.addi %mul3A_681, %add3A_682 : i32
            %get3A_684 = arith.index_cast %add3A_683 : i32 to index
            %get3A_685 = arith.constant 32 : index
            %get3A_686 = tpu.vector_load %arg12[%get3A_684, %get3A_685] {strides = array<i32>} : memref<128x128xf32, #tpu.memory_space<vmem>>, vector<16xf32>,
            %mul3A_687 = arith.constant 4 : i32
            %mul3A_688 = arith.muli %scan3A_459, %mul3A_687 : i32
            %add3A_689 = arith.constant 2 : i32
            %add3A_690 = arith.addi %mul3A_688, %add3A_689 : i32
            %get3A_691 = arith.index_cast %add3A_690 : i32 to index
            %get3A_692 = arith.constant 32 : index
            %get3A_693 = tpu.vector_load %arg13[%get3A_691, %get3A_692] {strides = array<i32>} : memref<128x128xf32, #tpu.memory_space<vmem>>, vector<16xf32>,
            %mul3A_694 = arith.mulf %get3A_686, %get3A_693 : vector<16xf32>
            %mul3A_695 = arith.constant 4 : i32
            %mul3A_696 = arith.muli %scan3A_459, %mul3A_695 : i32
            %add3A_697 = arith.constant 2 : i32
            %add3A_698 = arith.addi %mul3A_696, %add3A_697 : i32
            %swap3A_699 = arith.index_cast %add3A_698 : i32 to index
            %swap3A_700 = arith.constant 32 : index
            %swap3A_701 = tpu.vector_load %arg13[%swap3A_699, %swap3A_700] {strides = array<i32>} : memref<128x128xf32, #tpu.memory_space<vmem>>, vector<16xf32>,
            tpu.vector_store %arg13[%swap3A_699, %swap3A_700], %mul3A_694 {strides = array<i32>} : memref<128x128xf32, #tpu.memory_space<vmem>>, vector<16xf32>,
            %mul3A_702 = arith.constant 4 : i32
            %mul3A_703 = arith.muli %scan3A_459, %mul3A_702 : i32
            %add3A_704 = arith.constant 2 : i32
            %add3A_705 = arith.addi %mul3A_703, %add3A_704 : i32
            %get3A_706 = arith.index_cast %add3A_705 : i32 to index
            %get3A_707 = arith.constant 48 : index
            %get3A_708 = tpu.vector_load %arg12[%get3A_706, %get3A_707] {strides = array<i32>} : memref<128x128xf32, #tpu.memory_space<vmem>>, vector<16xf32>,
            %mul3A_709 = arith.constant 4 : i32
            %mul3A_710 = arith.muli %scan3A_459, %mul3A_709 : i32
            %add3A_711 = arith.constant 2 : i32
            %add3A_712 = arith.addi %mul3A_710, %add3A_711 : i32
            %get3A_713 = arith.index_cast %add3A_712 : i32 to index
            %get3A_714 = arith.constant 48 : index
            %get3A_715 = tpu.vector_load %arg13[%get3A_713, %get3A_714] {strides = array<i32>} : memref<128x128xf32, #tpu.memory_space<vmem>>, vector<16xf32>,
            %mul3A_716 = arith.mulf %get3A_708, %get3A_715 : vector<16xf32>
            %mul3A_717 = arith.constant 4 : i32
            %mul3A_718 = arith.muli %scan3A_459, %mul3A_717 : i32
            %add3A_719 = arith.constant 2 : i32
            %add3A_720 = arith.addi %mul3A_718, %add3A_719 : i32
            %swap3A_721 = arith.index_cast %add3A_720 : i32 to index
            %swap3A_722 = arith.constant 48 : index
            %swap3A_723 = tpu.vector_load %arg13[%swap3A_721, %swap3A_722] {strides = array<i32>} : memref<128x128xf32, #tpu.memory_space<vmem>>, vector<16xf32>,
            tpu.vector_store %arg13[%swap3A_721, %swap3A_722], %mul3A_716 {strides = array<i32>} : memref<128x128xf32, #tpu.memory_space<vmem>>, vector<16xf32>,
            %mul3A_724 = arith.constant 4 : i32
            %mul3A_725 = arith.muli %scan3A_459, %mul3A_724 : i32
            %add3A_726 = arith.constant 3 : i32
            %add3A_727 = arith.addi %mul3A_725, %add3A_726 : i32
            %get3A_728 = arith.index_cast %add3A_727 : i32 to index
            %get3A_729 = arith.constant 0 : index
            %get3A_730 = tpu.vector_load %arg12[%get3A_728, %get3A_729] {strides = array<i32>} : memref<128x128xf32, #tpu.memory_space<vmem>>, vector<16xf32>,
            %mul3A_731 = arith.constant 4 : i32
            %mul3A_732 = arith.muli %scan3A_459, %mul3A_731 : i32
            %add3A_733 = arith.constant 3 : i32
            %add3A_734 = arith.addi %mul3A_732, %add3A_733 : i32
            %get3A_735 = arith.index_cast %add3A_734 : i32 to index
            %get3A_736 = arith.constant 0 : index
            %get3A_737 = tpu.vector_load %arg13[%get3A_735, %get3A_736] {strides = array<i32>} : memref<128x128xf32, #tpu.memory_space<vmem>>, vector<16xf32>,
            %mul3A_738 = arith.mulf %get3A_730, %get3A_737 : vector<16xf32>
            %mul3A_739 = arith.constant 4 : i32
            %mul3A_740 = arith.muli %scan3A_459, %mul3A_739 : i32
            %add3A_741 = arith.constant 3 : i32
            %add3A_742 = arith.addi %mul3A_740, %add3A_741 : i32
            %swap3A_743 = arith.index_cast %add3A_742 : i32 to index
            %swap3A_744 = arith.constant 0 : index
            %swap3A_745 = tpu.vector_load %arg13[%swap3A_743, %swap3A_744] {strides = array<i32>} : memref<128x128xf32, #tpu.memory_space<vmem>>, vector<16xf32>,
            tpu.vector_store %arg13[%swap3A_743, %swap3A_744], %mul3A_738 {strides = array<i32>} : memref<128x128xf32, #tpu.memory_space<vmem>>, vector<16xf32>,
            %mul3A_746 = arith.constant 4 : i32
            %mul3A_747 = arith.muli %scan3A_459, %mul3A_746 : i32
            %add3A_748 = arith.constant 3 : i32
            %add3A_749 = arith.addi %mul3A_747, %add3A_748 : i32
            %get3A_750 = arith.index_cast %add3A_749 : i32 to index
            %get3A_751 = arith.constant 16 : index
            %get3A_752 = tpu.vector_load %arg12[%get3A_750, %get3A_751] {strides = array<i32>} : memref<128x128xf32, #tpu.memory_space<vmem>>, vector<16xf32>,
            %mul3A_753 = arith.constant 4 : i32
            %mul3A_754 = arith.muli %scan3A_459, %mul3A_753 : i32
            %add3A_755 = arith.constant 3 : i32
            %add3A_756 = arith.addi %mul3A_754, %add3A_755 : i32
            %get3A_757 = arith.index_cast %add3A_756 : i32 to index
            %get3A_758 = arith.constant 16 : index
            %get3A_759 = tpu.vector_load %arg13[%get3A_757, %get3A_758] {strides = array<i32>} : memref<128x128xf32, #tpu.memory_space<vmem>>, vector<16xf32>,
            %mul3A_760 = arith.mulf %get3A_752, %get3A_759 : vector<16xf32>
            %mul3A_761 = arith.constant 4 : i32
            %mul3A_762 = arith.muli %scan3A_459, %mul3A_761 : i32
            %add3A_763 = arith.constant 3 : i32
            %add3A_764 = arith.addi %mul3A_762, %add3A_763 : i32
            %swap3A_765 = arith.index_cast %add3A_764 : i32 to index
            %swap3A_766 = arith.constant 16 : index
            %swap3A_767 = tpu.vector_load %arg13[%swap3A_765, %swap3A_766] {strides = array<i32>} : memref<128x128xf32, #tpu.memory_space<vmem>>, vector<16xf32>,
            tpu.vector_store %arg13[%swap3A_765, %swap3A_766], %mul3A_760 {strides = array<i32>} : memref<128x128xf32, #tpu.memory_space<vmem>>, vector<16xf32>,
            %mul3A_768 = arith.constant 4 : i32
            %mul3A_769 = arith.muli %scan3A_459, %mul3A_768 : i32
            %add3A_770 = arith.constant 3 : i32
            %add3A_771 = arith.addi %mul3A_769, %add3A_770 : i32
            %get3A_772 = arith.index_cast %add3A_771 : i32 to index
            %get3A_773 = arith.constant 32 : index
            %get3A_774 = tpu.vector_load %arg12[%get3A_772, %get3A_773] {strides = array<i32>} : memref<128x128xf32, #tpu.memory_space<vmem>>, vector<16xf32>,
            %mul3A_775 = arith.constant 4 : i32
            %mul3A_776 = arith.muli %scan3A_459, %mul3A_775 : i32
            %add3A_777 = arith.constant 3 : i32
            %add3A_778 = arith.addi %mul3A_776, %add3A_777 : i32
            %get3A_779 = arith.index_cast %add3A_778 : i32 to index
            %get3A_780 = arith.constant 32 : index
            %get3A_781 = tpu.vector_load %arg13[%get3A_779, %get3A_780] {strides = array<i32>} : memref<128x128xf32, #tpu.memory_space<vmem>>, vector<16xf32>,
            %mul3A_782 = arith.mulf %get3A_774, %get3A_781 : vector<16xf32>
            %mul3A_783 = arith.constant 4 : i32
            %mul3A_784 = arith.muli %scan3A_459, %mul3A_783 : i32
            %add3A_785 = arith.constant 3 : i32
            %add3A_786 = arith.addi %mul3A_784, %add3A_785 : i32
            %swap3A_787 = arith.index_cast %add3A_786 : i32 to index
            %swap3A_788 = arith.constant 32 : index
            %swap3A_789 = tpu.vector_load %arg13[%swap3A_787, %swap3A_788] {strides = array<i32>} : memref<128x128xf32, #tpu.memory_space<vmem>>, vector<16xf32>,
            tpu.vector_store %arg13[%swap3A_787, %swap3A_788], %mul3A_782 {strides = array<i32>} : memref<128x128xf32, #tpu.memory_space<vmem>>, vector<16xf32>,
            %mul3A_790 = arith.constant 4 : i32
            %mul3A_791 = arith.muli %scan3A_459, %mul3A_790 : i32
            %add3A_792 = arith.constant 3 : i32
            %add3A_793 = arith.addi %mul3A_791, %add3A_792 : i32
            %get3A_794 = arith.index_cast %add3A_793 : i32 to index
            %get3A_795 = arith.constant 48 : index
            %get3A_796 = tpu.vector_load %arg12[%get3A_794, %get3A_795] {strides = array<i32>} : memref<128x128xf32, #tpu.memory_space<vmem>>, vector<16xf32>,
            %mul3A_797 = arith.constant 4 : i32
            %mul3A_798 = arith.muli %scan3A_459, %mul3A_797 : i32
            %add3A_799 = arith.constant 3 : i32
            %add3A_800 = arith.addi %mul3A_798, %add3A_799 : i32
            %get3A_801 = arith.index_cast %add3A_800 : i32 to index
            %get3A_802 = arith.constant 48 : index
            %get3A_803 = tpu.vector_load %arg13[%get3A_801, %get3A_802] {strides = array<i32>} : memref<128x128xf32, #tpu.memory_space<vmem>>, vector<16xf32>,
            %mul3A_804 = arith.mulf %get3A_796, %get3A_803 : vector<16xf32>
            %mul3A_805 = arith.constant 4 : i32
            %mul3A_806 = arith.muli %scan3A_459, %mul3A_805 : i32
            %add3A_807 = arith.constant 3 : i32
            %add3A_808 = arith.addi %mul3A_806, %add3A_807 : i32
            %swap3A_809 = arith.index_cast %add3A_808 : i32 to index
            %swap3A_810 = arith.constant 48 : index
            %swap3A_811 = tpu.vector_load %arg13[%swap3A_809, %swap3A_810] {strides = array<i32>} : memref<128x128xf32, #tpu.memory_space<vmem>>, vector<16xf32>,
            tpu.vector_store %arg13[%swap3A_809, %swap3A_810], %mul3A_804 {strides = array<i32>} : memref<128x128xf32, #tpu.memory_space<vmem>>, vector<16xf32>,
          }
          %scan3A_458 = arith.constant 32 : i32
          %run_scoped3A = arith.constant 0 : i32
          "tpu.region"() ({
            %run_scoped3A_459 = tpu.sem_alloc : memref<!tpu.dma_semaphore, #tpu.memory_space<semaphore_mem>>
            %dma_start3A_460 = arith.constant 0 : i32
            %dma_start3A_461 = tpu.memref_slice %arg11[%run_scoped3A, %dma_start3A_460] : memref<1x128xi32, #tpu.memory_space<vmem>> -> memref<1x128xi32, #tpu.memory_space<vmem>>
            %dma_start3A_462 = tpu.memref_squeeze %dma_start3A_461 : memref<1x128xi32, #tpu.memory_space<vmem>> -> memref<128xi32, #tpu.memory_space<vmem>>
            %dma_start3A_463 = arith.constant 0 : i32
            %dma_start3A_464 = arith.constant 0 : i32
            %dma_start3A_465 = tpu.memref_slice %arg15[%dma_start3A_463, %dma_start3A_464] : memref<6416x128xf32, #tpu.memory_space<vmem_shared>> -> memref<6416x128xf32, #tpu.memory_space<vmem_shared>>
            tpu.enqueue_indirect_dma source(%arg13 : memref<128x128xf32, #tpu.memory_space<vmem>>) target(%dma_start3A_465 : memref<6416x128xf32, #tpu.memory_space<vmem_shared>>) offsets(%dma_start3A_462 : memref<128xi32, #tpu.memory_space<vmem>>) semaphore(%run_scoped3A_459 : memref<!tpu.dma_semaphore, #tpu.memory_space<semaphore_mem>>) {add = true}
            %dma_wait3A_466 = arith.constant 0 : i32
            %dma_wait3A_467 = tpu.memref_slice %arg11[%run_scoped3A, %dma_wait3A_466] : memref<1x128xi32, #tpu.memory_space<vmem>> -> memref<1x128xi32, #tpu.memory_space<vmem>>
            %dma_wait3A_468 = tpu.memref_squeeze %dma_wait3A_467 : memref<1x128xi32, #tpu.memory_space<vmem>> -> memref<128xi32, #tpu.memory_space<vmem>>
            %dma_wait3A_469 = arith.constant 0 : i32
            %dma_wait3A_470 = arith.constant 0 : i32
            %dma_wait3A_471 = tpu.memref_slice %arg15[%dma_wait3A_469, %dma_wait3A_470] : memref<6416x128xf32, #tpu.memory_space<vmem_shared>> -> memref<6416x128xf32, #tpu.memory_space<vmem_shared>>
            tpu.wait_indirect_dma semaphore(%run_scoped3A_459 : memref<!tpu.dma_semaphore, #tpu.memory_space<semaphore_mem>>) src(%arg13 : memref<128x128xf32, #tpu.memory_space<vmem>>) dst(%dma_wait3A_471 : memref<6416x128xf32, #tpu.memory_space<vmem_shared>>)
            tpu.yield
          }) : () -> ()
        }
        %while3A_242 = arith.constant 1 : i32
        scf.for %while3A_243 = %while3A_240 to %while3A_236 step %while3A_242  : i32 {
          %mul3A_244 = arith.constant 128 : i32
          %mul3A_245 = arith.muli %while3A_243, %mul3A_244 : i32
          %dma_start3A = tpu.memref_slice %arg8[%mul3A_245] : memref<8352xi32, #tpu.memory_space<vmem>> -> memref<128xi32, #tpu.memory_space<vmem>>
          %dma_start3A_246 = arith.constant 0 : i32
          %dma_start3A_247 = tpu.memref_slice %arg4[%dma_start3A_246] : memref<1280000xi32, #tpu.memory_space<hbm>> -> memref<1280000xi32, #tpu.memory_space<hbm>>
          tpu.enqueue_indirect_dma source(%dma_start3A_247 : memref<1280000xi32, #tpu.memory_space<hbm>>) target(%arg9 : memref<128xi32, #tpu.memory_space<vmem>>) offsets(%dma_start3A : memref<128xi32, #tpu.memory_space<vmem>>) semaphore(%arg16 : memref<!tpu.dma_semaphore, #tpu.memory_space<semaphore_mem>>)
          %dma_start3A_248 = tpu.memref_slice %arg8[%mul3A_245] : memref<8352xi32, #tpu.memory_space<vmem>> -> memref<128xi32, #tpu.memory_space<vmem>>
          %dma_start3A_249 = arith.constant 0 : i32
          %dma_start3A_250 = tpu.memref_slice %arg5[%dma_start3A_249] : memref<1280000xi32, #tpu.memory_space<hbm>> -> memref<1280000xi32, #tpu.memory_space<hbm>>
          tpu.enqueue_indirect_dma source(%dma_start3A_250 : memref<1280000xi32, #tpu.memory_space<hbm>>) target(%arg10 : memref<128xi32, #tpu.memory_space<vmem>>) offsets(%dma_start3A_248 : memref<128xi32, #tpu.memory_space<vmem>>) semaphore(%arg16 : memref<!tpu.dma_semaphore, #tpu.memory_space<semaphore_mem>>)
          %dma_start3A_251 = tpu.memref_slice %arg8[%mul3A_245] : memref<8352xi32, #tpu.memory_space<vmem>> -> memref<128xi32, #tpu.memory_space<vmem>>
          %dma_start3A_252 = arith.constant 0 : i32
          %dma_start3A_253 = arith.constant 0 : i32
          %dma_start3A_254 = tpu.memref_slice %arg3[%dma_start3A_252, %dma_start3A_253] : memref<1280000x128xf32, #tpu.memory_space<hbm>> -> memref<1280000x128xf32, #tpu.memory_space<hbm>>
          tpu.enqueue_indirect_dma source(%dma_start3A_254 : memref<1280000x128xf32, #tpu.memory_space<hbm>>) target(%arg13 : memref<128x128xf32, #tpu.memory_space<vmem>>) offsets(%dma_start3A_251 : memref<128xi32, #tpu.memory_space<vmem>>) semaphore(%arg16 : memref<!tpu.dma_semaphore, #tpu.memory_space<semaphore_mem>>)
          %dma_wait3A = tpu.memref_slice %arg8[%mul3A_245] : memref<8352xi32, #tpu.memory_space<vmem>> -> memref<128xi32, #tpu.memory_space<vmem>>
          %dma_wait3A_255 = arith.constant 0 : i32
          %dma_wait3A_256 = tpu.memref_slice %arg4[%dma_wait3A_255] : memref<1280000xi32, #tpu.memory_space<hbm>> -> memref<1280000xi32, #tpu.memory_space<hbm>>
          tpu.wait_indirect_dma semaphore(%arg16 : memref<!tpu.dma_semaphore, #tpu.memory_space<semaphore_mem>>) src(%dma_wait3A_256 : memref<1280000xi32, #tpu.memory_space<hbm>>) dst(%arg9 : memref<128xi32, #tpu.memory_space<vmem>>)
          %dma_start3A_257 = arith.constant 0 : i32
          %dma_start3A_258 = arith.constant 0 : i32
          %dma_start3A_259 = tpu.memref_slice %arg2[%dma_start3A_257, %dma_start3A_258] : memref<320000x128xf32, #tpu.memory_space<hbm>> -> memref<320000x128xf32, #tpu.memory_space<hbm>>
          tpu.enqueue_indirect_dma source(%dma_start3A_259 : memref<320000x128xf32, #tpu.memory_space<hbm>>) target(%arg12 : memref<128x128xf32, #tpu.memory_space<vmem>>) offsets(%arg9 : memref<128xi32, #tpu.memory_space<vmem>>) semaphore(%arg16 : memref<!tpu.dma_semaphore, #tpu.memory_space<semaphore_mem>>)
          %dma_wait3A_260 = tpu.memref_slice %arg8[%mul3A_245] : memref<8352xi32, #tpu.memory_space<vmem>> -> memref<128xi32, #tpu.memory_space<vmem>>
          %dma_wait3A_261 = arith.constant 0 : i32
          %dma_wait3A_262 = tpu.memref_slice %arg5[%dma_wait3A_261] : memref<1280000xi32, #tpu.memory_space<hbm>> -> memref<1280000xi32, #tpu.memory_space<hbm>>
          tpu.wait_indirect_dma semaphore(%arg16 : memref<!tpu.dma_semaphore, #tpu.memory_space<semaphore_mem>>) src(%dma_wait3A_262 : memref<1280000xi32, #tpu.memory_space<hbm>>) dst(%arg10 : memref<128xi32, #tpu.memory_space<vmem>>)
          %sub3A_263 = arith.subi %while3A_118, %mul3A_245 : i32
          %get3A = arith.constant 0 : index
          %get3A_264 = tpu.vector_load %arg10[%get3A] {strides = array<i32>} : memref<128xi32, #tpu.memory_space<vmem>>, vector<16xi32>,
          %sub3A_265 = vector.broadcast %add3A_41 : i32 to vector<16xi32>
          %sub3A_266 = arith.subi %get3A_264, %sub3A_265 : vector<16xi32>
          %ge3A = arith.constant 0 : i32
          %ge3A_267 = vector.broadcast %ge3A : i32 to vector<16xi32>
          %ge3A_268 = arith.cmpi sge, %sub3A_266, %ge3A_267 : vector<16xi32>
          %lt3A_269 = arith.constant 6400 : i32
          %lt3A_270 = vector.broadcast %lt3A_269 : i32 to vector<16xi32>
          %lt3A_271 = arith.cmpi slt, %sub3A_266, %lt3A_270 : vector<16xi32>
          %and3A_272 = arith.andi %ge3A_268, %lt3A_271 : vector<16xi1>
          %add3A_273 = arith.constant 0 : i32
          %add3A_274 = vector.broadcast %add3A_273 : i32 to vector<16xi32>
          %add3A_275 = arith.addi %add3A_274, %iota3A : vector<16xi32>
          %lt3A_276 = vector.broadcast %sub3A_263 : i32 to vector<16xi32>
          %lt3A_277 = arith.cmpi slt, %add3A_275, %lt3A_276 : vector<16xi32>
          %and3A_278 = arith.andi %and3A_272, %lt3A_277 : vector<16xi1>
          %broadcast_in_dim3A_279 = vector.broadcast %add3A_43 : i32 to vector<16xi32>
          %select_n3A_280 = arith.select %and3A_278, %sub3A_266, %broadcast_in_dim3A_279 : vector<16xi1>, vector<16xi32>
          %swap3A_281 = arith.constant 0 : i32
          %swap3A_282 = arith.index_cast %swap3A_281 : i32 to index
          %swap3A_283 = arith.constant 0 : index
          %swap3A_284 = tpu.vector_load %arg11[%swap3A_282, %swap3A_283] {strides = array<i32>} : memref<1x128xi32, #tpu.memory_space<vmem>>, vector<16xi32>,
          tpu.vector_store %arg11[%swap3A_282, %swap3A_283], %select_n3A_280 {strides = array<i32>} : memref<1x128xi32, #tpu.memory_space<vmem>>, vector<16xi32>,
          %get3A_285 = arith.constant 16 : index
          %get3A_286 = tpu.vector_load %arg10[%get3A_285] {strides = array<i32>} : memref<128xi32, #tpu.memory_space<vmem>>, vector<16xi32>,
          %sub3A_287 = vector.broadcast %add3A_41 : i32 to vector<16xi32>
          %sub3A_288 = arith.subi %get3A_286, %sub3A_287 : vector<16xi32>
          %ge3A_289 = arith.constant 0 : i32
          %ge3A_290 = vector.broadcast %ge3A_289 : i32 to vector<16xi32>
          %ge3A_291 = arith.cmpi sge, %sub3A_288, %ge3A_290 : vector<16xi32>
          %lt3A_292 = arith.constant 6400 : i32
          %lt3A_293 = vector.broadcast %lt3A_292 : i32 to vector<16xi32>
          %lt3A_294 = arith.cmpi slt, %sub3A_288, %lt3A_293 : vector<16xi32>
          %and3A_295 = arith.andi %ge3A_291, %lt3A_294 : vector<16xi1>
          %add3A_296 = arith.constant 16 : i32
          %add3A_297 = vector.broadcast %add3A_296 : i32 to vector<16xi32>
          %add3A_298 = arith.addi %add3A_297, %iota3A : vector<16xi32>
          %lt3A_299 = vector.broadcast %sub3A_263 : i32 to vector<16xi32>
          %lt3A_300 = arith.cmpi slt, %add3A_298, %lt3A_299 : vector<16xi32>
          %and3A_301 = arith.andi %and3A_295, %lt3A_300 : vector<16xi1>
          %broadcast_in_dim3A_302 = vector.broadcast %add3A_43 : i32 to vector<16xi32>
          %select_n3A_303 = arith.select %and3A_301, %sub3A_288, %broadcast_in_dim3A_302 : vector<16xi1>, vector<16xi32>
          %swap3A_304 = arith.constant 0 : i32
          %swap3A_305 = arith.index_cast %swap3A_304 : i32 to index
          %swap3A_306 = arith.constant 16 : index
          %swap3A_307 = tpu.vector_load %arg11[%swap3A_305, %swap3A_306] {strides = array<i32>} : memref<1x128xi32, #tpu.memory_space<vmem>>, vector<16xi32>,
          tpu.vector_store %arg11[%swap3A_305, %swap3A_306], %select_n3A_303 {strides = array<i32>} : memref<1x128xi32, #tpu.memory_space<vmem>>, vector<16xi32>,
          %get3A_308 = arith.constant 32 : index
          %get3A_309 = tpu.vector_load %arg10[%get3A_308] {strides = array<i32>} : memref<128xi32, #tpu.memory_space<vmem>>, vector<16xi32>,
          %sub3A_310 = vector.broadcast %add3A_41 : i32 to vector<16xi32>
          %sub3A_311 = arith.subi %get3A_309, %sub3A_310 : vector<16xi32>
          %ge3A_312 = arith.constant 0 : i32
          %ge3A_313 = vector.broadcast %ge3A_312 : i32 to vector<16xi32>
          %ge3A_314 = arith.cmpi sge, %sub3A_311, %ge3A_313 : vector<16xi32>
          %lt3A_315 = arith.constant 6400 : i32
          %lt3A_316 = vector.broadcast %lt3A_315 : i32 to vector<16xi32>
          %lt3A_317 = arith.cmpi slt, %sub3A_311, %lt3A_316 : vector<16xi32>
          %and3A_318 = arith.andi %ge3A_314, %lt3A_317 : vector<16xi1>
          %add3A_319 = arith.constant 32 : i32
          %add3A_320 = vector.broadcast %add3A_319 : i32 to vector<16xi32>
          %add3A_321 = arith.addi %add3A_320, %iota3A : vector<16xi32>
          %lt3A_322 = vector.broadcast %sub3A_263 : i32 to vector<16xi32>
          %lt3A_323 = arith.cmpi slt, %add3A_321, %lt3A_322 : vector<16xi32>
          %and3A_324 = arith.andi %and3A_318, %lt3A_323 : vector<16xi1>
          %broadcast_in_dim3A_325 = vector.broadcast %add3A_43 : i32 to vector<16xi32>
          %select_n3A_326 = arith.select %and3A_324, %sub3A_311, %broadcast_in_dim3A_325 : vector<16xi1>, vector<16xi32>
          %swap3A_327 = arith.constant 0 : i32
          %swap3A_328 = arith.index_cast %swap3A_327 : i32 to index
          %swap3A_329 = arith.constant 32 : index
          %swap3A_330 = tpu.vector_load %arg11[%swap3A_328, %swap3A_329] {strides = array<i32>} : memref<1x128xi32, #tpu.memory_space<vmem>>, vector<16xi32>,
          tpu.vector_store %arg11[%swap3A_328, %swap3A_329], %select_n3A_326 {strides = array<i32>} : memref<1x128xi32, #tpu.memory_space<vmem>>, vector<16xi32>,
          %get3A_331 = arith.constant 48 : index
          %get3A_332 = tpu.vector_load %arg10[%get3A_331] {strides = array<i32>} : memref<128xi32, #tpu.memory_space<vmem>>, vector<16xi32>,
          %sub3A_333 = vector.broadcast %add3A_41 : i32 to vector<16xi32>
          %sub3A_334 = arith.subi %get3A_332, %sub3A_333 : vector<16xi32>
          %ge3A_335 = arith.constant 0 : i32
          %ge3A_336 = vector.broadcast %ge3A_335 : i32 to vector<16xi32>
          %ge3A_337 = arith.cmpi sge, %sub3A_334, %ge3A_336 : vector<16xi32>
          %lt3A_338 = arith.constant 6400 : i32
          %lt3A_339 = vector.broadcast %lt3A_338 : i32 to vector<16xi32>
          %lt3A_340 = arith.cmpi slt, %sub3A_334, %lt3A_339 : vector<16xi32>
          %and3A_341 = arith.andi %ge3A_337, %lt3A_340 : vector<16xi1>
          %add3A_342 = arith.constant 48 : i32
          %add3A_343 = vector.broadcast %add3A_342 : i32 to vector<16xi32>
          %add3A_344 = arith.addi %add3A_343, %iota3A : vector<16xi32>
          %lt3A_345 = vector.broadcast %sub3A_263 : i32 to vector<16xi32>
          %lt3A_346 = arith.cmpi slt, %add3A_344, %lt3A_345 : vector<16xi32>
          %and3A_347 = arith.andi %and3A_341, %lt3A_346 : vector<16xi1>
          %broadcast_in_dim3A_348 = vector.broadcast %add3A_43 : i32 to vector<16xi32>
          %select_n3A_349 = arith.select %and3A_347, %sub3A_334, %broadcast_in_dim3A_348 : vector<16xi1>, vector<16xi32>
          %swap3A_350 = arith.constant 0 : i32
          %swap3A_351 = arith.index_cast %swap3A_350 : i32 to index
          %swap3A_352 = arith.constant 48 : index
          %swap3A_353 = tpu.vector_load %arg11[%swap3A_351, %swap3A_352] {strides = array<i32>} : memref<1x128xi32, #tpu.memory_space<vmem>>, vector<16xi32>,
          tpu.vector_store %arg11[%swap3A_351, %swap3A_352], %select_n3A_349 {strides = array<i32>} : memref<1x128xi32, #tpu.memory_space<vmem>>, vector<16xi32>,
          %get3A_354 = arith.constant 64 : index
          %get3A_355 = tpu.vector_load %arg10[%get3A_354] {strides = array<i32>} : memref<128xi32, #tpu.memory_space<vmem>>, vector<16xi32>,
          %sub3A_356 = vector.broadcast %add3A_41 : i32 to vector<16xi32>
          %sub3A_357 = arith.subi %get3A_355, %sub3A_356 : vector<16xi32>
          %ge3A_358 = arith.constant 0 : i32
          %ge3A_359 = vector.broadcast %ge3A_358 : i32 to vector<16xi32>
          %ge3A_360 = arith.cmpi sge, %sub3A_357, %ge3A_359 : vector<16xi32>
          %lt3A_361 = arith.constant 6400 : i32
          %lt3A_362 = vector.broadcast %lt3A_361 : i32 to vector<16xi32>
          %lt3A_363 = arith.cmpi slt, %sub3A_357, %lt3A_362 : vector<16xi32>
          %and3A_364 = arith.andi %ge3A_360, %lt3A_363 : vector<16xi1>
          %add3A_365 = arith.constant 64 : i32
          %add3A_366 = vector.broadcast %add3A_365 : i32 to vector<16xi32>
          %add3A_367 = arith.addi %add3A_366, %iota3A : vector<16xi32>
          %lt3A_368 = vector.broadcast %sub3A_263 : i32 to vector<16xi32>
          %lt3A_369 = arith.cmpi slt, %add3A_367, %lt3A_368 : vector<16xi32>
          %and3A_370 = arith.andi %and3A_364, %lt3A_369 : vector<16xi1>
          %broadcast_in_dim3A_371 = vector.broadcast %add3A_43 : i32 to vector<16xi32>
          %select_n3A_372 = arith.select %and3A_370, %sub3A_357, %broadcast_in_dim3A_371 : vector<16xi1>, vector<16xi32>
          %swap3A_373 = arith.constant 0 : i32
          %swap3A_374 = arith.index_cast %swap3A_373 : i32 to index
          %swap3A_375 = arith.constant 64 : index
          %swap3A_376 = tpu.vector_load %arg11[%swap3A_374, %swap3A_375] {strides = array<i32>} : memref<1x128xi32, #tpu.memory_space<vmem>>, vector<16xi32>,
          tpu.vector_store %arg11[%swap3A_374, %swap3A_375], %select_n3A_372 {strides = array<i32>} : memref<1x128xi32, #tpu.memory_space<vmem>>, vector<16xi32>,
          %get3A_377 = arith.constant 80 : index
          %get3A_378 = tpu.vector_load %arg10[%get3A_377] {strides = array<i32>} : memref<128xi32, #tpu.memory_space<vmem>>, vector<16xi32>,
          %sub3A_379 = vector.broadcast %add3A_41 : i32 to vector<16xi32>
          %sub3A_380 = arith.subi %get3A_378, %sub3A_379 : vector<16xi32>
          %ge3A_381 = arith.constant 0 : i32
          %ge3A_382 = vector.broadcast %ge3A_381 : i32 to vector<16xi32>
          %ge3A_383 = arith.cmpi sge, %sub3A_380, %ge3A_382 : vector<16xi32>
          %lt3A_384 = arith.constant 6400 : i32
          %lt3A_385 = vector.broadcast %lt3A_384 : i32 to vector<16xi32>
          %lt3A_386 = arith.cmpi slt, %sub3A_380, %lt3A_385 : vector<16xi32>
          %and3A_387 = arith.andi %ge3A_383, %lt3A_386 : vector<16xi1>
          %add3A_388 = arith.constant 80 : i32
          %add3A_389 = vector.broadcast %add3A_388 : i32 to vector<16xi32>
          %add3A_390 = arith.addi %add3A_389, %iota3A : vector<16xi32>
          %lt3A_391 = vector.broadcast %sub3A_263 : i32 to vector<16xi32>
          %lt3A_392 = arith.cmpi slt, %add3A_390, %lt3A_391 : vector<16xi32>
          %and3A_393 = arith.andi %and3A_387, %lt3A_392 : vector<16xi1>
          %broadcast_in_dim3A_394 = vector.broadcast %add3A_43 : i32 to vector<16xi32>
          %select_n3A_395 = arith.select %and3A_393, %sub3A_380, %broadcast_in_dim3A_394 : vector<16xi1>, vector<16xi32>
          %swap3A_396 = arith.constant 0 : i32
          %swap3A_397 = arith.index_cast %swap3A_396 : i32 to index
          %swap3A_398 = arith.constant 80 : index
          %swap3A_399 = tpu.vector_load %arg11[%swap3A_397, %swap3A_398] {strides = array<i32>} : memref<1x128xi32, #tpu.memory_space<vmem>>, vector<16xi32>,
          tpu.vector_store %arg11[%swap3A_397, %swap3A_398], %select_n3A_395 {strides = array<i32>} : memref<1x128xi32, #tpu.memory_space<vmem>>, vector<16xi32>,
          %get3A_400 = arith.constant 96 : index
          %get3A_401 = tpu.vector_load %arg10[%get3A_400] {strides = array<i32>} : memref<128xi32, #tpu.memory_space<vmem>>, vector<16xi32>,
          %sub3A_402 = vector.broadcast %add3A_41 : i32 to vector<16xi32>
          %sub3A_403 = arith.subi %get3A_401, %sub3A_402 : vector<16xi32>
          %ge3A_404 = arith.constant 0 : i32
          %ge3A_405 = vector.broadcast %ge3A_404 : i32 to vector<16xi32>
          %ge3A_406 = arith.cmpi sge, %sub3A_403, %ge3A_405 : vector<16xi32>
          %lt3A_407 = arith.constant 6400 : i32
          %lt3A_408 = vector.broadcast %lt3A_407 : i32 to vector<16xi32>
          %lt3A_409 = arith.cmpi slt, %sub3A_403, %lt3A_408 : vector<16xi32>
          %and3A_410 = arith.andi %ge3A_406, %lt3A_409 : vector<16xi1>
          %add3A_411 = arith.constant 96 : i32
          %add3A_412 = vector.broadcast %add3A_411 : i32 to vector<16xi32>
          %add3A_413 = arith.addi %add3A_412, %iota3A : vector<16xi32>
          %lt3A_414 = vector.broadcast %sub3A_263 : i32 to vector<16xi32>
          %lt3A_415 = arith.cmpi slt, %add3A_413, %lt3A_414 : vector<16xi32>
          %and3A_416 = arith.andi %and3A_410, %lt3A_415 : vector<16xi1>
          %broadcast_in_dim3A_417 = vector.broadcast %add3A_43 : i32 to vector<16xi32>
          %select_n3A_418 = arith.select %and3A_416, %sub3A_403, %broadcast_in_dim3A_417 : vector<16xi1>, vector<16xi32>
          %swap3A_419 = arith.constant 0 : i32
          %swap3A_420 = arith.index_cast %swap3A_419 : i32 to index
          %swap3A_421 = arith.constant 96 : index
          %swap3A_422 = tpu.vector_load %arg11[%swap3A_420, %swap3A_421] {strides = array<i32>} : memref<1x128xi32, #tpu.memory_space<vmem>>, vector<16xi32>,
          tpu.vector_store %arg11[%swap3A_420, %swap3A_421], %select_n3A_418 {strides = array<i32>} : memref<1x128xi32, #tpu.memory_space<vmem>>, vector<16xi32>,
          %get3A_423 = arith.constant 112 : index
          %get3A_424 = tpu.vector_load %arg10[%get3A_423] {strides = array<i32>} : memref<128xi32, #tpu.memory_space<vmem>>, vector<16xi32>,
          %sub3A_425 = vector.broadcast %add3A_41 : i32 to vector<16xi32>
          %sub3A_426 = arith.subi %get3A_424, %sub3A_425 : vector<16xi32>
          %ge3A_427 = arith.constant 0 : i32
          %ge3A_428 = vector.broadcast %ge3A_427 : i32 to vector<16xi32>
          %ge3A_429 = arith.cmpi sge, %sub3A_426, %ge3A_428 : vector<16xi32>
          %lt3A_430 = arith.constant 6400 : i32
          %lt3A_431 = vector.broadcast %lt3A_430 : i32 to vector<16xi32>
          %lt3A_432 = arith.cmpi slt, %sub3A_426, %lt3A_431 : vector<16xi32>
          %and3A_433 = arith.andi %ge3A_429, %lt3A_432 : vector<16xi1>
          %add3A_434 = arith.constant 112 : i32
          %add3A_435 = vector.broadcast %add3A_434 : i32 to vector<16xi32>
          %add3A_436 = arith.addi %add3A_435, %iota3A : vector<16xi32>
          %lt3A_437 = vector.broadcast %sub3A_263 : i32 to vector<16xi32>
          %lt3A_438 = arith.cmpi slt, %add3A_436, %lt3A_437 : vector<16xi32>
          %and3A_439 = arith.andi %and3A_433, %lt3A_438 : vector<16xi1>
          %broadcast_in_dim3A_440 = vector.broadcast %add3A_43 : i32 to vector<16xi32>
          %select_n3A_441 = arith.select %and3A_439, %sub3A_426, %broadcast_in_dim3A_440 : vector<16xi1>, vector<16xi32>
          %swap3A_442 = arith.constant 0 : i32
          %swap3A_443 = arith.index_cast %swap3A_442 : i32 to index
          %swap3A_444 = arith.constant 112 : index
          %swap3A_445 = tpu.vector_load %arg11[%swap3A_443, %swap3A_444] {strides = array<i32>} : memref<1x128xi32, #tpu.memory_space<vmem>>, vector<16xi32>,
          tpu.vector_store %arg11[%swap3A_443, %swap3A_444], %select_n3A_441 {strides = array<i32>} : memref<1x128xi32, #tpu.memory_space<vmem>>, vector<16xi32>,
          %dma_wait3A_446 = tpu.memref_slice %arg8[%mul3A_245] : memref<8352xi32, #tpu.memory_space<vmem>> -> memref<128xi32, #tpu.memory_space<vmem>>
          %dma_wait3A_447 = arith.constant 0 : i32
          %dma_wait3A_448 = arith.constant 0 : i32
          %dma_wait3A_449 = tpu.memref_slice %arg3[%dma_wait3A_447, %dma_wait3A_448] : memref<1280000x128xf32, #tpu.memory_space<hbm>> -> memref<1280000x128xf32, #tpu.memory_space<hbm>>
          tpu.wait_indirect_dma semaphore(%arg16 : memref<!tpu.dma_semaphore, #tpu.memory_space<semaphore_mem>>) src(%dma_wait3A_449 : memref<1280000x128xf32, #tpu.memory_space<hbm>>) dst(%arg13 : memref<128x128xf32, #tpu.memory_space<vmem>>)
          %dma_wait3A_450 = arith.constant 0 : i32
          %dma_wait3A_451 = arith.constant 0 : i32
          %dma_wait3A_452 = tpu.memref_slice %arg2[%dma_wait3A_450, %dma_wait3A_451] : memref<320000x128xf32, #tpu.memory_space<hbm>> -> memref<320000x128xf32, #tpu.memory_space<hbm>>
          tpu.wait_indirect_dma semaphore(%arg16 : memref<!tpu.dma_semaphore, #tpu.memory_space<semaphore_mem>>) src(%dma_wait3A_452 : memref<320000x128xf32, #tpu.memory_space<hbm>>) dst(%arg12 : memref<128x128xf32, #tpu.memory_space<vmem>>)
          %scan3A_453 = arith.constant 0 : i32
          %scan3A_454 = arith.constant 0 : i32
          %scan3A_455 = arith.constant 32 : i32
          %scan3A_456 = arith.addi %scan3A_454, %scan3A_455 : i32
          %scan3A_457 = arith.constant 1 : i32
          scf.for %scan3A_459 = %scan3A_454 to %scan3A_456 step %scan3A_457  : i32 {
            %mul3A_460 = arith.constant 4 : i32
            %mul3A_461 = arith.muli %scan3A_459, %mul3A_460 : i32
            %add3A_462 = arith.constant 0 : i32
            %add3A_463 = arith.addi %mul3A_461, %add3A_462 : i32
            %get3A_464 = arith.index_cast %add3A_463 : i32 to index
            %get3A_465 = arith.constant 0 : index
            %get3A_466 = tpu.vector_load %arg12[%get3A_464, %get3A_465] {strides = array<i32>} : memref<128x128xf32, #tpu.memory_space<vmem>>, vector<16xf32>,
            %mul3A_467 = arith.constant 4 : i32
            %mul3A_468 = arith.muli %scan3A_459, %mul3A_467 : i32
            %add3A_469 = arith.constant 0 : i32
            %add3A_470 = arith.addi %mul3A_468, %add3A_469 : i32
            %get3A_471 = arith.index_cast %add3A_470 : i32 to index
            %get3A_472 = arith.constant 0 : index
            %get3A_473 = tpu.vector_load %arg13[%get3A_471, %get3A_472] {strides = array<i32>} : memref<128x128xf32, #tpu.memory_space<vmem>>, vector<16xf32>,
            %mul3A_474 = arith.mulf %get3A_466, %get3A_473 : vector<16xf32>
            %mul3A_475 = arith.constant 4 : i32
            %mul3A_476 = arith.muli %scan3A_459, %mul3A_475 : i32
            %add3A_477 = arith.constant 0 : i32
            %add3A_478 = arith.addi %mul3A_476, %add3A_477 : i32
            %swap3A_479 = arith.index_cast %add3A_478 : i32 to index
            %swap3A_480 = arith.constant 0 : index
            %swap3A_481 = tpu.vector_load %arg13[%swap3A_479, %swap3A_480] {strides = array<i32>} : memref<128x128xf32, #tpu.memory_space<vmem>>, vector<16xf32>,
            tpu.vector_store %arg13[%swap3A_479, %swap3A_480], %mul3A_474 {strides = array<i32>} : memref<128x128xf32, #tpu.memory_space<vmem>>, vector<16xf32>,
            %mul3A_482 = arith.constant 4 : i32
            %mul3A_483 = arith.muli %scan3A_459, %mul3A_482 : i32
            %add3A_484 = arith.constant 0 : i32
            %add3A_485 = arith.addi %mul3A_483, %add3A_484 : i32
            %get3A_486 = arith.index_cast %add3A_485 : i32 to index
            %get3A_487 = arith.constant 16 : index
            %get3A_488 = tpu.vector_load %arg12[%get3A_486, %get3A_487] {strides = array<i32>} : memref<128x128xf32, #tpu.memory_space<vmem>>, vector<16xf32>,
            %mul3A_489 = arith.constant 4 : i32
            %mul3A_490 = arith.muli %scan3A_459, %mul3A_489 : i32
            %add3A_491 = arith.constant 0 : i32
            %add3A_492 = arith.addi %mul3A_490, %add3A_491 : i32
            %get3A_493 = arith.index_cast %add3A_492 : i32 to index
            %get3A_494 = arith.constant 16 : index
            %get3A_495 = tpu.vector_load %arg13[%get3A_493, %get3A_494] {strides = array<i32>} : memref<128x128xf32, #tpu.memory_space<vmem>>, vector<16xf32>,
            %mul3A_496 = arith.mulf %get3A_488, %get3A_495 : vector<16xf32>
            %mul3A_497 = arith.constant 4 : i32
            %mul3A_498 = arith.muli %scan3A_459, %mul3A_497 : i32
            %add3A_499 = arith.constant 0 : i32
            %add3A_500 = arith.addi %mul3A_498, %add3A_499 : i32
            %swap3A_501 = arith.index_cast %add3A_500 : i32 to index
            %swap3A_502 = arith.constant 16 : index
            %swap3A_503 = tpu.vector_load %arg13[%swap3A_501, %swap3A_502] {strides = array<i32>} : memref<128x128xf32, #tpu.memory_space<vmem>>, vector<16xf32>,
            tpu.vector_store %arg13[%swap3A_501, %swap3A_502], %mul3A_496 {strides = array<i32>} : memref<128x128xf32, #tpu.memory_space<vmem>>, vector<16xf32>,
            %mul3A_504 = arith.constant 4 : i32
            %mul3A_505 = arith.muli %scan3A_459, %mul3A_504 : i32
            %add3A_506 = arith.constant 0 : i32
            %add3A_507 = arith.addi %mul3A_505, %add3A_506 : i32
            %get3A_508 = arith.index_cast %add3A_507 : i32 to index
            %get3A_509 = arith.constant 32 : index
            %get3A_510 = tpu.vector_load %arg12[%get3A_508, %get3A_509] {strides = array<i32>} : memref<128x128xf32, #tpu.memory_space<vmem>>, vector<16xf32>,
            %mul3A_511 = arith.constant 4 : i32
            %mul3A_512 = arith.muli %scan3A_459, %mul3A_511 : i32
            %add3A_513 = arith.constant 0 : i32
            %add3A_514 = arith.addi %mul3A_512, %add3A_513 : i32
            %get3A_515 = arith.index_cast %add3A_514 : i32 to index
            %get3A_516 = arith.constant 32 : index
            %get3A_517 = tpu.vector_load %arg13[%get3A_515, %get3A_516] {strides = array<i32>} : memref<128x128xf32, #tpu.memory_space<vmem>>, vector<16xf32>,
            %mul3A_518 = arith.mulf %get3A_510, %get3A_517 : vector<16xf32>
            %mul3A_519 = arith.constant 4 : i32
            %mul3A_520 = arith.muli %scan3A_459, %mul3A_519 : i32
            %add3A_521 = arith.constant 0 : i32
            %add3A_522 = arith.addi %mul3A_520, %add3A_521 : i32
            %swap3A_523 = arith.index_cast %add3A_522 : i32 to index
            %swap3A_524 = arith.constant 32 : index
            %swap3A_525 = tpu.vector_load %arg13[%swap3A_523, %swap3A_524] {strides = array<i32>} : memref<128x128xf32, #tpu.memory_space<vmem>>, vector<16xf32>,
            tpu.vector_store %arg13[%swap3A_523, %swap3A_524], %mul3A_518 {strides = array<i32>} : memref<128x128xf32, #tpu.memory_space<vmem>>, vector<16xf32>,
            %mul3A_526 = arith.constant 4 : i32
            %mul3A_527 = arith.muli %scan3A_459, %mul3A_526 : i32
            %add3A_528 = arith.constant 0 : i32
            %add3A_529 = arith.addi %mul3A_527, %add3A_528 : i32
            %get3A_530 = arith.index_cast %add3A_529 : i32 to index
            %get3A_531 = arith.constant 48 : index
            %get3A_532 = tpu.vector_load %arg12[%get3A_530, %get3A_531] {strides = array<i32>} : memref<128x128xf32, #tpu.memory_space<vmem>>, vector<16xf32>,
            %mul3A_533 = arith.constant 4 : i32
            %mul3A_534 = arith.muli %scan3A_459, %mul3A_533 : i32
            %add3A_535 = arith.constant 0 : i32
            %add3A_536 = arith.addi %mul3A_534, %add3A_535 : i32
            %get3A_537 = arith.index_cast %add3A_536 : i32 to index
            %get3A_538 = arith.constant 48 : index
            %get3A_539 = tpu.vector_load %arg13[%get3A_537, %get3A_538] {strides = array<i32>} : memref<128x128xf32, #tpu.memory_space<vmem>>, vector<16xf32>,
            %mul3A_540 = arith.mulf %get3A_532, %get3A_539 : vector<16xf32>
            %mul3A_541 = arith.constant 4 : i32
            %mul3A_542 = arith.muli %scan3A_459, %mul3A_541 : i32
            %add3A_543 = arith.constant 0 : i32
            %add3A_544 = arith.addi %mul3A_542, %add3A_543 : i32
            %swap3A_545 = arith.index_cast %add3A_544 : i32 to index
            %swap3A_546 = arith.constant 48 : index
            %swap3A_547 = tpu.vector_load %arg13[%swap3A_545, %swap3A_546] {strides = array<i32>} : memref<128x128xf32, #tpu.memory_space<vmem>>, vector<16xf32>,
            tpu.vector_store %arg13[%swap3A_545, %swap3A_546], %mul3A_540 {strides = array<i32>} : memref<128x128xf32, #tpu.memory_space<vmem>>, vector<16xf32>,
            %mul3A_548 = arith.constant 4 : i32
            %mul3A_549 = arith.muli %scan3A_459, %mul3A_548 : i32
            %add3A_550 = arith.constant 1 : i32
            %add3A_551 = arith.addi %mul3A_549, %add3A_550 : i32
            %get3A_552 = arith.index_cast %add3A_551 : i32 to index
            %get3A_553 = arith.constant 0 : index
            %get3A_554 = tpu.vector_load %arg12[%get3A_552, %get3A_553] {strides = array<i32>} : memref<128x128xf32, #tpu.memory_space<vmem>>, vector<16xf32>,
            %mul3A_555 = arith.constant 4 : i32
            %mul3A_556 = arith.muli %scan3A_459, %mul3A_555 : i32
            %add3A_557 = arith.constant 1 : i32
            %add3A_558 = arith.addi %mul3A_556, %add3A_557 : i32
            %get3A_559 = arith.index_cast %add3A_558 : i32 to index
            %get3A_560 = arith.constant 0 : index
            %get3A_561 = tpu.vector_load %arg13[%get3A_559, %get3A_560] {strides = array<i32>} : memref<128x128xf32, #tpu.memory_space<vmem>>, vector<16xf32>,
            %mul3A_562 = arith.mulf %get3A_554, %get3A_561 : vector<16xf32>
            %mul3A_563 = arith.constant 4 : i32
            %mul3A_564 = arith.muli %scan3A_459, %mul3A_563 : i32
            %add3A_565 = arith.constant 1 : i32
            %add3A_566 = arith.addi %mul3A_564, %add3A_565 : i32
            %swap3A_567 = arith.index_cast %add3A_566 : i32 to index
            %swap3A_568 = arith.constant 0 : index
            %swap3A_569 = tpu.vector_load %arg13[%swap3A_567, %swap3A_568] {strides = array<i32>} : memref<128x128xf32, #tpu.memory_space<vmem>>, vector<16xf32>,
            tpu.vector_store %arg13[%swap3A_567, %swap3A_568], %mul3A_562 {strides = array<i32>} : memref<128x128xf32, #tpu.memory_space<vmem>>, vector<16xf32>,
            %mul3A_570 = arith.constant 4 : i32
            %mul3A_571 = arith.muli %scan3A_459, %mul3A_570 : i32
            %add3A_572 = arith.constant 1 : i32
            %add3A_573 = arith.addi %mul3A_571, %add3A_572 : i32
            %get3A_574 = arith.index_cast %add3A_573 : i32 to index
            %get3A_575 = arith.constant 16 : index
            %get3A_576 = tpu.vector_load %arg12[%get3A_574, %get3A_575] {strides = array<i32>} : memref<128x128xf32, #tpu.memory_space<vmem>>, vector<16xf32>,
            %mul3A_577 = arith.constant 4 : i32
            %mul3A_578 = arith.muli %scan3A_459, %mul3A_577 : i32
            %add3A_579 = arith.constant 1 : i32
            %add3A_580 = arith.addi %mul3A_578, %add3A_579 : i32
            %get3A_581 = arith.index_cast %add3A_580 : i32 to index
            %get3A_582 = arith.constant 16 : index
            %get3A_583 = tpu.vector_load %arg13[%get3A_581, %get3A_582] {strides = array<i32>} : memref<128x128xf32, #tpu.memory_space<vmem>>, vector<16xf32>,
            %mul3A_584 = arith.mulf %get3A_576, %get3A_583 : vector<16xf32>
            %mul3A_585 = arith.constant 4 : i32
            %mul3A_586 = arith.muli %scan3A_459, %mul3A_585 : i32
            %add3A_587 = arith.constant 1 : i32
            %add3A_588 = arith.addi %mul3A_586, %add3A_587 : i32
            %swap3A_589 = arith.index_cast %add3A_588 : i32 to index
            %swap3A_590 = arith.constant 16 : index
            %swap3A_591 = tpu.vector_load %arg13[%swap3A_589, %swap3A_590] {strides = array<i32>} : memref<128x128xf32, #tpu.memory_space<vmem>>, vector<16xf32>,
            tpu.vector_store %arg13[%swap3A_589, %swap3A_590], %mul3A_584 {strides = array<i32>} : memref<128x128xf32, #tpu.memory_space<vmem>>, vector<16xf32>,
            %mul3A_592 = arith.constant 4 : i32
            %mul3A_593 = arith.muli %scan3A_459, %mul3A_592 : i32
            %add3A_594 = arith.constant 1 : i32
            %add3A_595 = arith.addi %mul3A_593, %add3A_594 : i32
            %get3A_596 = arith.index_cast %add3A_595 : i32 to index
            %get3A_597 = arith.constant 32 : index
            %get3A_598 = tpu.vector_load %arg12[%get3A_596, %get3A_597] {strides = array<i32>} : memref<128x128xf32, #tpu.memory_space<vmem>>, vector<16xf32>,
            %mul3A_599 = arith.constant 4 : i32
            %mul3A_600 = arith.muli %scan3A_459, %mul3A_599 : i32
            %add3A_601 = arith.constant 1 : i32
            %add3A_602 = arith.addi %mul3A_600, %add3A_601 : i32
            %get3A_603 = arith.index_cast %add3A_602 : i32 to index
            %get3A_604 = arith.constant 32 : index
            %get3A_605 = tpu.vector_load %arg13[%get3A_603, %get3A_604] {strides = array<i32>} : memref<128x128xf32, #tpu.memory_space<vmem>>, vector<16xf32>,
            %mul3A_606 = arith.mulf %get3A_598, %get3A_605 : vector<16xf32>
            %mul3A_607 = arith.constant 4 : i32
            %mul3A_608 = arith.muli %scan3A_459, %mul3A_607 : i32
            %add3A_609 = arith.constant 1 : i32
            %add3A_610 = arith.addi %mul3A_608, %add3A_609 : i32
            %swap3A_611 = arith.index_cast %add3A_610 : i32 to index
            %swap3A_612 = arith.constant 32 : index
            %swap3A_613 = tpu.vector_load %arg13[%swap3A_611, %swap3A_612] {strides = array<i32>} : memref<128x128xf32, #tpu.memory_space<vmem>>, vector<16xf32>,
            tpu.vector_store %arg13[%swap3A_611, %swap3A_612], %mul3A_606 {strides = array<i32>} : memref<128x128xf32, #tpu.memory_space<vmem>>, vector<16xf32>,
            %mul3A_614 = arith.constant 4 : i32
            %mul3A_615 = arith.muli %scan3A_459, %mul3A_614 : i32
            %add3A_616 = arith.constant 1 : i32
            %add3A_617 = arith.addi %mul3A_615, %add3A_616 : i32
            %get3A_618 = arith.index_cast %add3A_617 : i32 to index
            %get3A_619 = arith.constant 48 : index
            %get3A_620 = tpu.vector_load %arg12[%get3A_618, %get3A_619] {strides = array<i32>} : memref<128x128xf32, #tpu.memory_space<vmem>>, vector<16xf32>,
            %mul3A_621 = arith.constant 4 : i32
            %mul3A_622 = arith.muli %scan3A_459, %mul3A_621 : i32
            %add3A_623 = arith.constant 1 : i32
            %add3A_624 = arith.addi %mul3A_622, %add3A_623 : i32
            %get3A_625 = arith.index_cast %add3A_624 : i32 to index
            %get3A_626 = arith.constant 48 : index
            %get3A_627 = tpu.vector_load %arg13[%get3A_625, %get3A_626] {strides = array<i32>} : memref<128x128xf32, #tpu.memory_space<vmem>>, vector<16xf32>,
            %mul3A_628 = arith.mulf %get3A_620, %get3A_627 : vector<16xf32>
            %mul3A_629 = arith.constant 4 : i32
            %mul3A_630 = arith.muli %scan3A_459, %mul3A_629 : i32
            %add3A_631 = arith.constant 1 : i32
            %add3A_632 = arith.addi %mul3A_630, %add3A_631 : i32
            %swap3A_633 = arith.index_cast %add3A_632 : i32 to index
            %swap3A_634 = arith.constant 48 : index
            %swap3A_635 = tpu.vector_load %arg13[%swap3A_633, %swap3A_634] {strides = array<i32>} : memref<128x128xf32, #tpu.memory_space<vmem>>, vector<16xf32>,
            tpu.vector_store %arg13[%swap3A_633, %swap3A_634], %mul3A_628 {strides = array<i32>} : memref<128x128xf32, #tpu.memory_space<vmem>>, vector<16xf32>,
            %mul3A_636 = arith.constant 4 : i32
            %mul3A_637 = arith.muli %scan3A_459, %mul3A_636 : i32
            %add3A_638 = arith.constant 2 : i32
            %add3A_639 = arith.addi %mul3A_637, %add3A_638 : i32
            %get3A_640 = arith.index_cast %add3A_639 : i32 to index
            %get3A_641 = arith.constant 0 : index
            %get3A_642 = tpu.vector_load %arg12[%get3A_640, %get3A_641] {strides = array<i32>} : memref<128x128xf32, #tpu.memory_space<vmem>>, vector<16xf32>,
            %mul3A_643 = arith.constant 4 : i32
            %mul3A_644 = arith.muli %scan3A_459, %mul3A_643 : i32
            %add3A_645 = arith.constant 2 : i32
            %add3A_646 = arith.addi %mul3A_644, %add3A_645 : i32
            %get3A_647 = arith.index_cast %add3A_646 : i32 to index
            %get3A_648 = arith.constant 0 : index
            %get3A_649 = tpu.vector_load %arg13[%get3A_647, %get3A_648] {strides = array<i32>} : memref<128x128xf32, #tpu.memory_space<vmem>>, vector<16xf32>,
            %mul3A_650 = arith.mulf %get3A_642, %get3A_649 : vector<16xf32>
            %mul3A_651 = arith.constant 4 : i32
            %mul3A_652 = arith.muli %scan3A_459, %mul3A_651 : i32
            %add3A_653 = arith.constant 2 : i32
            %add3A_654 = arith.addi %mul3A_652, %add3A_653 : i32
            %swap3A_655 = arith.index_cast %add3A_654 : i32 to index
            %swap3A_656 = arith.constant 0 : index
            %swap3A_657 = tpu.vector_load %arg13[%swap3A_655, %swap3A_656] {strides = array<i32>} : memref<128x128xf32, #tpu.memory_space<vmem>>, vector<16xf32>,
            tpu.vector_store %arg13[%swap3A_655, %swap3A_656], %mul3A_650 {strides = array<i32>} : memref<128x128xf32, #tpu.memory_space<vmem>>, vector<16xf32>,
            %mul3A_658 = arith.constant 4 : i32
            %mul3A_659 = arith.muli %scan3A_459, %mul3A_658 : i32
            %add3A_660 = arith.constant 2 : i32
            %add3A_661 = arith.addi %mul3A_659, %add3A_660 : i32
            %get3A_662 = arith.index_cast %add3A_661 : i32 to index
            %get3A_663 = arith.constant 16 : index
            %get3A_664 = tpu.vector_load %arg12[%get3A_662, %get3A_663] {strides = array<i32>} : memref<128x128xf32, #tpu.memory_space<vmem>>, vector<16xf32>,
            %mul3A_665 = arith.constant 4 : i32
            %mul3A_666 = arith.muli %scan3A_459, %mul3A_665 : i32
            %add3A_667 = arith.constant 2 : i32
            %add3A_668 = arith.addi %mul3A_666, %add3A_667 : i32
            %get3A_669 = arith.index_cast %add3A_668 : i32 to index
            %get3A_670 = arith.constant 16 : index
            %get3A_671 = tpu.vector_load %arg13[%get3A_669, %get3A_670] {strides = array<i32>} : memref<128x128xf32, #tpu.memory_space<vmem>>, vector<16xf32>,
            %mul3A_672 = arith.mulf %get3A_664, %get3A_671 : vector<16xf32>
            %mul3A_673 = arith.constant 4 : i32
            %mul3A_674 = arith.muli %scan3A_459, %mul3A_673 : i32
            %add3A_675 = arith.constant 2 : i32
            %add3A_676 = arith.addi %mul3A_674, %add3A_675 : i32
            %swap3A_677 = arith.index_cast %add3A_676 : i32 to index
            %swap3A_678 = arith.constant 16 : index
            %swap3A_679 = tpu.vector_load %arg13[%swap3A_677, %swap3A_678] {strides = array<i32>} : memref<128x128xf32, #tpu.memory_space<vmem>>, vector<16xf32>,
            tpu.vector_store %arg13[%swap3A_677, %swap3A_678], %mul3A_672 {strides = array<i32>} : memref<128x128xf32, #tpu.memory_space<vmem>>, vector<16xf32>,
            %mul3A_680 = arith.constant 4 : i32
            %mul3A_681 = arith.muli %scan3A_459, %mul3A_680 : i32
            %add3A_682 = arith.constant 2 : i32
            %add3A_683 = arith.addi %mul3A_681, %add3A_682 : i32
            %get3A_684 = arith.index_cast %add3A_683 : i32 to index
            %get3A_685 = arith.constant 32 : index
            %get3A_686 = tpu.vector_load %arg12[%get3A_684, %get3A_685] {strides = array<i32>} : memref<128x128xf32, #tpu.memory_space<vmem>>, vector<16xf32>,
            %mul3A_687 = arith.constant 4 : i32
            %mul3A_688 = arith.muli %scan3A_459, %mul3A_687 : i32
            %add3A_689 = arith.constant 2 : i32
            %add3A_690 = arith.addi %mul3A_688, %add3A_689 : i32
            %get3A_691 = arith.index_cast %add3A_690 : i32 to index
            %get3A_692 = arith.constant 32 : index
            %get3A_693 = tpu.vector_load %arg13[%get3A_691, %get3A_692] {strides = array<i32>} : memref<128x128xf32, #tpu.memory_space<vmem>>, vector<16xf32>,
            %mul3A_694 = arith.mulf %get3A_686, %get3A_693 : vector<16xf32>
            %mul3A_695 = arith.constant 4 : i32
            %mul3A_696 = arith.muli %scan3A_459, %mul3A_695 : i32
            %add3A_697 = arith.constant 2 : i32
            %add3A_698 = arith.addi %mul3A_696, %add3A_697 : i32
            %swap3A_699 = arith.index_cast %add3A_698 : i32 to index
            %swap3A_700 = arith.constant 32 : index
            %swap3A_701 = tpu.vector_load %arg13[%swap3A_699, %swap3A_700] {strides = array<i32>} : memref<128x128xf32, #tpu.memory_space<vmem>>, vector<16xf32>,
            tpu.vector_store %arg13[%swap3A_699, %swap3A_700], %mul3A_694 {strides = array<i32>} : memref<128x128xf32, #tpu.memory_space<vmem>>, vector<16xf32>,
            %mul3A_702 = arith.constant 4 : i32
            %mul3A_703 = arith.muli %scan3A_459, %mul3A_702 : i32
            %add3A_704 = arith.constant 2 : i32
            %add3A_705 = arith.addi %mul3A_703, %add3A_704 : i32
            %get3A_706 = arith.index_cast %add3A_705 : i32 to index
            %get3A_707 = arith.constant 48 : index
            %get3A_708 = tpu.vector_load %arg12[%get3A_706, %get3A_707] {strides = array<i32>} : memref<128x128xf32, #tpu.memory_space<vmem>>, vector<16xf32>,
            %mul3A_709 = arith.constant 4 : i32
            %mul3A_710 = arith.muli %scan3A_459, %mul3A_709 : i32
            %add3A_711 = arith.constant 2 : i32
            %add3A_712 = arith.addi %mul3A_710, %add3A_711 : i32
            %get3A_713 = arith.index_cast %add3A_712 : i32 to index
            %get3A_714 = arith.constant 48 : index
            %get3A_715 = tpu.vector_load %arg13[%get3A_713, %get3A_714] {strides = array<i32>} : memref<128x128xf32, #tpu.memory_space<vmem>>, vector<16xf32>,
            %mul3A_716 = arith.mulf %get3A_708, %get3A_715 : vector<16xf32>
            %mul3A_717 = arith.constant 4 : i32
            %mul3A_718 = arith.muli %scan3A_459, %mul3A_717 : i32
            %add3A_719 = arith.constant 2 : i32
            %add3A_720 = arith.addi %mul3A_718, %add3A_719 : i32
            %swap3A_721 = arith.index_cast %add3A_720 : i32 to index
            %swap3A_722 = arith.constant 48 : index
            %swap3A_723 = tpu.vector_load %arg13[%swap3A_721, %swap3A_722] {strides = array<i32>} : memref<128x128xf32, #tpu.memory_space<vmem>>, vector<16xf32>,
            tpu.vector_store %arg13[%swap3A_721, %swap3A_722], %mul3A_716 {strides = array<i32>} : memref<128x128xf32, #tpu.memory_space<vmem>>, vector<16xf32>,
            %mul3A_724 = arith.constant 4 : i32
            %mul3A_725 = arith.muli %scan3A_459, %mul3A_724 : i32
            %add3A_726 = arith.constant 3 : i32
            %add3A_727 = arith.addi %mul3A_725, %add3A_726 : i32
            %get3A_728 = arith.index_cast %add3A_727 : i32 to index
            %get3A_729 = arith.constant 0 : index
            %get3A_730 = tpu.vector_load %arg12[%get3A_728, %get3A_729] {strides = array<i32>} : memref<128x128xf32, #tpu.memory_space<vmem>>, vector<16xf32>,
            %mul3A_731 = arith.constant 4 : i32
            %mul3A_732 = arith.muli %scan3A_459, %mul3A_731 : i32
            %add3A_733 = arith.constant 3 : i32
            %add3A_734 = arith.addi %mul3A_732, %add3A_733 : i32
            %get3A_735 = arith.index_cast %add3A_734 : i32 to index
            %get3A_736 = arith.constant 0 : index
            %get3A_737 = tpu.vector_load %arg13[%get3A_735, %get3A_736] {strides = array<i32>} : memref<128x128xf32, #tpu.memory_space<vmem>>, vector<16xf32>,
            %mul3A_738 = arith.mulf %get3A_730, %get3A_737 : vector<16xf32>
            %mul3A_739 = arith.constant 4 : i32
            %mul3A_740 = arith.muli %scan3A_459, %mul3A_739 : i32
            %add3A_741 = arith.constant 3 : i32
            %add3A_742 = arith.addi %mul3A_740, %add3A_741 : i32
            %swap3A_743 = arith.index_cast %add3A_742 : i32 to index
            %swap3A_744 = arith.constant 0 : index
            %swap3A_745 = tpu.vector_load %arg13[%swap3A_743, %swap3A_744] {strides = array<i32>} : memref<128x128xf32, #tpu.memory_space<vmem>>, vector<16xf32>,
            tpu.vector_store %arg13[%swap3A_743, %swap3A_744], %mul3A_738 {strides = array<i32>} : memref<128x128xf32, #tpu.memory_space<vmem>>, vector<16xf32>,
            %mul3A_746 = arith.constant 4 : i32
            %mul3A_747 = arith.muli %scan3A_459, %mul3A_746 : i32
            %add3A_748 = arith.constant 3 : i32
            %add3A_749 = arith.addi %mul3A_747, %add3A_748 : i32
            %get3A_750 = arith.index_cast %add3A_749 : i32 to index
            %get3A_751 = arith.constant 16 : index
            %get3A_752 = tpu.vector_load %arg12[%get3A_750, %get3A_751] {strides = array<i32>} : memref<128x128xf32, #tpu.memory_space<vmem>>, vector<16xf32>,
            %mul3A_753 = arith.constant 4 : i32
            %mul3A_754 = arith.muli %scan3A_459, %mul3A_753 : i32
            %add3A_755 = arith.constant 3 : i32
            %add3A_756 = arith.addi %mul3A_754, %add3A_755 : i32
            %get3A_757 = arith.index_cast %add3A_756 : i32 to index
            %get3A_758 = arith.constant 16 : index
            %get3A_759 = tpu.vector_load %arg13[%get3A_757, %get3A_758] {strides = array<i32>} : memref<128x128xf32, #tpu.memory_space<vmem>>, vector<16xf32>,
            %mul3A_760 = arith.mulf %get3A_752, %get3A_759 : vector<16xf32>
            %mul3A_761 = arith.constant 4 : i32
            %mul3A_762 = arith.muli %scan3A_459, %mul3A_761 : i32
            %add3A_763 = arith.constant 3 : i32
            %add3A_764 = arith.addi %mul3A_762, %add3A_763 : i32
            %swap3A_765 = arith.index_cast %add3A_764 : i32 to index
            %swap3A_766 = arith.constant 16 : index
            %swap3A_767 = tpu.vector_load %arg13[%swap3A_765, %swap3A_766] {strides = array<i32>} : memref<128x128xf32, #tpu.memory_space<vmem>>, vector<16xf32>,
            tpu.vector_store %arg13[%swap3A_765, %swap3A_766], %mul3A_760 {strides = array<i32>} : memref<128x128xf32, #tpu.memory_space<vmem>>, vector<16xf32>,
            %mul3A_768 = arith.constant 4 : i32
            %mul3A_769 = arith.muli %scan3A_459, %mul3A_768 : i32
            %add3A_770 = arith.constant 3 : i32
            %add3A_771 = arith.addi %mul3A_769, %add3A_770 : i32
            %get3A_772 = arith.index_cast %add3A_771 : i32 to index
            %get3A_773 = arith.constant 32 : index
            %get3A_774 = tpu.vector_load %arg12[%get3A_772, %get3A_773] {strides = array<i32>} : memref<128x128xf32, #tpu.memory_space<vmem>>, vector<16xf32>,
            %mul3A_775 = arith.constant 4 : i32
            %mul3A_776 = arith.muli %scan3A_459, %mul3A_775 : i32
            %add3A_777 = arith.constant 3 : i32
            %add3A_778 = arith.addi %mul3A_776, %add3A_777 : i32
            %get3A_779 = arith.index_cast %add3A_778 : i32 to index
            %get3A_780 = arith.constant 32 : index
            %get3A_781 = tpu.vector_load %arg13[%get3A_779, %get3A_780] {strides = array<i32>} : memref<128x128xf32, #tpu.memory_space<vmem>>, vector<16xf32>,
            %mul3A_782 = arith.mulf %get3A_774, %get3A_781 : vector<16xf32>
            %mul3A_783 = arith.constant 4 : i32
            %mul3A_784 = arith.muli %scan3A_459, %mul3A_783 : i32
            %add3A_785 = arith.constant 3 : i32
            %add3A_786 = arith.addi %mul3A_784, %add3A_785 : i32
            %swap3A_787 = arith.index_cast %add3A_786 : i32 to index
            %swap3A_788 = arith.constant 32 : index
            %swap3A_789 = tpu.vector_load %arg13[%swap3A_787, %swap3A_788] {strides = array<i32>} : memref<128x128xf32, #tpu.memory_space<vmem>>, vector<16xf32>,
            tpu.vector_store %arg13[%swap3A_787, %swap3A_788], %mul3A_782 {strides = array<i32>} : memref<128x128xf32, #tpu.memory_space<vmem>>, vector<16xf32>,
            %mul3A_790 = arith.constant 4 : i32
            %mul3A_791 = arith.muli %scan3A_459, %mul3A_790 : i32
            %add3A_792 = arith.constant 3 : i32
            %add3A_793 = arith.addi %mul3A_791, %add3A_792 : i32
            %get3A_794 = arith.index_cast %add3A_793 : i32 to index
            %get3A_795 = arith.constant 48 : index
            %get3A_796 = tpu.vector_load %arg12[%get3A_794, %get3A_795] {strides = array<i32>} : memref<128x128xf32, #tpu.memory_space<vmem>>, vector<16xf32>,
            %mul3A_797 = arith.constant 4 : i32
            %mul3A_798 = arith.muli %scan3A_459, %mul3A_797 : i32
            %add3A_799 = arith.constant 3 : i32
            %add3A_800 = arith.addi %mul3A_798, %add3A_799 : i32
            %get3A_801 = arith.index_cast %add3A_800 : i32 to index
            %get3A_802 = arith.constant 48 : index
            %get3A_803 = tpu.vector_load %arg13[%get3A_801, %get3A_802] {strides = array<i32>} : memref<128x128xf32, #tpu.memory_space<vmem>>, vector<16xf32>,
            %mul3A_804 = arith.mulf %get3A_796, %get3A_803 : vector<16xf32>
            %mul3A_805 = arith.constant 4 : i32
            %mul3A_806 = arith.muli %scan3A_459, %mul3A_805 : i32
            %add3A_807 = arith.constant 3 : i32
            %add3A_808 = arith.addi %mul3A_806, %add3A_807 : i32
            %swap3A_809 = arith.index_cast %add3A_808 : i32 to index
            %swap3A_810 = arith.constant 48 : index
            %swap3A_811 = tpu.vector_load %arg13[%swap3A_809, %swap3A_810] {strides = array<i32>} : memref<128x128xf32, #tpu.memory_space<vmem>>, vector<16xf32>,
            tpu.vector_store %arg13[%swap3A_809, %swap3A_810], %mul3A_804 {strides = array<i32>} : memref<128x128xf32, #tpu.memory_space<vmem>>, vector<16xf32>,
          }
          %scan3A_458 = arith.constant 32 : i32
          %run_scoped3A = arith.constant 0 : i32
          "tpu.region"() ({
            %run_scoped3A_459 = tpu.sem_alloc : memref<!tpu.dma_semaphore, #tpu.memory_space<semaphore_mem>>
            %dma_start3A_460 = arith.constant 0 : i32
            %dma_start3A_461 = tpu.memref_slice %arg11[%run_scoped3A, %dma_start3A_460] : memref<1x128xi32, #tpu.memory_space<vmem>> -> memref<1x128xi32, #tpu.memory_space<vmem>>
            %dma_start3A_462 = tpu.memref_squeeze %dma_start3A_461 : memref<1x128xi32, #tpu.memory_space<vmem>> -> memref<128xi32, #tpu.memory_space<vmem>>
            %dma_start3A_463 = arith.constant 0 : i32
            %dma_start3A_464 = arith.constant 0 : i32
            %dma_start3A_465 = tpu.memref_slice %arg15[%dma_start3A_463, %dma_start3A_464] : memref<6416x128xf32, #tpu.memory_space<vmem_shared>> -> memref<6416x128xf32, #tpu.memory_space<vmem_shared>>
            tpu.enqueue_indirect_dma source(%arg13 : memref<128x128xf32, #tpu.memory_space<vmem>>) target(%dma_start3A_465 : memref<6416x128xf32, #tpu.memory_space<vmem_shared>>) offsets(%dma_start3A_462 : memref<128xi32, #tpu.memory_space<vmem>>) semaphore(%run_scoped3A_459 : memref<!tpu.dma_semaphore, #tpu.memory_space<semaphore_mem>>) {add = true}
            %dma_wait3A_466 = arith.constant 0 : i32
            %dma_wait3A_467 = tpu.memref_slice %arg11[%run_scoped3A, %dma_wait3A_466] : memref<1x128xi32, #tpu.memory_space<vmem>> -> memref<1x128xi32, #tpu.memory_space<vmem>>
            %dma_wait3A_468 = tpu.memref_squeeze %dma_wait3A_467 : memref<1x128xi32, #tpu.memory_space<vmem>> -> memref<128xi32, #tpu.memory_space<vmem>>
            %dma_wait3A_469 = arith.constant 0 : i32
            %dma_wait3A_470 = arith.constant 0 : i32
            %dma_wait3A_471 = tpu.memref_slice %arg15[%dma_wait3A_469, %dma_wait3A_470] : memref<6416x128xf32, #tpu.memory_space<vmem_shared>> -> memref<6416x128xf32, #tpu.memory_space<vmem_shared>>
            tpu.wait_indirect_dma semaphore(%run_scoped3A_459 : memref<!tpu.dma_semaphore, #tpu.memory_space<semaphore_mem>>) src(%arg13 : memref<128x128xf32, #tpu.memory_space<vmem>>) dst(%dma_wait3A_471 : memref<6416x128xf32, #tpu.memory_space<vmem_shared>>)
            tpu.yield
          }) : () -> ()
        }
      }
      %while3A_72 = arith.constant 1 : i32
      scf.for %while3A_80 = %while3A_70 to %while3A_66 step %while3A_72  : i32 {
        %mul3A_81 = arith.constant 8 : i32
        %mul3A_82 = arith.muli %while3A_80, %mul3A_81 : i32
        %sub3A_83 = arith.subi %add3A_2, %mul3A_82 : i32
        %min3A = arith.constant 8 : i32
        %min3A_84 = arith.minsi %min3A, %sub3A_83 : i32
        %while3A_85 = arith.constant 0 : i32
        %while3A_86 = arith.constant 0 : i32
        %while3A_87 = arith.subi %min3A_84, %while3A_86 : i32
        %while3A_88 = arith.addi %while3A_86, %while3A_87 : i32
        %while3A_89 = arith.constant 1 : i32
        %while3A_90 = arith.divsi %while3A_87, %while3A_89 : i32
        %while3A_91 = arith.muli %while3A_90, %while3A_89 : i32
        %while3A_92 = arith.addi %while3A_86, %while3A_91 : i32
        %while3A_93 = arith.constant 1 : i32
        scf.for %while3A_243 = %while3A_86 to %while3A_92 step %while3A_93  : i32 {
          %mul3A_244 = arith.constant 8 : i32
          %mul3A_245 = arith.muli %while3A_80, %mul3A_244 : i32
          %add3A_246 = arith.addi %mul3A_245, %while3A_243 : i32
          %mul3A_247 = arith.constant 16 : i32
          %mul3A_248 = arith.muli %add3A_246, %mul3A_247 : i32
          %add3A_249 = arith.addi %mul3A_248, %arg1 : i32
          %mul3A_250 = arith.constant 1024 : i32
          %mul3A_251 = arith.muli %add3A_249, %mul3A_250 : i32
          %mul3A_252 = arith.constant 1024 : i32
          %mul3A_253 = arith.muli %while3A_243, %mul3A_252 : i32
          %dma_start3A = tpu.memref_slice %arg7[%mul3A_253] : memref<8192xi32, #tpu.memory_space<vmem>> -> memref<1024xi32, #tpu.memory_space<vmem>>
          %dma_start3A_254 = tpu.memref_slice %arg5[%mul3A_251] : memref<1280000xi32, #tpu.memory_space<hbm>> -> memref<1024xi32, #tpu.memory_space<hbm>>
          %dma_start3A_255 = tpu.memref_slice %arg7[%mul3A_253] : memref<8192xi32, #tpu.memory_space<vmem>> -> memref<1024xi32, #tpu.memory_space<vmem>>
          %dma_start3A_256 = tpu.memref_slice %arg5[%mul3A_251] : memref<1280000xi32, #tpu.memory_space<hbm>> -> memref<1024xi32, #tpu.memory_space<hbm>>
          tpu.enqueue_dma source(%dma_start3A_256 : memref<1024xi32, #tpu.memory_space<hbm>>) target(%dma_start3A_255 : memref<1024xi32, #tpu.memory_space<vmem>>) target_semaphore(%arg17 : memref<!tpu.dma_semaphore, #tpu.memory_space<semaphore_mem>>)
        }
        %while3A_94 = arith.constant 1 : i32
        scf.for %while3A_243 = %while3A_92 to %while3A_88 step %while3A_94  : i32 {
          %mul3A_244 = arith.constant 8 : i32
          %mul3A_245 = arith.muli %while3A_80, %mul3A_244 : i32
          %add3A_246 = arith.addi %mul3A_245, %while3A_243 : i32
          %mul3A_247 = arith.constant 16 : i32
          %mul3A_248 = arith.muli %add3A_246, %mul3A_247 : i32
          %add3A_249 = arith.addi %mul3A_248, %arg1 : i32
          %mul3A_250 = arith.constant 1024 : i32
          %mul3A_251 = arith.muli %add3A_249, %mul3A_250 : i32
          %mul3A_252 = arith.constant 1024 : i32
          %mul3A_253 = arith.muli %while3A_243, %mul3A_252 : i32
          %dma_start3A = tpu.memref_slice %arg7[%mul3A_253] : memref<8192xi32, #tpu.memory_space<vmem>> -> memref<1024xi32, #tpu.memory_space<vmem>>
          %dma_start3A_254 = tpu.memref_slice %arg5[%mul3A_251] : memref<1280000xi32, #tpu.memory_space<hbm>> -> memref<1024xi32, #tpu.memory_space<hbm>>
          %dma_start3A_255 = tpu.memref_slice %arg7[%mul3A_253] : memref<8192xi32, #tpu.memory_space<vmem>> -> memref<1024xi32, #tpu.memory_space<vmem>>
          %dma_start3A_256 = tpu.memref_slice %arg5[%mul3A_251] : memref<1280000xi32, #tpu.memory_space<hbm>> -> memref<1024xi32, #tpu.memory_space<hbm>>
          tpu.enqueue_dma source(%dma_start3A_256 : memref<1024xi32, #tpu.memory_space<hbm>>) target(%dma_start3A_255 : memref<1024xi32, #tpu.memory_space<vmem>>) target_semaphore(%arg17 : memref<!tpu.dma_semaphore, #tpu.memory_space<semaphore_mem>>)
        }
        %while3A_95 = arith.constant 0 : i32
        %while3A_96 = arith.constant 0 : i32
        %while3A_97 = arith.subi %min3A_84, %while3A_96 : i32
        %while3A_98 = arith.addi %while3A_96, %while3A_97 : i32
        %while3A_99 = arith.constant 1 : i32
        %while3A_100 = arith.divsi %while3A_97, %while3A_99 : i32
        %while3A_101 = arith.muli %while3A_100, %while3A_99 : i32
        %while3A_102 = arith.addi %while3A_96, %while3A_101 : i32
        %while3A_103 = arith.constant 1 : i32
        scf.for %while3A_243 = %while3A_96 to %while3A_102 step %while3A_103  : i32 {
          %dma_wait3A = arith.constant 0 : i32
          %dma_wait3A_244 = tpu.memref_slice %arg7[%dma_wait3A] : memref<8192xi32, #tpu.memory_space<vmem>> -> memref<1024xi32, #tpu.memory_space<vmem>>
          %dma_wait3A_245 = arith.constant 0 : i32
          %dma_wait3A_246 = tpu.memref_slice %arg5[%dma_wait3A_245] : memref<1280000xi32, #tpu.memory_space<hbm>> -> memref<1024xi32, #tpu.memory_space<hbm>>
          %dma_wait3A_247 = arith.constant 0 : i32
          %dma_wait3A_248 = tpu.memref_slice %arg7[%dma_wait3A_247] : memref<8192xi32, #tpu.memory_space<vmem>> -> memref<1024xi32, #tpu.memory_space<vmem>>
          %dma_wait3A_249 = arith.constant 0 : i32
          %dma_wait3A_250 = tpu.memref_slice %arg5[%dma_wait3A_249] : memref<1280000xi32, #tpu.memory_space<hbm>> -> memref<1024xi32, #tpu.memory_space<hbm>>
          tpu.wait_dma2 semaphore(%arg17 : memref<!tpu.dma_semaphore, #tpu.memory_space<semaphore_mem>>) src(%dma_wait3A_250 : memref<1024xi32, #tpu.memory_space<hbm>>) dst(%dma_wait3A_248 : memref<1024xi32, #tpu.memory_space<vmem>>)
        }
        %while3A_104 = arith.constant 1 : i32
        scf.for %while3A_243 = %while3A_102 to %while3A_98 step %while3A_104  : i32 {
          %dma_wait3A = arith.constant 0 : i32
          %dma_wait3A_244 = tpu.memref_slice %arg7[%dma_wait3A] : memref<8192xi32, #tpu.memory_space<vmem>> -> memref<1024xi32, #tpu.memory_space<vmem>>
          %dma_wait3A_245 = arith.constant 0 : i32
          %dma_wait3A_246 = tpu.memref_slice %arg5[%dma_wait3A_245] : memref<1280000xi32, #tpu.memory_space<hbm>> -> memref<1024xi32, #tpu.memory_space<hbm>>
          %dma_wait3A_247 = arith.constant 0 : i32
          %dma_wait3A_248 = tpu.memref_slice %arg7[%dma_wait3A_247] : memref<8192xi32, #tpu.memory_space<vmem>> -> memref<1024xi32, #tpu.memory_space<vmem>>
          %dma_wait3A_249 = arith.constant 0 : i32
          %dma_wait3A_250 = tpu.memref_slice %arg5[%dma_wait3A_249] : memref<1280000xi32, #tpu.memory_space<hbm>> -> memref<1024xi32, #tpu.memory_space<hbm>>
          tpu.wait_dma2 semaphore(%arg17 : memref<!tpu.dma_semaphore, #tpu.memory_space<semaphore_mem>>) src(%dma_wait3A_250 : memref<1024xi32, #tpu.memory_space<hbm>>) dst(%dma_wait3A_248 : memref<1024xi32, #tpu.memory_space<vmem>>)
        }
        %mul3A_105 = arith.constant 64 : i32
        %mul3A_106 = arith.muli %min3A_84, %mul3A_105 : i32
        %while3A_107 = arith.constant 0 : i32
        %while3A_108 = arith.constant 0 : i32
        %while3A_109 = arith.subi %mul3A_106, %while3A_107 : i32
        %while3A_110 = arith.addi %while3A_107, %while3A_109 : i32
        %while3A_111 = arith.constant 1 : i32
        %while3A_112 = arith.divsi %while3A_109, %while3A_111 : i32
        %while3A_113 = arith.muli %while3A_112, %while3A_111 : i32
        %while3A_114 = arith.addi %while3A_107, %while3A_113 : i32
        %while3A_115 = arith.constant 1 : i32
        %while3A_116 = scf.for %while3A_243 = %while3A_107 to %while3A_114 step %while3A_115 iter_args(%while3A_244 = %while3A_108) -> (i32)  : i32 {
          %mul3A_245 = arith.constant 16 : i32
          %mul3A_246 = arith.muli %while3A_243, %mul3A_245 : i32
          %get3A = arith.index_cast %mul3A_246 : i32 to index
          %get3A_247 = tpu.vector_load %arg7[%get3A] {strides = array<i32>} : memref<8192xi32, #tpu.memory_space<vmem>>, vector<16xi32>,
          %sub3A_248 = vector.broadcast %add3A_41 : i32 to vector<16xi32>
          %sub3A_249 = arith.subi %get3A_247, %sub3A_248 : vector<16xi32>
          %ge3A = arith.constant 0 : i32
          %ge3A_250 = vector.broadcast %ge3A : i32 to vector<16xi32>
          %ge3A_251 = arith.cmpi sge, %sub3A_249, %ge3A_250 : vector<16xi32>
          %lt3A_252 = arith.constant 6400 : i32
          %lt3A_253 = vector.broadcast %lt3A_252 : i32 to vector<16xi32>
          %lt3A_254 = arith.cmpi slt, %sub3A_249, %lt3A_253 : vector<16xi32>
          %and3A_255 = arith.andi %ge3A_251, %lt3A_254 : vector<16xi1>
          %jit3A_256 = arith.constant 64 : i32
          %div3A_257 = arith.divsi %while3A_243, %jit3A_256 : i32
          %sign3A_258 = arith.constant 0 : i32
          %sign3A_259 = arith.cmpi sgt, %while3A_243, %sign3A_258 : i32
          %sign3A_260 = arith.extui %sign3A_259 : i1 to i32
          %sign3A_261 = arith.constant 0 : i32
          %sign3A_262 = arith.cmpi slt, %while3A_243, %sign3A_261 : i32
          %sign3A_263 = arith.extui %sign3A_262 : i1 to i32
          %sign3A_264 = arith.subi %sign3A_260, %sign3A_263 : i32
          %sign3A_265 = arith.constant 0 : i32
          %sign3A_266 = arith.cmpi sgt, %jit3A_256, %sign3A_265 : i32
          %sign3A_267 = arith.extui %sign3A_266 : i1 to i32
          %sign3A_268 = arith.constant 0 : i32
          %sign3A_269 = arith.cmpi slt, %jit3A_256, %sign3A_268 : i32
          %sign3A_270 = arith.extui %sign3A_269 : i1 to i32
          %sign3A_271 = arith.subi %sign3A_267, %sign3A_270 : i32
          %ne3A_272 = arith.cmpi ne, %sign3A_264, %sign3A_271 : i32
          %rem3A_273 = arith.remsi %while3A_243, %jit3A_256 : i32
          %ne3A_274 = arith.constant 0 : i32
          %ne3A_275 = arith.cmpi ne, %rem3A_273, %ne3A_274 : i32
          %and3A_276 = arith.andi %ne3A_272, %ne3A_275 : i1
          %sub3A_277 = arith.constant 1 : i32
          %sub3A_278 = arith.subi %div3A_257, %sub3A_277 : i32
          %select_n3A_279 = arith.select %and3A_276, %sub3A_278, %div3A_257 : i32
          %mul3A_280 = arith.constant 8 : i32
          %mul3A_281 = arith.muli %while3A_80, %mul3A_280 : i32
          %add3A_282 = arith.addi %mul3A_281, %select_n3A_279 : i32
          %mul3A_283 = arith.constant 16 : i32
          %mul3A_284 = arith.muli %add3A_282, %mul3A_283 : i32
          %add3A_285 = arith.addi %mul3A_284, %arg1 : i32
          %mul3A_286 = arith.constant 1024 : i32
          %mul3A_287 = arith.muli %add3A_285, %mul3A_286 : i32
          %mul3A_288 = arith.constant 64 : i32
          %mul3A_289 = arith.muli %select_n3A_279, %mul3A_288 : i32
          %sub3A_290 = arith.subi %while3A_243, %mul3A_289 : i32
          %mul3A_291 = arith.constant 16 : i32
          %mul3A_292 = arith.muli %sub3A_290, %mul3A_291 : i32
          %add3A_293 = arith.addi %mul3A_287, %mul3A_292 : i32
          %add3A_294 = vector.broadcast %add3A_293 : i32 to vector<16xi32>
          %add3A_295 = arith.addi %add3A_294, %iota3A : vector<16xi32>
          %swap3A_296 = arith.index_cast %while3A_244 : i32 to index
          %swap3A_297 = tpu.vector_load %arg8[%swap3A_296] masked %and3A_255 {strides = array<i32>} : memref<8352xi32, #tpu.memory_space<vmem>>, vector<16xi32>, vector<16xi1>
          tpu.vector_store %arg8[%swap3A_296], %add3A_295 masked %and3A_255 {strides = array<i32>} : memref<8352xi32, #tpu.memory_space<vmem>>, vector<16xi32>, vector<16xi1>
          %all_reduce_population_count3A = tpu.all_reduce %and3A_255 {dim = 0 : i64, kind = #tpu.reduction_kind<sum>} : vector<16xi1> -> vector<16xi32>
          %slice3A = vector.extract_strided_slice %all_reduce_population_count3A {offsets = [0], sizes = [1], strides = [1]} : vector<16xi32> to vector<1xi32>
          %squeeze3A = vector.extract %slice3A[0] : i32 from vector<1xi32>
          %add3A_298 = arith.addi %while3A_244, %squeeze3A : i32
          scf.yield %add3A_298 : i32
        }
        %while3A_117 = arith.constant 1 : i32
        %while3A_118 = scf.for %while3A_243 = %while3A_114 to %while3A_110 step %while3A_117 iter_args(%while3A_244 = %while3A_116) -> (i32)  : i32 {
          %mul3A_245 = arith.constant 16 : i32
          %mul3A_246 = arith.muli %while3A_243, %mul3A_245 : i32
          %get3A = arith.index_cast %mul3A_246 : i32 to index
          %get3A_247 = tpu.vector_load %arg7[%get3A] {strides = array<i32>} : memref<8192xi32, #tpu.memory_space<vmem>>, vector<16xi32>,
          %sub3A_248 = vector.broadcast %add3A_41 : i32 to vector<16xi32>
          %sub3A_249 = arith.subi %get3A_247, %sub3A_248 : vector<16xi32>
          %ge3A = arith.constant 0 : i32
          %ge3A_250 = vector.broadcast %ge3A : i32 to vector<16xi32>
          %ge3A_251 = arith.cmpi sge, %sub3A_249, %ge3A_250 : vector<16xi32>
          %lt3A_252 = arith.constant 6400 : i32
          %lt3A_253 = vector.broadcast %lt3A_252 : i32 to vector<16xi32>
          %lt3A_254 = arith.cmpi slt, %sub3A_249, %lt3A_253 : vector<16xi32>
          %and3A_255 = arith.andi %ge3A_251, %lt3A_254 : vector<16xi1>
          %jit3A_256 = arith.constant 64 : i32
          %div3A_257 = arith.divsi %while3A_243, %jit3A_256 : i32
          %sign3A_258 = arith.constant 0 : i32
          %sign3A_259 = arith.cmpi sgt, %while3A_243, %sign3A_258 : i32
          %sign3A_260 = arith.extui %sign3A_259 : i1 to i32
          %sign3A_261 = arith.constant 0 : i32
          %sign3A_262 = arith.cmpi slt, %while3A_243, %sign3A_261 : i32
          %sign3A_263 = arith.extui %sign3A_262 : i1 to i32
          %sign3A_264 = arith.subi %sign3A_260, %sign3A_263 : i32
          %sign3A_265 = arith.constant 0 : i32
          %sign3A_266 = arith.cmpi sgt, %jit3A_256, %sign3A_265 : i32
          %sign3A_267 = arith.extui %sign3A_266 : i1 to i32
          %sign3A_268 = arith.constant 0 : i32
          %sign3A_269 = arith.cmpi slt, %jit3A_256, %sign3A_268 : i32
          %sign3A_270 = arith.extui %sign3A_269 : i1 to i32
          %sign3A_271 = arith.subi %sign3A_267, %sign3A_270 : i32
          %ne3A_272 = arith.cmpi ne, %sign3A_264, %sign3A_271 : i32
          %rem3A_273 = arith.remsi %while3A_243, %jit3A_256 : i32
          %ne3A_274 = arith.constant 0 : i32
          %ne3A_275 = arith.cmpi ne, %rem3A_273, %ne3A_274 : i32
          %and3A_276 = arith.andi %ne3A_272, %ne3A_275 : i1
          %sub3A_277 = arith.constant 1 : i32
          %sub3A_278 = arith.subi %div3A_257, %sub3A_277 : i32
          %select_n3A_279 = arith.select %and3A_276, %sub3A_278, %div3A_257 : i32
          %mul3A_280 = arith.constant 8 : i32
          %mul3A_281 = arith.muli %while3A_80, %mul3A_280 : i32
          %add3A_282 = arith.addi %mul3A_281, %select_n3A_279 : i32
          %mul3A_283 = arith.constant 16 : i32
          %mul3A_284 = arith.muli %add3A_282, %mul3A_283 : i32
          %add3A_285 = arith.addi %mul3A_284, %arg1 : i32
          %mul3A_286 = arith.constant 1024 : i32
          %mul3A_287 = arith.muli %add3A_285, %mul3A_286 : i32
          %mul3A_288 = arith.constant 64 : i32
          %mul3A_289 = arith.muli %select_n3A_279, %mul3A_288 : i32
          %sub3A_290 = arith.subi %while3A_243, %mul3A_289 : i32
          %mul3A_291 = arith.constant 16 : i32
          %mul3A_292 = arith.muli %sub3A_290, %mul3A_291 : i32
          %add3A_293 = arith.addi %mul3A_287, %mul3A_292 : i32
          %add3A_294 = vector.broadcast %add3A_293 : i32 to vector<16xi32>
          %add3A_295 = arith.addi %add3A_294, %iota3A : vector<16xi32>
          %swap3A_296 = arith.index_cast %while3A_244 : i32 to index
          %swap3A_297 = tpu.vector_load %arg8[%swap3A_296] masked %and3A_255 {strides = array<i32>} : memref<8352xi32, #tpu.memory_space<vmem>>, vector<16xi32>, vector<16xi1>
          tpu.vector_store %arg8[%swap3A_296], %add3A_295 masked %and3A_255 {strides = array<i32>} : memref<8352xi32, #tpu.memory_space<vmem>>, vector<16xi32>, vector<16xi1>
          %all_reduce_population_count3A = tpu.all_reduce %and3A_255 {dim = 0 : i64, kind = #tpu.reduction_kind<sum>} : vector<16xi1> -> vector<16xi32>
          %slice3A = vector.extract_strided_slice %all_reduce_population_count3A {offsets = [0], sizes = [1], strides = [1]} : vector<16xi32> to vector<1xi32>
          %squeeze3A = vector.extract %slice3A[0] : i32 from vector<1xi32>
          %add3A_298 = arith.addi %while3A_244, %squeeze3A : i32
          scf.yield %add3A_298 : i32
        }
        %mul3A_119 = arith.constant 16 : i32
        %mul3A_120 = arith.muli %arg0, %mul3A_119 : i32
        %add3A_121 = arith.addi %mul3A_120, %arg1 : i32
        %mul3A_122 = arith.constant 128 : i32
        %mul3A_123 = arith.muli %add3A_121, %mul3A_122 : i32
        %add3A_124 = vector.broadcast %mul3A_123 : i32 to vector<16xi32>
        %add3A_125 = arith.addi %add3A_124, %iota3A : vector<16xi32>
        %add3A_126 = arith.constant 0 : i32
        %add3A_127 = vector.broadcast %add3A_126 : i32 to vector<16xi32>
        %add3A_128 = arith.addi %add3A_125, %add3A_127 : vector<16xi32>
        %add3A_129 = arith.constant 0 : i32
        %add3A_130 = arith.addi %while3A_118, %add3A_129 : i32
        %swap3A = arith.index_cast %add3A_130 : i32 to index
        %swap3A_131 = tpu.vector_load %arg8[%swap3A] {strides = array<i32>} : memref<8352xi32, #tpu.memory_space<vmem>>, vector<16xi32>,
        tpu.vector_store %arg8[%swap3A], %add3A_128 {strides = array<i32>} : memref<8352xi32, #tpu.memory_space<vmem>>, vector<16xi32>,
        %add3A_132 = arith.constant 16 : i32
        %add3A_133 = vector.broadcast %add3A_132 : i32 to vector<16xi32>
        %add3A_134 = arith.addi %add3A_125, %add3A_133 : vector<16xi32>
        %add3A_135 = arith.constant 16 : i32
        %add3A_136 = arith.addi %while3A_118, %add3A_135 : i32
        %swap3A_137 = arith.index_cast %add3A_136 : i32 to index
        %swap3A_138 = tpu.vector_load %arg8[%swap3A_137] {strides = array<i32>} : memref<8352xi32, #tpu.memory_space<vmem>>, vector<16xi32>,
        tpu.vector_store %arg8[%swap3A_137], %add3A_134 {strides = array<i32>} : memref<8352xi32, #tpu.memory_space<vmem>>, vector<16xi32>,
        %add3A_139 = arith.constant 32 : i32
        %add3A_140 = vector.broadcast %add3A_139 : i32 to vector<16xi32>
        %add3A_141 = arith.addi %add3A_125, %add3A_140 : vector<16xi32>
        %add3A_142 = arith.constant 32 : i32
        %add3A_143 = arith.addi %while3A_118, %add3A_142 : i32
        %swap3A_144 = arith.index_cast %add3A_143 : i32 to index
        %swap3A_145 = tpu.vector_load %arg8[%swap3A_144] {strides = array<i32>} : memref<8352xi32, #tpu.memory_space<vmem>>, vector<16xi32>,
        tpu.vector_store %arg8[%swap3A_144], %add3A_141 {strides = array<i32>} : memref<8352xi32, #tpu.memory_space<vmem>>, vector<16xi32>,
        %add3A_146 = arith.constant 48 : i32
        %add3A_147 = vector.broadcast %add3A_146 : i32 to vector<16xi32>
        %add3A_148 = arith.addi %add3A_125, %add3A_147 : vector<16xi32>
        %add3A_149 = arith.constant 48 : i32
        %add3A_150 = arith.addi %while3A_118, %add3A_149 : i32
        %swap3A_151 = arith.index_cast %add3A_150 : i32 to index
        %swap3A_152 = tpu.vector_load %arg8[%swap3A_151] {strides = array<i32>} : memref<8352xi32, #tpu.memory_space<vmem>>, vector<16xi32>,
        tpu.vector_store %arg8[%swap3A_151], %add3A_148 {strides = array<i32>} : memref<8352xi32, #tpu.memory_space<vmem>>, vector<16xi32>,
        %add3A_153 = arith.constant 64 : i32
        %add3A_154 = vector.broadcast %add3A_153 : i32 to vector<16xi32>
        %add3A_155 = arith.addi %add3A_125, %add3A_154 : vector<16xi32>
        %add3A_156 = arith.constant 64 : i32
        %add3A_157 = arith.addi %while3A_118, %add3A_156 : i32
        %swap3A_158 = arith.index_cast %add3A_157 : i32 to index
        %swap3A_159 = tpu.vector_load %arg8[%swap3A_158] {strides = array<i32>} : memref<8352xi32, #tpu.memory_space<vmem>>, vector<16xi32>,
        tpu.vector_store %arg8[%swap3A_158], %add3A_155 {strides = array<i32>} : memref<8352xi32, #tpu.memory_space<vmem>>, vector<16xi32>,
        %add3A_160 = arith.constant 80 : i32
        %add3A_161 = vector.broadcast %add3A_160 : i32 to vector<16xi32>
        %add3A_162 = arith.addi %add3A_125, %add3A_161 : vector<16xi32>
        %add3A_163 = arith.constant 80 : i32
        %add3A_164 = arith.addi %while3A_118, %add3A_163 : i32
        %swap3A_165 = arith.index_cast %add3A_164 : i32 to index
        %swap3A_166 = tpu.vector_load %arg8[%swap3A_165] {strides = array<i32>} : memref<8352xi32, #tpu.memory_space<vmem>>, vector<16xi32>,
        tpu.vector_store %arg8[%swap3A_165], %add3A_162 {strides = array<i32>} : memref<8352xi32, #tpu.memory_space<vmem>>, vector<16xi32>,
        %add3A_167 = arith.constant 96 : i32
        %add3A_168 = vector.broadcast %add3A_167 : i32 to vector<16xi32>
        %add3A_169 = arith.addi %add3A_125, %add3A_168 : vector<16xi32>
        %add3A_170 = arith.constant 96 : i32
        %add3A_171 = arith.addi %while3A_118, %add3A_170 : i32
        %swap3A_172 = arith.index_cast %add3A_171 : i32 to index
        %swap3A_173 = tpu.vector_load %arg8[%swap3A_172] {strides = array<i32>} : memref<8352xi32, #tpu.memory_space<vmem>>, vector<16xi32>,
        tpu.vector_store %arg8[%swap3A_172], %add3A_169 {strides = array<i32>} : memref<8352xi32, #tpu.memory_space<vmem>>, vector<16xi32>,
        %add3A_174 = arith.constant 112 : i32
        %add3A_175 = vector.broadcast %add3A_174 : i32 to vector<16xi32>
        %add3A_176 = arith.addi %add3A_125, %add3A_175 : vector<16xi32>
        %add3A_177 = arith.constant 112 : i32
        %add3A_178 = arith.addi %while3A_118, %add3A_177 : i32
        %swap3A_179 = arith.index_cast %add3A_178 : i32 to index
        %swap3A_180 = tpu.vector_load %arg8[%swap3A_179] {strides = array<i32>} : memref<8352xi32, #tpu.memory_space<vmem>>, vector<16xi32>,
        tpu.vector_store %arg8[%swap3A_179], %add3A_176 {strides = array<i32>} : memref<8352xi32, #tpu.memory_space<vmem>>, vector<16xi32>,
        %add3A_181 = arith.constant 127 : i32
        %add3A_182 = arith.addi %while3A_118, %add3A_181 : i32
        %jit3A_183 = arith.constant 128 : i32
        %div3A_184 = arith.divsi %add3A_182, %jit3A_183 : i32
        %sign3A_185 = arith.constant 0 : i32
        %sign3A_186 = arith.cmpi sgt, %add3A_182, %sign3A_185 : i32
        %sign3A_187 = arith.extui %sign3A_186 : i1 to i32
        %sign3A_188 = arith.constant 0 : i32
        %sign3A_189 = arith.cmpi slt, %add3A_182, %sign3A_188 : i32
        %sign3A_190 = arith.extui %sign3A_189 : i1 to i32
        %sign3A_191 = arith.subi %sign3A_187, %sign3A_190 : i32
        %sign3A_192 = arith.constant 0 : i32
        %sign3A_193 = arith.cmpi sgt, %jit3A_183, %sign3A_192 : i32
        %sign3A_194 = arith.extui %sign3A_193 : i1 to i32
        %sign3A_195 = arith.constant 0 : i32
        %sign3A_196 = arith.cmpi slt, %jit3A_183, %sign3A_195 : i32
        %sign3A_197 = arith.extui %sign3A_196 : i1 to i32
        %sign3A_198 = arith.subi %sign3A_194, %sign3A_197 : i32
        %ne3A_199 = arith.cmpi ne, %sign3A_191, %sign3A_198 : i32
        %rem3A_200 = arith.remsi %add3A_182, %jit3A_183 : i32
        %ne3A_201 = arith.constant 0 : i32
        %ne3A_202 = arith.cmpi ne, %rem3A_200, %ne3A_201 : i32
        %and3A_203 = arith.andi %ne3A_199, %ne3A_202 : i1
        %sub3A_204 = arith.constant 1 : i32
        %sub3A_205 = arith.subi %div3A_184, %sub3A_204 : i32
        %select_n3A_206 = arith.select %and3A_203, %sub3A_205, %div3A_184 : i32
        %mul3A_207 = arith.constant 128 : i32
        %mul3A_208 = arith.muli %select_n3A_206, %mul3A_207 : i32
        %jit3A_209 = arith.constant 128 : i32
        %div3A_210 = arith.divsi %mul3A_208, %jit3A_209 : i32
        %sign3A_211 = arith.constant 0 : i32
        %sign3A_212 = arith.cmpi sgt, %mul3A_208, %sign3A_211 : i32
        %sign3A_213 = arith.extui %sign3A_212 : i1 to i32
        %sign3A_214 = arith.constant 0 : i32
        %sign3A_215 = arith.cmpi slt, %mul3A_208, %sign3A_214 : i32
        %sign3A_216 = arith.extui %sign3A_215 : i1 to i32
        %sign3A_217 = arith.subi %sign3A_213, %sign3A_216 : i32
        %sign3A_218 = arith.constant 0 : i32
        %sign3A_219 = arith.cmpi sgt, %jit3A_209, %sign3A_218 : i32
        %sign3A_220 = arith.extui %sign3A_219 : i1 to i32
        %sign3A_221 = arith.constant 0 : i32
        %sign3A_222 = arith.cmpi slt, %jit3A_209, %sign3A_221 : i32
        %sign3A_223 = arith.extui %sign3A_222 : i1 to i32
        %sign3A_224 = arith.subi %sign3A_220, %sign3A_223 : i32
        %ne3A_225 = arith.cmpi ne, %sign3A_217, %sign3A_224 : i32
        %rem3A_226 = arith.remsi %mul3A_208, %jit3A_209 : i32
        %ne3A_227 = arith.constant 0 : i32
        %ne3A_228 = arith.cmpi ne, %rem3A_226, %ne3A_227 : i32
        %and3A_229 = arith.andi %ne3A_225, %ne3A_228 : i1
        %sub3A_230 = arith.constant 1 : i32
        %sub3A_231 = arith.subi %div3A_210, %sub3A_230 : i32
        %select_n3A_232 = arith.select %and3A_229, %sub3A_231, %div3A_210 : i32
        %while3A_233 = arith.constant 0 : i32
        %while3A_234 = arith.constant 0 : i32
        %while3A_235 = arith.subi %select_n3A_232, %while3A_234 : i32
        %while3A_236 = arith.addi %while3A_234, %while3A_235 : i32
        %while3A_237 = arith.constant 1 : i32
        %while3A_238 = arith.divsi %while3A_235, %while3A_237 : i32
        %while3A_239 = arith.muli %while3A_238, %while3A_237 : i32
        %while3A_240 = arith.addi %while3A_234, %while3A_239 : i32
        %while3A_241 = arith.constant 1 : i32
        scf.for %while3A_243 = %while3A_234 to %while3A_240 step %while3A_241  : i32 {
          %mul3A_244 = arith.constant 128 : i32
          %mul3A_245 = arith.muli %while3A_243, %mul3A_244 : i32
          %dma_start3A = tpu.memref_slice %arg8[%mul3A_245] : memref<8352xi32, #tpu.memory_space<vmem>> -> memref<128xi32, #tpu.memory_space<vmem>>
          %dma_start3A_246 = arith.constant 0 : i32
          %dma_start3A_247 = tpu.memref_slice %arg4[%dma_start3A_246] : memref<1280000xi32, #tpu.memory_space<hbm>> -> memref<1280000xi32, #tpu.memory_space<hbm>>
          tpu.enqueue_indirect_dma source(%dma_start3A_247 : memref<1280000xi32, #tpu.memory_space<hbm>>) target(%arg9 : memref<128xi32, #tpu.memory_space<vmem>>) offsets(%dma_start3A : memref<128xi32, #tpu.memory_space<vmem>>) semaphore(%arg16 : memref<!tpu.dma_semaphore, #tpu.memory_space<semaphore_mem>>)
          %dma_start3A_248 = tpu.memref_slice %arg8[%mul3A_245] : memref<8352xi32, #tpu.memory_space<vmem>> -> memref<128xi32, #tpu.memory_space<vmem>>
          %dma_start3A_249 = arith.constant 0 : i32
          %dma_start3A_250 = tpu.memref_slice %arg5[%dma_start3A_249] : memref<1280000xi32, #tpu.memory_space<hbm>> -> memref<1280000xi32, #tpu.memory_space<hbm>>
          tpu.enqueue_indirect_dma source(%dma_start3A_250 : memref<1280000xi32, #tpu.memory_space<hbm>>) target(%arg10 : memref<128xi32, #tpu.memory_space<vmem>>) offsets(%dma_start3A_248 : memref<128xi32, #tpu.memory_space<vmem>>) semaphore(%arg16 : memref<!tpu.dma_semaphore, #tpu.memory_space<semaphore_mem>>)
          %dma_start3A_251 = tpu.memref_slice %arg8[%mul3A_245] : memref<8352xi32, #tpu.memory_space<vmem>> -> memref<128xi32, #tpu.memory_space<vmem>>
          %dma_start3A_252 = arith.constant 0 : i32
          %dma_start3A_253 = arith.constant 0 : i32
          %dma_start3A_254 = tpu.memref_slice %arg3[%dma_start3A_252, %dma_start3A_253] : memref<1280000x128xf32, #tpu.memory_space<hbm>> -> memref<1280000x128xf32, #tpu.memory_space<hbm>>
          tpu.enqueue_indirect_dma source(%dma_start3A_254 : memref<1280000x128xf32, #tpu.memory_space<hbm>>) target(%arg13 : memref<128x128xf32, #tpu.memory_space<vmem>>) offsets(%dma_start3A_251 : memref<128xi32, #tpu.memory_space<vmem>>) semaphore(%arg16 : memref<!tpu.dma_semaphore, #tpu.memory_space<semaphore_mem>>)
          %dma_wait3A = tpu.memref_slice %arg8[%mul3A_245] : memref<8352xi32, #tpu.memory_space<vmem>> -> memref<128xi32, #tpu.memory_space<vmem>>
          %dma_wait3A_255 = arith.constant 0 : i32
          %dma_wait3A_256 = tpu.memref_slice %arg4[%dma_wait3A_255] : memref<1280000xi32, #tpu.memory_space<hbm>> -> memref<1280000xi32, #tpu.memory_space<hbm>>
          tpu.wait_indirect_dma semaphore(%arg16 : memref<!tpu.dma_semaphore, #tpu.memory_space<semaphore_mem>>) src(%dma_wait3A_256 : memref<1280000xi32, #tpu.memory_space<hbm>>) dst(%arg9 : memref<128xi32, #tpu.memory_space<vmem>>)
          %dma_start3A_257 = arith.constant 0 : i32
          %dma_start3A_258 = arith.constant 0 : i32
          %dma_start3A_259 = tpu.memref_slice %arg2[%dma_start3A_257, %dma_start3A_258] : memref<320000x128xf32, #tpu.memory_space<hbm>> -> memref<320000x128xf32, #tpu.memory_space<hbm>>
          tpu.enqueue_indirect_dma source(%dma_start3A_259 : memref<320000x128xf32, #tpu.memory_space<hbm>>) target(%arg12 : memref<128x128xf32, #tpu.memory_space<vmem>>) offsets(%arg9 : memref<128xi32, #tpu.memory_space<vmem>>) semaphore(%arg16 : memref<!tpu.dma_semaphore, #tpu.memory_space<semaphore_mem>>)
          %dma_wait3A_260 = tpu.memref_slice %arg8[%mul3A_245] : memref<8352xi32, #tpu.memory_space<vmem>> -> memref<128xi32, #tpu.memory_space<vmem>>
          %dma_wait3A_261 = arith.constant 0 : i32
          %dma_wait3A_262 = tpu.memref_slice %arg5[%dma_wait3A_261] : memref<1280000xi32, #tpu.memory_space<hbm>> -> memref<1280000xi32, #tpu.memory_space<hbm>>
          tpu.wait_indirect_dma semaphore(%arg16 : memref<!tpu.dma_semaphore, #tpu.memory_space<semaphore_mem>>) src(%dma_wait3A_262 : memref<1280000xi32, #tpu.memory_space<hbm>>) dst(%arg10 : memref<128xi32, #tpu.memory_space<vmem>>)
          %sub3A_263 = arith.subi %while3A_118, %mul3A_245 : i32
          %get3A = arith.constant 0 : index
          %get3A_264 = tpu.vector_load %arg10[%get3A] {strides = array<i32>} : memref<128xi32, #tpu.memory_space<vmem>>, vector<16xi32>,
          %sub3A_265 = vector.broadcast %add3A_41 : i32 to vector<16xi32>
          %sub3A_266 = arith.subi %get3A_264, %sub3A_265 : vector<16xi32>
          %ge3A = arith.constant 0 : i32
          %ge3A_267 = vector.broadcast %ge3A : i32 to vector<16xi32>
          %ge3A_268 = arith.cmpi sge, %sub3A_266, %ge3A_267 : vector<16xi32>
          %lt3A_269 = arith.constant 6400 : i32
          %lt3A_270 = vector.broadcast %lt3A_269 : i32 to vector<16xi32>
          %lt3A_271 = arith.cmpi slt, %sub3A_266, %lt3A_270 : vector<16xi32>
          %and3A_272 = arith.andi %ge3A_268, %lt3A_271 : vector<16xi1>
          %add3A_273 = arith.constant 0 : i32
          %add3A_274 = vector.broadcast %add3A_273 : i32 to vector<16xi32>
          %add3A_275 = arith.addi %add3A_274, %iota3A : vector<16xi32>
          %lt3A_276 = vector.broadcast %sub3A_263 : i32 to vector<16xi32>
          %lt3A_277 = arith.cmpi slt, %add3A_275, %lt3A_276 : vector<16xi32>
          %and3A_278 = arith.andi %and3A_272, %lt3A_277 : vector<16xi1>
          %broadcast_in_dim3A_279 = vector.broadcast %add3A_43 : i32 to vector<16xi32>
          %select_n3A_280 = arith.select %and3A_278, %sub3A_266, %broadcast_in_dim3A_279 : vector<16xi1>, vector<16xi32>
          %swap3A_281 = arith.constant 0 : i32
          %swap3A_282 = arith.index_cast %swap3A_281 : i32 to index
          %swap3A_283 = arith.constant 0 : index
          %swap3A_284 = tpu.vector_load %arg11[%swap3A_282, %swap3A_283] {strides = array<i32>} : memref<1x128xi32, #tpu.memory_space<vmem>>, vector<16xi32>,
          tpu.vector_store %arg11[%swap3A_282, %swap3A_283], %select_n3A_280 {strides = array<i32>} : memref<1x128xi32, #tpu.memory_space<vmem>>, vector<16xi32>,
          %get3A_285 = arith.constant 16 : index
          %get3A_286 = tpu.vector_load %arg10[%get3A_285] {strides = array<i32>} : memref<128xi32, #tpu.memory_space<vmem>>, vector<16xi32>,
          %sub3A_287 = vector.broadcast %add3A_41 : i32 to vector<16xi32>
          %sub3A_288 = arith.subi %get3A_286, %sub3A_287 : vector<16xi32>
          %ge3A_289 = arith.constant 0 : i32
          %ge3A_290 = vector.broadcast %ge3A_289 : i32 to vector<16xi32>
          %ge3A_291 = arith.cmpi sge, %sub3A_288, %ge3A_290 : vector<16xi32>
          %lt3A_292 = arith.constant 6400 : i32
          %lt3A_293 = vector.broadcast %lt3A_292 : i32 to vector<16xi32>
          %lt3A_294 = arith.cmpi slt, %sub3A_288, %lt3A_293 : vector<16xi32>
          %and3A_295 = arith.andi %ge3A_291, %lt3A_294 : vector<16xi1>
          %add3A_296 = arith.constant 16 : i32
          %add3A_297 = vector.broadcast %add3A_296 : i32 to vector<16xi32>
          %add3A_298 = arith.addi %add3A_297, %iota3A : vector<16xi32>
          %lt3A_299 = vector.broadcast %sub3A_263 : i32 to vector<16xi32>
          %lt3A_300 = arith.cmpi slt, %add3A_298, %lt3A_299 : vector<16xi32>
          %and3A_301 = arith.andi %and3A_295, %lt3A_300 : vector<16xi1>
          %broadcast_in_dim3A_302 = vector.broadcast %add3A_43 : i32 to vector<16xi32>
          %select_n3A_303 = arith.select %and3A_301, %sub3A_288, %broadcast_in_dim3A_302 : vector<16xi1>, vector<16xi32>
          %swap3A_304 = arith.constant 0 : i32
          %swap3A_305 = arith.index_cast %swap3A_304 : i32 to index
          %swap3A_306 = arith.constant 16 : index
          %swap3A_307 = tpu.vector_load %arg11[%swap3A_305, %swap3A_306] {strides = array<i32>} : memref<1x128xi32, #tpu.memory_space<vmem>>, vector<16xi32>,
          tpu.vector_store %arg11[%swap3A_305, %swap3A_306], %select_n3A_303 {strides = array<i32>} : memref<1x128xi32, #tpu.memory_space<vmem>>, vector<16xi32>,
          %get3A_308 = arith.constant 32 : index
          %get3A_309 = tpu.vector_load %arg10[%get3A_308] {strides = array<i32>} : memref<128xi32, #tpu.memory_space<vmem>>, vector<16xi32>,
          %sub3A_310 = vector.broadcast %add3A_41 : i32 to vector<16xi32>
          %sub3A_311 = arith.subi %get3A_309, %sub3A_310 : vector<16xi32>
          %ge3A_312 = arith.constant 0 : i32
          %ge3A_313 = vector.broadcast %ge3A_312 : i32 to vector<16xi32>
          %ge3A_314 = arith.cmpi sge, %sub3A_311, %ge3A_313 : vector<16xi32>
          %lt3A_315 = arith.constant 6400 : i32
          %lt3A_316 = vector.broadcast %lt3A_315 : i32 to vector<16xi32>
          %lt3A_317 = arith.cmpi slt, %sub3A_311, %lt3A_316 : vector<16xi32>
          %and3A_318 = arith.andi %ge3A_314, %lt3A_317 : vector<16xi1>
          %add3A_319 = arith.constant 32 : i32
          %add3A_320 = vector.broadcast %add3A_319 : i32 to vector<16xi32>
          %add3A_321 = arith.addi %add3A_320, %iota3A : vector<16xi32>
          %lt3A_322 = vector.broadcast %sub3A_263 : i32 to vector<16xi32>
          %lt3A_323 = arith.cmpi slt, %add3A_321, %lt3A_322 : vector<16xi32>
          %and3A_324 = arith.andi %and3A_318, %lt3A_323 : vector<16xi1>
          %broadcast_in_dim3A_325 = vector.broadcast %add3A_43 : i32 to vector<16xi32>
          %select_n3A_326 = arith.select %and3A_324, %sub3A_311, %broadcast_in_dim3A_325 : vector<16xi1>, vector<16xi32>
          %swap3A_327 = arith.constant 0 : i32
          %swap3A_328 = arith.index_cast %swap3A_327 : i32 to index
          %swap3A_329 = arith.constant 32 : index
          %swap3A_330 = tpu.vector_load %arg11[%swap3A_328, %swap3A_329] {strides = array<i32>} : memref<1x128xi32, #tpu.memory_space<vmem>>, vector<16xi32>,
          tpu.vector_store %arg11[%swap3A_328, %swap3A_329], %select_n3A_326 {strides = array<i32>} : memref<1x128xi32, #tpu.memory_space<vmem>>, vector<16xi32>,
          %get3A_331 = arith.constant 48 : index
          %get3A_332 = tpu.vector_load %arg10[%get3A_331] {strides = array<i32>} : memref<128xi32, #tpu.memory_space<vmem>>, vector<16xi32>,
          %sub3A_333 = vector.broadcast %add3A_41 : i32 to vector<16xi32>
          %sub3A_334 = arith.subi %get3A_332, %sub3A_333 : vector<16xi32>
          %ge3A_335 = arith.constant 0 : i32
          %ge3A_336 = vector.broadcast %ge3A_335 : i32 to vector<16xi32>
          %ge3A_337 = arith.cmpi sge, %sub3A_334, %ge3A_336 : vector<16xi32>
          %lt3A_338 = arith.constant 6400 : i32
          %lt3A_339 = vector.broadcast %lt3A_338 : i32 to vector<16xi32>
          %lt3A_340 = arith.cmpi slt, %sub3A_334, %lt3A_339 : vector<16xi32>
          %and3A_341 = arith.andi %ge3A_337, %lt3A_340 : vector<16xi1>
          %add3A_342 = arith.constant 48 : i32
          %add3A_343 = vector.broadcast %add3A_342 : i32 to vector<16xi32>
          %add3A_344 = arith.addi %add3A_343, %iota3A : vector<16xi32>
          %lt3A_345 = vector.broadcast %sub3A_263 : i32 to vector<16xi32>
          %lt3A_346 = arith.cmpi slt, %add3A_344, %lt3A_345 : vector<16xi32>
          %and3A_347 = arith.andi %and3A_341, %lt3A_346 : vector<16xi1>
          %broadcast_in_dim3A_348 = vector.broadcast %add3A_43 : i32 to vector<16xi32>
          %select_n3A_349 = arith.select %and3A_347, %sub3A_334, %broadcast_in_dim3A_348 : vector<16xi1>, vector<16xi32>
          %swap3A_350 = arith.constant 0 : i32
          %swap3A_351 = arith.index_cast %swap3A_350 : i32 to index
          %swap3A_352 = arith.constant 48 : index
          %swap3A_353 = tpu.vector_load %arg11[%swap3A_351, %swap3A_352] {strides = array<i32>} : memref<1x128xi32, #tpu.memory_space<vmem>>, vector<16xi32>,
          tpu.vector_store %arg11[%swap3A_351, %swap3A_352], %select_n3A_349 {strides = array<i32>} : memref<1x128xi32, #tpu.memory_space<vmem>>, vector<16xi32>,
          %get3A_354 = arith.constant 64 : index
          %get3A_355 = tpu.vector_load %arg10[%get3A_354] {strides = array<i32>} : memref<128xi32, #tpu.memory_space<vmem>>, vector<16xi32>,
          %sub3A_356 = vector.broadcast %add3A_41 : i32 to vector<16xi32>
          %sub3A_357 = arith.subi %get3A_355, %sub3A_356 : vector<16xi32>
          %ge3A_358 = arith.constant 0 : i32
          %ge3A_359 = vector.broadcast %ge3A_358 : i32 to vector<16xi32>
          %ge3A_360 = arith.cmpi sge, %sub3A_357, %ge3A_359 : vector<16xi32>
          %lt3A_361 = arith.constant 6400 : i32
          %lt3A_362 = vector.broadcast %lt3A_361 : i32 to vector<16xi32>
          %lt3A_363 = arith.cmpi slt, %sub3A_357, %lt3A_362 : vector<16xi32>
          %and3A_364 = arith.andi %ge3A_360, %lt3A_363 : vector<16xi1>
          %add3A_365 = arith.constant 64 : i32
          %add3A_366 = vector.broadcast %add3A_365 : i32 to vector<16xi32>
          %add3A_367 = arith.addi %add3A_366, %iota3A : vector<16xi32>
          %lt3A_368 = vector.broadcast %sub3A_263 : i32 to vector<16xi32>
          %lt3A_369 = arith.cmpi slt, %add3A_367, %lt3A_368 : vector<16xi32>
          %and3A_370 = arith.andi %and3A_364, %lt3A_369 : vector<16xi1>
          %broadcast_in_dim3A_371 = vector.broadcast %add3A_43 : i32 to vector<16xi32>
          %select_n3A_372 = arith.select %and3A_370, %sub3A_357, %broadcast_in_dim3A_371 : vector<16xi1>, vector<16xi32>
          %swap3A_373 = arith.constant 0 : i32
          %swap3A_374 = arith.index_cast %swap3A_373 : i32 to index
          %swap3A_375 = arith.constant 64 : index
          %swap3A_376 = tpu.vector_load %arg11[%swap3A_374, %swap3A_375] {strides = array<i32>} : memref<1x128xi32, #tpu.memory_space<vmem>>, vector<16xi32>,
          tpu.vector_store %arg11[%swap3A_374, %swap3A_375], %select_n3A_372 {strides = array<i32>} : memref<1x128xi32, #tpu.memory_space<vmem>>, vector<16xi32>,
          %get3A_377 = arith.constant 80 : index
          %get3A_378 = tpu.vector_load %arg10[%get3A_377] {strides = array<i32>} : memref<128xi32, #tpu.memory_space<vmem>>, vector<16xi32>,
          %sub3A_379 = vector.broadcast %add3A_41 : i32 to vector<16xi32>
          %sub3A_380 = arith.subi %get3A_378, %sub3A_379 : vector<16xi32>
          %ge3A_381 = arith.constant 0 : i32
          %ge3A_382 = vector.broadcast %ge3A_381 : i32 to vector<16xi32>
          %ge3A_383 = arith.cmpi sge, %sub3A_380, %ge3A_382 : vector<16xi32>
          %lt3A_384 = arith.constant 6400 : i32
          %lt3A_385 = vector.broadcast %lt3A_384 : i32 to vector<16xi32>
          %lt3A_386 = arith.cmpi slt, %sub3A_380, %lt3A_385 : vector<16xi32>
          %and3A_387 = arith.andi %ge3A_383, %lt3A_386 : vector<16xi1>
          %add3A_388 = arith.constant 80 : i32
          %add3A_389 = vector.broadcast %add3A_388 : i32 to vector<16xi32>
          %add3A_390 = arith.addi %add3A_389, %iota3A : vector<16xi32>
          %lt3A_391 = vector.broadcast %sub3A_263 : i32 to vector<16xi32>
          %lt3A_392 = arith.cmpi slt, %add3A_390, %lt3A_391 : vector<16xi32>
          %and3A_393 = arith.andi %and3A_387, %lt3A_392 : vector<16xi1>
          %broadcast_in_dim3A_394 = vector.broadcast %add3A_43 : i32 to vector<16xi32>
          %select_n3A_395 = arith.select %and3A_393, %sub3A_380, %broadcast_in_dim3A_394 : vector<16xi1>, vector<16xi32>
          %swap3A_396 = arith.constant 0 : i32
          %swap3A_397 = arith.index_cast %swap3A_396 : i32 to index
          %swap3A_398 = arith.constant 80 : index
          %swap3A_399 = tpu.vector_load %arg11[%swap3A_397, %swap3A_398] {strides = array<i32>} : memref<1x128xi32, #tpu.memory_space<vmem>>, vector<16xi32>,
          tpu.vector_store %arg11[%swap3A_397, %swap3A_398], %select_n3A_395 {strides = array<i32>} : memref<1x128xi32, #tpu.memory_space<vmem>>, vector<16xi32>,
          %get3A_400 = arith.constant 96 : index
          %get3A_401 = tpu.vector_load %arg10[%get3A_400] {strides = array<i32>} : memref<128xi32, #tpu.memory_space<vmem>>, vector<16xi32>,
          %sub3A_402 = vector.broadcast %add3A_41 : i32 to vector<16xi32>
          %sub3A_403 = arith.subi %get3A_401, %sub3A_402 : vector<16xi32>
          %ge3A_404 = arith.constant 0 : i32
          %ge3A_405 = vector.broadcast %ge3A_404 : i32 to vector<16xi32>
          %ge3A_406 = arith.cmpi sge, %sub3A_403, %ge3A_405 : vector<16xi32>
          %lt3A_407 = arith.constant 6400 : i32
          %lt3A_408 = vector.broadcast %lt3A_407 : i32 to vector<16xi32>
          %lt3A_409 = arith.cmpi slt, %sub3A_403, %lt3A_408 : vector<16xi32>
          %and3A_410 = arith.andi %ge3A_406, %lt3A_409 : vector<16xi1>
          %add3A_411 = arith.constant 96 : i32
          %add3A_412 = vector.broadcast %add3A_411 : i32 to vector<16xi32>
          %add3A_413 = arith.addi %add3A_412, %iota3A : vector<16xi32>
          %lt3A_414 = vector.broadcast %sub3A_263 : i32 to vector<16xi32>
          %lt3A_415 = arith.cmpi slt, %add3A_413, %lt3A_414 : vector<16xi32>
          %and3A_416 = arith.andi %and3A_410, %lt3A_415 : vector<16xi1>
          %broadcast_in_dim3A_417 = vector.broadcast %add3A_43 : i32 to vector<16xi32>
          %select_n3A_418 = arith.select %and3A_416, %sub3A_403, %broadcast_in_dim3A_417 : vector<16xi1>, vector<16xi32>
          %swap3A_419 = arith.constant 0 : i32
          %swap3A_420 = arith.index_cast %swap3A_419 : i32 to index
          %swap3A_421 = arith.constant 96 : index
          %swap3A_422 = tpu.vector_load %arg11[%swap3A_420, %swap3A_421] {strides = array<i32>} : memref<1x128xi32, #tpu.memory_space<vmem>>, vector<16xi32>,
          tpu.vector_store %arg11[%swap3A_420, %swap3A_421], %select_n3A_418 {strides = array<i32>} : memref<1x128xi32, #tpu.memory_space<vmem>>, vector<16xi32>,
          %get3A_423 = arith.constant 112 : index
          %get3A_424 = tpu.vector_load %arg10[%get3A_423] {strides = array<i32>} : memref<128xi32, #tpu.memory_space<vmem>>, vector<16xi32>,
          %sub3A_425 = vector.broadcast %add3A_41 : i32 to vector<16xi32>
          %sub3A_426 = arith.subi %get3A_424, %sub3A_425 : vector<16xi32>
          %ge3A_427 = arith.constant 0 : i32
          %ge3A_428 = vector.broadcast %ge3A_427 : i32 to vector<16xi32>
          %ge3A_429 = arith.cmpi sge, %sub3A_426, %ge3A_428 : vector<16xi32>
          %lt3A_430 = arith.constant 6400 : i32
          %lt3A_431 = vector.broadcast %lt3A_430 : i32 to vector<16xi32>
          %lt3A_432 = arith.cmpi slt, %sub3A_426, %lt3A_431 : vector<16xi32>
          %and3A_433 = arith.andi %ge3A_429, %lt3A_432 : vector<16xi1>
          %add3A_434 = arith.constant 112 : i32
          %add3A_435 = vector.broadcast %add3A_434 : i32 to vector<16xi32>
          %add3A_436 = arith.addi %add3A_435, %iota3A : vector<16xi32>
          %lt3A_437 = vector.broadcast %sub3A_263 : i32 to vector<16xi32>
          %lt3A_438 = arith.cmpi slt, %add3A_436, %lt3A_437 : vector<16xi32>
          %and3A_439 = arith.andi %and3A_433, %lt3A_438 : vector<16xi1>
          %broadcast_in_dim3A_440 = vector.broadcast %add3A_43 : i32 to vector<16xi32>
          %select_n3A_441 = arith.select %and3A_439, %sub3A_426, %broadcast_in_dim3A_440 : vector<16xi1>, vector<16xi32>
          %swap3A_442 = arith.constant 0 : i32
          %swap3A_443 = arith.index_cast %swap3A_442 : i32 to index
          %swap3A_444 = arith.constant 112 : index
          %swap3A_445 = tpu.vector_load %arg11[%swap3A_443, %swap3A_444] {strides = array<i32>} : memref<1x128xi32, #tpu.memory_space<vmem>>, vector<16xi32>,
          tpu.vector_store %arg11[%swap3A_443, %swap3A_444], %select_n3A_441 {strides = array<i32>} : memref<1x128xi32, #tpu.memory_space<vmem>>, vector<16xi32>,
          %dma_wait3A_446 = tpu.memref_slice %arg8[%mul3A_245] : memref<8352xi32, #tpu.memory_space<vmem>> -> memref<128xi32, #tpu.memory_space<vmem>>
          %dma_wait3A_447 = arith.constant 0 : i32
          %dma_wait3A_448 = arith.constant 0 : i32
          %dma_wait3A_449 = tpu.memref_slice %arg3[%dma_wait3A_447, %dma_wait3A_448] : memref<1280000x128xf32, #tpu.memory_space<hbm>> -> memref<1280000x128xf32, #tpu.memory_space<hbm>>
          tpu.wait_indirect_dma semaphore(%arg16 : memref<!tpu.dma_semaphore, #tpu.memory_space<semaphore_mem>>) src(%dma_wait3A_449 : memref<1280000x128xf32, #tpu.memory_space<hbm>>) dst(%arg13 : memref<128x128xf32, #tpu.memory_space<vmem>>)
          %dma_wait3A_450 = arith.constant 0 : i32
          %dma_wait3A_451 = arith.constant 0 : i32
          %dma_wait3A_452 = tpu.memref_slice %arg2[%dma_wait3A_450, %dma_wait3A_451] : memref<320000x128xf32, #tpu.memory_space<hbm>> -> memref<320000x128xf32, #tpu.memory_space<hbm>>
          tpu.wait_indirect_dma semaphore(%arg16 : memref<!tpu.dma_semaphore, #tpu.memory_space<semaphore_mem>>) src(%dma_wait3A_452 : memref<320000x128xf32, #tpu.memory_space<hbm>>) dst(%arg12 : memref<128x128xf32, #tpu.memory_space<vmem>>)
          %scan3A_453 = arith.constant 0 : i32
          %scan3A_454 = arith.constant 0 : i32
          %scan3A_455 = arith.constant 32 : i32
          %scan3A_456 = arith.addi %scan3A_454, %scan3A_455 : i32
          %scan3A_457 = arith.constant 1 : i32
          scf.for %scan3A_459 = %scan3A_454 to %scan3A_456 step %scan3A_457  : i32 {
            %mul3A_460 = arith.constant 4 : i32
            %mul3A_461 = arith.muli %scan3A_459, %mul3A_460 : i32
            %add3A_462 = arith.constant 0 : i32
            %add3A_463 = arith.addi %mul3A_461, %add3A_462 : i32
            %get3A_464 = arith.index_cast %add3A_463 : i32 to index
            %get3A_465 = arith.constant 0 : index
            %get3A_466 = tpu.vector_load %arg12[%get3A_464, %get3A_465] {strides = array<i32>} : memref<128x128xf32, #tpu.memory_space<vmem>>, vector<16xf32>,
            %mul3A_467 = arith.constant 4 : i32
            %mul3A_468 = arith.muli %scan3A_459, %mul3A_467 : i32
            %add3A_469 = arith.constant 0 : i32
            %add3A_470 = arith.addi %mul3A_468, %add3A_469 : i32
            %get3A_471 = arith.index_cast %add3A_470 : i32 to index
            %get3A_472 = arith.constant 0 : index
            %get3A_473 = tpu.vector_load %arg13[%get3A_471, %get3A_472] {strides = array<i32>} : memref<128x128xf32, #tpu.memory_space<vmem>>, vector<16xf32>,
            %mul3A_474 = arith.mulf %get3A_466, %get3A_473 : vector<16xf32>
            %mul3A_475 = arith.constant 4 : i32
            %mul3A_476 = arith.muli %scan3A_459, %mul3A_475 : i32
            %add3A_477 = arith.constant 0 : i32
            %add3A_478 = arith.addi %mul3A_476, %add3A_477 : i32
            %swap3A_479 = arith.index_cast %add3A_478 : i32 to index
            %swap3A_480 = arith.constant 0 : index
            %swap3A_481 = tpu.vector_load %arg13[%swap3A_479, %swap3A_480] {strides = array<i32>} : memref<128x128xf32, #tpu.memory_space<vmem>>, vector<16xf32>,
            tpu.vector_store %arg13[%swap3A_479, %swap3A_480], %mul3A_474 {strides = array<i32>} : memref<128x128xf32, #tpu.memory_space<vmem>>, vector<16xf32>,
            %mul3A_482 = arith.constant 4 : i32
            %mul3A_483 = arith.muli %scan3A_459, %mul3A_482 : i32
            %add3A_484 = arith.constant 0 : i32
            %add3A_485 = arith.addi %mul3A_483, %add3A_484 : i32
            %get3A_486 = arith.index_cast %add3A_485 : i32 to index
            %get3A_487 = arith.constant 16 : index
            %get3A_488 = tpu.vector_load %arg12[%get3A_486, %get3A_487] {strides = array<i32>} : memref<128x128xf32, #tpu.memory_space<vmem>>, vector<16xf32>,
            %mul3A_489 = arith.constant 4 : i32
            %mul3A_490 = arith.muli %scan3A_459, %mul3A_489 : i32
            %add3A_491 = arith.constant 0 : i32
            %add3A_492 = arith.addi %mul3A_490, %add3A_491 : i32
            %get3A_493 = arith.index_cast %add3A_492 : i32 to index
            %get3A_494 = arith.constant 16 : index
            %get3A_495 = tpu.vector_load %arg13[%get3A_493, %get3A_494] {strides = array<i32>} : memref<128x128xf32, #tpu.memory_space<vmem>>, vector<16xf32>,
            %mul3A_496 = arith.mulf %get3A_488, %get3A_495 : vector<16xf32>
            %mul3A_497 = arith.constant 4 : i32
            %mul3A_498 = arith.muli %scan3A_459, %mul3A_497 : i32
            %add3A_499 = arith.constant 0 : i32
            %add3A_500 = arith.addi %mul3A_498, %add3A_499 : i32
            %swap3A_501 = arith.index_cast %add3A_500 : i32 to index
            %swap3A_502 = arith.constant 16 : index
            %swap3A_503 = tpu.vector_load %arg13[%swap3A_501, %swap3A_502] {strides = array<i32>} : memref<128x128xf32, #tpu.memory_space<vmem>>, vector<16xf32>,
            tpu.vector_store %arg13[%swap3A_501, %swap3A_502], %mul3A_496 {strides = array<i32>} : memref<128x128xf32, #tpu.memory_space<vmem>>, vector<16xf32>,
            %mul3A_504 = arith.constant 4 : i32
            %mul3A_505 = arith.muli %scan3A_459, %mul3A_504 : i32
            %add3A_506 = arith.constant 0 : i32
            %add3A_507 = arith.addi %mul3A_505, %add3A_506 : i32
            %get3A_508 = arith.index_cast %add3A_507 : i32 to index
            %get3A_509 = arith.constant 32 : index
            %get3A_510 = tpu.vector_load %arg12[%get3A_508, %get3A_509] {strides = array<i32>} : memref<128x128xf32, #tpu.memory_space<vmem>>, vector<16xf32>,
            %mul3A_511 = arith.constant 4 : i32
            %mul3A_512 = arith.muli %scan3A_459, %mul3A_511 : i32
            %add3A_513 = arith.constant 0 : i32
            %add3A_514 = arith.addi %mul3A_512, %add3A_513 : i32
            %get3A_515 = arith.index_cast %add3A_514 : i32 to index
            %get3A_516 = arith.constant 32 : index
            %get3A_517 = tpu.vector_load %arg13[%get3A_515, %get3A_516] {strides = array<i32>} : memref<128x128xf32, #tpu.memory_space<vmem>>, vector<16xf32>,
            %mul3A_518 = arith.mulf %get3A_510, %get3A_517 : vector<16xf32>
            %mul3A_519 = arith.constant 4 : i32
            %mul3A_520 = arith.muli %scan3A_459, %mul3A_519 : i32
            %add3A_521 = arith.constant 0 : i32
            %add3A_522 = arith.addi %mul3A_520, %add3A_521 : i32
            %swap3A_523 = arith.index_cast %add3A_522 : i32 to index
            %swap3A_524 = arith.constant 32 : index
            %swap3A_525 = tpu.vector_load %arg13[%swap3A_523, %swap3A_524] {strides = array<i32>} : memref<128x128xf32, #tpu.memory_space<vmem>>, vector<16xf32>,
            tpu.vector_store %arg13[%swap3A_523, %swap3A_524], %mul3A_518 {strides = array<i32>} : memref<128x128xf32, #tpu.memory_space<vmem>>, vector<16xf32>,
            %mul3A_526 = arith.constant 4 : i32
            %mul3A_527 = arith.muli %scan3A_459, %mul3A_526 : i32
            %add3A_528 = arith.constant 0 : i32
            %add3A_529 = arith.addi %mul3A_527, %add3A_528 : i32
            %get3A_530 = arith.index_cast %add3A_529 : i32 to index
            %get3A_531 = arith.constant 48 : index
            %get3A_532 = tpu.vector_load %arg12[%get3A_530, %get3A_531] {strides = array<i32>} : memref<128x128xf32, #tpu.memory_space<vmem>>, vector<16xf32>,
            %mul3A_533 = arith.constant 4 : i32
            %mul3A_534 = arith.muli %scan3A_459, %mul3A_533 : i32
            %add3A_535 = arith.constant 0 : i32
            %add3A_536 = arith.addi %mul3A_534, %add3A_535 : i32
            %get3A_537 = arith.index_cast %add3A_536 : i32 to index
            %get3A_538 = arith.constant 48 : index
            %get3A_539 = tpu.vector_load %arg13[%get3A_537, %get3A_538] {strides = array<i32>} : memref<128x128xf32, #tpu.memory_space<vmem>>, vector<16xf32>,
            %mul3A_540 = arith.mulf %get3A_532, %get3A_539 : vector<16xf32>
            %mul3A_541 = arith.constant 4 : i32
            %mul3A_542 = arith.muli %scan3A_459, %mul3A_541 : i32
            %add3A_543 = arith.constant 0 : i32
            %add3A_544 = arith.addi %mul3A_542, %add3A_543 : i32
            %swap3A_545 = arith.index_cast %add3A_544 : i32 to index
            %swap3A_546 = arith.constant 48 : index
            %swap3A_547 = tpu.vector_load %arg13[%swap3A_545, %swap3A_546] {strides = array<i32>} : memref<128x128xf32, #tpu.memory_space<vmem>>, vector<16xf32>,
            tpu.vector_store %arg13[%swap3A_545, %swap3A_546], %mul3A_540 {strides = array<i32>} : memref<128x128xf32, #tpu.memory_space<vmem>>, vector<16xf32>,
            %mul3A_548 = arith.constant 4 : i32
            %mul3A_549 = arith.muli %scan3A_459, %mul3A_548 : i32
            %add3A_550 = arith.constant 1 : i32
            %add3A_551 = arith.addi %mul3A_549, %add3A_550 : i32
            %get3A_552 = arith.index_cast %add3A_551 : i32 to index
            %get3A_553 = arith.constant 0 : index
            %get3A_554 = tpu.vector_load %arg12[%get3A_552, %get3A_553] {strides = array<i32>} : memref<128x128xf32, #tpu.memory_space<vmem>>, vector<16xf32>,
            %mul3A_555 = arith.constant 4 : i32
            %mul3A_556 = arith.muli %scan3A_459, %mul3A_555 : i32
            %add3A_557 = arith.constant 1 : i32
            %add3A_558 = arith.addi %mul3A_556, %add3A_557 : i32
            %get3A_559 = arith.index_cast %add3A_558 : i32 to index
            %get3A_560 = arith.constant 0 : index
            %get3A_561 = tpu.vector_load %arg13[%get3A_559, %get3A_560] {strides = array<i32>} : memref<128x128xf32, #tpu.memory_space<vmem>>, vector<16xf32>,
            %mul3A_562 = arith.mulf %get3A_554, %get3A_561 : vector<16xf32>
            %mul3A_563 = arith.constant 4 : i32
            %mul3A_564 = arith.muli %scan3A_459, %mul3A_563 : i32
            %add3A_565 = arith.constant 1 : i32
            %add3A_566 = arith.addi %mul3A_564, %add3A_565 : i32
            %swap3A_567 = arith.index_cast %add3A_566 : i32 to index
            %swap3A_568 = arith.constant 0 : index
            %swap3A_569 = tpu.vector_load %arg13[%swap3A_567, %swap3A_568] {strides = array<i32>} : memref<128x128xf32, #tpu.memory_space<vmem>>, vector<16xf32>,
            tpu.vector_store %arg13[%swap3A_567, %swap3A_568], %mul3A_562 {strides = array<i32>} : memref<128x128xf32, #tpu.memory_space<vmem>>, vector<16xf32>,
            %mul3A_570 = arith.constant 4 : i32
            %mul3A_571 = arith.muli %scan3A_459, %mul3A_570 : i32
            %add3A_572 = arith.constant 1 : i32
            %add3A_573 = arith.addi %mul3A_571, %add3A_572 : i32
            %get3A_574 = arith.index_cast %add3A_573 : i32 to index
            %get3A_575 = arith.constant 16 : index
            %get3A_576 = tpu.vector_load %arg12[%get3A_574, %get3A_575] {strides = array<i32>} : memref<128x128xf32, #tpu.memory_space<vmem>>, vector<16xf32>,
            %mul3A_577 = arith.constant 4 : i32
            %mul3A_578 = arith.muli %scan3A_459, %mul3A_577 : i32
            %add3A_579 = arith.constant 1 : i32
            %add3A_580 = arith.addi %mul3A_578, %add3A_579 : i32
            %get3A_581 = arith.index_cast %add3A_580 : i32 to index
            %get3A_582 = arith.constant 16 : index
            %get3A_583 = tpu.vector_load %arg13[%get3A_581, %get3A_582] {strides = array<i32>} : memref<128x128xf32, #tpu.memory_space<vmem>>, vector<16xf32>,
            %mul3A_584 = arith.mulf %get3A_576, %get3A_583 : vector<16xf32>
            %mul3A_585 = arith.constant 4 : i32
            %mul3A_586 = arith.muli %scan3A_459, %mul3A_585 : i32
            %add3A_587 = arith.constant 1 : i32
            %add3A_588 = arith.addi %mul3A_586, %add3A_587 : i32
            %swap3A_589 = arith.index_cast %add3A_588 : i32 to index
            %swap3A_590 = arith.constant 16 : index
            %swap3A_591 = tpu.vector_load %arg13[%swap3A_589, %swap3A_590] {strides = array<i32>} : memref<128x128xf32, #tpu.memory_space<vmem>>, vector<16xf32>,
            tpu.vector_store %arg13[%swap3A_589, %swap3A_590], %mul3A_584 {strides = array<i32>} : memref<128x128xf32, #tpu.memory_space<vmem>>, vector<16xf32>,
            %mul3A_592 = arith.constant 4 : i32
            %mul3A_593 = arith.muli %scan3A_459, %mul3A_592 : i32
            %add3A_594 = arith.constant 1 : i32
            %add3A_595 = arith.addi %mul3A_593, %add3A_594 : i32
            %get3A_596 = arith.index_cast %add3A_595 : i32 to index
            %get3A_597 = arith.constant 32 : index
            %get3A_598 = tpu.vector_load %arg12[%get3A_596, %get3A_597] {strides = array<i32>} : memref<128x128xf32, #tpu.memory_space<vmem>>, vector<16xf32>,
            %mul3A_599 = arith.constant 4 : i32
            %mul3A_600 = arith.muli %scan3A_459, %mul3A_599 : i32
            %add3A_601 = arith.constant 1 : i32
            %add3A_602 = arith.addi %mul3A_600, %add3A_601 : i32
            %get3A_603 = arith.index_cast %add3A_602 : i32 to index
            %get3A_604 = arith.constant 32 : index
            %get3A_605 = tpu.vector_load %arg13[%get3A_603, %get3A_604] {strides = array<i32>} : memref<128x128xf32, #tpu.memory_space<vmem>>, vector<16xf32>,
            %mul3A_606 = arith.mulf %get3A_598, %get3A_605 : vector<16xf32>
            %mul3A_607 = arith.constant 4 : i32
            %mul3A_608 = arith.muli %scan3A_459, %mul3A_607 : i32
            %add3A_609 = arith.constant 1 : i32
            %add3A_610 = arith.addi %mul3A_608, %add3A_609 : i32
            %swap3A_611 = arith.index_cast %add3A_610 : i32 to index
            %swap3A_612 = arith.constant 32 : index
            %swap3A_613 = tpu.vector_load %arg13[%swap3A_611, %swap3A_612] {strides = array<i32>} : memref<128x128xf32, #tpu.memory_space<vmem>>, vector<16xf32>,
            tpu.vector_store %arg13[%swap3A_611, %swap3A_612], %mul3A_606 {strides = array<i32>} : memref<128x128xf32, #tpu.memory_space<vmem>>, vector<16xf32>,
            %mul3A_614 = arith.constant 4 : i32
            %mul3A_615 = arith.muli %scan3A_459, %mul3A_614 : i32
            %add3A_616 = arith.constant 1 : i32
            %add3A_617 = arith.addi %mul3A_615, %add3A_616 : i32
            %get3A_618 = arith.index_cast %add3A_617 : i32 to index
            %get3A_619 = arith.constant 48 : index
            %get3A_620 = tpu.vector_load %arg12[%get3A_618, %get3A_619] {strides = array<i32>} : memref<128x128xf32, #tpu.memory_space<vmem>>, vector<16xf32>,
            %mul3A_621 = arith.constant 4 : i32
            %mul3A_622 = arith.muli %scan3A_459, %mul3A_621 : i32
            %add3A_623 = arith.constant 1 : i32
            %add3A_624 = arith.addi %mul3A_622, %add3A_623 : i32
            %get3A_625 = arith.index_cast %add3A_624 : i32 to index
            %get3A_626 = arith.constant 48 : index
            %get3A_627 = tpu.vector_load %arg13[%get3A_625, %get3A_626] {strides = array<i32>} : memref<128x128xf32, #tpu.memory_space<vmem>>, vector<16xf32>,
            %mul3A_628 = arith.mulf %get3A_620, %get3A_627 : vector<16xf32>
            %mul3A_629 = arith.constant 4 : i32
            %mul3A_630 = arith.muli %scan3A_459, %mul3A_629 : i32
            %add3A_631 = arith.constant 1 : i32
            %add3A_632 = arith.addi %mul3A_630, %add3A_631 : i32
            %swap3A_633 = arith.index_cast %add3A_632 : i32 to index
            %swap3A_634 = arith.constant 48 : index
            %swap3A_635 = tpu.vector_load %arg13[%swap3A_633, %swap3A_634] {strides = array<i32>} : memref<128x128xf32, #tpu.memory_space<vmem>>, vector<16xf32>,
            tpu.vector_store %arg13[%swap3A_633, %swap3A_634], %mul3A_628 {strides = array<i32>} : memref<128x128xf32, #tpu.memory_space<vmem>>, vector<16xf32>,
            %mul3A_636 = arith.constant 4 : i32
            %mul3A_637 = arith.muli %scan3A_459, %mul3A_636 : i32
            %add3A_638 = arith.constant 2 : i32
            %add3A_639 = arith.addi %mul3A_637, %add3A_638 : i32
            %get3A_640 = arith.index_cast %add3A_639 : i32 to index
            %get3A_641 = arith.constant 0 : index
            %get3A_642 = tpu.vector_load %arg12[%get3A_640, %get3A_641] {strides = array<i32>} : memref<128x128xf32, #tpu.memory_space<vmem>>, vector<16xf32>,
            %mul3A_643 = arith.constant 4 : i32
            %mul3A_644 = arith.muli %scan3A_459, %mul3A_643 : i32
            %add3A_645 = arith.constant 2 : i32
            %add3A_646 = arith.addi %mul3A_644, %add3A_645 : i32
            %get3A_647 = arith.index_cast %add3A_646 : i32 to index
            %get3A_648 = arith.constant 0 : index
            %get3A_649 = tpu.vector_load %arg13[%get3A_647, %get3A_648] {strides = array<i32>} : memref<128x128xf32, #tpu.memory_space<vmem>>, vector<16xf32>,
            %mul3A_650 = arith.mulf %get3A_642, %get3A_649 : vector<16xf32>
            %mul3A_651 = arith.constant 4 : i32
            %mul3A_652 = arith.muli %scan3A_459, %mul3A_651 : i32
            %add3A_653 = arith.constant 2 : i32
            %add3A_654 = arith.addi %mul3A_652, %add3A_653 : i32
            %swap3A_655 = arith.index_cast %add3A_654 : i32 to index
            %swap3A_656 = arith.constant 0 : index
            %swap3A_657 = tpu.vector_load %arg13[%swap3A_655, %swap3A_656] {strides = array<i32>} : memref<128x128xf32, #tpu.memory_space<vmem>>, vector<16xf32>,
            tpu.vector_store %arg13[%swap3A_655, %swap3A_656], %mul3A_650 {strides = array<i32>} : memref<128x128xf32, #tpu.memory_space<vmem>>, vector<16xf32>,
            %mul3A_658 = arith.constant 4 : i32
            %mul3A_659 = arith.muli %scan3A_459, %mul3A_658 : i32
            %add3A_660 = arith.constant 2 : i32
            %add3A_661 = arith.addi %mul3A_659, %add3A_660 : i32
            %get3A_662 = arith.index_cast %add3A_661 : i32 to index
            %get3A_663 = arith.constant 16 : index
            %get3A_664 = tpu.vector_load %arg12[%get3A_662, %get3A_663] {strides = array<i32>} : memref<128x128xf32, #tpu.memory_space<vmem>>, vector<16xf32>,
            %mul3A_665 = arith.constant 4 : i32
            %mul3A_666 = arith.muli %scan3A_459, %mul3A_665 : i32
            %add3A_667 = arith.constant 2 : i32
            %add3A_668 = arith.addi %mul3A_666, %add3A_667 : i32
            %get3A_669 = arith.index_cast %add3A_668 : i32 to index
            %get3A_670 = arith.constant 16 : index
            %get3A_671 = tpu.vector_load %arg13[%get3A_669, %get3A_670] {strides = array<i32>} : memref<128x128xf32, #tpu.memory_space<vmem>>, vector<16xf32>,
            %mul3A_672 = arith.mulf %get3A_664, %get3A_671 : vector<16xf32>
            %mul3A_673 = arith.constant 4 : i32
            %mul3A_674 = arith.muli %scan3A_459, %mul3A_673 : i32
            %add3A_675 = arith.constant 2 : i32
            %add3A_676 = arith.addi %mul3A_674, %add3A_675 : i32
            %swap3A_677 = arith.index_cast %add3A_676 : i32 to index
            %swap3A_678 = arith.constant 16 : index
            %swap3A_679 = tpu.vector_load %arg13[%swap3A_677, %swap3A_678] {strides = array<i32>} : memref<128x128xf32, #tpu.memory_space<vmem>>, vector<16xf32>,
            tpu.vector_store %arg13[%swap3A_677, %swap3A_678], %mul3A_672 {strides = array<i32>} : memref<128x128xf32, #tpu.memory_space<vmem>>, vector<16xf32>,
            %mul3A_680 = arith.constant 4 : i32
            %mul3A_681 = arith.muli %scan3A_459, %mul3A_680 : i32
            %add3A_682 = arith.constant 2 : i32
            %add3A_683 = arith.addi %mul3A_681, %add3A_682 : i32
            %get3A_684 = arith.index_cast %add3A_683 : i32 to index
            %get3A_685 = arith.constant 32 : index
            %get3A_686 = tpu.vector_load %arg12[%get3A_684, %get3A_685] {strides = array<i32>} : memref<128x128xf32, #tpu.memory_space<vmem>>, vector<16xf32>,
            %mul3A_687 = arith.constant 4 : i32
            %mul3A_688 = arith.muli %scan3A_459, %mul3A_687 : i32
            %add3A_689 = arith.constant 2 : i32
            %add3A_690 = arith.addi %mul3A_688, %add3A_689 : i32
            %get3A_691 = arith.index_cast %add3A_690 : i32 to index
            %get3A_692 = arith.constant 32 : index
            %get3A_693 = tpu.vector_load %arg13[%get3A_691, %get3A_692] {strides = array<i32>} : memref<128x128xf32, #tpu.memory_space<vmem>>, vector<16xf32>,
            %mul3A_694 = arith.mulf %get3A_686, %get3A_693 : vector<16xf32>
            %mul3A_695 = arith.constant 4 : i32
            %mul3A_696 = arith.muli %scan3A_459, %mul3A_695 : i32
            %add3A_697 = arith.constant 2 : i32
            %add3A_698 = arith.addi %mul3A_696, %add3A_697 : i32
            %swap3A_699 = arith.index_cast %add3A_698 : i32 to index
            %swap3A_700 = arith.constant 32 : index
            %swap3A_701 = tpu.vector_load %arg13[%swap3A_699, %swap3A_700] {strides = array<i32>} : memref<128x128xf32, #tpu.memory_space<vmem>>, vector<16xf32>,
            tpu.vector_store %arg13[%swap3A_699, %swap3A_700], %mul3A_694 {strides = array<i32>} : memref<128x128xf32, #tpu.memory_space<vmem>>, vector<16xf32>,
            %mul3A_702 = arith.constant 4 : i32
            %mul3A_703 = arith.muli %scan3A_459, %mul3A_702 : i32
            %add3A_704 = arith.constant 2 : i32
            %add3A_705 = arith.addi %mul3A_703, %add3A_704 : i32
            %get3A_706 = arith.index_cast %add3A_705 : i32 to index
            %get3A_707 = arith.constant 48 : index
            %get3A_708 = tpu.vector_load %arg12[%get3A_706, %get3A_707] {strides = array<i32>} : memref<128x128xf32, #tpu.memory_space<vmem>>, vector<16xf32>,
            %mul3A_709 = arith.constant 4 : i32
            %mul3A_710 = arith.muli %scan3A_459, %mul3A_709 : i32
            %add3A_711 = arith.constant 2 : i32
            %add3A_712 = arith.addi %mul3A_710, %add3A_711 : i32
            %get3A_713 = arith.index_cast %add3A_712 : i32 to index
            %get3A_714 = arith.constant 48 : index
            %get3A_715 = tpu.vector_load %arg13[%get3A_713, %get3A_714] {strides = array<i32>} : memref<128x128xf32, #tpu.memory_space<vmem>>, vector<16xf32>,
            %mul3A_716 = arith.mulf %get3A_708, %get3A_715 : vector<16xf32>
            %mul3A_717 = arith.constant 4 : i32
            %mul3A_718 = arith.muli %scan3A_459, %mul3A_717 : i32
            %add3A_719 = arith.constant 2 : i32
            %add3A_720 = arith.addi %mul3A_718, %add3A_719 : i32
            %swap3A_721 = arith.index_cast %add3A_720 : i32 to index
            %swap3A_722 = arith.constant 48 : index
            %swap3A_723 = tpu.vector_load %arg13[%swap3A_721, %swap3A_722] {strides = array<i32>} : memref<128x128xf32, #tpu.memory_space<vmem>>, vector<16xf32>,
            tpu.vector_store %arg13[%swap3A_721, %swap3A_722], %mul3A_716 {strides = array<i32>} : memref<128x128xf32, #tpu.memory_space<vmem>>, vector<16xf32>,
            %mul3A_724 = arith.constant 4 : i32
            %mul3A_725 = arith.muli %scan3A_459, %mul3A_724 : i32
            %add3A_726 = arith.constant 3 : i32
            %add3A_727 = arith.addi %mul3A_725, %add3A_726 : i32
            %get3A_728 = arith.index_cast %add3A_727 : i32 to index
            %get3A_729 = arith.constant 0 : index
            %get3A_730 = tpu.vector_load %arg12[%get3A_728, %get3A_729] {strides = array<i32>} : memref<128x128xf32, #tpu.memory_space<vmem>>, vector<16xf32>,
            %mul3A_731 = arith.constant 4 : i32
            %mul3A_732 = arith.muli %scan3A_459, %mul3A_731 : i32
            %add3A_733 = arith.constant 3 : i32
            %add3A_734 = arith.addi %mul3A_732, %add3A_733 : i32
            %get3A_735 = arith.index_cast %add3A_734 : i32 to index
            %get3A_736 = arith.constant 0 : index
            %get3A_737 = tpu.vector_load %arg13[%get3A_735, %get3A_736] {strides = array<i32>} : memref<128x128xf32, #tpu.memory_space<vmem>>, vector<16xf32>,
            %mul3A_738 = arith.mulf %get3A_730, %get3A_737 : vector<16xf32>
            %mul3A_739 = arith.constant 4 : i32
            %mul3A_740 = arith.muli %scan3A_459, %mul3A_739 : i32
            %add3A_741 = arith.constant 3 : i32
            %add3A_742 = arith.addi %mul3A_740, %add3A_741 : i32
            %swap3A_743 = arith.index_cast %add3A_742 : i32 to index
            %swap3A_744 = arith.constant 0 : index
            %swap3A_745 = tpu.vector_load %arg13[%swap3A_743, %swap3A_744] {strides = array<i32>} : memref<128x128xf32, #tpu.memory_space<vmem>>, vector<16xf32>,
            tpu.vector_store %arg13[%swap3A_743, %swap3A_744], %mul3A_738 {strides = array<i32>} : memref<128x128xf32, #tpu.memory_space<vmem>>, vector<16xf32>,
            %mul3A_746 = arith.constant 4 : i32
            %mul3A_747 = arith.muli %scan3A_459, %mul3A_746 : i32
            %add3A_748 = arith.constant 3 : i32
            %add3A_749 = arith.addi %mul3A_747, %add3A_748 : i32
            %get3A_750 = arith.index_cast %add3A_749 : i32 to index
            %get3A_751 = arith.constant 16 : index
            %get3A_752 = tpu.vector_load %arg12[%get3A_750, %get3A_751] {strides = array<i32>} : memref<128x128xf32, #tpu.memory_space<vmem>>, vector<16xf32>,
            %mul3A_753 = arith.constant 4 : i32
            %mul3A_754 = arith.muli %scan3A_459, %mul3A_753 : i32
            %add3A_755 = arith.constant 3 : i32
            %add3A_756 = arith.addi %mul3A_754, %add3A_755 : i32
            %get3A_757 = arith.index_cast %add3A_756 : i32 to index
            %get3A_758 = arith.constant 16 : index
            %get3A_759 = tpu.vector_load %arg13[%get3A_757, %get3A_758] {strides = array<i32>} : memref<128x128xf32, #tpu.memory_space<vmem>>, vector<16xf32>,
            %mul3A_760 = arith.mulf %get3A_752, %get3A_759 : vector<16xf32>
            %mul3A_761 = arith.constant 4 : i32
            %mul3A_762 = arith.muli %scan3A_459, %mul3A_761 : i32
            %add3A_763 = arith.constant 3 : i32
            %add3A_764 = arith.addi %mul3A_762, %add3A_763 : i32
            %swap3A_765 = arith.index_cast %add3A_764 : i32 to index
            %swap3A_766 = arith.constant 16 : index
            %swap3A_767 = tpu.vector_load %arg13[%swap3A_765, %swap3A_766] {strides = array<i32>} : memref<128x128xf32, #tpu.memory_space<vmem>>, vector<16xf32>,
            tpu.vector_store %arg13[%swap3A_765, %swap3A_766], %mul3A_760 {strides = array<i32>} : memref<128x128xf32, #tpu.memory_space<vmem>>, vector<16xf32>,
            %mul3A_768 = arith.constant 4 : i32
            %mul3A_769 = arith.muli %scan3A_459, %mul3A_768 : i32
            %add3A_770 = arith.constant 3 : i32
            %add3A_771 = arith.addi %mul3A_769, %add3A_770 : i32
            %get3A_772 = arith.index_cast %add3A_771 : i32 to index
            %get3A_773 = arith.constant 32 : index
            %get3A_774 = tpu.vector_load %arg12[%get3A_772, %get3A_773] {strides = array<i32>} : memref<128x128xf32, #tpu.memory_space<vmem>>, vector<16xf32>,
            %mul3A_775 = arith.constant 4 : i32
            %mul3A_776 = arith.muli %scan3A_459, %mul3A_775 : i32
            %add3A_777 = arith.constant 3 : i32
            %add3A_778 = arith.addi %mul3A_776, %add3A_777 : i32
            %get3A_779 = arith.index_cast %add3A_778 : i32 to index
            %get3A_780 = arith.constant 32 : index
            %get3A_781 = tpu.vector_load %arg13[%get3A_779, %get3A_780] {strides = array<i32>} : memref<128x128xf32, #tpu.memory_space<vmem>>, vector<16xf32>,
            %mul3A_782 = arith.mulf %get3A_774, %get3A_781 : vector<16xf32>
            %mul3A_783 = arith.constant 4 : i32
            %mul3A_784 = arith.muli %scan3A_459, %mul3A_783 : i32
            %add3A_785 = arith.constant 3 : i32
            %add3A_786 = arith.addi %mul3A_784, %add3A_785 : i32
            %swap3A_787 = arith.index_cast %add3A_786 : i32 to index
            %swap3A_788 = arith.constant 32 : index
            %swap3A_789 = tpu.vector_load %arg13[%swap3A_787, %swap3A_788] {strides = array<i32>} : memref<128x128xf32, #tpu.memory_space<vmem>>, vector<16xf32>,
            tpu.vector_store %arg13[%swap3A_787, %swap3A_788], %mul3A_782 {strides = array<i32>} : memref<128x128xf32, #tpu.memory_space<vmem>>, vector<16xf32>,
            %mul3A_790 = arith.constant 4 : i32
            %mul3A_791 = arith.muli %scan3A_459, %mul3A_790 : i32
            %add3A_792 = arith.constant 3 : i32
            %add3A_793 = arith.addi %mul3A_791, %add3A_792 : i32
            %get3A_794 = arith.index_cast %add3A_793 : i32 to index
            %get3A_795 = arith.constant 48 : index
            %get3A_796 = tpu.vector_load %arg12[%get3A_794, %get3A_795] {strides = array<i32>} : memref<128x128xf32, #tpu.memory_space<vmem>>, vector<16xf32>,
            %mul3A_797 = arith.constant 4 : i32
            %mul3A_798 = arith.muli %scan3A_459, %mul3A_797 : i32
            %add3A_799 = arith.constant 3 : i32
            %add3A_800 = arith.addi %mul3A_798, %add3A_799 : i32
            %get3A_801 = arith.index_cast %add3A_800 : i32 to index
            %get3A_802 = arith.constant 48 : index
            %get3A_803 = tpu.vector_load %arg13[%get3A_801, %get3A_802] {strides = array<i32>} : memref<128x128xf32, #tpu.memory_space<vmem>>, vector<16xf32>,
            %mul3A_804 = arith.mulf %get3A_796, %get3A_803 : vector<16xf32>
            %mul3A_805 = arith.constant 4 : i32
            %mul3A_806 = arith.muli %scan3A_459, %mul3A_805 : i32
            %add3A_807 = arith.constant 3 : i32
            %add3A_808 = arith.addi %mul3A_806, %add3A_807 : i32
            %swap3A_809 = arith.index_cast %add3A_808 : i32 to index
            %swap3A_810 = arith.constant 48 : index
            %swap3A_811 = tpu.vector_load %arg13[%swap3A_809, %swap3A_810] {strides = array<i32>} : memref<128x128xf32, #tpu.memory_space<vmem>>, vector<16xf32>,
            tpu.vector_store %arg13[%swap3A_809, %swap3A_810], %mul3A_804 {strides = array<i32>} : memref<128x128xf32, #tpu.memory_space<vmem>>, vector<16xf32>,
          }
          %scan3A_458 = arith.constant 32 : i32
          %run_scoped3A = arith.constant 0 : i32
          "tpu.region"() ({
            %run_scoped3A_459 = tpu.sem_alloc : memref<!tpu.dma_semaphore, #tpu.memory_space<semaphore_mem>>
            %dma_start3A_460 = arith.constant 0 : i32
            %dma_start3A_461 = tpu.memref_slice %arg11[%run_scoped3A, %dma_start3A_460] : memref<1x128xi32, #tpu.memory_space<vmem>> -> memref<1x128xi32, #tpu.memory_space<vmem>>
            %dma_start3A_462 = tpu.memref_squeeze %dma_start3A_461 : memref<1x128xi32, #tpu.memory_space<vmem>> -> memref<128xi32, #tpu.memory_space<vmem>>
            %dma_start3A_463 = arith.constant 0 : i32
            %dma_start3A_464 = arith.constant 0 : i32
            %dma_start3A_465 = tpu.memref_slice %arg15[%dma_start3A_463, %dma_start3A_464] : memref<6416x128xf32, #tpu.memory_space<vmem_shared>> -> memref<6416x128xf32, #tpu.memory_space<vmem_shared>>
            tpu.enqueue_indirect_dma source(%arg13 : memref<128x128xf32, #tpu.memory_space<vmem>>) target(%dma_start3A_465 : memref<6416x128xf32, #tpu.memory_space<vmem_shared>>) offsets(%dma_start3A_462 : memref<128xi32, #tpu.memory_space<vmem>>) semaphore(%run_scoped3A_459 : memref<!tpu.dma_semaphore, #tpu.memory_space<semaphore_mem>>) {add = true}
            %dma_wait3A_466 = arith.constant 0 : i32
            %dma_wait3A_467 = tpu.memref_slice %arg11[%run_scoped3A, %dma_wait3A_466] : memref<1x128xi32, #tpu.memory_space<vmem>> -> memref<1x128xi32, #tpu.memory_space<vmem>>
            %dma_wait3A_468 = tpu.memref_squeeze %dma_wait3A_467 : memref<1x128xi32, #tpu.memory_space<vmem>> -> memref<128xi32, #tpu.memory_space<vmem>>
            %dma_wait3A_469 = arith.constant 0 : i32
            %dma_wait3A_470 = arith.constant 0 : i32
            %dma_wait3A_471 = tpu.memref_slice %arg15[%dma_wait3A_469, %dma_wait3A_470] : memref<6416x128xf32, #tpu.memory_space<vmem_shared>> -> memref<6416x128xf32, #tpu.memory_space<vmem_shared>>
            tpu.wait_indirect_dma semaphore(%run_scoped3A_459 : memref<!tpu.dma_semaphore, #tpu.memory_space<semaphore_mem>>) src(%arg13 : memref<128x128xf32, #tpu.memory_space<vmem>>) dst(%dma_wait3A_471 : memref<6416x128xf32, #tpu.memory_space<vmem_shared>>)
            tpu.yield
          }) : () -> ()
        }
        %while3A_242 = arith.constant 1 : i32
        scf.for %while3A_243 = %while3A_240 to %while3A_236 step %while3A_242  : i32 {
          %mul3A_244 = arith.constant 128 : i32
          %mul3A_245 = arith.muli %while3A_243, %mul3A_244 : i32
          %dma_start3A = tpu.memref_slice %arg8[%mul3A_245] : memref<8352xi32, #tpu.memory_space<vmem>> -> memref<128xi32, #tpu.memory_space<vmem>>
          %dma_start3A_246 = arith.constant 0 : i32
          %dma_start3A_247 = tpu.memref_slice %arg4[%dma_start3A_246] : memref<1280000xi32, #tpu.memory_space<hbm>> -> memref<1280000xi32, #tpu.memory_space<hbm>>
          tpu.enqueue_indirect_dma source(%dma_start3A_247 : memref<1280000xi32, #tpu.memory_space<hbm>>) target(%arg9 : memref<128xi32, #tpu.memory_space<vmem>>) offsets(%dma_start3A : memref<128xi32, #tpu.memory_space<vmem>>) semaphore(%arg16 : memref<!tpu.dma_semaphore, #tpu.memory_space<semaphore_mem>>)
          %dma_start3A_248 = tpu.memref_slice %arg8[%mul3A_245] : memref<8352xi32, #tpu.memory_space<vmem>> -> memref<128xi32, #tpu.memory_space<vmem>>
          %dma_start3A_249 = arith.constant 0 : i32
          %dma_start3A_250 = tpu.memref_slice %arg5[%dma_start3A_249] : memref<1280000xi32, #tpu.memory_space<hbm>> -> memref<1280000xi32, #tpu.memory_space<hbm>>
          tpu.enqueue_indirect_dma source(%dma_start3A_250 : memref<1280000xi32, #tpu.memory_space<hbm>>) target(%arg10 : memref<128xi32, #tpu.memory_space<vmem>>) offsets(%dma_start3A_248 : memref<128xi32, #tpu.memory_space<vmem>>) semaphore(%arg16 : memref<!tpu.dma_semaphore, #tpu.memory_space<semaphore_mem>>)
          %dma_start3A_251 = tpu.memref_slice %arg8[%mul3A_245] : memref<8352xi32, #tpu.memory_space<vmem>> -> memref<128xi32, #tpu.memory_space<vmem>>
          %dma_start3A_252 = arith.constant 0 : i32
          %dma_start3A_253 = arith.constant 0 : i32
          %dma_start3A_254 = tpu.memref_slice %arg3[%dma_start3A_252, %dma_start3A_253] : memref<1280000x128xf32, #tpu.memory_space<hbm>> -> memref<1280000x128xf32, #tpu.memory_space<hbm>>
          tpu.enqueue_indirect_dma source(%dma_start3A_254 : memref<1280000x128xf32, #tpu.memory_space<hbm>>) target(%arg13 : memref<128x128xf32, #tpu.memory_space<vmem>>) offsets(%dma_start3A_251 : memref<128xi32, #tpu.memory_space<vmem>>) semaphore(%arg16 : memref<!tpu.dma_semaphore, #tpu.memory_space<semaphore_mem>>)
          %dma_wait3A = tpu.memref_slice %arg8[%mul3A_245] : memref<8352xi32, #tpu.memory_space<vmem>> -> memref<128xi32, #tpu.memory_space<vmem>>
          %dma_wait3A_255 = arith.constant 0 : i32
          %dma_wait3A_256 = tpu.memref_slice %arg4[%dma_wait3A_255] : memref<1280000xi32, #tpu.memory_space<hbm>> -> memref<1280000xi32, #tpu.memory_space<hbm>>
          tpu.wait_indirect_dma semaphore(%arg16 : memref<!tpu.dma_semaphore, #tpu.memory_space<semaphore_mem>>) src(%dma_wait3A_256 : memref<1280000xi32, #tpu.memory_space<hbm>>) dst(%arg9 : memref<128xi32, #tpu.memory_space<vmem>>)
          %dma_start3A_257 = arith.constant 0 : i32
          %dma_start3A_258 = arith.constant 0 : i32
          %dma_start3A_259 = tpu.memref_slice %arg2[%dma_start3A_257, %dma_start3A_258] : memref<320000x128xf32, #tpu.memory_space<hbm>> -> memref<320000x128xf32, #tpu.memory_space<hbm>>
          tpu.enqueue_indirect_dma source(%dma_start3A_259 : memref<320000x128xf32, #tpu.memory_space<hbm>>) target(%arg12 : memref<128x128xf32, #tpu.memory_space<vmem>>) offsets(%arg9 : memref<128xi32, #tpu.memory_space<vmem>>) semaphore(%arg16 : memref<!tpu.dma_semaphore, #tpu.memory_space<semaphore_mem>>)
          %dma_wait3A_260 = tpu.memref_slice %arg8[%mul3A_245] : memref<8352xi32, #tpu.memory_space<vmem>> -> memref<128xi32, #tpu.memory_space<vmem>>
          %dma_wait3A_261 = arith.constant 0 : i32
          %dma_wait3A_262 = tpu.memref_slice %arg5[%dma_wait3A_261] : memref<1280000xi32, #tpu.memory_space<hbm>> -> memref<1280000xi32, #tpu.memory_space<hbm>>
          tpu.wait_indirect_dma semaphore(%arg16 : memref<!tpu.dma_semaphore, #tpu.memory_space<semaphore_mem>>) src(%dma_wait3A_262 : memref<1280000xi32, #tpu.memory_space<hbm>>) dst(%arg10 : memref<128xi32, #tpu.memory_space<vmem>>)
          %sub3A_263 = arith.subi %while3A_118, %mul3A_245 : i32
          %get3A = arith.constant 0 : index
          %get3A_264 = tpu.vector_load %arg10[%get3A] {strides = array<i32>} : memref<128xi32, #tpu.memory_space<vmem>>, vector<16xi32>,
          %sub3A_265 = vector.broadcast %add3A_41 : i32 to vector<16xi32>
          %sub3A_266 = arith.subi %get3A_264, %sub3A_265 : vector<16xi32>
          %ge3A = arith.constant 0 : i32
          %ge3A_267 = vector.broadcast %ge3A : i32 to vector<16xi32>
          %ge3A_268 = arith.cmpi sge, %sub3A_266, %ge3A_267 : vector<16xi32>
          %lt3A_269 = arith.constant 6400 : i32
          %lt3A_270 = vector.broadcast %lt3A_269 : i32 to vector<16xi32>
          %lt3A_271 = arith.cmpi slt, %sub3A_266, %lt3A_270 : vector<16xi32>
          %and3A_272 = arith.andi %ge3A_268, %lt3A_271 : vector<16xi1>
          %add3A_273 = arith.constant 0 : i32
          %add3A_274 = vector.broadcast %add3A_273 : i32 to vector<16xi32>
          %add3A_275 = arith.addi %add3A_274, %iota3A : vector<16xi32>
          %lt3A_276 = vector.broadcast %sub3A_263 : i32 to vector<16xi32>
          %lt3A_277 = arith.cmpi slt, %add3A_275, %lt3A_276 : vector<16xi32>
          %and3A_278 = arith.andi %and3A_272, %lt3A_277 : vector<16xi1>
          %broadcast_in_dim3A_279 = vector.broadcast %add3A_43 : i32 to vector<16xi32>
          %select_n3A_280 = arith.select %and3A_278, %sub3A_266, %broadcast_in_dim3A_279 : vector<16xi1>, vector<16xi32>
          %swap3A_281 = arith.constant 0 : i32
          %swap3A_282 = arith.index_cast %swap3A_281 : i32 to index
          %swap3A_283 = arith.constant 0 : index
          %swap3A_284 = tpu.vector_load %arg11[%swap3A_282, %swap3A_283] {strides = array<i32>} : memref<1x128xi32, #tpu.memory_space<vmem>>, vector<16xi32>,
          tpu.vector_store %arg11[%swap3A_282, %swap3A_283], %select_n3A_280 {strides = array<i32>} : memref<1x128xi32, #tpu.memory_space<vmem>>, vector<16xi32>,
          %get3A_285 = arith.constant 16 : index
          %get3A_286 = tpu.vector_load %arg10[%get3A_285] {strides = array<i32>} : memref<128xi32, #tpu.memory_space<vmem>>, vector<16xi32>,
          %sub3A_287 = vector.broadcast %add3A_41 : i32 to vector<16xi32>
          %sub3A_288 = arith.subi %get3A_286, %sub3A_287 : vector<16xi32>
          %ge3A_289 = arith.constant 0 : i32
          %ge3A_290 = vector.broadcast %ge3A_289 : i32 to vector<16xi32>
          %ge3A_291 = arith.cmpi sge, %sub3A_288, %ge3A_290 : vector<16xi32>
          %lt3A_292 = arith.constant 6400 : i32
          %lt3A_293 = vector.broadcast %lt3A_292 : i32 to vector<16xi32>
          %lt3A_294 = arith.cmpi slt, %sub3A_288, %lt3A_293 : vector<16xi32>
          %and3A_295 = arith.andi %ge3A_291, %lt3A_294 : vector<16xi1>
          %add3A_296 = arith.constant 16 : i32
          %add3A_297 = vector.broadcast %add3A_296 : i32 to vector<16xi32>
          %add3A_298 = arith.addi %add3A_297, %iota3A : vector<16xi32>
          %lt3A_299 = vector.broadcast %sub3A_263 : i32 to vector<16xi32>
          %lt3A_300 = arith.cmpi slt, %add3A_298, %lt3A_299 : vector<16xi32>
          %and3A_301 = arith.andi %and3A_295, %lt3A_300 : vector<16xi1>
          %broadcast_in_dim3A_302 = vector.broadcast %add3A_43 : i32 to vector<16xi32>
          %select_n3A_303 = arith.select %and3A_301, %sub3A_288, %broadcast_in_dim3A_302 : vector<16xi1>, vector<16xi32>
          %swap3A_304 = arith.constant 0 : i32
          %swap3A_305 = arith.index_cast %swap3A_304 : i32 to index
          %swap3A_306 = arith.constant 16 : index
          %swap3A_307 = tpu.vector_load %arg11[%swap3A_305, %swap3A_306] {strides = array<i32>} : memref<1x128xi32, #tpu.memory_space<vmem>>, vector<16xi32>,
          tpu.vector_store %arg11[%swap3A_305, %swap3A_306], %select_n3A_303 {strides = array<i32>} : memref<1x128xi32, #tpu.memory_space<vmem>>, vector<16xi32>,
          %get3A_308 = arith.constant 32 : index
          %get3A_309 = tpu.vector_load %arg10[%get3A_308] {strides = array<i32>} : memref<128xi32, #tpu.memory_space<vmem>>, vector<16xi32>,
          %sub3A_310 = vector.broadcast %add3A_41 : i32 to vector<16xi32>
          %sub3A_311 = arith.subi %get3A_309, %sub3A_310 : vector<16xi32>
          %ge3A_312 = arith.constant 0 : i32
          %ge3A_313 = vector.broadcast %ge3A_312 : i32 to vector<16xi32>
          %ge3A_314 = arith.cmpi sge, %sub3A_311, %ge3A_313 : vector<16xi32>
          %lt3A_315 = arith.constant 6400 : i32
          %lt3A_316 = vector.broadcast %lt3A_315 : i32 to vector<16xi32>
          %lt3A_317 = arith.cmpi slt, %sub3A_311, %lt3A_316 : vector<16xi32>
          %and3A_318 = arith.andi %ge3A_314, %lt3A_317 : vector<16xi1>
          %add3A_319 = arith.constant 32 : i32
          %add3A_320 = vector.broadcast %add3A_319 : i32 to vector<16xi32>
          %add3A_321 = arith.addi %add3A_320, %iota3A : vector<16xi32>
          %lt3A_322 = vector.broadcast %sub3A_263 : i32 to vector<16xi32>
          %lt3A_323 = arith.cmpi slt, %add3A_321, %lt3A_322 : vector<16xi32>
          %and3A_324 = arith.andi %and3A_318, %lt3A_323 : vector<16xi1>
          %broadcast_in_dim3A_325 = vector.broadcast %add3A_43 : i32 to vector<16xi32>
          %select_n3A_326 = arith.select %and3A_324, %sub3A_311, %broadcast_in_dim3A_325 : vector<16xi1>, vector<16xi32>
          %swap3A_327 = arith.constant 0 : i32
          %swap3A_328 = arith.index_cast %swap3A_327 : i32 to index
          %swap3A_329 = arith.constant 32 : index
          %swap3A_330 = tpu.vector_load %arg11[%swap3A_328, %swap3A_329] {strides = array<i32>} : memref<1x128xi32, #tpu.memory_space<vmem>>, vector<16xi32>,
          tpu.vector_store %arg11[%swap3A_328, %swap3A_329], %select_n3A_326 {strides = array<i32>} : memref<1x128xi32, #tpu.memory_space<vmem>>, vector<16xi32>,
          %get3A_331 = arith.constant 48 : index
          %get3A_332 = tpu.vector_load %arg10[%get3A_331] {strides = array<i32>} : memref<128xi32, #tpu.memory_space<vmem>>, vector<16xi32>,
          %sub3A_333 = vector.broadcast %add3A_41 : i32 to vector<16xi32>
          %sub3A_334 = arith.subi %get3A_332, %sub3A_333 : vector<16xi32>
          %ge3A_335 = arith.constant 0 : i32
          %ge3A_336 = vector.broadcast %ge3A_335 : i32 to vector<16xi32>
          %ge3A_337 = arith.cmpi sge, %sub3A_334, %ge3A_336 : vector<16xi32>
          %lt3A_338 = arith.constant 6400 : i32
          %lt3A_339 = vector.broadcast %lt3A_338 : i32 to vector<16xi32>
          %lt3A_340 = arith.cmpi slt, %sub3A_334, %lt3A_339 : vector<16xi32>
          %and3A_341 = arith.andi %ge3A_337, %lt3A_340 : vector<16xi1>
          %add3A_342 = arith.constant 48 : i32
          %add3A_343 = vector.broadcast %add3A_342 : i32 to vector<16xi32>
          %add3A_344 = arith.addi %add3A_343, %iota3A : vector<16xi32>
          %lt3A_345 = vector.broadcast %sub3A_263 : i32 to vector<16xi32>
          %lt3A_346 = arith.cmpi slt, %add3A_344, %lt3A_345 : vector<16xi32>
          %and3A_347 = arith.andi %and3A_341, %lt3A_346 : vector<16xi1>
          %broadcast_in_dim3A_348 = vector.broadcast %add3A_43 : i32 to vector<16xi32>
          %select_n3A_349 = arith.select %and3A_347, %sub3A_334, %broadcast_in_dim3A_348 : vector<16xi1>, vector<16xi32>
          %swap3A_350 = arith.constant 0 : i32
          %swap3A_351 = arith.index_cast %swap3A_350 : i32 to index
          %swap3A_352 = arith.constant 48 : index
          %swap3A_353 = tpu.vector_load %arg11[%swap3A_351, %swap3A_352] {strides = array<i32>} : memref<1x128xi32, #tpu.memory_space<vmem>>, vector<16xi32>,
          tpu.vector_store %arg11[%swap3A_351, %swap3A_352], %select_n3A_349 {strides = array<i32>} : memref<1x128xi32, #tpu.memory_space<vmem>>, vector<16xi32>,
          %get3A_354 = arith.constant 64 : index
          %get3A_355 = tpu.vector_load %arg10[%get3A_354] {strides = array<i32>} : memref<128xi32, #tpu.memory_space<vmem>>, vector<16xi32>,
          %sub3A_356 = vector.broadcast %add3A_41 : i32 to vector<16xi32>
          %sub3A_357 = arith.subi %get3A_355, %sub3A_356 : vector<16xi32>
          %ge3A_358 = arith.constant 0 : i32
          %ge3A_359 = vector.broadcast %ge3A_358 : i32 to vector<16xi32>
          %ge3A_360 = arith.cmpi sge, %sub3A_357, %ge3A_359 : vector<16xi32>
          %lt3A_361 = arith.constant 6400 : i32
          %lt3A_362 = vector.broadcast %lt3A_361 : i32 to vector<16xi32>
          %lt3A_363 = arith.cmpi slt, %sub3A_357, %lt3A_362 : vector<16xi32>
          %and3A_364 = arith.andi %ge3A_360, %lt3A_363 : vector<16xi1>
          %add3A_365 = arith.constant 64 : i32
          %add3A_366 = vector.broadcast %add3A_365 : i32 to vector<16xi32>
          %add3A_367 = arith.addi %add3A_366, %iota3A : vector<16xi32>
          %lt3A_368 = vector.broadcast %sub3A_263 : i32 to vector<16xi32>
          %lt3A_369 = arith.cmpi slt, %add3A_367, %lt3A_368 : vector<16xi32>
          %and3A_370 = arith.andi %and3A_364, %lt3A_369 : vector<16xi1>
          %broadcast_in_dim3A_371 = vector.broadcast %add3A_43 : i32 to vector<16xi32>
          %select_n3A_372 = arith.select %and3A_370, %sub3A_357, %broadcast_in_dim3A_371 : vector<16xi1>, vector<16xi32>
          %swap3A_373 = arith.constant 0 : i32
          %swap3A_374 = arith.index_cast %swap3A_373 : i32 to index
          %swap3A_375 = arith.constant 64 : index
          %swap3A_376 = tpu.vector_load %arg11[%swap3A_374, %swap3A_375] {strides = array<i32>} : memref<1x128xi32, #tpu.memory_space<vmem>>, vector<16xi32>,
          tpu.vector_store %arg11[%swap3A_374, %swap3A_375], %select_n3A_372 {strides = array<i32>} : memref<1x128xi32, #tpu.memory_space<vmem>>, vector<16xi32>,
          %get3A_377 = arith.constant 80 : index
          %get3A_378 = tpu.vector_load %arg10[%get3A_377] {strides = array<i32>} : memref<128xi32, #tpu.memory_space<vmem>>, vector<16xi32>,
          %sub3A_379 = vector.broadcast %add3A_41 : i32 to vector<16xi32>
          %sub3A_380 = arith.subi %get3A_378, %sub3A_379 : vector<16xi32>
          %ge3A_381 = arith.constant 0 : i32
          %ge3A_382 = vector.broadcast %ge3A_381 : i32 to vector<16xi32>
          %ge3A_383 = arith.cmpi sge, %sub3A_380, %ge3A_382 : vector<16xi32>
          %lt3A_384 = arith.constant 6400 : i32
          %lt3A_385 = vector.broadcast %lt3A_384 : i32 to vector<16xi32>
          %lt3A_386 = arith.cmpi slt, %sub3A_380, %lt3A_385 : vector<16xi32>
          %and3A_387 = arith.andi %ge3A_383, %lt3A_386 : vector<16xi1>
          %add3A_388 = arith.constant 80 : i32
          %add3A_389 = vector.broadcast %add3A_388 : i32 to vector<16xi32>
          %add3A_390 = arith.addi %add3A_389, %iota3A : vector<16xi32>
          %lt3A_391 = vector.broadcast %sub3A_263 : i32 to vector<16xi32>
          %lt3A_392 = arith.cmpi slt, %add3A_390, %lt3A_391 : vector<16xi32>
          %and3A_393 = arith.andi %and3A_387, %lt3A_392 : vector<16xi1>
          %broadcast_in_dim3A_394 = vector.broadcast %add3A_43 : i32 to vector<16xi32>
          %select_n3A_395 = arith.select %and3A_393, %sub3A_380, %broadcast_in_dim3A_394 : vector<16xi1>, vector<16xi32>
          %swap3A_396 = arith.constant 0 : i32
          %swap3A_397 = arith.index_cast %swap3A_396 : i32 to index
          %swap3A_398 = arith.constant 80 : index
          %swap3A_399 = tpu.vector_load %arg11[%swap3A_397, %swap3A_398] {strides = array<i32>} : memref<1x128xi32, #tpu.memory_space<vmem>>, vector<16xi32>,
          tpu.vector_store %arg11[%swap3A_397, %swap3A_398], %select_n3A_395 {strides = array<i32>} : memref<1x128xi32, #tpu.memory_space<vmem>>, vector<16xi32>,
          %get3A_400 = arith.constant 96 : index
          %get3A_401 = tpu.vector_load %arg10[%get3A_400] {strides = array<i32>} : memref<128xi32, #tpu.memory_space<vmem>>, vector<16xi32>,
          %sub3A_402 = vector.broadcast %add3A_41 : i32 to vector<16xi32>
          %sub3A_403 = arith.subi %get3A_401, %sub3A_402 : vector<16xi32>
          %ge3A_404 = arith.constant 0 : i32
          %ge3A_405 = vector.broadcast %ge3A_404 : i32 to vector<16xi32>
          %ge3A_406 = arith.cmpi sge, %sub3A_403, %ge3A_405 : vector<16xi32>
          %lt3A_407 = arith.constant 6400 : i32
          %lt3A_408 = vector.broadcast %lt3A_407 : i32 to vector<16xi32>
          %lt3A_409 = arith.cmpi slt, %sub3A_403, %lt3A_408 : vector<16xi32>
          %and3A_410 = arith.andi %ge3A_406, %lt3A_409 : vector<16xi1>
          %add3A_411 = arith.constant 96 : i32
          %add3A_412 = vector.broadcast %add3A_411 : i32 to vector<16xi32>
          %add3A_413 = arith.addi %add3A_412, %iota3A : vector<16xi32>
          %lt3A_414 = vector.broadcast %sub3A_263 : i32 to vector<16xi32>
          %lt3A_415 = arith.cmpi slt, %add3A_413, %lt3A_414 : vector<16xi32>
          %and3A_416 = arith.andi %and3A_410, %lt3A_415 : vector<16xi1>
          %broadcast_in_dim3A_417 = vector.broadcast %add3A_43 : i32 to vector<16xi32>
          %select_n3A_418 = arith.select %and3A_416, %sub3A_403, %broadcast_in_dim3A_417 : vector<16xi1>, vector<16xi32>
          %swap3A_419 = arith.constant 0 : i32
          %swap3A_420 = arith.index_cast %swap3A_419 : i32 to index
          %swap3A_421 = arith.constant 96 : index
          %swap3A_422 = tpu.vector_load %arg11[%swap3A_420, %swap3A_421] {strides = array<i32>} : memref<1x128xi32, #tpu.memory_space<vmem>>, vector<16xi32>,
          tpu.vector_store %arg11[%swap3A_420, %swap3A_421], %select_n3A_418 {strides = array<i32>} : memref<1x128xi32, #tpu.memory_space<vmem>>, vector<16xi32>,
          %get3A_423 = arith.constant 112 : index
          %get3A_424 = tpu.vector_load %arg10[%get3A_423] {strides = array<i32>} : memref<128xi32, #tpu.memory_space<vmem>>, vector<16xi32>,
          %sub3A_425 = vector.broadcast %add3A_41 : i32 to vector<16xi32>
          %sub3A_426 = arith.subi %get3A_424, %sub3A_425 : vector<16xi32>
          %ge3A_427 = arith.constant 0 : i32
          %ge3A_428 = vector.broadcast %ge3A_427 : i32 to vector<16xi32>
          %ge3A_429 = arith.cmpi sge, %sub3A_426, %ge3A_428 : vector<16xi32>
          %lt3A_430 = arith.constant 6400 : i32
          %lt3A_431 = vector.broadcast %lt3A_430 : i32 to vector<16xi32>
          %lt3A_432 = arith.cmpi slt, %sub3A_426, %lt3A_431 : vector<16xi32>
          %and3A_433 = arith.andi %ge3A_429, %lt3A_432 : vector<16xi1>
          %add3A_434 = arith.constant 112 : i32
          %add3A_435 = vector.broadcast %add3A_434 : i32 to vector<16xi32>
          %add3A_436 = arith.addi %add3A_435, %iota3A : vector<16xi32>
          %lt3A_437 = vector.broadcast %sub3A_263 : i32 to vector<16xi32>
          %lt3A_438 = arith.cmpi slt, %add3A_436, %lt3A_437 : vector<16xi32>
          %and3A_439 = arith.andi %and3A_433, %lt3A_438 : vector<16xi1>
          %broadcast_in_dim3A_440 = vector.broadcast %add3A_43 : i32 to vector<16xi32>
          %select_n3A_441 = arith.select %and3A_439, %sub3A_426, %broadcast_in_dim3A_440 : vector<16xi1>, vector<16xi32>
          %swap3A_442 = arith.constant 0 : i32
          %swap3A_443 = arith.index_cast %swap3A_442 : i32 to index
          %swap3A_444 = arith.constant 112 : index
          %swap3A_445 = tpu.vector_load %arg11[%swap3A_443, %swap3A_444] {strides = array<i32>} : memref<1x128xi32, #tpu.memory_space<vmem>>, vector<16xi32>,
          tpu.vector_store %arg11[%swap3A_443, %swap3A_444], %select_n3A_441 {strides = array<i32>} : memref<1x128xi32, #tpu.memory_space<vmem>>, vector<16xi32>,
          %dma_wait3A_446 = tpu.memref_slice %arg8[%mul3A_245] : memref<8352xi32, #tpu.memory_space<vmem>> -> memref<128xi32, #tpu.memory_space<vmem>>
          %dma_wait3A_447 = arith.constant 0 : i32
          %dma_wait3A_448 = arith.constant 0 : i32
          %dma_wait3A_449 = tpu.memref_slice %arg3[%dma_wait3A_447, %dma_wait3A_448] : memref<1280000x128xf32, #tpu.memory_space<hbm>> -> memref<1280000x128xf32, #tpu.memory_space<hbm>>
          tpu.wait_indirect_dma semaphore(%arg16 : memref<!tpu.dma_semaphore, #tpu.memory_space<semaphore_mem>>) src(%dma_wait3A_449 : memref<1280000x128xf32, #tpu.memory_space<hbm>>) dst(%arg13 : memref<128x128xf32, #tpu.memory_space<vmem>>)
          %dma_wait3A_450 = arith.constant 0 : i32
          %dma_wait3A_451 = arith.constant 0 : i32
          %dma_wait3A_452 = tpu.memref_slice %arg2[%dma_wait3A_450, %dma_wait3A_451] : memref<320000x128xf32, #tpu.memory_space<hbm>> -> memref<320000x128xf32, #tpu.memory_space<hbm>>
          tpu.wait_indirect_dma semaphore(%arg16 : memref<!tpu.dma_semaphore, #tpu.memory_space<semaphore_mem>>) src(%dma_wait3A_452 : memref<320000x128xf32, #tpu.memory_space<hbm>>) dst(%arg12 : memref<128x128xf32, #tpu.memory_space<vmem>>)
          %scan3A_453 = arith.constant 0 : i32
          %scan3A_454 = arith.constant 0 : i32
          %scan3A_455 = arith.constant 32 : i32
          %scan3A_456 = arith.addi %scan3A_454, %scan3A_455 : i32
          %scan3A_457 = arith.constant 1 : i32
          scf.for %scan3A_459 = %scan3A_454 to %scan3A_456 step %scan3A_457  : i32 {
            %mul3A_460 = arith.constant 4 : i32
            %mul3A_461 = arith.muli %scan3A_459, %mul3A_460 : i32
            %add3A_462 = arith.constant 0 : i32
            %add3A_463 = arith.addi %mul3A_461, %add3A_462 : i32
            %get3A_464 = arith.index_cast %add3A_463 : i32 to index
            %get3A_465 = arith.constant 0 : index
            %get3A_466 = tpu.vector_load %arg12[%get3A_464, %get3A_465] {strides = array<i32>} : memref<128x128xf32, #tpu.memory_space<vmem>>, vector<16xf32>,
            %mul3A_467 = arith.constant 4 : i32
            %mul3A_468 = arith.muli %scan3A_459, %mul3A_467 : i32
            %add3A_469 = arith.constant 0 : i32
            %add3A_470 = arith.addi %mul3A_468, %add3A_469 : i32
            %get3A_471 = arith.index_cast %add3A_470 : i32 to index
            %get3A_472 = arith.constant 0 : index
            %get3A_473 = tpu.vector_load %arg13[%get3A_471, %get3A_472] {strides = array<i32>} : memref<128x128xf32, #tpu.memory_space<vmem>>, vector<16xf32>,
            %mul3A_474 = arith.mulf %get3A_466, %get3A_473 : vector<16xf32>
            %mul3A_475 = arith.constant 4 : i32
            %mul3A_476 = arith.muli %scan3A_459, %mul3A_475 : i32
            %add3A_477 = arith.constant 0 : i32
            %add3A_478 = arith.addi %mul3A_476, %add3A_477 : i32
            %swap3A_479 = arith.index_cast %add3A_478 : i32 to index
            %swap3A_480 = arith.constant 0 : index
            %swap3A_481 = tpu.vector_load %arg13[%swap3A_479, %swap3A_480] {strides = array<i32>} : memref<128x128xf32, #tpu.memory_space<vmem>>, vector<16xf32>,
            tpu.vector_store %arg13[%swap3A_479, %swap3A_480], %mul3A_474 {strides = array<i32>} : memref<128x128xf32, #tpu.memory_space<vmem>>, vector<16xf32>,
            %mul3A_482 = arith.constant 4 : i32
            %mul3A_483 = arith.muli %scan3A_459, %mul3A_482 : i32
            %add3A_484 = arith.constant 0 : i32
            %add3A_485 = arith.addi %mul3A_483, %add3A_484 : i32
            %get3A_486 = arith.index_cast %add3A_485 : i32 to index
            %get3A_487 = arith.constant 16 : index
            %get3A_488 = tpu.vector_load %arg12[%get3A_486, %get3A_487] {strides = array<i32>} : memref<128x128xf32, #tpu.memory_space<vmem>>, vector<16xf32>,
            %mul3A_489 = arith.constant 4 : i32
            %mul3A_490 = arith.muli %scan3A_459, %mul3A_489 : i32
            %add3A_491 = arith.constant 0 : i32
            %add3A_492 = arith.addi %mul3A_490, %add3A_491 : i32
            %get3A_493 = arith.index_cast %add3A_492 : i32 to index
            %get3A_494 = arith.constant 16 : index
            %get3A_495 = tpu.vector_load %arg13[%get3A_493, %get3A_494] {strides = array<i32>} : memref<128x128xf32, #tpu.memory_space<vmem>>, vector<16xf32>,
            %mul3A_496 = arith.mulf %get3A_488, %get3A_495 : vector<16xf32>
            %mul3A_497 = arith.constant 4 : i32
            %mul3A_498 = arith.muli %scan3A_459, %mul3A_497 : i32
            %add3A_499 = arith.constant 0 : i32
            %add3A_500 = arith.addi %mul3A_498, %add3A_499 : i32
            %swap3A_501 = arith.index_cast %add3A_500 : i32 to index
            %swap3A_502 = arith.constant 16 : index
            %swap3A_503 = tpu.vector_load %arg13[%swap3A_501, %swap3A_502] {strides = array<i32>} : memref<128x128xf32, #tpu.memory_space<vmem>>, vector<16xf32>,
            tpu.vector_store %arg13[%swap3A_501, %swap3A_502], %mul3A_496 {strides = array<i32>} : memref<128x128xf32, #tpu.memory_space<vmem>>, vector<16xf32>,
            %mul3A_504 = arith.constant 4 : i32
            %mul3A_505 = arith.muli %scan3A_459, %mul3A_504 : i32
            %add3A_506 = arith.constant 0 : i32
            %add3A_507 = arith.addi %mul3A_505, %add3A_506 : i32
            %get3A_508 = arith.index_cast %add3A_507 : i32 to index
            %get3A_509 = arith.constant 32 : index
            %get3A_510 = tpu.vector_load %arg12[%get3A_508, %get3A_509] {strides = array<i32>} : memref<128x128xf32, #tpu.memory_space<vmem>>, vector<16xf32>,
            %mul3A_511 = arith.constant 4 : i32
            %mul3A_512 = arith.muli %scan3A_459, %mul3A_511 : i32
            %add3A_513 = arith.constant 0 : i32
            %add3A_514 = arith.addi %mul3A_512, %add3A_513 : i32
            %get3A_515 = arith.index_cast %add3A_514 : i32 to index
            %get3A_516 = arith.constant 32 : index
            %get3A_517 = tpu.vector_load %arg13[%get3A_515, %get3A_516] {strides = array<i32>} : memref<128x128xf32, #tpu.memory_space<vmem>>, vector<16xf32>,
            %mul3A_518 = arith.mulf %get3A_510, %get3A_517 : vector<16xf32>
            %mul3A_519 = arith.constant 4 : i32
            %mul3A_520 = arith.muli %scan3A_459, %mul3A_519 : i32
            %add3A_521 = arith.constant 0 : i32
            %add3A_522 = arith.addi %mul3A_520, %add3A_521 : i32
            %swap3A_523 = arith.index_cast %add3A_522 : i32 to index
            %swap3A_524 = arith.constant 32 : index
            %swap3A_525 = tpu.vector_load %arg13[%swap3A_523, %swap3A_524] {strides = array<i32>} : memref<128x128xf32, #tpu.memory_space<vmem>>, vector<16xf32>,
            tpu.vector_store %arg13[%swap3A_523, %swap3A_524], %mul3A_518 {strides = array<i32>} : memref<128x128xf32, #tpu.memory_space<vmem>>, vector<16xf32>,
            %mul3A_526 = arith.constant 4 : i32
            %mul3A_527 = arith.muli %scan3A_459, %mul3A_526 : i32
            %add3A_528 = arith.constant 0 : i32
            %add3A_529 = arith.addi %mul3A_527, %add3A_528 : i32
            %get3A_530 = arith.index_cast %add3A_529 : i32 to index
            %get3A_531 = arith.constant 48 : index
            %get3A_532 = tpu.vector_load %arg12[%get3A_530, %get3A_531] {strides = array<i32>} : memref<128x128xf32, #tpu.memory_space<vmem>>, vector<16xf32>,
            %mul3A_533 = arith.constant 4 : i32
            %mul3A_534 = arith.muli %scan3A_459, %mul3A_533 : i32
            %add3A_535 = arith.constant 0 : i32
            %add3A_536 = arith.addi %mul3A_534, %add3A_535 : i32
            %get3A_537 = arith.index_cast %add3A_536 : i32 to index
            %get3A_538 = arith.constant 48 : index
            %get3A_539 = tpu.vector_load %arg13[%get3A_537, %get3A_538] {strides = array<i32>} : memref<128x128xf32, #tpu.memory_space<vmem>>, vector<16xf32>,
            %mul3A_540 = arith.mulf %get3A_532, %get3A_539 : vector<16xf32>
            %mul3A_541 = arith.constant 4 : i32
            %mul3A_542 = arith.muli %scan3A_459, %mul3A_541 : i32
            %add3A_543 = arith.constant 0 : i32
            %add3A_544 = arith.addi %mul3A_542, %add3A_543 : i32
            %swap3A_545 = arith.index_cast %add3A_544 : i32 to index
            %swap3A_546 = arith.constant 48 : index
            %swap3A_547 = tpu.vector_load %arg13[%swap3A_545, %swap3A_546] {strides = array<i32>} : memref<128x128xf32, #tpu.memory_space<vmem>>, vector<16xf32>,
            tpu.vector_store %arg13[%swap3A_545, %swap3A_546], %mul3A_540 {strides = array<i32>} : memref<128x128xf32, #tpu.memory_space<vmem>>, vector<16xf32>,
            %mul3A_548 = arith.constant 4 : i32
            %mul3A_549 = arith.muli %scan3A_459, %mul3A_548 : i32
            %add3A_550 = arith.constant 1 : i32
            %add3A_551 = arith.addi %mul3A_549, %add3A_550 : i32
            %get3A_552 = arith.index_cast %add3A_551 : i32 to index
            %get3A_553 = arith.constant 0 : index
            %get3A_554 = tpu.vector_load %arg12[%get3A_552, %get3A_553] {strides = array<i32>} : memref<128x128xf32, #tpu.memory_space<vmem>>, vector<16xf32>,
            %mul3A_555 = arith.constant 4 : i32
            %mul3A_556 = arith.muli %scan3A_459, %mul3A_555 : i32
            %add3A_557 = arith.constant 1 : i32
            %add3A_558 = arith.addi %mul3A_556, %add3A_557 : i32
            %get3A_559 = arith.index_cast %add3A_558 : i32 to index
            %get3A_560 = arith.constant 0 : index
            %get3A_561 = tpu.vector_load %arg13[%get3A_559, %get3A_560] {strides = array<i32>} : memref<128x128xf32, #tpu.memory_space<vmem>>, vector<16xf32>,
            %mul3A_562 = arith.mulf %get3A_554, %get3A_561 : vector<16xf32>
            %mul3A_563 = arith.constant 4 : i32
            %mul3A_564 = arith.muli %scan3A_459, %mul3A_563 : i32
            %add3A_565 = arith.constant 1 : i32
            %add3A_566 = arith.addi %mul3A_564, %add3A_565 : i32
            %swap3A_567 = arith.index_cast %add3A_566 : i32 to index
            %swap3A_568 = arith.constant 0 : index
            %swap3A_569 = tpu.vector_load %arg13[%swap3A_567, %swap3A_568] {strides = array<i32>} : memref<128x128xf32, #tpu.memory_space<vmem>>, vector<16xf32>,
            tpu.vector_store %arg13[%swap3A_567, %swap3A_568], %mul3A_562 {strides = array<i32>} : memref<128x128xf32, #tpu.memory_space<vmem>>, vector<16xf32>,
            %mul3A_570 = arith.constant 4 : i32
            %mul3A_571 = arith.muli %scan3A_459, %mul3A_570 : i32
            %add3A_572 = arith.constant 1 : i32
            %add3A_573 = arith.addi %mul3A_571, %add3A_572 : i32
            %get3A_574 = arith.index_cast %add3A_573 : i32 to index
            %get3A_575 = arith.constant 16 : index
            %get3A_576 = tpu.vector_load %arg12[%get3A_574, %get3A_575] {strides = array<i32>} : memref<128x128xf32, #tpu.memory_space<vmem>>, vector<16xf32>,
            %mul3A_577 = arith.constant 4 : i32
            %mul3A_578 = arith.muli %scan3A_459, %mul3A_577 : i32
            %add3A_579 = arith.constant 1 : i32
            %add3A_580 = arith.addi %mul3A_578, %add3A_579 : i32
            %get3A_581 = arith.index_cast %add3A_580 : i32 to index
            %get3A_582 = arith.constant 16 : index
            %get3A_583 = tpu.vector_load %arg13[%get3A_581, %get3A_582] {strides = array<i32>} : memref<128x128xf32, #tpu.memory_space<vmem>>, vector<16xf32>,
            %mul3A_584 = arith.mulf %get3A_576, %get3A_583 : vector<16xf32>
            %mul3A_585 = arith.constant 4 : i32
            %mul3A_586 = arith.muli %scan3A_459, %mul3A_585 : i32
            %add3A_587 = arith.constant 1 : i32
            %add3A_588 = arith.addi %mul3A_586, %add3A_587 : i32
            %swap3A_589 = arith.index_cast %add3A_588 : i32 to index
            %swap3A_590 = arith.constant 16 : index
            %swap3A_591 = tpu.vector_load %arg13[%swap3A_589, %swap3A_590] {strides = array<i32>} : memref<128x128xf32, #tpu.memory_space<vmem>>, vector<16xf32>,
            tpu.vector_store %arg13[%swap3A_589, %swap3A_590], %mul3A_584 {strides = array<i32>} : memref<128x128xf32, #tpu.memory_space<vmem>>, vector<16xf32>,
            %mul3A_592 = arith.constant 4 : i32
            %mul3A_593 = arith.muli %scan3A_459, %mul3A_592 : i32
            %add3A_594 = arith.constant 1 : i32
            %add3A_595 = arith.addi %mul3A_593, %add3A_594 : i32
            %get3A_596 = arith.index_cast %add3A_595 : i32 to index
            %get3A_597 = arith.constant 32 : index
            %get3A_598 = tpu.vector_load %arg12[%get3A_596, %get3A_597] {strides = array<i32>} : memref<128x128xf32, #tpu.memory_space<vmem>>, vector<16xf32>,
            %mul3A_599 = arith.constant 4 : i32
            %mul3A_600 = arith.muli %scan3A_459, %mul3A_599 : i32
            %add3A_601 = arith.constant 1 : i32
            %add3A_602 = arith.addi %mul3A_600, %add3A_601 : i32
            %get3A_603 = arith.index_cast %add3A_602 : i32 to index
            %get3A_604 = arith.constant 32 : index
            %get3A_605 = tpu.vector_load %arg13[%get3A_603, %get3A_604] {strides = array<i32>} : memref<128x128xf32, #tpu.memory_space<vmem>>, vector<16xf32>,
            %mul3A_606 = arith.mulf %get3A_598, %get3A_605 : vector<16xf32>
            %mul3A_607 = arith.constant 4 : i32
            %mul3A_608 = arith.muli %scan3A_459, %mul3A_607 : i32
            %add3A_609 = arith.constant 1 : i32
            %add3A_610 = arith.addi %mul3A_608, %add3A_609 : i32
            %swap3A_611 = arith.index_cast %add3A_610 : i32 to index
            %swap3A_612 = arith.constant 32 : index
            %swap3A_613 = tpu.vector_load %arg13[%swap3A_611, %swap3A_612] {strides = array<i32>} : memref<128x128xf32, #tpu.memory_space<vmem>>, vector<16xf32>,
            tpu.vector_store %arg13[%swap3A_611, %swap3A_612], %mul3A_606 {strides = array<i32>} : memref<128x128xf32, #tpu.memory_space<vmem>>, vector<16xf32>,
            %mul3A_614 = arith.constant 4 : i32
            %mul3A_615 = arith.muli %scan3A_459, %mul3A_614 : i32
            %add3A_616 = arith.constant 1 : i32
            %add3A_617 = arith.addi %mul3A_615, %add3A_616 : i32
            %get3A_618 = arith.index_cast %add3A_617 : i32 to index
            %get3A_619 = arith.constant 48 : index
            %get3A_620 = tpu.vector_load %arg12[%get3A_618, %get3A_619] {strides = array<i32>} : memref<128x128xf32, #tpu.memory_space<vmem>>, vector<16xf32>,
            %mul3A_621 = arith.constant 4 : i32
            %mul3A_622 = arith.muli %scan3A_459, %mul3A_621 : i32
            %add3A_623 = arith.constant 1 : i32
            %add3A_624 = arith.addi %mul3A_622, %add3A_623 : i32
            %get3A_625 = arith.index_cast %add3A_624 : i32 to index
            %get3A_626 = arith.constant 48 : index
            %get3A_627 = tpu.vector_load %arg13[%get3A_625, %get3A_626] {strides = array<i32>} : memref<128x128xf32, #tpu.memory_space<vmem>>, vector<16xf32>,
            %mul3A_628 = arith.mulf %get3A_620, %get3A_627 : vector<16xf32>
            %mul3A_629 = arith.constant 4 : i32
            %mul3A_630 = arith.muli %scan3A_459, %mul3A_629 : i32
            %add3A_631 = arith.constant 1 : i32
            %add3A_632 = arith.addi %mul3A_630, %add3A_631 : i32
            %swap3A_633 = arith.index_cast %add3A_632 : i32 to index
            %swap3A_634 = arith.constant 48 : index
            %swap3A_635 = tpu.vector_load %arg13[%swap3A_633, %swap3A_634] {strides = array<i32>} : memref<128x128xf32, #tpu.memory_space<vmem>>, vector<16xf32>,
            tpu.vector_store %arg13[%swap3A_633, %swap3A_634], %mul3A_628 {strides = array<i32>} : memref<128x128xf32, #tpu.memory_space<vmem>>, vector<16xf32>,
            %mul3A_636 = arith.constant 4 : i32
            %mul3A_637 = arith.muli %scan3A_459, %mul3A_636 : i32
            %add3A_638 = arith.constant 2 : i32
            %add3A_639 = arith.addi %mul3A_637, %add3A_638 : i32
            %get3A_640 = arith.index_cast %add3A_639 : i32 to index
            %get3A_641 = arith.constant 0 : index
            %get3A_642 = tpu.vector_load %arg12[%get3A_640, %get3A_641] {strides = array<i32>} : memref<128x128xf32, #tpu.memory_space<vmem>>, vector<16xf32>,
            %mul3A_643 = arith.constant 4 : i32
            %mul3A_644 = arith.muli %scan3A_459, %mul3A_643 : i32
            %add3A_645 = arith.constant 2 : i32
            %add3A_646 = arith.addi %mul3A_644, %add3A_645 : i32
            %get3A_647 = arith.index_cast %add3A_646 : i32 to index
            %get3A_648 = arith.constant 0 : index
            %get3A_649 = tpu.vector_load %arg13[%get3A_647, %get3A_648] {strides = array<i32>} : memref<128x128xf32, #tpu.memory_space<vmem>>, vector<16xf32>,
            %mul3A_650 = arith.mulf %get3A_642, %get3A_649 : vector<16xf32>
            %mul3A_651 = arith.constant 4 : i32
            %mul3A_652 = arith.muli %scan3A_459, %mul3A_651 : i32
            %add3A_653 = arith.constant 2 : i32
            %add3A_654 = arith.addi %mul3A_652, %add3A_653 : i32
            %swap3A_655 = arith.index_cast %add3A_654 : i32 to index
            %swap3A_656 = arith.constant 0 : index
            %swap3A_657 = tpu.vector_load %arg13[%swap3A_655, %swap3A_656] {strides = array<i32>} : memref<128x128xf32, #tpu.memory_space<vmem>>, vector<16xf32>,
            tpu.vector_store %arg13[%swap3A_655, %swap3A_656], %mul3A_650 {strides = array<i32>} : memref<128x128xf32, #tpu.memory_space<vmem>>, vector<16xf32>,
            %mul3A_658 = arith.constant 4 : i32
            %mul3A_659 = arith.muli %scan3A_459, %mul3A_658 : i32
            %add3A_660 = arith.constant 2 : i32
            %add3A_661 = arith.addi %mul3A_659, %add3A_660 : i32
            %get3A_662 = arith.index_cast %add3A_661 : i32 to index
            %get3A_663 = arith.constant 16 : index
            %get3A_664 = tpu.vector_load %arg12[%get3A_662, %get3A_663] {strides = array<i32>} : memref<128x128xf32, #tpu.memory_space<vmem>>, vector<16xf32>,
            %mul3A_665 = arith.constant 4 : i32
            %mul3A_666 = arith.muli %scan3A_459, %mul3A_665 : i32
            %add3A_667 = arith.constant 2 : i32
            %add3A_668 = arith.addi %mul3A_666, %add3A_667 : i32
            %get3A_669 = arith.index_cast %add3A_668 : i32 to index
            %get3A_670 = arith.constant 16 : index
            %get3A_671 = tpu.vector_load %arg13[%get3A_669, %get3A_670] {strides = array<i32>} : memref<128x128xf32, #tpu.memory_space<vmem>>, vector<16xf32>,
            %mul3A_672 = arith.mulf %get3A_664, %get3A_671 : vector<16xf32>
            %mul3A_673 = arith.constant 4 : i32
            %mul3A_674 = arith.muli %scan3A_459, %mul3A_673 : i32
            %add3A_675 = arith.constant 2 : i32
            %add3A_676 = arith.addi %mul3A_674, %add3A_675 : i32
            %swap3A_677 = arith.index_cast %add3A_676 : i32 to index
            %swap3A_678 = arith.constant 16 : index
            %swap3A_679 = tpu.vector_load %arg13[%swap3A_677, %swap3A_678] {strides = array<i32>} : memref<128x128xf32, #tpu.memory_space<vmem>>, vector<16xf32>,
            tpu.vector_store %arg13[%swap3A_677, %swap3A_678], %mul3A_672 {strides = array<i32>} : memref<128x128xf32, #tpu.memory_space<vmem>>, vector<16xf32>,
            %mul3A_680 = arith.constant 4 : i32
            %mul3A_681 = arith.muli %scan3A_459, %mul3A_680 : i32
            %add3A_682 = arith.constant 2 : i32
            %add3A_683 = arith.addi %mul3A_681, %add3A_682 : i32
            %get3A_684 = arith.index_cast %add3A_683 : i32 to index
            %get3A_685 = arith.constant 32 : index
            %get3A_686 = tpu.vector_load %arg12[%get3A_684, %get3A_685] {strides = array<i32>} : memref<128x128xf32, #tpu.memory_space<vmem>>, vector<16xf32>,
            %mul3A_687 = arith.constant 4 : i32
            %mul3A_688 = arith.muli %scan3A_459, %mul3A_687 : i32
            %add3A_689 = arith.constant 2 : i32
            %add3A_690 = arith.addi %mul3A_688, %add3A_689 : i32
            %get3A_691 = arith.index_cast %add3A_690 : i32 to index
            %get3A_692 = arith.constant 32 : index
            %get3A_693 = tpu.vector_load %arg13[%get3A_691, %get3A_692] {strides = array<i32>} : memref<128x128xf32, #tpu.memory_space<vmem>>, vector<16xf32>,
            %mul3A_694 = arith.mulf %get3A_686, %get3A_693 : vector<16xf32>
            %mul3A_695 = arith.constant 4 : i32
            %mul3A_696 = arith.muli %scan3A_459, %mul3A_695 : i32
            %add3A_697 = arith.constant 2 : i32
            %add3A_698 = arith.addi %mul3A_696, %add3A_697 : i32
            %swap3A_699 = arith.index_cast %add3A_698 : i32 to index
            %swap3A_700 = arith.constant 32 : index
            %swap3A_701 = tpu.vector_load %arg13[%swap3A_699, %swap3A_700] {strides = array<i32>} : memref<128x128xf32, #tpu.memory_space<vmem>>, vector<16xf32>,
            tpu.vector_store %arg13[%swap3A_699, %swap3A_700], %mul3A_694 {strides = array<i32>} : memref<128x128xf32, #tpu.memory_space<vmem>>, vector<16xf32>,
            %mul3A_702 = arith.constant 4 : i32
            %mul3A_703 = arith.muli %scan3A_459, %mul3A_702 : i32
            %add3A_704 = arith.constant 2 : i32
            %add3A_705 = arith.addi %mul3A_703, %add3A_704 : i32
            %get3A_706 = arith.index_cast %add3A_705 : i32 to index
            %get3A_707 = arith.constant 48 : index
            %get3A_708 = tpu.vector_load %arg12[%get3A_706, %get3A_707] {strides = array<i32>} : memref<128x128xf32, #tpu.memory_space<vmem>>, vector<16xf32>,
            %mul3A_709 = arith.constant 4 : i32
            %mul3A_710 = arith.muli %scan3A_459, %mul3A_709 : i32
            %add3A_711 = arith.constant 2 : i32
            %add3A_712 = arith.addi %mul3A_710, %add3A_711 : i32
            %get3A_713 = arith.index_cast %add3A_712 : i32 to index
            %get3A_714 = arith.constant 48 : index
            %get3A_715 = tpu.vector_load %arg13[%get3A_713, %get3A_714] {strides = array<i32>} : memref<128x128xf32, #tpu.memory_space<vmem>>, vector<16xf32>,
            %mul3A_716 = arith.mulf %get3A_708, %get3A_715 : vector<16xf32>
            %mul3A_717 = arith.constant 4 : i32
            %mul3A_718 = arith.muli %scan3A_459, %mul3A_717 : i32
            %add3A_719 = arith.constant 2 : i32
            %add3A_720 = arith.addi %mul3A_718, %add3A_719 : i32
            %swap3A_721 = arith.index_cast %add3A_720 : i32 to index
            %swap3A_722 = arith.constant 48 : index
            %swap3A_723 = tpu.vector_load %arg13[%swap3A_721, %swap3A_722] {strides = array<i32>} : memref<128x128xf32, #tpu.memory_space<vmem>>, vector<16xf32>,
            tpu.vector_store %arg13[%swap3A_721, %swap3A_722], %mul3A_716 {strides = array<i32>} : memref<128x128xf32, #tpu.memory_space<vmem>>, vector<16xf32>,
            %mul3A_724 = arith.constant 4 : i32
            %mul3A_725 = arith.muli %scan3A_459, %mul3A_724 : i32
            %add3A_726 = arith.constant 3 : i32
            %add3A_727 = arith.addi %mul3A_725, %add3A_726 : i32
            %get3A_728 = arith.index_cast %add3A_727 : i32 to index
            %get3A_729 = arith.constant 0 : index
            %get3A_730 = tpu.vector_load %arg12[%get3A_728, %get3A_729] {strides = array<i32>} : memref<128x128xf32, #tpu.memory_space<vmem>>, vector<16xf32>,
            %mul3A_731 = arith.constant 4 : i32
            %mul3A_732 = arith.muli %scan3A_459, %mul3A_731 : i32
            %add3A_733 = arith.constant 3 : i32
            %add3A_734 = arith.addi %mul3A_732, %add3A_733 : i32
            %get3A_735 = arith.index_cast %add3A_734 : i32 to index
            %get3A_736 = arith.constant 0 : index
            %get3A_737 = tpu.vector_load %arg13[%get3A_735, %get3A_736] {strides = array<i32>} : memref<128x128xf32, #tpu.memory_space<vmem>>, vector<16xf32>,
            %mul3A_738 = arith.mulf %get3A_730, %get3A_737 : vector<16xf32>
            %mul3A_739 = arith.constant 4 : i32
            %mul3A_740 = arith.muli %scan3A_459, %mul3A_739 : i32
            %add3A_741 = arith.constant 3 : i32
            %add3A_742 = arith.addi %mul3A_740, %add3A_741 : i32
            %swap3A_743 = arith.index_cast %add3A_742 : i32 to index
            %swap3A_744 = arith.constant 0 : index
            %swap3A_745 = tpu.vector_load %arg13[%swap3A_743, %swap3A_744] {strides = array<i32>} : memref<128x128xf32, #tpu.memory_space<vmem>>, vector<16xf32>,
            tpu.vector_store %arg13[%swap3A_743, %swap3A_744], %mul3A_738 {strides = array<i32>} : memref<128x128xf32, #tpu.memory_space<vmem>>, vector<16xf32>,
            %mul3A_746 = arith.constant 4 : i32
            %mul3A_747 = arith.muli %scan3A_459, %mul3A_746 : i32
            %add3A_748 = arith.constant 3 : i32
            %add3A_749 = arith.addi %mul3A_747, %add3A_748 : i32
            %get3A_750 = arith.index_cast %add3A_749 : i32 to index
            %get3A_751 = arith.constant 16 : index
            %get3A_752 = tpu.vector_load %arg12[%get3A_750, %get3A_751] {strides = array<i32>} : memref<128x128xf32, #tpu.memory_space<vmem>>, vector<16xf32>,
            %mul3A_753 = arith.constant 4 : i32
            %mul3A_754 = arith.muli %scan3A_459, %mul3A_753 : i32
            %add3A_755 = arith.constant 3 : i32
            %add3A_756 = arith.addi %mul3A_754, %add3A_755 : i32
            %get3A_757 = arith.index_cast %add3A_756 : i32 to index
            %get3A_758 = arith.constant 16 : index
            %get3A_759 = tpu.vector_load %arg13[%get3A_757, %get3A_758] {strides = array<i32>} : memref<128x128xf32, #tpu.memory_space<vmem>>, vector<16xf32>,
            %mul3A_760 = arith.mulf %get3A_752, %get3A_759 : vector<16xf32>
            %mul3A_761 = arith.constant 4 : i32
            %mul3A_762 = arith.muli %scan3A_459, %mul3A_761 : i32
            %add3A_763 = arith.constant 3 : i32
            %add3A_764 = arith.addi %mul3A_762, %add3A_763 : i32
            %swap3A_765 = arith.index_cast %add3A_764 : i32 to index
            %swap3A_766 = arith.constant 16 : index
            %swap3A_767 = tpu.vector_load %arg13[%swap3A_765, %swap3A_766] {strides = array<i32>} : memref<128x128xf32, #tpu.memory_space<vmem>>, vector<16xf32>,
            tpu.vector_store %arg13[%swap3A_765, %swap3A_766], %mul3A_760 {strides = array<i32>} : memref<128x128xf32, #tpu.memory_space<vmem>>, vector<16xf32>,
            %mul3A_768 = arith.constant 4 : i32
            %mul3A_769 = arith.muli %scan3A_459, %mul3A_768 : i32
            %add3A_770 = arith.constant 3 : i32
            %add3A_771 = arith.addi %mul3A_769, %add3A_770 : i32
            %get3A_772 = arith.index_cast %add3A_771 : i32 to index
            %get3A_773 = arith.constant 32 : index
            %get3A_774 = tpu.vector_load %arg12[%get3A_772, %get3A_773] {strides = array<i32>} : memref<128x128xf32, #tpu.memory_space<vmem>>, vector<16xf32>,
            %mul3A_775 = arith.constant 4 : i32
            %mul3A_776 = arith.muli %scan3A_459, %mul3A_775 : i32
            %add3A_777 = arith.constant 3 : i32
            %add3A_778 = arith.addi %mul3A_776, %add3A_777 : i32
            %get3A_779 = arith.index_cast %add3A_778 : i32 to index
            %get3A_780 = arith.constant 32 : index
            %get3A_781 = tpu.vector_load %arg13[%get3A_779, %get3A_780] {strides = array<i32>} : memref<128x128xf32, #tpu.memory_space<vmem>>, vector<16xf32>,
            %mul3A_782 = arith.mulf %get3A_774, %get3A_781 : vector<16xf32>
            %mul3A_783 = arith.constant 4 : i32
            %mul3A_784 = arith.muli %scan3A_459, %mul3A_783 : i32
            %add3A_785 = arith.constant 3 : i32
            %add3A_786 = arith.addi %mul3A_784, %add3A_785 : i32
            %swap3A_787 = arith.index_cast %add3A_786 : i32 to index
            %swap3A_788 = arith.constant 32 : index
            %swap3A_789 = tpu.vector_load %arg13[%swap3A_787, %swap3A_788] {strides = array<i32>} : memref<128x128xf32, #tpu.memory_space<vmem>>, vector<16xf32>,
            tpu.vector_store %arg13[%swap3A_787, %swap3A_788], %mul3A_782 {strides = array<i32>} : memref<128x128xf32, #tpu.memory_space<vmem>>, vector<16xf32>,
            %mul3A_790 = arith.constant 4 : i32
            %mul3A_791 = arith.muli %scan3A_459, %mul3A_790 : i32
            %add3A_792 = arith.constant 3 : i32
            %add3A_793 = arith.addi %mul3A_791, %add3A_792 : i32
            %get3A_794 = arith.index_cast %add3A_793 : i32 to index
            %get3A_795 = arith.constant 48 : index
            %get3A_796 = tpu.vector_load %arg12[%get3A_794, %get3A_795] {strides = array<i32>} : memref<128x128xf32, #tpu.memory_space<vmem>>, vector<16xf32>,
            %mul3A_797 = arith.constant 4 : i32
            %mul3A_798 = arith.muli %scan3A_459, %mul3A_797 : i32
            %add3A_799 = arith.constant 3 : i32
            %add3A_800 = arith.addi %mul3A_798, %add3A_799 : i32
            %get3A_801 = arith.index_cast %add3A_800 : i32 to index
            %get3A_802 = arith.constant 48 : index
            %get3A_803 = tpu.vector_load %arg13[%get3A_801, %get3A_802] {strides = array<i32>} : memref<128x128xf32, #tpu.memory_space<vmem>>, vector<16xf32>,
            %mul3A_804 = arith.mulf %get3A_796, %get3A_803 : vector<16xf32>
            %mul3A_805 = arith.constant 4 : i32
            %mul3A_806 = arith.muli %scan3A_459, %mul3A_805 : i32
            %add3A_807 = arith.constant 3 : i32
            %add3A_808 = arith.addi %mul3A_806, %add3A_807 : i32
            %swap3A_809 = arith.index_cast %add3A_808 : i32 to index
            %swap3A_810 = arith.constant 48 : index
            %swap3A_811 = tpu.vector_load %arg13[%swap3A_809, %swap3A_810] {strides = array<i32>} : memref<128x128xf32, #tpu.memory_space<vmem>>, vector<16xf32>,
            tpu.vector_store %arg13[%swap3A_809, %swap3A_810], %mul3A_804 {strides = array<i32>} : memref<128x128xf32, #tpu.memory_space<vmem>>, vector<16xf32>,
          }
          %scan3A_458 = arith.constant 32 : i32
          %run_scoped3A = arith.constant 0 : i32
          "tpu.region"() ({
            %run_scoped3A_459 = tpu.sem_alloc : memref<!tpu.dma_semaphore, #tpu.memory_space<semaphore_mem>>
            %dma_start3A_460 = arith.constant 0 : i32
            %dma_start3A_461 = tpu.memref_slice %arg11[%run_scoped3A, %dma_start3A_460] : memref<1x128xi32, #tpu.memory_space<vmem>> -> memref<1x128xi32, #tpu.memory_space<vmem>>
            %dma_start3A_462 = tpu.memref_squeeze %dma_start3A_461 : memref<1x128xi32, #tpu.memory_space<vmem>> -> memref<128xi32, #tpu.memory_space<vmem>>
            %dma_start3A_463 = arith.constant 0 : i32
            %dma_start3A_464 = arith.constant 0 : i32
            %dma_start3A_465 = tpu.memref_slice %arg15[%dma_start3A_463, %dma_start3A_464] : memref<6416x128xf32, #tpu.memory_space<vmem_shared>> -> memref<6416x128xf32, #tpu.memory_space<vmem_shared>>
            tpu.enqueue_indirect_dma source(%arg13 : memref<128x128xf32, #tpu.memory_space<vmem>>) target(%dma_start3A_465 : memref<6416x128xf32, #tpu.memory_space<vmem_shared>>) offsets(%dma_start3A_462 : memref<128xi32, #tpu.memory_space<vmem>>) semaphore(%run_scoped3A_459 : memref<!tpu.dma_semaphore, #tpu.memory_space<semaphore_mem>>) {add = true}
            %dma_wait3A_466 = arith.constant 0 : i32
            %dma_wait3A_467 = tpu.memref_slice %arg11[%run_scoped3A, %dma_wait3A_466] : memref<1x128xi32, #tpu.memory_space<vmem>> -> memref<1x128xi32, #tpu.memory_space<vmem>>
            %dma_wait3A_468 = tpu.memref_squeeze %dma_wait3A_467 : memref<1x128xi32, #tpu.memory_space<vmem>> -> memref<128xi32, #tpu.memory_space<vmem>>
            %dma_wait3A_469 = arith.constant 0 : i32
            %dma_wait3A_470 = arith.constant 0 : i32
            %dma_wait3A_471 = tpu.memref_slice %arg15[%dma_wait3A_469, %dma_wait3A_470] : memref<6416x128xf32, #tpu.memory_space<vmem_shared>> -> memref<6416x128xf32, #tpu.memory_space<vmem_shared>>
            tpu.wait_indirect_dma semaphore(%run_scoped3A_459 : memref<!tpu.dma_semaphore, #tpu.memory_space<semaphore_mem>>) src(%arg13 : memref<128x128xf32, #tpu.memory_space<vmem>>) dst(%dma_wait3A_471 : memref<6416x128xf32, #tpu.memory_space<vmem_shared>>)
            tpu.yield
          }) : () -> ()
        }
      }
      %barrier3A_73 = arith.constant 0 : index
      tpu.barrier barrier_id(%barrier3A_73)
      %mul3A_74 = arith.constant 400 : i32
      %mul3A_75 = arith.muli %arg1, %mul3A_74 : i32
      %mul3A_76 = arith.constant 400 : i32
      %mul3A_77 = arith.muli %arg1, %mul3A_76 : i32
      %add3A_78 = arith.addi %add3A_41, %mul3A_77 : i32
      "tpu.region"() ({
        %run_scoped3A = tpu.sem_alloc : memref<!tpu.dma_semaphore, #tpu.memory_space<semaphore_mem>>
        %dma_start3A = arith.constant 0 : i32
        %dma_start3A_80 = tpu.memref_slice %arg6[%add3A_78, %dma_start3A] : memref<320000x128xf32, #tpu.memory_space<hbm>> -> memref<400x128xf32, #tpu.memory_space<hbm>>
        %dma_start3A_81 = arith.constant 0 : i32
        %dma_start3A_82 = tpu.memref_slice %arg15[%mul3A_75, %dma_start3A_81] : memref<6416x128xf32, #tpu.memory_space<vmem_shared>> -> memref<400x128xf32, #tpu.memory_space<vmem_shared>>
        tpu.enqueue_dma source(%dma_start3A_82 : memref<400x128xf32, #tpu.memory_space<vmem_shared>>) target(%dma_start3A_80 : memref<400x128xf32, #tpu.memory_space<hbm>>) target_semaphore(%run_scoped3A : memref<!tpu.dma_semaphore, #tpu.memory_space<semaphore_mem>>)
        %dma_wait3A = arith.constant 0 : i32
        %dma_wait3A_83 = tpu.memref_slice %arg6[%add3A_78, %dma_wait3A] : memref<320000x128xf32, #tpu.memory_space<hbm>> -> memref<400x128xf32, #tpu.memory_space<hbm>>
        %dma_wait3A_84 = arith.constant 0 : i32
        %dma_wait3A_85 = tpu.memref_slice %arg15[%mul3A_75, %dma_wait3A_84] : memref<6416x128xf32, #tpu.memory_space<vmem_shared>> -> memref<400x128xf32, #tpu.memory_space<vmem_shared>>
        tpu.wait_dma2 semaphore(%run_scoped3A : memref<!tpu.dma_semaphore, #tpu.memory_space<semaphore_mem>>) src(%dma_wait3A_85 : memref<400x128xf32, #tpu.memory_space<vmem_shared>>) dst(%dma_wait3A_83 : memref<400x128xf32, #tpu.memory_space<hbm>>)
        tpu.yield
      }) : () -> ()
      %barrier3A_79 = arith.constant 0 : index
      tpu.barrier barrier_id(%barrier3A_79)
    }
    %scan3A_36 = arith.constant 25 : i32
    return
  }
}

module attributes {stable_mosaic.version = 14 : i64} {
  func.func @_sbf_body(%arg0: i32, %arg1: memref<2048x42xf32, #tpu.memory_space<vmem>>, %arg2: memref<8x42xf32, #tpu.memory_space<vmem>>, %arg3: memref<64x8xf32, #tpu.memory_space<vmem>>, %arg4: memref<2048x128xf32, #tpu.memory_space<vmem>>) attributes {dimension_semantics = [#tpu.dimension_semantics<arbitrary>], iteration_bounds = array<i64: 625>, scalar_prefetch = 0 : i64, scratch_operands = 0 : i64, tpu.core_type = #tpu.core_type<tc>, window_params = [{transform_indices = @transform_0, window_bounds = array<i64: 2048, 42>}, {pipeline_mode = #tpu.pipeline_mode<synchronous>, transform_indices = @transform_1, window_bounds = array<i64: 8, 42>}, {pipeline_mode = #tpu.pipeline_mode<synchronous>, transform_indices = @transform_2, window_bounds = array<i64: 64, 8>}, {transform_indices = @transform_3, window_bounds = array<i64: 2048, 128>}]} {
    %get3A = arith.constant 0 : index
    %get3A_0 = arith.constant 0 : index
    %get3A_1 = vector.load %arg1[%get3A, %get3A_0] : memref<2048x42xf32, #tpu.memory_space<vmem>>, vector<2048x42xf32>
    %get3A_2 = arith.constant 0 : index
    %get3A_3 = arith.constant 0 : index
    %get3A_4 = vector.load %arg2[%get3A_2, %get3A_3] : memref<8x42xf32, #tpu.memory_space<vmem>>, vector<8x42xf32>
    %dot_general3A = arith.constant dense<0.000000e+00> : vector<2048x8xf32>
    %dot_general3A_5 = tpu.matmul %get3A_1, %get3A_4, %dot_general3A {dimension_numbers = #tpu.dot_dimension_numbers<[1], [1], [0], [0], [0, 0, 1, 0], [], []>, transpose_lhs_hint = false} : vector<2048x42xf32>, vector<8x42xf32>, vector<2048x8xf32> -> vector<2048x8xf32>
    %get3A_6 = arith.constant 0 : index
    %get3A_7 = arith.constant 0 : index
    %get3A_8 = vector.load %arg3[%get3A_6, %get3A_7] : memref<64x8xf32, #tpu.memory_space<vmem>>, vector<64x8xf32>
    %dot_general3A_9 = arith.constant dense<0.000000e+00> : vector<2048x64xf32>
    %dot_general3A_10 = tpu.matmul %dot_general3A_5, %get3A_8, %dot_general3A_9 {dimension_numbers = #tpu.dot_dimension_numbers<[1], [1], [0], [0], [0, 0, 1, 0], [], []>, transpose_lhs_hint = false} : vector<2048x8xf32>, vector<64x8xf32>, vector<2048x64xf32> -> vector<2048x64xf32>
    %broadcast_in_dim3A = arith.constant 0.000000e+00 : f32
    %broadcast_in_dim3A_11 = vector.broadcast %broadcast_in_dim3A : f32 to vector<2048x64xf32>
    %concatenate3A = tpu.concatenate %dot_general3A_10, %broadcast_in_dim3A_11 in 1 : vector<2048x64xf32>, vector<2048x64xf32> -> vector<2048x128xf32>
    %swap3A = arith.constant 0 : index
    %swap3A_12 = arith.constant 0 : index
    %swap3A_13 = vector.load %arg4[%swap3A, %swap3A_12] : memref<2048x128xf32, #tpu.memory_space<vmem>>, vector<2048x128xf32>
    tpu.vector_store %arg4[%swap3A, %swap3A_12], %concatenate3A {strides = array<i32>} : memref<2048x128xf32, #tpu.memory_space<vmem>>, vector<2048x128xf32>,
    return
  }
  func.func @transform_0(%arg0: i32) -> (i32, i32) {
    %c0_i32 = arith.constant 0 : i32
    %c0_i32_0 = arith.constant 0 : i32
    return %arg0, %c0_i32 : i32, i32
  }
  func.func @transform_1(%arg0: i32) -> (i32, i32) {
    %c0_i32 = arith.constant 0 : i32
    %c0_i32_0 = arith.constant 0 : i32
    %c0_i32_1 = arith.constant 0 : i32
    return %c0_i32, %c0_i32_0 : i32, i32
  }
  func.func @transform_2(%arg0: i32) -> (i32, i32) {
    %c0_i32 = arith.constant 0 : i32
    %c0_i32_0 = arith.constant 0 : i32
    %c0_i32_1 = arith.constant 0 : i32
    return %c0_i32, %c0_i32_0 : i32, i32
  }
  func.func @transform_3(%arg0: i32) -> (i32, i32) {
    %c0_i32 = arith.constant 0 : i32
    %c0_i32_0 = arith.constant 0 : i32
    return %arg0, %c0_i32 : i32, i32
  }
}

module attributes {stable_mosaic.version = 14 : i64} {
  func.func @_pre_body(%arg0: i32, %arg1: memref<2000x128xf32, #tpu.memory_space<vmem>>, %arg2: memref<2000x6xf32, #tpu.memory_space<vmem>>, %arg3: memref<128x128xf32, #tpu.memory_space<vmem>>, %arg4: memref<1x128xf32, #tpu.memory_space<vmem>>, %arg5: memref<128x128xf32, #tpu.memory_space<vmem>>, %arg6: memref<1x128xf32, #tpu.memory_space<vmem>>, %arg7: memref<8x6xf32, #tpu.memory_space<vmem>>, %arg8: memref<128x8xf32, #tpu.memory_space<vmem>>, %arg9: memref<64x128xf32, #tpu.memory_space<vmem>>, %arg10: memref<2000x128xf32, #tpu.memory_space<vmem>>, %arg11: memref<2000x128xf32, #tpu.memory_space<vmem>>) attributes {dimension_semantics = [#tpu.dimension_semantics<arbitrary>], iteration_bounds = array<i64: 160>, scalar_prefetch = 0 : i64, scratch_operands = 0 : i64, tpu.core_type = #tpu.core_type<tc>, window_params = [{transform_indices = @transform_0, window_bounds = array<i64: 2000, 128>}, {transform_indices = @transform_1, window_bounds = array<i64: 2000, 6>}, {pipeline_mode = #tpu.pipeline_mode<synchronous>, transform_indices = @transform_2, window_bounds = array<i64: 128, 128>}, {pipeline_mode = #tpu.pipeline_mode<synchronous>, transform_indices = @transform_3, window_bounds = array<i64: 1, 128>}, {pipeline_mode = #tpu.pipeline_mode<synchronous>, transform_indices = @transform_4, window_bounds = array<i64: 128, 128>}, {pipeline_mode = #tpu.pipeline_mode<synchronous>, transform_indices = @transform_5, window_bounds = array<i64: 1, 128>}, {pipeline_mode = #tpu.pipeline_mode<synchronous>, transform_indices = @transform_6, window_bounds = array<i64: 8, 6>}, {pipeline_mode = #tpu.pipeline_mode<synchronous>, transform_indices = @transform_7, window_bounds = array<i64: 128, 8>}, {pipeline_mode = #tpu.pipeline_mode<synchronous>, transform_indices = @transform_8, window_bounds = array<i64: 64, 128>}, {transform_indices = @transform_9, window_bounds = array<i64: 2000, 128>}, {transform_indices = @transform_10, window_bounds = array<i64: 2000, 128>}]} {
    %get3A = arith.constant 0 : index
    %get3A_0 = arith.constant 0 : index
    %get3A_1 = vector.load %arg1[%get3A, %get3A_0] : memref<2000x128xf32, #tpu.memory_space<vmem>>, vector<2000x128xf32>
    %get3A_2 = arith.constant 0 : index
    %get3A_3 = arith.constant 0 : index
    %get3A_4 = vector.load %arg3[%get3A_2, %get3A_3] : memref<128x128xf32, #tpu.memory_space<vmem>>, vector<128x128xf32>
    %dot_general3A = arith.constant dense<0.000000e+00> : vector<2000x128xf32>
    %dot_general3A_5 = tpu.matmul %get3A_1, %get3A_4, %dot_general3A {dimension_numbers = #tpu.dot_dimension_numbers<[1], [1], [0], [0], [0, 0, 1, 0], [], []>, transpose_lhs_hint = false} : vector<2000x128xf32>, vector<128x128xf32>, vector<2000x128xf32> -> vector<2000x128xf32>
    %get3A_6 = arith.constant 0 : index
    %get3A_7 = arith.constant 0 : index
    %get3A_8 = vector.load %arg4[%get3A_6, %get3A_7] : memref<1x128xf32, #tpu.memory_space<vmem>>, vector<1x128xf32>
    %add3A = vector.broadcast %get3A_8 : vector<1x128xf32> to vector<2000x128xf32>
    %add3A_9 = arith.addf %dot_general3A_5, %add3A : vector<2000x128xf32>
    %logistic3A = arith.negf %add3A_9 : vector<2000x128xf32>
    %logistic3A_10 = math.exp %logistic3A : vector<2000x128xf32>
    %logistic3A_11 = arith.constant 1.000000e+00 : f32
    %logistic3A_12 = vector.broadcast %logistic3A_11 : f32 to vector<2000x128xf32>
    %logistic3A_13 = arith.addf %logistic3A_12, %logistic3A_10 : vector<2000x128xf32>
    %logistic3A_14 = arith.divf %logistic3A_12, %logistic3A_13 : vector<2000x128xf32>
    %mul3A = arith.mulf %add3A_9, %logistic3A_14 : vector<2000x128xf32>
    %swap3A = arith.constant 0 : index
    %swap3A_15 = arith.constant 0 : index
    %swap3A_16 = vector.load %arg10[%swap3A, %swap3A_15] : memref<2000x128xf32, #tpu.memory_space<vmem>>, vector<2000x128xf32>
    tpu.vector_store %arg10[%swap3A, %swap3A_15], %mul3A {strides = array<i32>} : memref<2000x128xf32, #tpu.memory_space<vmem>>, vector<2000x128xf32>,
    %get3A_17 = arith.constant 0 : index
    %get3A_18 = arith.constant 0 : index
    %get3A_19 = vector.load %arg2[%get3A_17, %get3A_18] : memref<2000x6xf32, #tpu.memory_space<vmem>>, vector<2000x6xf32>
    %get3A_20 = arith.constant 0 : index
    %get3A_21 = arith.constant 0 : index
    %get3A_22 = vector.load %arg7[%get3A_20, %get3A_21] : memref<8x6xf32, #tpu.memory_space<vmem>>, vector<8x6xf32>
    %dot_general3A_23 = arith.constant dense<0.000000e+00> : vector<2000x8xf32>
    %dot_general3A_24 = tpu.matmul %get3A_19, %get3A_22, %dot_general3A_23 {dimension_numbers = #tpu.dot_dimension_numbers<[1], [1], [0], [0], [0, 0, 1, 0], [], []>, transpose_lhs_hint = false} : vector<2000x6xf32>, vector<8x6xf32>, vector<2000x8xf32> -> vector<2000x8xf32>
    %get3A_25 = arith.constant 0 : index
    %get3A_26 = arith.constant 0 : index
    %get3A_27 = vector.load %arg8[%get3A_25, %get3A_26] : memref<128x8xf32, #tpu.memory_space<vmem>>, vector<128x8xf32>
    %dot_general3A_28 = arith.constant dense<0.000000e+00> : vector<2000x128xf32>
    %dot_general3A_29 = tpu.matmul %dot_general3A_24, %get3A_27, %dot_general3A_28 {dimension_numbers = #tpu.dot_dimension_numbers<[1], [1], [0], [0], [0, 0, 1, 0], [], []>, transpose_lhs_hint = false} : vector<2000x8xf32>, vector<128x8xf32>, vector<2000x128xf32> -> vector<2000x128xf32>
    %get3A_30 = arith.constant 0 : index
    %get3A_31 = arith.constant 0 : index
    %get3A_32 = vector.load %arg5[%get3A_30, %get3A_31] : memref<128x128xf32, #tpu.memory_space<vmem>>, vector<128x128xf32>
    %dot_general3A_33 = arith.constant dense<0.000000e+00> : vector<2000x128xf32>
    %dot_general3A_34 = tpu.matmul %get3A_1, %get3A_32, %dot_general3A_33 {dimension_numbers = #tpu.dot_dimension_numbers<[1], [1], [0], [0], [0, 0, 1, 0], [], []>, transpose_lhs_hint = false} : vector<2000x128xf32>, vector<128x128xf32>, vector<2000x128xf32> -> vector<2000x128xf32>
    %get3A_35 = arith.constant 0 : index
    %get3A_36 = arith.constant 0 : index
    %get3A_37 = vector.load %arg6[%get3A_35, %get3A_36] : memref<1x128xf32, #tpu.memory_space<vmem>>, vector<1x128xf32>
    %add3A_38 = vector.broadcast %get3A_37 : vector<1x128xf32> to vector<2000x128xf32>
    %add3A_39 = arith.addf %dot_general3A_34, %add3A_38 : vector<2000x128xf32>
    %logistic3A_40 = arith.negf %add3A_39 : vector<2000x128xf32>
    %logistic3A_41 = math.exp %logistic3A_40 : vector<2000x128xf32>
    %logistic3A_42 = arith.constant 1.000000e+00 : f32
    %logistic3A_43 = vector.broadcast %logistic3A_42 : f32 to vector<2000x128xf32>
    %logistic3A_44 = arith.addf %logistic3A_43, %logistic3A_41 : vector<2000x128xf32>
    %logistic3A_45 = arith.divf %logistic3A_43, %logistic3A_44 : vector<2000x128xf32>
    %mul3A_46 = arith.mulf %add3A_39, %logistic3A_45 : vector<2000x128xf32>
    %mul3A_47 = arith.mulf %mul3A_46, %dot_general3A_29 : vector<2000x128xf32>
    %get3A_48 = arith.constant 0 : index
    %get3A_49 = arith.constant 0 : index
    %get3A_50 = vector.load %arg9[%get3A_48, %get3A_49] : memref<64x128xf32, #tpu.memory_space<vmem>>, vector<64x128xf32>
    %dot_general3A_51 = arith.constant dense<0.000000e+00> : vector<2000x64xf32>
    %dot_general3A_52 = tpu.matmul %mul3A_47, %get3A_50, %dot_general3A_51 {dimension_numbers = #tpu.dot_dimension_numbers<[1], [1], [0], [0], [0, 0, 1, 0], [], []>, transpose_lhs_hint = false} : vector<2000x128xf32>, vector<64x128xf32>, vector<2000x64xf32> -> vector<2000x64xf32>
    %logistic3A_53 = arith.negf %dot_general3A_52 : vector<2000x64xf32>
    %logistic3A_54 = math.exp %logistic3A_53 : vector<2000x64xf32>
    %logistic3A_55 = arith.constant 1.000000e+00 : f32
    %logistic3A_56 = vector.broadcast %logistic3A_55 : f32 to vector<2000x64xf32>
    %logistic3A_57 = arith.addf %logistic3A_56, %logistic3A_54 : vector<2000x64xf32>
    %logistic3A_58 = arith.divf %logistic3A_56, %logistic3A_57 : vector<2000x64xf32>
    %mul3A_59 = arith.mulf %dot_general3A_52, %logistic3A_58 : vector<2000x64xf32>
    %broadcast_in_dim3A = arith.constant 0.000000e+00 : f32
    %broadcast_in_dim3A_60 = vector.broadcast %broadcast_in_dim3A : f32 to vector<2000x64xf32>
    %concatenate3A = tpu.concatenate %mul3A_59, %broadcast_in_dim3A_60 in 1 : vector<2000x64xf32>, vector<2000x64xf32> -> vector<2000x128xf32>
    %swap3A_61 = arith.constant 0 : index
    %swap3A_62 = arith.constant 0 : index
    %swap3A_63 = vector.load %arg11[%swap3A_61, %swap3A_62] : memref<2000x128xf32, #tpu.memory_space<vmem>>, vector<2000x128xf32>
    tpu.vector_store %arg11[%swap3A_61, %swap3A_62], %concatenate3A {strides = array<i32>} : memref<2000x128xf32, #tpu.memory_space<vmem>>, vector<2000x128xf32>,
    return
  }
  func.func @transform_0(%arg0: i32) -> (i32, i32) {
    %c0_i32 = arith.constant 0 : i32
    %c0_i32_0 = arith.constant 0 : i32
    return %arg0, %c0_i32 : i32, i32
  }
  func.func @transform_1(%arg0: i32) -> (i32, i32) {
    %c0_i32 = arith.constant 0 : i32
    %c0_i32_0 = arith.constant 0 : i32
    return %arg0, %c0_i32 : i32, i32
  }
  func.func @transform_2(%arg0: i32) -> (i32, i32) {
    %c0_i32 = arith.constant 0 : i32
    %c0_i32_0 = arith.constant 0 : i32
    %c0_i32_1 = arith.constant 0 : i32
    return %c0_i32, %c0_i32_0 : i32, i32
  }
  func.func @transform_3(%arg0: i32) -> (i32, i32) {
    %c0_i32 = arith.constant 0 : i32
    %c0_i32_0 = arith.constant 0 : i32
    %c0_i32_1 = arith.constant 0 : i32
    return %c0_i32, %c0_i32_0 : i32, i32
  }
  func.func @transform_4(%arg0: i32) -> (i32, i32) {
    %c0_i32 = arith.constant 0 : i32
    %c0_i32_0 = arith.constant 0 : i32
    %c0_i32_1 = arith.constant 0 : i32
    return %c0_i32, %c0_i32_0 : i32, i32
  }
  func.func @transform_5(%arg0: i32) -> (i32, i32) {
    %c0_i32 = arith.constant 0 : i32
    %c0_i32_0 = arith.constant 0 : i32
    %c0_i32_1 = arith.constant 0 : i32
    return %c0_i32, %c0_i32_0 : i32, i32
  }
  func.func @transform_6(%arg0: i32) -> (i32, i32) {
    %c0_i32 = arith.constant 0 : i32
    %c0_i32_0 = arith.constant 0 : i32
    %c0_i32_1 = arith.constant 0 : i32
    return %c0_i32, %c0_i32_0 : i32, i32
  }
  func.func @transform_7(%arg0: i32) -> (i32, i32) {
    %c0_i32 = arith.constant 0 : i32
    %c0_i32_0 = arith.constant 0 : i32
    %c0_i32_1 = arith.constant 0 : i32
    return %c0_i32, %c0_i32_0 : i32, i32
  }
  func.func @transform_8(%arg0: i32) -> (i32, i32) {
    %c0_i32 = arith.constant 0 : i32
    %c0_i32_0 = arith.constant 0 : i32
    %c0_i32_1 = arith.constant 0 : i32
    return %c0_i32, %c0_i32_0 : i32, i32
  }
  func.func @transform_9(%arg0: i32) -> (i32, i32) {
    %c0_i32 = arith.constant 0 : i32
    %c0_i32_0 = arith.constant 0 : i32
    return %arg0, %c0_i32 : i32, i32
  }
  func.func @transform_10(%arg0: i32) -> (i32, i32) {
    %c0_i32 = arith.constant 0 : i32
    %c0_i32_0 = arith.constant 0 : i32
    return %arg0, %c0_i32 : i32, i32
  }
}

module attributes {stable_mosaic.version = 14 : i64} {
  func.func @_post_body(%arg0: i32, %arg1: memref<2000x128xf32, #tpu.memory_space<vmem>>, %arg2: memref<2000x128xf32, #tpu.memory_space<vmem>>, %arg3: memref<2000x128xf32, #tpu.memory_space<vmem>>, %arg4: memref<128x64xf32, #tpu.memory_space<vmem>>, %arg5: memref<128x128xf32, #tpu.memory_space<vmem>>, %arg6: memref<1x128xf32, #tpu.memory_space<vmem>>, %arg7: memref<128x128xf32, #tpu.memory_space<vmem>>, %arg8: memref<1x128xf32, #tpu.memory_space<vmem>>, %arg9: memref<128x128xf32, #tpu.memory_space<vmem>>, %arg10: memref<1x128xf32, #tpu.memory_space<vmem>>, %arg11: memref<128x128xf32, #tpu.memory_space<vmem>>, %arg12: memref<1x128xf32, #tpu.memory_space<vmem>>, %arg13: memref<128x128xf32, #tpu.memory_space<vmem>>, %arg14: memref<1x128xf32, #tpu.memory_space<vmem>>, %arg15: memref<128x128xf32, #tpu.memory_space<vmem>>, %arg16: memref<1x128xf32, #tpu.memory_space<vmem>>, %arg17: memref<128x128xf32, #tpu.memory_space<vmem>>, %arg18: memref<1x128xf32, #tpu.memory_space<vmem>>, %arg19: memref<2000x128xf32, #tpu.memory_space<vmem>>) attributes {dimension_semantics = [#tpu.dimension_semantics<arbitrary>], iteration_bounds = array<i64: 160>, scalar_prefetch = 0 : i64, scratch_operands = 0 : i64, tpu.core_type = #tpu.core_type<tc>, window_params = [{transform_indices = @transform_0, window_bounds = array<i64: 2000, 128>}, {transform_indices = @transform_1, window_bounds = array<i64: 2000, 128>}, {transform_indices = @transform_2, window_bounds = array<i64: 2000, 128>}, {pipeline_mode = #tpu.pipeline_mode<synchronous>, transform_indices = @transform_3, window_bounds = array<i64: 128, 64>}, {pipeline_mode = #tpu.pipeline_mode<synchronous>, transform_indices = @transform_4, window_bounds = array<i64: 128, 128>}, {pipeline_mode = #tpu.pipeline_mode<synchronous>, transform_indices = @transform_5, window_bounds = array<i64: 1, 128>}, {pipeline_mode = #tpu.pipeline_mode<synchronous>, transform_indices = @transform_6, window_bounds = array<i64: 128, 128>}, {pipeline_mode = #tpu.pipeline_mode<synchronous>, transform_indices = @transform_7, window_bounds = array<i64: 1, 128>}, {pipeline_mode = #tpu.pipeline_mode<synchronous>, transform_indices = @transform_8, window_bounds = array<i64: 128, 128>}, {pipeline_mode = #tpu.pipeline_mode<synchronous>, transform_indices = @transform_9, window_bounds = array<i64: 1, 128>}, {pipeline_mode = #tpu.pipeline_mode<synchronous>, transform_indices = @transform_10, window_bounds = array<i64: 128, 128>}, {pipeline_mode = #tpu.pipeline_mode<synchronous>, transform_indices = @transform_11, window_bounds = array<i64: 1, 128>}, {pipeline_mode = #tpu.pipeline_mode<synchronous>, transform_indices = @transform_12, window_bounds = array<i64: 128, 128>}, {pipeline_mode = #tpu.pipeline_mode<synchronous>, transform_indices = @transform_13, window_bounds = array<i64: 1, 128>}, {pipeline_mode = #tpu.pipeline_mode<synchronous>, transform_indices = @transform_14, window_bounds = array<i64: 128, 128>}, {pipeline_mode = #tpu.pipeline_mode<synchronous>, transform_indices = @transform_15, window_bounds = array<i64: 1, 128>}, {pipeline_mode = #tpu.pipeline_mode<synchronous>, transform_indices = @transform_16, window_bounds = array<i64: 128, 128>}, {pipeline_mode = #tpu.pipeline_mode<synchronous>, transform_indices = @transform_17, window_bounds = array<i64: 1, 128>}, {transform_indices = @transform_18, window_bounds = array<i64: 2000, 128>}]} {
    %get3A = arith.constant 0 : index
    %get3A_0 = arith.constant 0 : index
    %get3A_1 = vector.load %arg3[%get3A, %get3A_0] : memref<2000x128xf32, #tpu.memory_space<vmem>>, vector<2000x128xf32>
    %slice3A = vector.extract_strided_slice %get3A_1 {offsets = [0, 0], sizes = [2000, 64], strides = [1, 1]} : vector<2000x128xf32> to vector<2000x64xf32>
    %get3A_2 = arith.constant 0 : index
    %get3A_3 = arith.constant 0 : index
    %get3A_4 = vector.load %arg2[%get3A_2, %get3A_3] : memref<2000x128xf32, #tpu.memory_space<vmem>>, vector<2000x128xf32>
    %get3A_5 = arith.constant 0 : index
    %get3A_6 = arith.constant 0 : index
    %get3A_7 = vector.load %arg4[%get3A_5, %get3A_6] : memref<128x64xf32, #tpu.memory_space<vmem>>, vector<128x64xf32>
    %dot_general3A = arith.constant dense<0.000000e+00> : vector<2000x128xf32>
    %dot_general3A_8 = tpu.matmul %slice3A, %get3A_7, %dot_general3A {dimension_numbers = #tpu.dot_dimension_numbers<[1], [1], [0], [0], [0, 0, 1, 0], [], []>, transpose_lhs_hint = false} : vector<2000x64xf32>, vector<128x64xf32>, vector<2000x128xf32> -> vector<2000x128xf32>
    %logistic3A = arith.negf %dot_general3A_8 : vector<2000x128xf32>
    %logistic3A_9 = math.exp %logistic3A : vector<2000x128xf32>
    %logistic3A_10 = arith.constant 1.000000e+00 : f32
    %logistic3A_11 = vector.broadcast %logistic3A_10 : f32 to vector<2000x128xf32>
    %logistic3A_12 = arith.addf %logistic3A_11, %logistic3A_9 : vector<2000x128xf32>
    %logistic3A_13 = arith.divf %logistic3A_11, %logistic3A_12 : vector<2000x128xf32>
    %mul3A = arith.mulf %dot_general3A_8, %logistic3A_13 : vector<2000x128xf32>
    %add3A = arith.addf %get3A_4, %mul3A : vector<2000x128xf32>
    %get3A_14 = arith.constant 0 : index
    %get3A_15 = arith.constant 0 : index
    %get3A_16 = vector.load %arg5[%get3A_14, %get3A_15] : memref<128x128xf32, #tpu.memory_space<vmem>>, vector<128x128xf32>
    %dot_general3A_17 = arith.constant dense<0.000000e+00> : vector<2000x128xf32>
    %dot_general3A_18 = tpu.matmul %add3A, %get3A_16, %dot_general3A_17 {dimension_numbers = #tpu.dot_dimension_numbers<[1], [1], [0], [0], [0, 0, 1, 0], [], []>, transpose_lhs_hint = false} : vector<2000x128xf32>, vector<128x128xf32>, vector<2000x128xf32> -> vector<2000x128xf32>
    %get3A_19 = arith.constant 0 : index
    %get3A_20 = arith.constant 0 : index
    %get3A_21 = vector.load %arg6[%get3A_19, %get3A_20] : memref<1x128xf32, #tpu.memory_space<vmem>>, vector<1x128xf32>
    %add3A_22 = vector.broadcast %get3A_21 : vector<1x128xf32> to vector<2000x128xf32>
    %add3A_23 = arith.addf %dot_general3A_18, %add3A_22 : vector<2000x128xf32>
    %logistic3A_24 = arith.negf %add3A_23 : vector<2000x128xf32>
    %logistic3A_25 = math.exp %logistic3A_24 : vector<2000x128xf32>
    %logistic3A_26 = arith.constant 1.000000e+00 : f32
    %logistic3A_27 = vector.broadcast %logistic3A_26 : f32 to vector<2000x128xf32>
    %logistic3A_28 = arith.addf %logistic3A_27, %logistic3A_25 : vector<2000x128xf32>
    %logistic3A_29 = arith.divf %logistic3A_27, %logistic3A_28 : vector<2000x128xf32>
    %mul3A_30 = arith.mulf %add3A_23, %logistic3A_29 : vector<2000x128xf32>
    %get3A_31 = arith.constant 0 : index
    %get3A_32 = arith.constant 0 : index
    %get3A_33 = vector.load %arg7[%get3A_31, %get3A_32] : memref<128x128xf32, #tpu.memory_space<vmem>>, vector<128x128xf32>
    %dot_general3A_34 = arith.constant dense<0.000000e+00> : vector<2000x128xf32>
    %dot_general3A_35 = tpu.matmul %mul3A_30, %get3A_33, %dot_general3A_34 {dimension_numbers = #tpu.dot_dimension_numbers<[1], [1], [0], [0], [0, 0, 1, 0], [], []>, transpose_lhs_hint = false} : vector<2000x128xf32>, vector<128x128xf32>, vector<2000x128xf32> -> vector<2000x128xf32>
    %get3A_36 = arith.constant 0 : index
    %get3A_37 = arith.constant 0 : index
    %get3A_38 = vector.load %arg8[%get3A_36, %get3A_37] : memref<1x128xf32, #tpu.memory_space<vmem>>, vector<1x128xf32>
    %add3A_39 = vector.broadcast %get3A_38 : vector<1x128xf32> to vector<2000x128xf32>
    %add3A_40 = arith.addf %dot_general3A_35, %add3A_39 : vector<2000x128xf32>
    %logistic3A_41 = arith.negf %add3A_40 : vector<2000x128xf32>
    %logistic3A_42 = math.exp %logistic3A_41 : vector<2000x128xf32>
    %logistic3A_43 = arith.constant 1.000000e+00 : f32
    %logistic3A_44 = vector.broadcast %logistic3A_43 : f32 to vector<2000x128xf32>
    %logistic3A_45 = arith.addf %logistic3A_44, %logistic3A_42 : vector<2000x128xf32>
    %logistic3A_46 = arith.divf %logistic3A_44, %logistic3A_45 : vector<2000x128xf32>
    %mul3A_47 = arith.mulf %add3A_40, %logistic3A_46 : vector<2000x128xf32>
    %add3A_48 = arith.addf %add3A, %mul3A_47 : vector<2000x128xf32>
    %get3A_49 = arith.constant 0 : index
    %get3A_50 = arith.constant 0 : index
    %get3A_51 = vector.load %arg9[%get3A_49, %get3A_50] : memref<128x128xf32, #tpu.memory_space<vmem>>, vector<128x128xf32>
    %dot_general3A_52 = arith.constant dense<0.000000e+00> : vector<2000x128xf32>
    %dot_general3A_53 = tpu.matmul %add3A_48, %get3A_51, %dot_general3A_52 {dimension_numbers = #tpu.dot_dimension_numbers<[1], [1], [0], [0], [0, 0, 1, 0], [], []>, transpose_lhs_hint = false} : vector<2000x128xf32>, vector<128x128xf32>, vector<2000x128xf32> -> vector<2000x128xf32>
    %get3A_54 = arith.constant 0 : index
    %get3A_55 = arith.constant 0 : index
    %get3A_56 = vector.load %arg10[%get3A_54, %get3A_55] : memref<1x128xf32, #tpu.memory_space<vmem>>, vector<1x128xf32>
    %add3A_57 = vector.broadcast %get3A_56 : vector<1x128xf32> to vector<2000x128xf32>
    %add3A_58 = arith.addf %dot_general3A_53, %add3A_57 : vector<2000x128xf32>
    %logistic3A_59 = arith.negf %add3A_58 : vector<2000x128xf32>
    %logistic3A_60 = math.exp %logistic3A_59 : vector<2000x128xf32>
    %logistic3A_61 = arith.constant 1.000000e+00 : f32
    %logistic3A_62 = vector.broadcast %logistic3A_61 : f32 to vector<2000x128xf32>
    %logistic3A_63 = arith.addf %logistic3A_62, %logistic3A_60 : vector<2000x128xf32>
    %logistic3A_64 = arith.divf %logistic3A_62, %logistic3A_63 : vector<2000x128xf32>
    %mul3A_65 = arith.mulf %add3A_58, %logistic3A_64 : vector<2000x128xf32>
    %get3A_66 = arith.constant 0 : index
    %get3A_67 = arith.constant 0 : index
    %get3A_68 = vector.load %arg1[%get3A_66, %get3A_67] : memref<2000x128xf32, #tpu.memory_space<vmem>>, vector<2000x128xf32>
    %add3A_69 = arith.addf %mul3A_65, %get3A_68 : vector<2000x128xf32>
    %get3A_70 = arith.constant 0 : index
    %get3A_71 = arith.constant 0 : index
    %get3A_72 = vector.load %arg11[%get3A_70, %get3A_71] : memref<128x128xf32, #tpu.memory_space<vmem>>, vector<128x128xf32>
    %dot_general3A_73 = arith.constant dense<0.000000e+00> : vector<2000x128xf32>
    %dot_general3A_74 = tpu.matmul %add3A_69, %get3A_72, %dot_general3A_73 {dimension_numbers = #tpu.dot_dimension_numbers<[1], [1], [0], [0], [0, 0, 1, 0], [], []>, transpose_lhs_hint = false} : vector<2000x128xf32>, vector<128x128xf32>, vector<2000x128xf32> -> vector<2000x128xf32>
    %get3A_75 = arith.constant 0 : index
    %get3A_76 = arith.constant 0 : index
    %get3A_77 = vector.load %arg12[%get3A_75, %get3A_76] : memref<1x128xf32, #tpu.memory_space<vmem>>, vector<1x128xf32>
    %add3A_78 = vector.broadcast %get3A_77 : vector<1x128xf32> to vector<2000x128xf32>
    %add3A_79 = arith.addf %dot_general3A_74, %add3A_78 : vector<2000x128xf32>
    %logistic3A_80 = arith.negf %add3A_79 : vector<2000x128xf32>
    %logistic3A_81 = math.exp %logistic3A_80 : vector<2000x128xf32>
    %logistic3A_82 = arith.constant 1.000000e+00 : f32
    %logistic3A_83 = vector.broadcast %logistic3A_82 : f32 to vector<2000x128xf32>
    %logistic3A_84 = arith.addf %logistic3A_83, %logistic3A_81 : vector<2000x128xf32>
    %logistic3A_85 = arith.divf %logistic3A_83, %logistic3A_84 : vector<2000x128xf32>
    %mul3A_86 = arith.mulf %add3A_79, %logistic3A_85 : vector<2000x128xf32>
    %get3A_87 = arith.constant 0 : index
    %get3A_88 = arith.constant 0 : index
    %get3A_89 = vector.load %arg13[%get3A_87, %get3A_88] : memref<128x128xf32, #tpu.memory_space<vmem>>, vector<128x128xf32>
    %dot_general3A_90 = arith.constant dense<0.000000e+00> : vector<2000x128xf32>
    %dot_general3A_91 = tpu.matmul %mul3A_86, %get3A_89, %dot_general3A_90 {dimension_numbers = #tpu.dot_dimension_numbers<[1], [1], [0], [0], [0, 0, 1, 0], [], []>, transpose_lhs_hint = false} : vector<2000x128xf32>, vector<128x128xf32>, vector<2000x128xf32> -> vector<2000x128xf32>
    %get3A_92 = arith.constant 0 : index
    %get3A_93 = arith.constant 0 : index
    %get3A_94 = vector.load %arg14[%get3A_92, %get3A_93] : memref<1x128xf32, #tpu.memory_space<vmem>>, vector<1x128xf32>
    %add3A_95 = vector.broadcast %get3A_94 : vector<1x128xf32> to vector<2000x128xf32>
    %add3A_96 = arith.addf %dot_general3A_91, %add3A_95 : vector<2000x128xf32>
    %logistic3A_97 = arith.negf %add3A_96 : vector<2000x128xf32>
    %logistic3A_98 = math.exp %logistic3A_97 : vector<2000x128xf32>
    %logistic3A_99 = arith.constant 1.000000e+00 : f32
    %logistic3A_100 = vector.broadcast %logistic3A_99 : f32 to vector<2000x128xf32>
    %logistic3A_101 = arith.addf %logistic3A_100, %logistic3A_98 : vector<2000x128xf32>
    %logistic3A_102 = arith.divf %logistic3A_100, %logistic3A_101 : vector<2000x128xf32>
    %mul3A_103 = arith.mulf %add3A_96, %logistic3A_102 : vector<2000x128xf32>
    %add3A_104 = arith.addf %add3A_69, %mul3A_103 : vector<2000x128xf32>
    %get3A_105 = arith.constant 0 : index
    %get3A_106 = arith.constant 0 : index
    %get3A_107 = vector.load %arg15[%get3A_105, %get3A_106] : memref<128x128xf32, #tpu.memory_space<vmem>>, vector<128x128xf32>
    %dot_general3A_108 = arith.constant dense<0.000000e+00> : vector<2000x128xf32>
    %dot_general3A_109 = tpu.matmul %add3A_104, %get3A_107, %dot_general3A_108 {dimension_numbers = #tpu.dot_dimension_numbers<[1], [1], [0], [0], [0, 0, 1, 0], [], []>, transpose_lhs_hint = false} : vector<2000x128xf32>, vector<128x128xf32>, vector<2000x128xf32> -> vector<2000x128xf32>
    %get3A_110 = arith.constant 0 : index
    %get3A_111 = arith.constant 0 : index
    %get3A_112 = vector.load %arg16[%get3A_110, %get3A_111] : memref<1x128xf32, #tpu.memory_space<vmem>>, vector<1x128xf32>
    %add3A_113 = vector.broadcast %get3A_112 : vector<1x128xf32> to vector<2000x128xf32>
    %add3A_114 = arith.addf %dot_general3A_109, %add3A_113 : vector<2000x128xf32>
    %logistic3A_115 = arith.negf %add3A_114 : vector<2000x128xf32>
    %logistic3A_116 = math.exp %logistic3A_115 : vector<2000x128xf32>
    %logistic3A_117 = arith.constant 1.000000e+00 : f32
    %logistic3A_118 = vector.broadcast %logistic3A_117 : f32 to vector<2000x128xf32>
    %logistic3A_119 = arith.addf %logistic3A_118, %logistic3A_116 : vector<2000x128xf32>
    %logistic3A_120 = arith.divf %logistic3A_118, %logistic3A_119 : vector<2000x128xf32>
    %mul3A_121 = arith.mulf %add3A_114, %logistic3A_120 : vector<2000x128xf32>
    %get3A_122 = arith.constant 0 : index
    %get3A_123 = arith.constant 0 : index
    %get3A_124 = vector.load %arg17[%get3A_122, %get3A_123] : memref<128x128xf32, #tpu.memory_space<vmem>>, vector<128x128xf32>
    %dot_general3A_125 = arith.constant dense<0.000000e+00> : vector<2000x128xf32>
    %dot_general3A_126 = tpu.matmul %mul3A_121, %get3A_124, %dot_general3A_125 {dimension_numbers = #tpu.dot_dimension_numbers<[1], [1], [0], [0], [0, 0, 1, 0], [], []>, transpose_lhs_hint = false} : vector<2000x128xf32>, vector<128x128xf32>, vector<2000x128xf32> -> vector<2000x128xf32>
    %get3A_127 = arith.constant 0 : index
    %get3A_128 = arith.constant 0 : index
    %get3A_129 = vector.load %arg18[%get3A_127, %get3A_128] : memref<1x128xf32, #tpu.memory_space<vmem>>, vector<1x128xf32>
    %add3A_130 = vector.broadcast %get3A_129 : vector<1x128xf32> to vector<2000x128xf32>
    %add3A_131 = arith.addf %dot_general3A_126, %add3A_130 : vector<2000x128xf32>
    %logistic3A_132 = arith.negf %add3A_131 : vector<2000x128xf32>
    %logistic3A_133 = math.exp %logistic3A_132 : vector<2000x128xf32>
    %logistic3A_134 = arith.constant 1.000000e+00 : f32
    %logistic3A_135 = vector.broadcast %logistic3A_134 : f32 to vector<2000x128xf32>
    %logistic3A_136 = arith.addf %logistic3A_135, %logistic3A_133 : vector<2000x128xf32>
    %logistic3A_137 = arith.divf %logistic3A_135, %logistic3A_136 : vector<2000x128xf32>
    %mul3A_138 = arith.mulf %add3A_131, %logistic3A_137 : vector<2000x128xf32>
    %add3A_139 = arith.addf %add3A_104, %mul3A_138 : vector<2000x128xf32>
    %swap3A = arith.constant 0 : index
    %swap3A_140 = arith.constant 0 : index
    %swap3A_141 = vector.load %arg19[%swap3A, %swap3A_140] : memref<2000x128xf32, #tpu.memory_space<vmem>>, vector<2000x128xf32>
    tpu.vector_store %arg19[%swap3A, %swap3A_140], %add3A_139 {strides = array<i32>} : memref<2000x128xf32, #tpu.memory_space<vmem>>, vector<2000x128xf32>,
    return
  }
  func.func @transform_0(%arg0: i32) -> (i32, i32) {
    %c0_i32 = arith.constant 0 : i32
    %c0_i32_0 = arith.constant 0 : i32
    return %arg0, %c0_i32 : i32, i32
  }
  func.func @transform_1(%arg0: i32) -> (i32, i32) {
    %c0_i32 = arith.constant 0 : i32
    %c0_i32_0 = arith.constant 0 : i32
    return %arg0, %c0_i32 : i32, i32
  }
  func.func @transform_2(%arg0: i32) -> (i32, i32) {
    %c0_i32 = arith.constant 0 : i32
    %c0_i32_0 = arith.constant 0 : i32
    return %arg0, %c0_i32 : i32, i32
  }
  func.func @transform_3(%arg0: i32) -> (i32, i32) {
    %c0_i32 = arith.constant 0 : i32
    %c0_i32_0 = arith.constant 0 : i32
    %c0_i32_1 = arith.constant 0 : i32
    return %c0_i32, %c0_i32_0 : i32, i32
  }
  func.func @transform_4(%arg0: i32) -> (i32, i32) {
    %c0_i32 = arith.constant 0 : i32
    %c0_i32_0 = arith.constant 0 : i32
    %c0_i32_1 = arith.constant 0 : i32
    return %c0_i32, %c0_i32_0 : i32, i32
  }
  func.func @transform_5(%arg0: i32) -> (i32, i32) {
    %c0_i32 = arith.constant 0 : i32
    %c0_i32_0 = arith.constant 0 : i32
    %c0_i32_1 = arith.constant 0 : i32
    return %c0_i32, %c0_i32_0 : i32, i32
  }
  func.func @transform_6(%arg0: i32) -> (i32, i32) {
    %c0_i32 = arith.constant 0 : i32
    %c0_i32_0 = arith.constant 0 : i32
    %c0_i32_1 = arith.constant 0 : i32
    return %c0_i32, %c0_i32_0 : i32, i32
  }
  func.func @transform_7(%arg0: i32) -> (i32, i32) {
    %c0_i32 = arith.constant 0 : i32
    %c0_i32_0 = arith.constant 0 : i32
    %c0_i32_1 = arith.constant 0 : i32
    return %c0_i32, %c0_i32_0 : i32, i32
  }
  func.func @transform_8(%arg0: i32) -> (i32, i32) {
    %c0_i32 = arith.constant 0 : i32
    %c0_i32_0 = arith.constant 0 : i32
    %c0_i32_1 = arith.constant 0 : i32
    return %c0_i32, %c0_i32_0 : i32, i32
  }
  func.func @transform_9(%arg0: i32) -> (i32, i32) {
    %c0_i32 = arith.constant 0 : i32
    %c0_i32_0 = arith.constant 0 : i32
    %c0_i32_1 = arith.constant 0 : i32
    return %c0_i32, %c0_i32_0 : i32, i32
  }
  func.func @transform_10(%arg0: i32) -> (i32, i32) {
    %c0_i32 = arith.constant 0 : i32
    %c0_i32_0 = arith.constant 0 : i32
    %c0_i32_1 = arith.constant 0 : i32
    return %c0_i32, %c0_i32_0 : i32, i32
  }
  func.func @transform_11(%arg0: i32) -> (i32, i32) {
    %c0_i32 = arith.constant 0 : i32
    %c0_i32_0 = arith.constant 0 : i32
    %c0_i32_1 = arith.constant 0 : i32
    return %c0_i32, %c0_i32_0 : i32, i32
  }
  func.func @transform_12(%arg0: i32) -> (i32, i32) {
    %c0_i32 = arith.constant 0 : i32
    %c0_i32_0 = arith.constant 0 : i32
    %c0_i32_1 = arith.constant 0 : i32
    return %c0_i32, %c0_i32_0 : i32, i32
  }
  func.func @transform_13(%arg0: i32) -> (i32, i32) {
    %c0_i32 = arith.constant 0 : i32
    %c0_i32_0 = arith.constant 0 : i32
    %c0_i32_1 = arith.constant 0 : i32
    return %c0_i32, %c0_i32_0 : i32, i32
  }
  func.func @transform_14(%arg0: i32) -> (i32, i32) {
    %c0_i32 = arith.constant 0 : i32
    %c0_i32_0 = arith.constant 0 : i32
    %c0_i32_1 = arith.constant 0 : i32
    return %c0_i32, %c0_i32_0 : i32, i32
  }
  func.func @transform_15(%arg0: i32) -> (i32, i32) {
    %c0_i32 = arith.constant 0 : i32
    %c0_i32_0 = arith.constant 0 : i32
    %c0_i32_1 = arith.constant 0 : i32
    return %c0_i32, %c0_i32_0 : i32, i32
  }
  func.func @transform_16(%arg0: i32) -> (i32, i32) {
    %c0_i32 = arith.constant 0 : i32
    %c0_i32_0 = arith.constant 0 : i32
    %c0_i32_1 = arith.constant 0 : i32
    return %c0_i32, %c0_i32_0 : i32, i32
  }
  func.func @transform_17(%arg0: i32) -> (i32, i32) {
    %c0_i32 = arith.constant 0 : i32
    %c0_i32_0 = arith.constant 0 : i32
    %c0_i32_1 = arith.constant 0 : i32
    return %c0_i32, %c0_i32_0 : i32, i32
  }
  func.func @transform_18(%arg0: i32) -> (i32, i32) {
    %c0_i32 = arith.constant 0 : i32
    %c0_i32_0 = arith.constant 0 : i32
    return %arg0, %c0_i32 : i32, i32
  }
}

</mosaic_0001>

<sc_bundles>
// kernel: kernel.6.cloned.1.call-start
scs
__scs_entry_jumppad:
0x0: {  	(pc) =	sbr.rel $0x88, $3  }
0x1: {  	(tag) =	ssettag $0x0;
	lr =	simm.s32 $0x1  }
0x2: {  	[smem:$0x3F84] =	sst lr;
	_ =	strace $0xD0000000  }
0x3: {  	_ = 	snop  }
0x4: {  	_ = 	snop  }
0x5: {  	_ = 	snop  }
0x6: {  	_ = 	snop  }
0x7: {  	_ = 	snop  }
__scs_overlays_trampoline_lowered:
0x8: {  	[smem:$0x3F93] =	sst s0  }
0x9: {  	[smem:$0x3F94] =	sst s1  }
0xa: {  	[smem:$0x3F95] =	sst s2  }
0xb: {  	[smem:$0x3F96] =	sst s3  }
0xc: {  	[smem:$0x3F97] =	sst s4  }
0xd: {  	[smem:$0x3F98] =	sst s5  }
0xe: {  	[smem:$0x3F99] =	sst s6  }
0xf: {  	[smem:$0x3F9A] =	sst s7  }
0x10: {  	[smem:$0x3F9B] =	sst s8  }
0x11: {  	[smem:$0x3F9C] =	sst s9;
	s0 =	simm.s32 @!p0 $0x0  }
0x12: {  	s1 =	sld [smem:$0x3F82];
	s0 =	simm.s32 @p0 $0x1  }
0x13: {  	[smem:$0x3F9D] =	sst s0;
	s0 =	simm.s32 @!p1 $0x0  }
0x14: {  	s2 =	sld [smem:$0x3F81];
	s0 =	simm.s32 @p1 $0x1  }
0x15: {  	[smem:$0x3F9E] =	sst s0;
	s0 =	simm.s32 @!p2 $0x0  }
0x16: {  	s3 =	sld [smem:$0x3FDB];
	s0 =	simm.s32 @p2 $0x1  }
0x17: {  	s4 =	simm.s32 $0x1BF5;
	[smem:$0x3FA0] =	sst s0  }
0x18: {  	s0 =	sld [smem:$0x3F83];
	_ =	swait.ge [sflag:s4], $0x0  }
0x19: {  	s7 =	sld [smem:$0x3F84]  }
0x1a: {  	s8 =	sadd.s32 $0xFFFFE003, lr  }
0x1b: {  	s9 =	sadd.s32 $0xFFFFFEF7, lr;
	s5 =	simm.s32 $0xFFFFFFFF;
	p2 =	slt.u32 s8, $0xFFFFF086  }
0x1c: {  	p1 =	slt.u32 s9, $0xF7A;
	s5 =	simm.s32 @!p2 $0x0  }
0x1d: {  	s5 =	simm.s32 @p1 $0x1;
	p0 =	seq.s32 s7, s2  }
0x1e: {  	s7 =	smul.u32 @!p0 $0xF7A, s2;
	p2 =	seq.s32 @!p0 s5, $0x0  }
0x1f: {  	s9 =	smul.u32 $0xF7A, s1;
	s8 =	simm.s32 @!p0 $0x1BF5;
	p2 =	por !p2, p0  }
0x20: {  	[sflag:s8] =	ssyncset.s32 @!p0 $0xFFFFF086;
	s6 =	sadd.s32 @!p0 s3, s7;
	s7 =	simm.s32 @!p0 $0x108  }
0x21: {  	s3 =	sadd.s32 s3, s9;
	s6 =	sadd.s32 @!p0 $0x88, s6;
	s7 =	simm.s32 @p2 $0x1082  }
0x22: {  	[simem:s7], [sflag:s8] =	dma.local @!p0 [hbm:s6], $0xF7A  }
0x23: {  	s9 =	sor.u32 $0xD0000000, s2;
	s6 =	simm.s32 $0x108;
	_ =	swait.ge @!p0 [sflag:s8], $0x0  }
0x24: {  	s3 =	sadd.s32 $0x88, s3;
	s6 =	simm.s32 @!p1 $0x1082;
	[sflag:s4] =	ssyncset.s32 $0xFFFFF086  }
0x25: {  	[simem:s6], [sflag:s4] =	dma.local [hbm:s3], $0xF7A  }
0x26: {  	[smem:$0x3F84] =	sst s1;
	(tag) =	ssettag s2;
	_ =	strace s9  }
0x27: {  	s1 =	sld [smem:$0x3F94]  }
0x28: {  	s2 =	sld [smem:$0x3F95]  }
0x29: {  	s4 =	sld [smem:$0x3F97]  }
0x2a: {  	p0 =	seq.s32 s5, $0x0;
	s5 =	sld [smem:$0x3F98]  }
0x2b: {  	s6 =	sld [smem:$0x3F99]  }
0x2c: {  	s7 =	sld [smem:$0x3F9A]  }
0x2d: {  	s3 =	simm.s32 $0x108;
	s8 =	sld [smem:$0x3F9B]  }
0x2e: {  	s3 =	simm.s32 @!p0 $0x1082;
	s9 =	sld [smem:$0x3F9C]  }
0x2f: {  	lr =	sadd.s32 s0, s3;
	s0 =	sld [smem:$0x3F93]  }
0x30: {  	s3 =	sld [smem:$0x3F96]  }
0x31: {  	[smem:$0x3F9F] =	sst s10  }
0x32: {  	s10 =	sld [smem:$0x3F9D];
	_ =	sdelay $0x3  }
0x33: {  	p0 =	seq.s32 s10, $0x1;
	s10 =	sld [smem:$0x3F9F];
	_ =	sdelay $0x3  }
0x34: {  	[smem:$0x3F9F] =	sst s10  }
0x35: {  	s10 =	sld [smem:$0x3F9E];
	_ =	sdelay $0x3  }
0x36: {  	p1 =	seq.s32 s10, $0x1;
	s10 =	sld [smem:$0x3F9F];
	_ =	sdelay $0x3  }
0x37: {  	[smem:$0x3F9F] =	sst s10  }
0x38: {  	s10 =	sld [smem:$0x3FA0]  }
0x39: {  	_ = 	snop;
	(pc) =	sbr.ind lr, $3  }
0x3a: {  	_ = 	snop  }
0x3b: {  	_ = 	snop  }
0x3c: {  	p2 =	seq.s32 s10, $0x1;
	s10 =	sld [smem:$0x3F9F]  }
0x3d: {  	_ =	shalt  }
0x3e: {  	_ =	shalt  }
0x3f: {  	_ =	shalt  }
0x40: {  	_ =	shalt  }
0x41: {  	_ =	shalt  }
0x42: {  	_ =	shalt  }
0x43: {  	_ =	shalt  }
0x44: {  	_ =	shalt  }
0x45: {  	_ =	shalt  }
0x46: {  	_ =	shalt  }
0x47: {  	_ =	shalt  }
0x48: {  	_ =	shalt  }
0x49: {  	_ =	shalt  }
0x4a: {  	_ =	shalt  }
0x4b: {  	_ =	shalt  }
0x4c: {  	_ =	shalt  }
0x4d: {  	_ =	shalt  }
0x4e: {  	_ =	shalt  }
0x4f: {  	_ =	shalt  }
0x50: {  	_ =	shalt  }
0x51: {  	_ =	shalt  }
0x52: {  	_ =	shalt  }
0x53: {  	_ =	shalt  }
0x54: {  	_ =	shalt  }
0x55: {  	_ =	shalt  }
0x56: {  	_ =	shalt  }
0x57: {  	_ =	shalt  }
0x58: {  	_ =	shalt  }
0x59: {  	_ =	shalt  }
0x5a: {  	_ =	shalt  }
0x5b: {  	_ =	shalt  }
0x5c: {  	_ =	shalt  }
0x5d: {  	_ =	shalt  }
0x5e: {  	_ =	shalt  }
0x5f: {  	_ =	shalt  }
0x60: {  	_ =	shalt  }
0x61: {  	_ =	shalt  }
0x62: {  	_ =	shalt  }
0x63: {  	_ =	shalt  }
0x64: {  	_ =	shalt  }
0x65: {  	_ =	shalt  }
0x66: {  	_ =	shalt  }
0x67: {  	_ =	shalt  }
0x68: {  	_ =	shalt  }
0x69: {  	_ =	shalt  }
0x6a: {  	_ =	shalt  }
0x6b: {  	_ =	shalt  }
0x6c: {  	_ =	shalt  }
0x6d: {  	_ =	shalt  }
0x6e: {  	_ =	shalt  }
0x6f: {  	_ =	shalt  }
0x70: {  	_ =	shalt  }
0x71: {  	_ =	shalt  }
0x72: {  	_ =	shalt  }
0x73: {  	_ =	shalt  }
0x74: {  	_ =	shalt  }
0x75: {  	_ =	shalt  }
0x76: {  	_ =	shalt  }
0x77: {  	_ =	shalt  }
0x78: {  	_ =	shalt  }
0x79: {  	_ =	shalt  }
0x7a: {  	_ =	shalt  }
0x7b: {  	_ =	shalt  }
0x7c: {  	_ =	shalt  }
0x7d: {  	_ =	shalt  }
0x7e: {  	_ =	shalt  }
0x7f: {  	_ =	shalt  }
0x80: {  	_ =	shalt  }
0x81: {  	_ =	shalt  }
0x82: {  	_ =	shalt  }
0x83: {  	_ =	shalt  }
0x84: {  	_ =	shalt  }
0x85: {  	_ =	shalt  }
0x86: {  	_ =	shalt  }
0x87: {  	_ =	shalt  }
.Lfunc_end0:
.L_simem_size_0:
called_computation_lowered:
.L_overlay_start_0:
0x88: {  	s2 =	sld [smem:$0x3FD9]  }
0x89: {  	s3 =	sld [smem:$0x3FFE];
	_ =	sdelay $0x1  }
0x8a: {  	s1 =	srdreg.scid  }
0x8b: {  	s0 =	sand.u32 $0x1, s1  }
0x8c: {  	s17 =	sshll.u32 s0, $0xA;
	s2 =	sadd.s32 s3, s2  }
0x8d: {  	s2 =	sadd.s32 s2, s17  }
0x8e: {  	[smem:$0x3FAB] =	sst s2  }
0x8f: {  	_ = 	snop  }
0x90: {  	s2 =	sld [smem:$0x3FC6]  }
0x91: {  	s18 =	sld [smem:$0x3FC5];
	(tm) =	ssettm $0x1  }
0x92: {  	s4 =	sld [smem:$0x3FFB];
	_ =	sdelay $0x3  }
0x93: {  	_ =	strace s4  }
0x94: {  	s4 =	sld [smem:$0x3FFC];
	_ =	sdelay $0x3  }
0x95: {  	_ =	strace s4  }
0x96: {  	s4 =	sld [smem:$0x3FFD];
	_ =	sdelay $0x3  }
0x97: {  	_ =	strace s4  }
0x98: {  	_ =	strace $0x8FFFFFFF  }
0x99: {  	s19 =	sld [smem:$0x3FDB];
	_ =	sdelay $0x1  }
0x9a: {  	s5 =	simm.s32 $_scs_section_size  }
0x9b: {  	s6 =	simm.s32 $_size__tile_overlayer_lowered;
	s7 =	simm.s32 $_tile_overlayer_lowered  }
0x9c: {  	s22 =	simm.s32 $0x1BFF;
	s21 =	sshll.u32 s7, $0x1;
	s4 =	sadd.s32 s5, s19  }
0x9d: {  	s8 =	simm.s32 $0x0;
	s20 =	sshll.u32 s6, $0x1;
	s6 =	sadd.s32 s21, s4  }
0x9e: {  	[timem:s8], [sflag:s22] =	dma.local [hbm:s6], s20  }
0x9f: {  	_ =	swait.ge [sflag:s22], s20  }
0xa0: {  	s5 =	ssub.s32 $0x0, s20;
	[sflag:s22] =	ssyncset.done $0x0  }
0xa1: {  	[sflag:s22] =	ssyncadd.s32 s5;
	_ =	sdelay $0x1  }
0xa2: {  	s23 =	simm.s32 $0x1B8B  }
0xa3: {  	_ =	swait.ge [sflag:s23], $0x1  }
0xa4: {  	[sflag:s23] =	ssyncset.done $0x0  }
0xa5: {  	s25 =	simm.s32 $0x1B8E;
	s24 =	sld [smem:$0x3FFE];
	[sflag:s23] =	ssyncadd.s32 $0xFFFFFFFF  }
0xa6: {  	s26 =	simm.s32 $execute0_lowered;
	[smem:$0x3FD2] =	sst s25  }
0xa7: {  	s6 =	sshll.u32 s26, $0x1;
	_ =	strace $0x80000046;
	[dreg:$0x1] =	wrdreg $0xFFFFFFFF  }
0xa8: {  	s28 =	simm.s32 $_size_execute0_lowered;
	s4 =	sadd.s32 s4, s6;
	[dreg:$0x0] =	wrdreg $0x0  }
0xa9: {  	s6 =	sshll.u32 s28, $0x1;
	[dreg:$0x2] =	wrdreg s4  }
0xaa: {  	[dreg:$0x3] =	wrdreg s6  }
0xab: {  	[dreg:$0x4] =	wrdreg $0xC0  }
0xac: {  	_ =	task [dreg:s8], $0x5FFFF  }
0xad: {  	[dreg:$0x1] =	wrdreg $0xFFFFFFFF  }
0xae: {  	[dreg:$0x0] =	wrdreg $0x60  }
0xaf: {  	[dreg:$0x2] =	wrdreg s24  }
0xb0: {  	[dreg:$0x3] =	wrdreg s2  }
0xb1: {  	[dreg:$0x4] =	wrdreg s18  }
0xb2: {  	[dreg:$0x5] =	wrdreg $0xEA800  }
0xb3: {  	[dreg:$0x6] =	wrdreg $0x9  }
0xb4: {  	_ =	task.clear_ibuf [dreg:s8], $0x7FFFF;
	_ =	strace $0x90000046  }
0xb5: {  	s29 =	simm.s32 $0x9;
	_ =	strace $0x80000048  }
0xb6: {  	_ =	swait.ge [sflag:s29], $0x1  }
0xb7: {  	[sflag:s29] =	ssyncadd.s32 $0xFFFFFFFF  }
0xb8: {  	_ =	strace $0x90000048  }
0xb9: {  	_ =	sfence  }
0xba: {  	s30 =	sld [smem:$0x0];
	_ =	sdelay $0x2  }
0xbb: {  	s31 =	sshll.u32 s1, $0xD;
	s1 =	sshrl.u32 s1, $0x2  }
0xbc: {  	s3 =	sand.u32 $0x4000, s31;
	s1 =	sadd.s32 s1, s30  }
0xbd: {  	s0 =	sor.u32 s3, s0;
	s1 =	sshll.u32 s1, $0x11  }
0xbe: {  	s0 =	sor.u32 s1, s0  }
0xbf: {  	s0 =	sadd.s32 $0x8F2B, s0  }
0xc0: {  	[sflag:s0] =	ssyncadd.remote.s32 $0x1  }
0xc1: {  	_ =	sfence.sel $0xFFFF  }
0xc2: {  	[dreg:$0x0] =	wrdreg $0xFFFFFFFF;
	(pc) =	sbr.abs _section_cstart, $3  }
0xc3: {  	[dreg:$0x1] =	wrdreg $0xFFFFFFFF  }
0xc4: {  	_ =	task.clear_ibuf [dreg:s8], $0x2FFFF;
	_ =	strace $0x9FFFFFFF  }
0xc5: {  	(tm) =	ssettm $0x7FFFFFFF  }
tec
execute0_lowered:
.L_overlay_start_1:
0x0: {  	(tag) =	ssettag $0x1  }
0x1: {  	s0 =	rddreg [dreg:$0x0]  }
0x2: {  	s1 =	rddreg [dreg:$0x1]  }
0x3: {  	s2 =	rddreg [dreg:$0x2]  }
0x4: {  	s3 =	rddreg [dreg:$0x3]  }
0x5: {  	s4 =	simm.s32 $0x0;
	s5 =	srdreg.scid;
	s12 =	stileid.u32  }
0x6: {  	s20 =	simm.s32 $0xC280;
	s21 =	simm.s32 $0x3;
	s28 =	simm.s32 $0x8280  }
0x7: {  	s29 =	simm.s32 $0x4280;
	s30 =	simm.s32 $0x4200;
	[smem:$0x7FF] =	sst s4  }
0x8: {  	s5 =	sand.u32 $0x1, s5;
	s6 =	sadd.s32 $0x3800, s0;
	s7 =	sadd.s32 $0x138C000, s0  }
0x9: {  	s0 =	sadd.s32 $0x9C7800, s0;
	p0 =	slt.u32 s12, $0x2;
	s17 =	smul.u32 $0x32000, s12  }
0xa: {  	s18 =	sor.u32 $0x1900, s12;
	s11 =	sshll.u32 s12, $0x7;
	s13 =	smul.u32 $0x190, s12  }
0xb: {  	s26 =	sshll.u32 s12, $0xA;
	_ =	strace $0x80000047;
	[dreg:$0x5] =	wrdreg s0  }
0xc: {  	s8 =	ssub.s32 $0x2, s5;
	s10 =	smul.u32 $0x27100, s5;
	[dreg:$0xd] =	wrdreg s26  }
0xd: {  	s31 =	sadd.s32 s11, s2;
	s9 =	sshrl.u32 s8, $0x1;
	[dreg:$0x7] =	wrdreg s13  }
0xe: {  	s5 =	sshll.u32 s5, $0xB;
	[dreg:$0xf] =	wrdreg s31;
	s16 =	ssub.s32 s8, s9  }
0xf: {  	[dreg:$0x6] =	wrdreg s10;
	s9 =	sshrl.u32 s17, $0x2;
	s0 =	smax.u32 s16, $0x1  }
0x10: {  	v0 =	vlaneseq.u32;
	s26 =	simm.s32 $0x4180;
	s13 =	sadd.s32 s9, s3;
	[dreg:$0xe] =	wrdreg s0  }
0x11: {  	v17 =	vimm.f32 $0.0e+00;
	v2 =	vor.u32 $0x10, v0;
	s19 =	sor.u32 s11, s5;
	s22 =	sadd.s32 $0x2800, s13;
	[dreg:$0x8] =	wrdreg s13  }
.Ltmp0:
0x12: {  	v4 =	vor.u32 $0x20, v0;
	v5 =	vor.u32 $0x30, v0;
	v8 =	vor.u32 $0x40, v0;
	s23 =	sadd.s32 $0x5000, s13;
	[dreg:$0x9] =	wrdreg s22;
	(pc) =	sbr.rel .LBB2_1-.Ltmp0, $4  }
0x13: {  	v10 =	vor.u32 $0x50, v0;
	v11 =	vor.u32 $0x60, v0;
	v14 =	vor.u32 $0x70, v0;
	s5 =	simm.s32 $0x0;
	s24 =	sadd.s32 $0x7800, s13;
	[dreg:$0xa] =	wrdreg s23  }
0x14: {  	v16 =	vmov s18;
	s8 =	simm.s32 $0x4F;
	v1 =	vor.u32 s19, v0;
	v3 =	vor.u32 s19, v2;
	s25 =	sadd.s32 $0xA000, s13;
	[dreg:$0xb] =	wrdreg s24  }
0x15: {  	v6 =	vor.u32 s19, v4;
	v7 =	vor.u32 s19, v5;
	v9 =	vor.u32 s19, v8;
	s8 =	simm.s32 @!p0 $0x4E;
	[dreg:$0xc] =	wrdreg s25;
	s22 =	simm.s32 $0x2  }
0x16: {  	v12 =	vor.u32 s19, v10;
	v13 =	vor.u32 s19, v11;
	v15 =	vor.u32 s19, v14;
	s23 =	simm.s32 $0x1;
	s24 =	simm.s32 $0x80;
	s25 =	simm.s32 $0x4100  }
.LBB2_19:
0x17: {  	s5 =	rddreg [dreg:$0x10]  }
0x18: {  	s0 =	rddreg [dreg:$0xe];
	s5 =	sadd.s32 $0x1, s5  }
0x19: {  	p0 =	sne.s32 s5, s0  }
.Ltmp1:
0x1a: {  	_ = 	snop;
	(pc) =	sbr.rel @!p0 .LBB2_20-.Ltmp1, $1  }
0x1b: {  	_ =	sdelay $0x3  }
.LBB2_1:
0x1c: {  	s0 =	sand.u32 $0xFE00, s4  }
0x1d: {  	[dreg:$0x10] =	wrdreg s5;
	s10 =	sand.u32 $0x70, s4;
	s0 =	sshrl.u32 s0, $0x2  }
0x1e: {  	s9 =	simm.s32 $0x40;
	s11 =	sor.u32 s10, s0;
	s10 =	simm.s32 $0x0  }
.LBB2_2:
0x1f: {  	p0 =	sne.s32 s9, $0x9FC0  }
0x20: {  	[tilespmem:s11+$0xC280] =	vst v17;
	s10 =	sadd.s32 $0x10, s10;
	s0 =	smov.u32 s9;
	s9 =	sadd.s32 $0x40, s9  }
.Ltmp2:
0x21: {  	(pc) =	sbr.rel @p0 .LBB2_2-.Ltmp2, $4  }
0x22: {  	_ = 	snop  }
0x23: {  	s0 =	sand.u32 $0xFE00, s0  }
0x24: {  	s11 =	sand.u32 $0x70, s10;
	s0 =	sshrl.u32 s0, $0x2  }
0x25: {  	s11 =	sor.u32 s11, s0;
	s0 =	simm.s32 $0x0  }
.Ltmp3:
0x26: {  	(pc) =	sbr.rel .LBB2_4-.Ltmp3, $2  }
0x27: {  	_ =	sdelay $0x2  }
0x28: {  	[tilespmem:s11+$0xC280] =	vst v17  }
.LBB2_18:
0x29: {  	s5 =	rddreg [dreg:$0x7]  }
0x2a: {  	[bflag:$0x0] =	sbarrier.arrive $0xFFFF;
	s9 =	stileid.u32;
	s0 =	sadd.s32 $0x1, s0  }
0x2b: {  	s5 =	sadd.s32 s5, s18;
	s9 =	sshll.u32 s9, $0x6;
	s10 =	rddreg [dreg:$0x5]  }
0x2c: {  	s13 =	rddreg [dreg:$0x8];
	p0 =	sne.s32 s0, $0x19;
	s5 =	sshll.u32 s5, $0x4  }
0x2d: {  	s9 =	sor.u32 $0x1C03, s9;
	s31 =	sshrl.u32 s13, $0x3;
	s5 =	sadd.s32 s10, s5  }
0x2e: {  	[hbm:s5], [sflag:s9] =	dma.local [spmem:s31], $0x1900  }
.Ltmp4:
0x2f: {  	_ =	swait.ge [sflag:s21], $0x1900;
	(pc) =	sbr.rel @!p0 .LBB2_19-.Ltmp4, $3  }
0x30: {  	[sflag:s21] =	ssyncset.done $0x0  }
0x31: {  	[sflag:s21] =	ssyncadd.s32 $0xFFFFE700  }
0x32: {  	[bflag:$0x0] =	sbarrier.arrive $0xFFFF;
	_ =	sdelay $0x1  }
.LBB2_4:
0x33: {  	[spmem:s13] =	stream.linear.scatter [tilespmem:s20], [sflag:$0x3], $0x2800, $0x38;
	[tilespmem:$0x1B300] =	vst v63  }
0x34: {  	_ =	swait.ge [sflag:s21], $0x2800  }
0x35: {  	[sflag:s21] =	ssyncset.done $0x0  }
0x36: {  	s5 =	rddreg [dreg:$0x9];
	[sflag:s21] =	ssyncadd.s32 $0xFFFFD800  }
0x37: {  	[spmem:s5] =	stream.linear.scatter [tilespmem:s20], [sflag:$0x3], $0x2800, $0x38;
	[tilespmem:$0x1B300] =	vst v63  }
0x38: {  	_ =	swait.ge [sflag:s21], $0x2800  }
0x39: {  	[sflag:s21] =	ssyncset.done $0x0  }
0x3a: {  	s16 =	rddreg [dreg:$0xa];
	[sflag:s21] =	ssyncadd.s32 $0xFFFFD800  }
0x3b: {  	[spmem:s16] =	stream.linear.scatter [tilespmem:s20], [sflag:$0x3], $0x2800, $0x38;
	[tilespmem:$0x1B300] =	vst v63  }
0x3c: {  	_ =	swait.ge [sflag:s21], $0x2800  }
0x3d: {  	[sflag:s21] =	ssyncset.done $0x0  }
0x3e: {  	s17 =	rddreg [dreg:$0xb];
	[sflag:s21] =	ssyncadd.s32 $0xFFFFD800  }
0x3f: {  	[spmem:s17] =	stream.linear.scatter [tilespmem:s20], [sflag:$0x3], $0x2800, $0x38;
	[tilespmem:$0x1B300] =	vst v63  }
0x40: {  	_ =	swait.ge [sflag:s21], $0x2800  }
0x41: {  	[sflag:s21] =	ssyncset.done $0x0  }
0x42: {  	s18 =	rddreg [dreg:$0xc];
	[sflag:s21] =	ssyncadd.s32 $0xFFFFD800  }
0x43: {  	[spmem:s18] =	stream.linear.scatter [tilespmem:s20], [sflag:$0x3], $0x2800, $0x38;
	[tilespmem:$0x1B300] =	vst v63  }
0x44: {  	_ =	swait.ge [sflag:s21], $0x2800  }
.Ltmp5:
0x45: {  	[sflag:s21] =	ssyncset.done $0x0;
	(pc) =	sbr.rel .LBB2_5-.Ltmp5, $4  }
0x46: {  	s9 =	smul.u32 $0x1900, s0;
	[sflag:s21] =	ssyncadd.s32 $0xFFFFD800  }
0x47: {  	s19 =	rddreg [dreg:$0x6];
	[bflag:$0x0] =	sbarrier.arrive $0xFFFF  }
0x48: {  	s18 =	sadd.s32 s19, s9;
	s31 =	rddreg [dreg:$0xd]  }
0x49: {  	s10 =	simm.s32 $0x0;
	s9 =	smov.u32 s8;
	v18 =	vmov s18;
	s19 =	rddreg [dreg:$0xf]  }
.LBB2_17:
0x4a: {  	s10 =	sadd.s32 $0x1, s10  }
0x4b: {  	p0 =	sne.s32 s10, $0xA  }
.Ltmp6:
0x4c: {  	_ = 	snop;
	(pc) =	sbr.rel @!p0 .LBB2_18-.Ltmp6, $2  }
0x4d: {  	_ =	sdelay $0x2  }
0x4e: {  	s9 =	sadd.s32 $0xFFFFFFF8, s9;
	s19 =	sadd.s32 $0x4000, s19;
	s31 =	sadd.s32 $0x20000, s31  }
.LBB2_5:
0x4f: {  	p0 =	slt.s32 s9, $0x8;
	s13 =	smov.u32 s9  }
0x50: {  	s13 =	simm.s32 @!p0 $0x8  }
0x51: {  	p0 =	sne.s32 s13, $0x1  }
.Ltmp7:
0x52: {  	s11 =	sshll.u32 s10, $0x3;
	(pc) =	sbr.rel @!p0 .LBB2_7-.Ltmp7, $4  }
0x53: {  	s15 =	simm.s32 $0x0;
	s11 =	ssub.s32 s8, s11  }
0x54: {  	[tilespmem:s15], [sflag:$0x2] =	stream.linear.gather [hbm4b:s19+s4], $0x400, $0x38;
	[tilespmem:$0x1B300] =	vst v63  }
0x55: {  	s17 =	smov.u32 s19;
	p1 =	slt.s32 s11, $0x8  }
0x56: {  	s14 =	sshll.u32 s13, $0x6;
	s16 =	sadd.s32 $0xFFFFFFFF, s13;
	s11 =	simm.s32 @!p1 $0x8  }
.LBB2_6:
0x57: {  	p1 =	sne.s32 s16, $0x1  }
.Ltmp8:
0x58: {  	_ = 	snop;
	(pc) =	sbr.rel @p1 .LBB2_6-.Ltmp8, $4  }
0x59: {  	_ = 	snop  }
0x5a: {  	s15 =	sadd.s32 $0x400, s15;
	s17 =	sadd.s32 $0x800, s17  }
0x5b: {  	s16 =	sadd.s32 $0xFFFFFFFF, s16  }
0x5c: {  	[tilespmem:s15], [sflag:$0x2] =	stream.linear.gather [hbm4b:s17+s4], $0x400, $0x38;
	[tilespmem:$0x1B300] =	vst v63  }
.LBB2_7:
.Ltmp9:
0x5d: {  	(pc) =	sbr.rel @!p0 .LBB2_9-.Ltmp9, $3  }
0x5e: {  	_ =	sdelay $0x1  }
0x5f: {  	_ =	swait.ge [sflag:s22], $0x400  }
0x60: {  	s13 =	sadd.s32 $0xFFFFFFFF, s13;
	[sflag:s22] =	ssyncset.done $0x0  }
.LBB2_8:
0x61: {  	p0 =	sne.s32 s13, $0x1;
	s13 =	sadd.s32 $0xFFFFFFFF, s13;
	[sflag:s22] =	ssyncadd.s32 $0xFFFFFC00  }
.Ltmp10:
0x62: {  	(pc) =	sbr.rel @p0 .LBB2_8-.Ltmp10, $3  }
0x63: {  	_ =	sdelay $0x1  }
0x64: {  	_ =	swait.ge [sflag:s22], $0x400  }
0x65: {  	[sflag:s22] =	ssyncset.done $0x0  }
.LBB2_9:
0x66: {  	s11 =	sshll.u32 s11, $0x6  }
0x67: {  	p0 =	slt.s32 s11, $0x1  }
.Ltmp11:
0x68: {  	_ = 	snop;
	(pc) =	sbr.rel @p0 .LBB2_13-.Ltmp11, $2  }
0x69: {  	_ =	sdelay $0x2  }
0x6a: {  	[sflag:s22] =	ssyncadd.s32 $0xFFFFFC00;
	s13 =	simm.s32 $0x0;
	s11 =	simm.s32 $0x0  }
0x6b: {  	v19 =	vld [tilespmem:s11+$0x0];
	_ =	sdelay $0x4  }
0x6c: {  	v19 =	vsub.s32 v19, v18  }
0x6d: {  	vm0 =	vlt.u32 v19, $0x1900  }
0x6e: {  	v19 =	vmpcnt.ones.xlane vm0;
	_ =	sdelay $0x1  }
0x6f: {  	s13 =	simm.s32 $0x0;
	(v2sf) =	vpush v19, $0x0  }
0x70: {  	p0 =	sne.s32 s14, $0x1;
	s13 =	smul.u32 $0x3C00, s13  }
.Ltmp12:
0x71: {  	_ = 	snop;
	(pc) =	sbr.rel @!p0 .LBB2_12-.Ltmp12, $4  }
0x72: {  	_ = 	snop  }
0x73: {  	s13 =	sadd.s32 s13, s31  }
0x74: {  	s16 =	simm.s32 $0x10;
	v20 =	vor.u32 s13, v0  }
0x75: {  	s17 =	smov.u32 s31;
	s15 =	simm.s32 $0x0;
	s13 =	simm.s32 $0x1;
	[tilespmem:s11+$0x2000] =	vst.msk vm0, v20  }
.LBB2_11:
0x76: {  	v19 =	vld [tilespmem:s16+$0x0];
	s5 =	smov.u32 s13;
	s13 =	sadd.s32 $0x1, s13  }
0x77: {  	p0 =	sne.s32 s14, s13;
	_ =	sdelay $0x3  }
0x78: {  	s5 =	sshrl.u32 s5, $0x6;
	v19 =	vsub.s32 v19, v18  }
0x79: {  	s5 =	smul.u32 $0x3C00, s5;
	vm0 =	vlt.u32 v19, $0x1900  }
0x7a: {  	s17 =	sadd.s32 $0x10, s17;
	v19 =	vmpcnt.ones.xlane vm0  }
0x7b: {  	s5 =	sadd.s32 s5, s17;
	s12 =	spop (v2sf)  }
0x7c: {  	v20 =	vor.u32 s5, v0;
	(v2sf) =	vpush v19, $0x0;
	s15 =	sadd.s32 s15, s12  }
0x7d: {  	[tilespmem:s15+$0x2000] =	vst.msk vm0, v20  }
.Ltmp13:
0x7e: {  	(pc) =	sbr.rel @p0 .LBB2_11-.Ltmp13, $2  }
0x7f: {  	_ =	sdelay $0x2  }
0x80: {  	s16 =	sadd.s32 $0x10, s16  }
.LBB2_12:
0x81: {  	_ =	sdelay $0x7  }
0x82: {  	s5 =	spop (v2sf)  }
0x83: {  	s13 =	sadd.s32 s15, s5  }
.LBB2_13:
0x84: {  	s5 =	sadd.s32 $0x7F, s13  }
0x85: {  	s12 =	sand.u32 $0x7F, s5  }
0x86: {  	s17 =	sshra.s32 s5, $0x1F;
	p1 =	slt.s32 s5, $0x1;
	p0 =	sne.s32 s12, $0x0  }
0x87: {  	s12 =	sshrl.u32 s17, $0x19;
	p0 =	por !p1, !p0  }
0x88: {  	s5 =	sadd.s32 s12, s5;
	s12 =	simm.s32 $0x1;
	p0 =	por !p0, !p0  }
0x89: {  	s5 =	sshrl.u32 s5, $0x7;
	s12 =	simm.s32 @!p0 $0x0  }
0x8a: {  	s5 =	ssub.s32 s5, s12  }
0x8b: {  	[tilespmem:s13+$0x2000] =	vst v1;
	s5 =	sshll.u32 s5, $0x7  }
0x8c: {  	[tilespmem:s13+$0x2010] =	vst v3;
	s14 =	sshra.s32 s5, $0x7  }
0x8d: {  	[tilespmem:s13+$0x2020] =	vst v6;
	p0 =	slt.s32 s14, $0x1  }
.Ltmp14:
0x8e: {  	[tilespmem:s13+$0x2030] =	vst v7;
	(pc) =	sbr.rel @p0 .LBB2_17-.Ltmp14, $4  }
0x8f: {  	[tilespmem:s13+$0x2040] =	vst v9  }
0x90: {  	[tilespmem:s13+$0x2050] =	vst v12  }
0x91: {  	[tilespmem:s13+$0x2060] =	vst v13  }
0x92: {  	[tilespmem:s13+$0x2070] =	vst v15  }
.LBB2_14:
0x93: {  	s5 =	sshll.u32 s11, $0x9  }
0x94: {  	s5 =	sshra.s32 s5, $0x2  }
0x95: {  	s5 =	sadd.s32 $0x2000, s5  }
0x96: {  	[tilespmem:s25], [sflag:$0x1] =	stream.indirect.gather [hbm4b:s1+s24], $0x1, s5, s24, $0xb8;
	[tilespmem:$0x1B300] =	vst v63  }
0x97: {  	_ = 	snop  }
0x98: {  	[tilespmem:s26], [sflag:$0x1] =	stream.indirect.gather [hbm4b:s2+s24], $0x1, s5, s24, $0xb8;
	[tilespmem:$0x1B300] =	vst v63  }
0x99: {  	_ = 	snop  }
0x9a: {  	[tilespmem:s28], [sflag:$0x1] =	stream.indirect.gather [hbm4b:s7+s24], $0x80, s5, s24, $0xb8;
	[tilespmem:$0x1B300] =	vst v63  }
0x9b: {  	_ =	swait.ge [sflag:s23], $0x80  }
0x9c: {  	[sflag:s23] =	ssyncset.done $0x0  }
0x9d: {  	[sflag:s23] =	ssyncadd.s32 $0xFFFFFF80  }
0x9e: {  	[tilespmem:s29], [sflag:$0x1] =	stream.indirect.gather [hbm4b:s6+s24], $0x80, s25, s24, $0xb8;
	[tilespmem:$0x1B300] =	vst v63  }
0x9f: {  	_ =	swait.ge [sflag:s23], $0x80  }
0xa0: {  	[sflag:s23] =	ssyncset.done $0x0  }
0xa1: {  	[sflag:s23] =	ssyncadd.s32 $0xFFFFFF80  }
0xa2: {  	v19 =	vld [tilespmem:$0x4180]  }
0xa3: {  	v20 =	vld [tilespmem:$0x4190]  }
0xa4: {  	v21 =	vld [tilespmem:$0x41A0]  }
0xa5: {  	s17 =	sshll.u32 s11, $0x7;
	v23 =	vld [tilespmem:$0x41B0]  }
0xa6: {  	s5 =	ssub.s32 s13, s17;
	v24 =	vld [tilespmem:$0x41C0]  }
0xa7: {  	v22 =	vmov s5;
	v25 =	vld [tilespmem:$0x41D0]  }
0xa8: {  	vm1 =	vgt.s32 v22, v0  }
0xa9: {  	vm2 =	vgt.s32 v22, v2;
	vm4 =	vgt.s32 v22, v4;
	vm12 =	vgt.s32 v22, v5  }
0xaa: {  	vm14 =	vgt.s32 v22, v8;
	v19 =	vsub.s32 v19, v18;
	v20 =	vsub.s32 v20, v18  }
0xab: {  	v21 =	vsub.s32 v21, v18;
	v23 =	vsub.s32 v23, v18;
	v24 =	vsub.s32 v24, v18  }
0xac: {  	v25 =	vsub.s32 v25, v18;
	vm0 =	vlt.u32 v19, $0x1900;
	vm8 =	vlt.u32 v20, $0x1900  }
0xad: {  	v26 =	vld [tilespmem:$0x41E0];
	vm3 =	vlt.u32 v21, $0x1900;
	vm11 =	vlt.u32 v23, $0x1900;
	vm13 =	vlt.u32 v24, $0x1900  }
0xae: {  	v27 =	vld [tilespmem:$0x41F0];
	vm15 =	vlt.u32 v25, $0x1900;
	vm0 =	vmand vm1, vm0;
	vm9 =	vmand vm2, vm8  }
0xaf: {  	vm10 =	vmand vm4, vm3;
	vm8 =	vgt.s32 v22, v10;
	v19 =	vsel vm0, v19, v16  }
0xb0: {  	v20 =	vsel vm9, v20, v16;
	v21 =	vsel vm10, v21, v16;
	vm0 =	vmand vm12, vm11;
	[tilespmem:$0x4200] =	vst v19  }
0xb1: {  	vm9 =	vmand vm14, vm13;
	vm10 =	vmand vm8, vm15;
	vm12 =	vgt.s32 v22, v11;
	[tilespmem:$0x4210] =	vst v20  }
0xb2: {  	vm14 =	vgt.s32 v22, v14;
	v19 =	vsel vm0, v23, v16;
	[tilespmem:$0x4220] =	vst v21;
	v23 =	vsub.s32 v26, v18  }
0xb3: {  	v20 =	vsel vm9, v24, v16;
	[tilespmem:$0x4230] =	vst v19;
	vm11 =	vlt.u32 v23, $0x1900;
	v19 =	vsub.s32 v27, v18  }
0xb4: {  	v21 =	vsel vm10, v25, v16;
	[tilespmem:$0x4240] =	vst v20;
	vm0 =	vmand vm12, vm11;
	vm13 =	vlt.u32 v19, $0x1900  }
0xb5: {  	[tilespmem:$0x4250] =	vst v21;
	v20 =	vsel vm0, v23, v16;
	vm15 =	vmand vm14, vm13  }
0xb6: {  	[tilespmem:$0x4260] =	vst v20;
	v19 =	vsel vm15, v19, v16  }
0xb7: {  	[tilespmem:$0x4270] =	vst v19  }
0xb8: {  	_ =	swait.ge [sflag:s23], $0x4000  }
0xb9: {  	[sflag:s23] =	ssyncset.done $0x0  }
0xba: {  	[sflag:s23] =	ssyncadd.s32 $0xFFFFC000  }
0xbb: {  	_ =	swait.ge [sflag:s23], $0x4000  }
0xbc: {  	[sflag:s23] =	ssyncset.done $0x0  }
0xbd: {  	s15 =	simm.s32 $0x0;
	[sflag:s23] =	ssyncadd.s32 $0xFFFFC000  }
0xbe: {  	v25 =	vld [tilespmem:s15+$0x4280]  }
0xbf: {  	v26 =	vld [tilespmem:s15+$0x4290]  }
0xc0: {  	v27 =	vld [tilespmem:s15+$0x42A0]  }
0xc1: {  	v28 =	vld [tilespmem:s15+$0x42B0]  }
0xc2: {  	v29 =	vld [tilespmem:s15+$0x4300]  }
0xc3: {  	v30 =	vld [tilespmem:s15+$0x4310]  }
0xc4: {  	v31 =	vld [tilespmem:s15+$0x4320]  }
0xc5: {  	v32 =	vld [tilespmem:s15+$0x4330]  }
0xc6: {  	v33 =	vld [tilespmem:s15+$0x4380]  }
0xc7: {  	v34 =	vld [tilespmem:s15+$0x4390]  }
0xc8: {  	v24 =	vld [tilespmem:s15+$0x43A0]  }
0xc9: {  	v23 =	vld [tilespmem:s15+$0x43B0]  }
0xca: {  	v22 =	vld [tilespmem:s15+$0x4400]  }
0xcb: {  	v21 =	vld [tilespmem:s15+$0x4410]  }
0xcc: {  	v20 =	vld [tilespmem:s15+$0x4420]  }
0xcd: {  	v19 =	vld [tilespmem:s15+$0x4430]  }
0xce: {  	v35 =	vld [tilespmem:s15+$0x8280]  }
0xcf: {  	v36 =	vld [tilespmem:s15+$0x8290]  }
0xd0: {  	v37 =	vld [tilespmem:s15+$0x82A0]  }
0xd1: {  	v38 =	vld [tilespmem:s15+$0x82B0]  }
0xd2: {  	v39 =	vld [tilespmem:s15+$0x8300]  }
0xd3: {  	v60 =	vld [tilespmem:s15+$0x8310];
	v25 =	vmul.f32 v35, v25  }
0xd4: {  	v40 =	vld [tilespmem:s15+$0x8320];
	v26 =	vmul.f32 v36, v26  }
0xd5: {  	v61 =	vld [tilespmem:s15+$0x8330];
	[tilespmem:s15+$0x8280] =	vst v25;
	v25 =	vmul.f32 v37, v27  }
0xd6: {  	v62 =	vld [tilespmem:s15+$0x8380];
	[tilespmem:s15+$0x8290] =	vst v26;
	v26 =	vmul.f32 v38, v28  }
0xd7: {  	v63 =	vld [tilespmem:s15+$0x8390];
	[tilespmem:s15+$0x82A0] =	vst v25;
	v25 =	vmul.f32 v39, v29  }
0xd8: {  	v27 =	vmul.f32 v60, v30;
	[tilespmem:s15+$0x82B0] =	vst v26;
	v26 =	vld [tilespmem:s15+$0x83A0]  }
0xd9: {  	v28 =	vmul.f32 v40, v31;
	[tilespmem:s15+$0x8300] =	vst v25;
	v25 =	vld [tilespmem:s15+$0x83B0]  }
0xda: {  	[tilespmem:s15+$0x8310] =	vst v27;
	v27 =	vld [tilespmem:s15+$0x8400];
	v29 =	vmul.f32 v61, v32  }
0xdb: {  	v31 =	vmul.f32 v62, v33;
	[tilespmem:s15+$0x8320] =	vst v28;
	v28 =	vld [tilespmem:s15+$0x8410]  }
0xdc: {  	s16 =	simm.s32 $0x800;
	v30 =	vmul.f32 v63, v34;
	[tilespmem:s15+$0x8330] =	vst v29;
	v29 =	vld [tilespmem:s15+$0x8420]  }
.LBB2_15:
0xdd: {  	s5 =	sshra.s32 s16, $0x2;
	p0 =	sne.s32 s16, $0xF800;
	[tilespmem:s15+$0x8380] =	vst v31;
	v24 =	vmul.f32 v26, v24;
	v26 =	vld [tilespmem:s15+$0x8430]  }
0xde: {  	v31 =	vld [tilespmem:s5+$0x4280];
	[tilespmem:s15+$0x8390] =	vst v30;
	v23 =	vmul.f32 v25, v23  }
0xdf: {  	v25 =	vld [tilespmem:s5+$0x4290];
	[tilespmem:s15+$0x83A0] =	vst v24;
	v22 =	vmul.f32 v27, v22  }
0xe0: {  	v27 =	vld [tilespmem:s5+$0x42A0];
	[tilespmem:s15+$0x83B0] =	vst v23;
	v21 =	vmul.f32 v28, v21  }
0xe1: {  	v28 =	vld [tilespmem:s5+$0x42B0];
	[tilespmem:s15+$0x8400] =	vst v22;
	v20 =	vmul.f32 v29, v20  }
0xe2: {  	v29 =	vld [tilespmem:s5+$0x4300];
	[tilespmem:s15+$0x8410] =	vst v21;
	v19 =	vmul.f32 v26, v19  }
0xe3: {  	v26 =	vld [tilespmem:s5+$0x4310];
	[tilespmem:s15+$0x8420] =	vst v20  }
0xe4: {  	v30 =	vld [tilespmem:s5+$0x4320];
	[tilespmem:s15+$0x8430] =	vst v19;
	s15 =	smov.u32 s5  }
0xe5: {  	v32 =	vld [tilespmem:s15+$0x4330]  }
0xe6: {  	v33 =	vld [tilespmem:s15+$0x4380]  }
0xe7: {  	v34 =	vld [tilespmem:s15+$0x4390]  }
0xe8: {  	v24 =	vld [tilespmem:s15+$0x43A0]  }
0xe9: {  	v23 =	vld [tilespmem:s15+$0x43B0]  }
0xea: {  	v22 =	vld [tilespmem:s15+$0x4400]  }
0xeb: {  	v21 =	vld [tilespmem:s15+$0x4410]  }
0xec: {  	v20 =	vld [tilespmem:s15+$0x4420]  }
0xed: {  	v19 =	vld [tilespmem:s15+$0x4430]  }
0xee: {  	v35 =	vld [tilespmem:s15+$0x8280]  }
0xef: {  	v36 =	vld [tilespmem:s15+$0x8290]  }
0xf0: {  	v37 =	vld [tilespmem:s15+$0x82A0]  }
0xf1: {  	v38 =	vld [tilespmem:s15+$0x82B0]  }
0xf2: {  	v39 =	vld [tilespmem:s15+$0x8300]  }
0xf3: {  	v31 =	vmul.f32 v35, v31;
	v35 =	vld [tilespmem:s15+$0x8310]  }
0xf4: {  	v25 =	vmul.f32 v36, v25;
	v36 =	vld [tilespmem:s15+$0x8320]  }
0xf5: {  	[tilespmem:s15+$0x8280] =	vst v31;
	v27 =	vmul.f32 v37, v27;
	v31 =	vld [tilespmem:s15+$0x8330]  }
0xf6: {  	[tilespmem:s15+$0x8290] =	vst v25;
	v25 =	vmul.f32 v38, v28;
	v28 =	vld [tilespmem:s15+$0x8380]  }
0xf7: {  	[tilespmem:s15+$0x82A0] =	vst v27;
	v27 =	vmul.f32 v39, v29;
	v29 =	vld [tilespmem:s15+$0x8390]  }
.Ltmp15:
0xf8: {  	[tilespmem:s15+$0x82B0] =	vst v25;
	v35 =	vmul.f32 v35, v26;
	v26 =	vld [tilespmem:s15+$0x83A0];
	(pc) =	sbr.rel @p0 .LBB2_15-.Ltmp15, $4  }
0xf9: {  	[tilespmem:s15+$0x8300] =	vst v27;
	v30 =	vmul.f32 v36, v30;
	v25 =	vld [tilespmem:s15+$0x83B0]  }
0xfa: {  	[tilespmem:s15+$0x8310] =	vst v35;
	v32 =	vmul.f32 v31, v32;
	v27 =	vld [tilespmem:s15+$0x8400]  }
0xfb: {  	[tilespmem:s15+$0x8320] =	vst v30;
	v31 =	vmul.f32 v28, v33;
	v28 =	vld [tilespmem:s15+$0x8410]  }
0xfc: {  	s16 =	sadd.s32 $0x800, s16;
	[tilespmem:s15+$0x8330] =	vst v32;
	v30 =	vmul.f32 v29, v34;
	v29 =	vld [tilespmem:s15+$0x8420]  }
0xfd: {  	[tilespmem:s15+$0x8380] =	vst v31;
	v24 =	vmul.f32 v26, v24;
	v63 =	vld [tilespmem:s15+$0x8430]  }
0xfe: {  	[tilespmem:s15+$0x8390] =	vst v30;
	v23 =	vmul.f32 v25, v23  }
0xff: {  	[tilespmem:s15+$0x83A0] =	vst v24;
	v22 =	vmul.f32 v27, v22  }
0x100: {  	[tilespmem:s15+$0x83B0] =	vst v23;
	v21 =	vmul.f32 v28, v21  }
0x101: {  	[tilespmem:s15+$0x8400] =	vst v22;
	v20 =	vmul.f32 v29, v20  }
0x102: {  	[tilespmem:s15+$0x8410] =	vst v21;
	v19 =	vmul.f32 v63, v19  }
0x103: {  	s11 =	sadd.s32 $0x1, s11;
	[tilespmem:s15+$0x8420] =	vst v20  }
0x104: {  	p0 =	sne.s32 s11, s14;
	[tilespmem:s15+$0x8430] =	vst v19  }
0x105: {  	[spmem:s3] =	stream.indirect.scatter.add.f32 [tilespmem:s28], [sflag:$0x3], $0x80, s30, s24, $0xb8;
	[tilespmem:$0x1B300] =	vst v63  }
.Ltmp16:
0x106: {  	_ = 	snop;
	(pc) =	sbr.rel @p0 .LBB2_14-.Ltmp16, $4  }
.Ltmp17:
0x107: {  	_ = 	snop;
	(pc) =	sbr.rel @!p0 .LBB2_17-.Ltmp17, $4  }
0x108: {  	_ =	swait.ge [sflag:s21], $0x4000  }
0x109: {  	[sflag:s21] =	ssyncset.done $0x0  }
0x10a: {  	[sflag:s21] =	ssyncadd.s32 $0xFFFFC000  }
0x10b: {  	_ = 	snop  }
.LBB2_20:
0x10c: {  	_ =	sfence.sel $0x180000  }
0x10d: {  	[bflag:$0x0] =	sbarrier.arrive $0xFFFF  }
0x10e: {  	_ =	strace $0x90000047  }
0x10f: {  	s0 =	stileid.u32;
	[bflag:$0x2] =	sbarrier.arrive $0xFFFF  }
0x110: {  	p0 =	sne.s32 s0, $0x0;
	s0 =	rddreg [dreg:$0x4]  }
0x111: {  	s0 =	sadd.s32 @!p0 $0x100000, s0  }
0x112: {  	[sflag:s0] =	ssyncadd.tile.s32 @!p0 $0x1;
	_ =	shalt  }
.Lfunc_end2:
_tile_overlayer_lowered:
.L_overlay_start_2:
0x113: {  	(tag) =	ssettag $0x2  }
0x114: {  	s0 =	rddreg [dreg:$0x0];
	s2 =	stileid.u32  }
0x115: {  	s1 =	rddreg [dreg:$0x1];
	p0 =	sne.s32 s2, $0x0  }
0x116: {  	s3 =	rddreg [dreg:$0x2];
	[bflag:$0x3] =	sbarrier.arrive $0xFFFF;
	s2 =	simm.s32 @!p0 $0x1C03  }
0x117: {  	[timem:s3], [sflag:s2] =	dma.local @!p0 [hbm:s0], s1  }
0x118: {  	s0 =	simm.s32 @!p0 $0x3  }
0x119: {  	_ =	swait.ge @!p0 [sflag:s0], s1  }
0x11a: {  	s1 =	ssub.s32 @!p0 $0x0, s1;
	[sflag:s0] =	ssyncset.done @!p0 $0x0  }
0x11b: {  	[sflag:s0] =	ssyncadd.s32 @!p0 s1  }
0x11c: {  	[bflag:$0x3] =	sbarrier.arrive $0xFFFF  }
0x11d: {  	_ =	shalt  }

</sc_bundles>
